<compile_context>
chip_gen: v7x
topology: tpu7x:2x2x1
jax: 0.10.2.dev20260603
libtpu: 0.0.44.dev20260713+nightly
codegen_flags: <defaults>
</compile_context>

<pallas_src>
import functools

import jax
import jax.numpy as jnp
from jax import lax
from jax.experimental import pallas as pl
from jax.experimental.pallas import tpu as pltpu
from jax.experimental.pallas import tpu_sc as plsc

_B, _N, _C = 128, 1024, 96
_NCLS = 1000
_K = 256
_NC, _NS, _L = 2, 16, 16
_NW = _NC * _NS
_RPW = _B // _NW
_CCH = _C // _L


def _select_weights(r):
    kk = jnp.int32(_K)
    ib = lax.bitcast_convert_type(r, jnp.int32)
    key = jnp.where(ib < 0, ib ^ jnp.int32(0x7FFFFFFF), ib)

    cnt0 = jnp.sum((key >= 0).astype(jnp.int32), axis=1, keepdims=True)
    prefix = jnp.where(cnt0 >= kk, jnp.int32(0), jnp.int32(-2147483648))

    def step(j, p):
        bit = jnp.int32(1) << (jnp.int32(30) - j)
        cand = p | bit
        cnt = jnp.sum((key >= cand).astype(jnp.int32), axis=1, keepdims=True)
        return jnp.where(cnt >= kk, cand, p)

    t = lax.fori_loop(0, 31, step, prefix)

    gt = key > t
    tie = key == t
    n_gt = jnp.sum(gt.astype(jnp.int32), axis=1, keepdims=True)
    need = kk - n_gt

    idx = lax.broadcasted_iota(jnp.int32, r.shape, 1)
    key2 = jnp.where(tie, jnp.int32(_N - 1) - idx, jnp.int32(-1))
    p2 = jnp.zeros_like(need)

    def step2(j, p):
        bit = jnp.int32(1) << (jnp.int32(9) - j)
        cand = p | bit
        cnt = jnp.sum((key2 >= cand).astype(jnp.int32), axis=1, keepdims=True)
        return jnp.where(cnt >= need, cand, p)

    p2 = lax.fori_loop(0, 10, step2, p2)
    sel = gt | (key2 >= p2)

    m = jnp.max(r, axis=1, keepdims=True)
    e = jnp.where(sel, jnp.exp(r - m), jnp.float32(0))
    z = jnp.sum(e, axis=1, keepdims=True)
    return e / z


def _weights_body(rel_ref, w_ref):
    w_ref[...] = _select_weights(rel_ref[...])


def _fc_body(feat_ref, fcw_ref, fcb_ref, out_ref):
    logits = lax.dot_general(
        feat_ref[...], fcw_ref[...], (((1,), (1,)), ((), ())),
        preferred_element_type=jnp.float32)
    out_ref[...] = logits + fcb_ref[...]


_mesh = plsc.VectorSubcoreMesh(core_axis_name="c", subcore_axis_name="s")


@functools.partial(
    pl.kernel,
    out_type=jax.ShapeDtypeStruct((_B, _C), jnp.float32),
    mesh=_mesh,
    compiler_params=pltpu.CompilerParams(use_tc_tiling_on_sc=False,
                                         needs_layout_passes=False),
    scratch_types=[
        pltpu.VMEM((_N,), jnp.float32),
        pltpu.VMEM((_K + _L,), jnp.int32),
        pltpu.VMEM((_K + _L,), jnp.float32),
        pltpu.VMEM((_K, _C), jnp.float32),
        pltpu.VMEM((_C,), jnp.float32),
        pltpu.SemaphoreType.DMA,
    ],
)
def _sc_gather_feat(w_hbm, tok_hbm, out_hbm, wrow, cidx, cw, rows, fbuf,
                    sem):
    wid = lax.axis_index("s") * _NC + lax.axis_index("c")
    zeros16 = jnp.zeros((_L,), jnp.int32)
    for j in range((_K + _L) // _L):
        cidx[pl.ds(j * _L, _L)] = zeros16

    for i in range(_RPW):
        b = wid * _RPW + i
        pltpu.sync_copy(w_hbm.at[b], wrow)

        ones = jnp.full((_L,), 1, jnp.int32)
        trash = jnp.full((_L,), _K + 8, jnp.int32)

        def chunk(j, cursor):
            wv = wrow[pl.ds(j * _L, _L)]
            m32 = jnp.minimum(plsc.bitcast(wv, jnp.int32), ones)
            idxv = lax.iota(jnp.int32, _L) + jnp.full(
                (_L,), j * _L + b * _N, jnp.int32)
            pos = plsc.cumsum(m32) - m32 + jnp.full((_L,), cursor, jnp.int32)
            pos = m32 * (pos - trash) + trash
            plsc.store_scatter(cidx, [pos], idxv)
            plsc.store_scatter(cw, [pos], wv)
            return cursor + jnp.sum(m32)

        lax.fori_loop(0, _N // _L, chunk, jnp.int32(0))

        g0 = pltpu.async_copy(tok_hbm.at[cidx.at[pl.ds(0, 128)]],
                              rows.at[pl.ds(0, 128)], sem)
        g1 = pltpu.async_copy(tok_hbm.at[cidx.at[pl.ds(128, 128)]],
                              rows.at[pl.ds(128, 128)], sem)
        g0.wait()
        g1.wait()

        def acc_body(jc, accs):
            wv = cw[pl.ds(jc * _L, _L)]
            for l in range(_L):
                wj = jnp.full((_L,), wv[l], jnp.float32)
                j = jc * _L + l
                accs = tuple(accs[c] + wj * rows[j, pl.ds(c * _L, _L)]
                             for c in range(_CCH))
            return accs

        accs = lax.fori_loop(
            0, _K // _L, acc_body,
            tuple(jnp.zeros((_L,), jnp.float32) for _ in range(_CCH)))
        for c in range(_CCH):
            fbuf[pl.ds(c * _L, _L)] = accs[c]
        pltpu.sync_copy(fbuf, out_hbm.at[b])


def kernel(tokens, reliability, fc_w, fc_b):
    w = pl.pallas_call(
        _weights_body,
        out_shape=jax.ShapeDtypeStruct((_B, _N), jnp.float32),
    )(reliability)
    feat = _sc_gather_feat(w, tokens.reshape(_B * _N, _C))
    logits = pl.pallas_call(
        _fc_body,
        out_shape=jax.ShapeDtypeStruct((_B, _NCLS), jnp.float32),
    )(feat, fc_w, fc_b.reshape(1, _NCLS))
    return logits

# --- scband reference (transcript-rebuilt; emitter-appended) ---
"""Pipeline reference for scband-reliability-top-khead-25692494365150 (READ-ONLY COPY).

The authoritative reference and input builder live on the scoring server;
editing this copy changes nothing except your own understanding.
"""

import jax, jax.numpy as jnp
import numpy as np

B, N, C = 128, 1024, 96
NUM_CLASSES = 1000
TOPK_RATIO = 0.25
MIN_TOPK = 1

def setup_inputs(seed: int = 0) -> dict:
    key = jax.random.key(seed)
    k1, k2, k3, k4 = jax.random.split(key, 4)
    tokens = jax.random.normal(k1, (B, N, C), dtype=jnp.float32)
    reliability = jax.random.uniform(k2, (B, N), dtype=jnp.float32)
    bound = 1.0 / np.sqrt(C)
    fc_w = jax.random.uniform(k3, (NUM_CLASSES, C), minval=-bound, maxval=bound, dtype=jnp.float32)
    fc_b = jax.random.uniform(k4, (NUM_CLASSES,), minval=-bound, maxval=bound, dtype=jnp.float32)
    return {"tokens": tokens, "reliability": reliability, "fc_w": fc_w, "fc_b": fc_b}

def reference(tokens, reliability, fc_w, fc_b):
    b, n, c = tokens.shape
    k = max(int(n * TOPK_RATIO), MIN_TOPK)
    k = min(k, n)
    topk_vals, topk_idx = jax.lax.top_k(reliability, k)  # [B, k]
    topk_tokens = jnp.take_along_axis(tokens, topk_idx[..., None], axis=1)  # [B, k, C]
    weights = jax.nn.softmax(topk_vals, axis=1)[..., None]  # [B, k, 1]
    feat = jnp.sum(weights * topk_tokens, axis=1)  # [B, C]
    logits = feat @ fc_w.T + fc_b  # [B, num_classes]
    return logits

if __name__ == "__main__":
    import jax
    _d = setup_inputs()
    print(jax.jit(kernel)(*tuple(_d.values())))

</pallas_src>

<mosaic_0001>
#map = affine_map<(d0, d1) -> (0, 0)>
module attributes {stable_mosaic.version = 14 : i64} {
  func.func @_sc_gather_feat(%arg0: i32, %arg1: i32, %arg2: memref<128x1024xf32, #tpu.memory_space<hbm>>, %arg3: memref<131072x96xf32, #tpu.memory_space<hbm>>, %arg4: memref<128x96xf32, #tpu.memory_space<hbm>>, %arg5: memref<1024xf32, #tpu.memory_space<vmem>>, %arg6: memref<272xi32, #tpu.memory_space<vmem>>, %arg7: memref<272xf32, #tpu.memory_space<vmem>>, %arg8: memref<256x96xf32, #tpu.memory_space<vmem>>, %arg9: memref<96xf32, #tpu.memory_space<vmem>>, %arg10: memref<!tpu.dma_semaphore, #tpu.memory_space<semaphore_mem>>) attributes {dimension_semantics = [#tpu.dimension_semantics<core_parallel>, #tpu.dimension_semantics<subcore_parallel>], iteration_bounds = array<i64: 2, 16>, scalar_prefetch = 0 : i64, scratch_operands = 6 : i64, tpu.core_type = #tpu.core_type<sc_vector_subcore>, window_params = [{transform_indices = #map}, {transform_indices = #map}, {transform_indices = #map}]} {
    %mul3A = arith.constant 2 : i32
    %mul3A_0 = arith.muli %arg1, %mul3A : i32
    %add3A = arith.addi %mul3A_0, %arg0 : i32
    %broadcast_in_dim3A = arith.constant 0 : i32
    %broadcast_in_dim3A_1 = vector.broadcast %broadcast_in_dim3A : i32 to vector<16xi32>
    %swap3A = arith.constant 0 : index
    %swap3A_2 = tpu.vector_load %arg6[%swap3A] {strides = array<i32>} : memref<272xi32, #tpu.memory_space<vmem>>, vector<16xi32>,
    tpu.vector_store %arg6[%swap3A], %broadcast_in_dim3A_1 {strides = array<i32>} : memref<272xi32, #tpu.memory_space<vmem>>, vector<16xi32>,
    %swap3A_3 = arith.constant 16 : index
    %swap3A_4 = tpu.vector_load %arg6[%swap3A_3] {strides = array<i32>} : memref<272xi32, #tpu.memory_space<vmem>>, vector<16xi32>,
    tpu.vector_store %arg6[%swap3A_3], %broadcast_in_dim3A_1 {strides = array<i32>} : memref<272xi32, #tpu.memory_space<vmem>>, vector<16xi32>,
    %swap3A_5 = arith.constant 32 : index
    %swap3A_6 = tpu.vector_load %arg6[%swap3A_5] {strides = array<i32>} : memref<272xi32, #tpu.memory_space<vmem>>, vector<16xi32>,
    tpu.vector_store %arg6[%swap3A_5], %broadcast_in_dim3A_1 {strides = array<i32>} : memref<272xi32, #tpu.memory_space<vmem>>, vector<16xi32>,
    %swap3A_7 = arith.constant 48 : index
    %swap3A_8 = tpu.vector_load %arg6[%swap3A_7] {strides = array<i32>} : memref<272xi32, #tpu.memory_space<vmem>>, vector<16xi32>,
    tpu.vector_store %arg6[%swap3A_7], %broadcast_in_dim3A_1 {strides = array<i32>} : memref<272xi32, #tpu.memory_space<vmem>>, vector<16xi32>,
    %swap3A_9 = arith.constant 64 : index
    %swap3A_10 = tpu.vector_load %arg6[%swap3A_9] {strides = array<i32>} : memref<272xi32, #tpu.memory_space<vmem>>, vector<16xi32>,
    tpu.vector_store %arg6[%swap3A_9], %broadcast_in_dim3A_1 {strides = array<i32>} : memref<272xi32, #tpu.memory_space<vmem>>, vector<16xi32>,
    %swap3A_11 = arith.constant 80 : index
    %swap3A_12 = tpu.vector_load %arg6[%swap3A_11] {strides = array<i32>} : memref<272xi32, #tpu.memory_space<vmem>>, vector<16xi32>,
    tpu.vector_store %arg6[%swap3A_11], %broadcast_in_dim3A_1 {strides = array<i32>} : memref<272xi32, #tpu.memory_space<vmem>>, vector<16xi32>,
    %swap3A_13 = arith.constant 96 : index
    %swap3A_14 = tpu.vector_load %arg6[%swap3A_13] {strides = array<i32>} : memref<272xi32, #tpu.memory_space<vmem>>, vector<16xi32>,
    tpu.vector_store %arg6[%swap3A_13], %broadcast_in_dim3A_1 {strides = array<i32>} : memref<272xi32, #tpu.memory_space<vmem>>, vector<16xi32>,
    %swap3A_15 = arith.constant 112 : index
    %swap3A_16 = tpu.vector_load %arg6[%swap3A_15] {strides = array<i32>} : memref<272xi32, #tpu.memory_space<vmem>>, vector<16xi32>,
    tpu.vector_store %arg6[%swap3A_15], %broadcast_in_dim3A_1 {strides = array<i32>} : memref<272xi32, #tpu.memory_space<vmem>>, vector<16xi32>,
    %swap3A_17 = arith.constant 128 : index
    %swap3A_18 = tpu.vector_load %arg6[%swap3A_17] {strides = array<i32>} : memref<272xi32, #tpu.memory_space<vmem>>, vector<16xi32>,
    tpu.vector_store %arg6[%swap3A_17], %broadcast_in_dim3A_1 {strides = array<i32>} : memref<272xi32, #tpu.memory_space<vmem>>, vector<16xi32>,
    %swap3A_19 = arith.constant 144 : index
    %swap3A_20 = tpu.vector_load %arg6[%swap3A_19] {strides = array<i32>} : memref<272xi32, #tpu.memory_space<vmem>>, vector<16xi32>,
    tpu.vector_store %arg6[%swap3A_19], %broadcast_in_dim3A_1 {strides = array<i32>} : memref<272xi32, #tpu.memory_space<vmem>>, vector<16xi32>,
    %swap3A_21 = arith.constant 160 : index
    %swap3A_22 = tpu.vector_load %arg6[%swap3A_21] {strides = array<i32>} : memref<272xi32, #tpu.memory_space<vmem>>, vector<16xi32>,
    tpu.vector_store %arg6[%swap3A_21], %broadcast_in_dim3A_1 {strides = array<i32>} : memref<272xi32, #tpu.memory_space<vmem>>, vector<16xi32>,
    %swap3A_23 = arith.constant 176 : index
    %swap3A_24 = tpu.vector_load %arg6[%swap3A_23] {strides = array<i32>} : memref<272xi32, #tpu.memory_space<vmem>>, vector<16xi32>,
    tpu.vector_store %arg6[%swap3A_23], %broadcast_in_dim3A_1 {strides = array<i32>} : memref<272xi32, #tpu.memory_space<vmem>>, vector<16xi32>,
    %swap3A_25 = arith.constant 192 : index
    %swap3A_26 = tpu.vector_load %arg6[%swap3A_25] {strides = array<i32>} : memref<272xi32, #tpu.memory_space<vmem>>, vector<16xi32>,
    tpu.vector_store %arg6[%swap3A_25], %broadcast_in_dim3A_1 {strides = array<i32>} : memref<272xi32, #tpu.memory_space<vmem>>, vector<16xi32>,
    %swap3A_27 = arith.constant 208 : index
    %swap3A_28 = tpu.vector_load %arg6[%swap3A_27] {strides = array<i32>} : memref<272xi32, #tpu.memory_space<vmem>>, vector<16xi32>,
    tpu.vector_store %arg6[%swap3A_27], %broadcast_in_dim3A_1 {strides = array<i32>} : memref<272xi32, #tpu.memory_space<vmem>>, vector<16xi32>,
    %swap3A_29 = arith.constant 224 : index
    %swap3A_30 = tpu.vector_load %arg6[%swap3A_29] {strides = array<i32>} : memref<272xi32, #tpu.memory_space<vmem>>, vector<16xi32>,
    tpu.vector_store %arg6[%swap3A_29], %broadcast_in_dim3A_1 {strides = array<i32>} : memref<272xi32, #tpu.memory_space<vmem>>, vector<16xi32>,
    %swap3A_31 = arith.constant 240 : index
    %swap3A_32 = tpu.vector_load %arg6[%swap3A_31] {strides = array<i32>} : memref<272xi32, #tpu.memory_space<vmem>>, vector<16xi32>,
    tpu.vector_store %arg6[%swap3A_31], %broadcast_in_dim3A_1 {strides = array<i32>} : memref<272xi32, #tpu.memory_space<vmem>>, vector<16xi32>,
    %swap3A_33 = arith.constant 256 : index
    %swap3A_34 = tpu.vector_load %arg6[%swap3A_33] {strides = array<i32>} : memref<272xi32, #tpu.memory_space<vmem>>, vector<16xi32>,
    tpu.vector_store %arg6[%swap3A_33], %broadcast_in_dim3A_1 {strides = array<i32>} : memref<272xi32, #tpu.memory_space<vmem>>, vector<16xi32>,
    %mul3A_35 = arith.constant 4 : i32
    %mul3A_36 = arith.muli %add3A, %mul3A_35 : i32
    %add3A_37 = arith.constant 0 : i32
    %add3A_38 = arith.addi %mul3A_36, %add3A_37 : i32
    "tpu.region"() ({
      %run_scoped3A = tpu.sem_alloc : memref<!tpu.dma_semaphore, #tpu.memory_space<semaphore_mem>>
      %dma_start3A_340 = arith.constant 0 : i32
      %dma_start3A_341 = tpu.memref_slice %arg2[%add3A_38, %dma_start3A_340] : memref<128x1024xf32, #tpu.memory_space<hbm>> -> memref<1x1024xf32, #tpu.memory_space<hbm>>
      %dma_start3A_342 = tpu.memref_squeeze %dma_start3A_341 : memref<1x1024xf32, #tpu.memory_space<hbm>> -> memref<1024xf32, #tpu.memory_space<hbm>>
      %dma_start3A_343 = arith.constant 0 : i32
      %dma_start3A_344 = tpu.memref_slice %arg2[%add3A_38, %dma_start3A_343] : memref<128x1024xf32, #tpu.memory_space<hbm>> -> memref<1x1024xf32, #tpu.memory_space<hbm>>
      %dma_start3A_345 = tpu.memref_squeeze %dma_start3A_344 : memref<1x1024xf32, #tpu.memory_space<hbm>> -> memref<1024xf32, #tpu.memory_space<hbm>>
      tpu.enqueue_dma source(%dma_start3A_345 : memref<1024xf32, #tpu.memory_space<hbm>>) target(%arg5 : memref<1024xf32, #tpu.memory_space<vmem>>) target_semaphore(%run_scoped3A : memref<!tpu.dma_semaphore, #tpu.memory_space<semaphore_mem>>)
      %dma_wait3A_346 = arith.constant 0 : i32
      %dma_wait3A_347 = tpu.memref_slice %arg2[%add3A_38, %dma_wait3A_346] : memref<128x1024xf32, #tpu.memory_space<hbm>> -> memref<1x1024xf32, #tpu.memory_space<hbm>>
      %dma_wait3A_348 = tpu.memref_squeeze %dma_wait3A_347 : memref<1x1024xf32, #tpu.memory_space<hbm>> -> memref<1024xf32, #tpu.memory_space<hbm>>
      %dma_wait3A_349 = arith.constant 0 : i32
      %dma_wait3A_350 = tpu.memref_slice %arg2[%add3A_38, %dma_wait3A_349] : memref<128x1024xf32, #tpu.memory_space<hbm>> -> memref<1x1024xf32, #tpu.memory_space<hbm>>
      %dma_wait3A_351 = tpu.memref_squeeze %dma_wait3A_350 : memref<1x1024xf32, #tpu.memory_space<hbm>> -> memref<1024xf32, #tpu.memory_space<hbm>>
      tpu.wait_dma2 semaphore(%run_scoped3A : memref<!tpu.dma_semaphore, #tpu.memory_space<semaphore_mem>>) src(%dma_wait3A_351 : memref<1024xf32, #tpu.memory_space<hbm>>) dst(%arg5 : memref<1024xf32, #tpu.memory_space<vmem>>)
      tpu.yield
    }) : () -> ()
    %broadcast_in_dim3A_39 = arith.constant 1 : i32
    %broadcast_in_dim3A_40 = vector.broadcast %broadcast_in_dim3A_39 : i32 to vector<16xi32>
    %broadcast_in_dim3A_41 = arith.constant 264 : i32
    %broadcast_in_dim3A_42 = vector.broadcast %broadcast_in_dim3A_41 : i32 to vector<16xi32>
    %scan3A = arith.constant 0 : i32
    %scan3A_43 = arith.constant 0 : i32
    %scan3A_44 = arith.constant 64 : i32
    %scan3A_45 = arith.addi %scan3A_43, %scan3A_44 : i32
    %scan3A_46 = arith.constant 1 : i32
    %scan3A_47 = scf.for %scan3A_340 = %scan3A_43 to %scan3A_45 step %scan3A_46 iter_args(%scan3A_341 = %scan3A) -> (i32)  : i32 {
      %mul3A_342 = arith.constant 16 : i32
      %mul3A_343 = arith.muli %scan3A_340, %mul3A_342 : i32
      %get3A = arith.index_cast %mul3A_343 : i32 to index
      %get3A_344 = tpu.vector_load %arg5[%get3A] {strides = array<i32>} : memref<1024xf32, #tpu.memory_space<vmem>>, vector<16xf32>,
      %bitcast3A = vector.bitcast %get3A_344 : vector<16xf32> to vector<16xi32>
      %min3A = arith.minsi %bitcast3A, %broadcast_in_dim3A_40 : vector<16xi32>
      %iota3A = tpu.iota {dimensions = array<i32: 0>} : vector<16xi32>
      %mul3A_345 = arith.constant 16 : i32
      %mul3A_346 = arith.muli %scan3A_340, %mul3A_345 : i32
      %mul3A_347 = arith.constant 1024 : i32
      %mul3A_348 = arith.muli %add3A_38, %mul3A_347 : i32
      %add3A_349 = arith.addi %mul3A_346, %mul3A_348 : i32
      %broadcast_in_dim3A_350 = vector.broadcast %add3A_349 : i32 to vector<16xi32>
      %add3A_351 = arith.addi %iota3A, %broadcast_in_dim3A_350 : vector<16xi32>
      %broadcast_in_dim3A_352 = arith.constant true
      %broadcast_in_dim3A_353 = vector.broadcast %broadcast_in_dim3A_352 : i1 to vector<16xi1>
      %masked_cumsum3A = tpu.scan <sum>, %min3A masked %broadcast_in_dim3A_353 : vector<16xi32>, vector<16xi1> -> vector<16xi32>
      %sub3A = arith.subi %masked_cumsum3A, %min3A : vector<16xi32>
      %broadcast_in_dim3A_354 = vector.broadcast %scan3A_341 : i32 to vector<16xi32>
      %add3A_355 = arith.addi %sub3A, %broadcast_in_dim3A_354 : vector<16xi32>
      %sub3A_356 = arith.subi %add3A_355, %broadcast_in_dim3A_42 : vector<16xi32>
      %mul3A_357 = arith.muli %min3A, %sub3A_356 : vector<16xi32>
      %add3A_358 = arith.addi %mul3A_357, %broadcast_in_dim3A_42 : vector<16xi32>
      tpu.vector_store_idx %arg6[%add3A_358], %add3A_351 : memref<272xi32, #tpu.memory_space<vmem>>[vector<16xi32>], vector<16xi32>,
      tpu.vector_store_idx %arg7[%add3A_358], %get3A_344 : memref<272xf32, #tpu.memory_space<vmem>>[vector<16xi32>], vector<16xf32>,
      %reduce_sum3A = arith.constant true
      %reduce_sum3A_359 = vector.broadcast %reduce_sum3A : i1 to vector<16xi1>
      %reduce_sum3A_360 = tpu.scan <sum>, %min3A masked %reduce_sum3A_359 : vector<16xi32>, vector<16xi1> -> vector<16xi32>
      %reduce_sum3A_361 = vector.extract %reduce_sum3A_360[15] : i32 from vector<16xi32>
      %add3A_362 = arith.addi %scan3A_341, %reduce_sum3A_361 : i32
      scf.yield %add3A_362 : i32
    }
    %scan3A_48 = arith.constant 64 : i32
    %dma_start3A = arith.constant 0 : i32
    %dma_start3A_49 = arith.constant 0 : i32
    %dma_start3A_50 = tpu.memref_slice %arg8[%dma_start3A, %dma_start3A_49] : memref<256x96xf32, #tpu.memory_space<vmem>> -> memref<128x96xf32, #tpu.memory_space<vmem>>
    %dma_start3A_51 = arith.constant 0 : i32
    %dma_start3A_52 = tpu.memref_slice %arg6[%dma_start3A_51] : memref<272xi32, #tpu.memory_space<vmem>> -> memref<128xi32, #tpu.memory_space<vmem>>
    %dma_start3A_53 = arith.constant 0 : i32
    %dma_start3A_54 = arith.constant 0 : i32
    %dma_start3A_55 = tpu.memref_slice %arg3[%dma_start3A_53, %dma_start3A_54] : memref<131072x96xf32, #tpu.memory_space<hbm>> -> memref<131072x96xf32, #tpu.memory_space<hbm>>
    tpu.enqueue_indirect_dma source(%dma_start3A_55 : memref<131072x96xf32, #tpu.memory_space<hbm>>) target(%dma_start3A_50 : memref<128x96xf32, #tpu.memory_space<vmem>>) offsets(%dma_start3A_52 : memref<128xi32, #tpu.memory_space<vmem>>) semaphore(%arg10 : memref<!tpu.dma_semaphore, #tpu.memory_space<semaphore_mem>>)
    %dma_start3A_56 = arith.constant 128 : i32
    %dma_start3A_57 = arith.constant 0 : i32
    %dma_start3A_58 = tpu.memref_slice %arg8[%dma_start3A_56, %dma_start3A_57] : memref<256x96xf32, #tpu.memory_space<vmem>> -> memref<128x96xf32, #tpu.memory_space<vmem>>
    %dma_start3A_59 = arith.constant 128 : i32
    %dma_start3A_60 = tpu.memref_slice %arg6[%dma_start3A_59] : memref<272xi32, #tpu.memory_space<vmem>> -> memref<128xi32, #tpu.memory_space<vmem>>
    %dma_start3A_61 = arith.constant 0 : i32
    %dma_start3A_62 = arith.constant 0 : i32
    %dma_start3A_63 = tpu.memref_slice %arg3[%dma_start3A_61, %dma_start3A_62] : memref<131072x96xf32, #tpu.memory_space<hbm>> -> memref<131072x96xf32, #tpu.memory_space<hbm>>
    tpu.enqueue_indirect_dma source(%dma_start3A_63 : memref<131072x96xf32, #tpu.memory_space<hbm>>) target(%dma_start3A_58 : memref<128x96xf32, #tpu.memory_space<vmem>>) offsets(%dma_start3A_60 : memref<128xi32, #tpu.memory_space<vmem>>) semaphore(%arg10 : memref<!tpu.dma_semaphore, #tpu.memory_space<semaphore_mem>>)
    %dma_wait3A = arith.constant 0 : i32
    %dma_wait3A_64 = arith.constant 0 : i32
    %dma_wait3A_65 = tpu.memref_slice %arg8[%dma_wait3A, %dma_wait3A_64] : memref<256x96xf32, #tpu.memory_space<vmem>> -> memref<128x96xf32, #tpu.memory_space<vmem>>
    %dma_wait3A_66 = arith.constant 0 : i32
    %dma_wait3A_67 = tpu.memref_slice %arg6[%dma_wait3A_66] : memref<272xi32, #tpu.memory_space<vmem>> -> memref<128xi32, #tpu.memory_space<vmem>>
    %dma_wait3A_68 = arith.constant 0 : i32
    %dma_wait3A_69 = arith.constant 0 : i32
    %dma_wait3A_70 = tpu.memref_slice %arg3[%dma_wait3A_68, %dma_wait3A_69] : memref<131072x96xf32, #tpu.memory_space<hbm>> -> memref<131072x96xf32, #tpu.memory_space<hbm>>
    tpu.wait_indirect_dma semaphore(%arg10 : memref<!tpu.dma_semaphore, #tpu.memory_space<semaphore_mem>>) src(%dma_wait3A_70 : memref<131072x96xf32, #tpu.memory_space<hbm>>) dst(%dma_wait3A_65 : memref<128x96xf32, #tpu.memory_space<vmem>>)
    %dma_wait3A_71 = arith.constant 128 : i32
    %dma_wait3A_72 = arith.constant 0 : i32
    %dma_wait3A_73 = tpu.memref_slice %arg8[%dma_wait3A_71, %dma_wait3A_72] : memref<256x96xf32, #tpu.memory_space<vmem>> -> memref<128x96xf32, #tpu.memory_space<vmem>>
    %dma_wait3A_74 = arith.constant 128 : i32
    %dma_wait3A_75 = tpu.memref_slice %arg6[%dma_wait3A_74] : memref<272xi32, #tpu.memory_space<vmem>> -> memref<128xi32, #tpu.memory_space<vmem>>
    %dma_wait3A_76 = arith.constant 0 : i32
    %dma_wait3A_77 = arith.constant 0 : i32
    %dma_wait3A_78 = tpu.memref_slice %arg3[%dma_wait3A_76, %dma_wait3A_77] : memref<131072x96xf32, #tpu.memory_space<hbm>> -> memref<131072x96xf32, #tpu.memory_space<hbm>>
    tpu.wait_indirect_dma semaphore(%arg10 : memref<!tpu.dma_semaphore, #tpu.memory_space<semaphore_mem>>) src(%dma_wait3A_78 : memref<131072x96xf32, #tpu.memory_space<hbm>>) dst(%dma_wait3A_73 : memref<128x96xf32, #tpu.memory_space<vmem>>)
    %broadcast_in_dim3A_79 = arith.constant 0.000000e+00 : f32
    %broadcast_in_dim3A_80 = vector.broadcast %broadcast_in_dim3A_79 : f32 to vector<16xf32>
    %broadcast_in_dim3A_81 = arith.constant 0.000000e+00 : f32
    %broadcast_in_dim3A_82 = vector.broadcast %broadcast_in_dim3A_81 : f32 to vector<16xf32>
    %broadcast_in_dim3A_83 = arith.constant 0.000000e+00 : f32
    %broadcast_in_dim3A_84 = vector.broadcast %broadcast_in_dim3A_83 : f32 to vector<16xf32>
    %broadcast_in_dim3A_85 = arith.constant 0.000000e+00 : f32
    %broadcast_in_dim3A_86 = vector.broadcast %broadcast_in_dim3A_85 : f32 to vector<16xf32>
    %broadcast_in_dim3A_87 = arith.constant 0.000000e+00 : f32
    %broadcast_in_dim3A_88 = vector.broadcast %broadcast_in_dim3A_87 : f32 to vector<16xf32>
    %broadcast_in_dim3A_89 = arith.constant 0.000000e+00 : f32
    %broadcast_in_dim3A_90 = vector.broadcast %broadcast_in_dim3A_89 : f32 to vector<16xf32>
    %scan3A_91 = arith.constant 0 : i32
    %scan3A_92 = arith.constant 16 : i32
    %scan3A_93 = arith.addi %scan3A_91, %scan3A_92 : i32
    %scan3A_94 = arith.constant 1 : i32
    %scan3A_95:6 = scf.for %scan3A_340 = %scan3A_91 to %scan3A_93 step %scan3A_94 iter_args(%scan3A_341 = %broadcast_in_dim3A_80, %scan3A_342 = %broadcast_in_dim3A_82, %scan3A_343 = %broadcast_in_dim3A_84, %scan3A_344 = %broadcast_in_dim3A_86, %scan3A_345 = %broadcast_in_dim3A_88, %scan3A_346 = %broadcast_in_dim3A_90) -> (vector<16xf32>, vector<16xf32>, vector<16xf32>, vector<16xf32>, vector<16xf32>, vector<16xf32>)  : i32 {
      %mul3A_347 = arith.constant 16 : i32
      %mul3A_348 = arith.muli %scan3A_340, %mul3A_347 : i32
      %get3A = arith.index_cast %mul3A_348 : i32 to index
      %get3A_349 = tpu.vector_load %arg7[%get3A] {strides = array<i32>} : memref<272xf32, #tpu.memory_space<vmem>>, vector<16xf32>,
      %slice3A = vector.extract_strided_slice %get3A_349 {offsets = [0], sizes = [1], strides = [1]} : vector<16xf32> to vector<1xf32>
      %squeeze3A = vector.extract %slice3A[0] : f32 from vector<1xf32>
      %broadcast_in_dim3A_350 = vector.broadcast %squeeze3A : f32 to vector<16xf32>
      %mul3A_351 = arith.constant 16 : i32
      %mul3A_352 = arith.muli %scan3A_340, %mul3A_351 : i32
      %add3A_353 = arith.constant 0 : i32
      %add3A_354 = arith.addi %mul3A_352, %add3A_353 : i32
      %get3A_355 = arith.index_cast %add3A_354 : i32 to index
      %get3A_356 = arith.constant 0 : index
      %get3A_357 = tpu.vector_load %arg8[%get3A_355, %get3A_356] {strides = array<i32>} : memref<256x96xf32, #tpu.memory_space<vmem>>, vector<16xf32>,
      %mul3A_358 = arith.mulf %broadcast_in_dim3A_350, %get3A_357 : vector<16xf32>
      %add3A_359 = arith.addf %scan3A_341, %mul3A_358 : vector<16xf32>
      %get3A_360 = arith.index_cast %add3A_354 : i32 to index
      %get3A_361 = arith.constant 16 : index
      %get3A_362 = tpu.vector_load %arg8[%get3A_360, %get3A_361] {strides = array<i32>} : memref<256x96xf32, #tpu.memory_space<vmem>>, vector<16xf32>,
      %mul3A_363 = arith.mulf %broadcast_in_dim3A_350, %get3A_362 : vector<16xf32>
      %add3A_364 = arith.addf %scan3A_342, %mul3A_363 : vector<16xf32>
      %get3A_365 = arith.index_cast %add3A_354 : i32 to index
      %get3A_366 = arith.constant 32 : index
      %get3A_367 = tpu.vector_load %arg8[%get3A_365, %get3A_366] {strides = array<i32>} : memref<256x96xf32, #tpu.memory_space<vmem>>, vector<16xf32>,
      %mul3A_368 = arith.mulf %broadcast_in_dim3A_350, %get3A_367 : vector<16xf32>
      %add3A_369 = arith.addf %scan3A_343, %mul3A_368 : vector<16xf32>
      %get3A_370 = arith.index_cast %add3A_354 : i32 to index
      %get3A_371 = arith.constant 48 : index
      %get3A_372 = tpu.vector_load %arg8[%get3A_370, %get3A_371] {strides = array<i32>} : memref<256x96xf32, #tpu.memory_space<vmem>>, vector<16xf32>,
      %mul3A_373 = arith.mulf %broadcast_in_dim3A_350, %get3A_372 : vector<16xf32>
      %add3A_374 = arith.addf %scan3A_344, %mul3A_373 : vector<16xf32>
      %get3A_375 = arith.index_cast %add3A_354 : i32 to index
      %get3A_376 = arith.constant 64 : index
      %get3A_377 = tpu.vector_load %arg8[%get3A_375, %get3A_376] {strides = array<i32>} : memref<256x96xf32, #tpu.memory_space<vmem>>, vector<16xf32>,
      %mul3A_378 = arith.mulf %broadcast_in_dim3A_350, %get3A_377 : vector<16xf32>
      %add3A_379 = arith.addf %scan3A_345, %mul3A_378 : vector<16xf32>
      %get3A_380 = arith.index_cast %add3A_354 : i32 to index
      %get3A_381 = arith.constant 80 : index
      %get3A_382 = tpu.vector_load %arg8[%get3A_380, %get3A_381] {strides = array<i32>} : memref<256x96xf32, #tpu.memory_space<vmem>>, vector<16xf32>,
      %mul3A_383 = arith.mulf %broadcast_in_dim3A_350, %get3A_382 : vector<16xf32>
      %add3A_384 = arith.addf %scan3A_346, %mul3A_383 : vector<16xf32>
      %slice3A_385 = vector.extract_strided_slice %get3A_349 {offsets = [1], sizes = [1], strides = [1]} : vector<16xf32> to vector<1xf32>
      %squeeze3A_386 = vector.extract %slice3A_385[0] : f32 from vector<1xf32>
      %broadcast_in_dim3A_387 = vector.broadcast %squeeze3A_386 : f32 to vector<16xf32>
      %mul3A_388 = arith.constant 16 : i32
      %mul3A_389 = arith.muli %scan3A_340, %mul3A_388 : i32
      %add3A_390 = arith.constant 1 : i32
      %add3A_391 = arith.addi %mul3A_389, %add3A_390 : i32
      %get3A_392 = arith.index_cast %add3A_391 : i32 to index
      %get3A_393 = arith.constant 0 : index
      %get3A_394 = tpu.vector_load %arg8[%get3A_392, %get3A_393] {strides = array<i32>} : memref<256x96xf32, #tpu.memory_space<vmem>>, vector<16xf32>,
      %mul3A_395 = arith.mulf %broadcast_in_dim3A_387, %get3A_394 : vector<16xf32>
      %add3A_396 = arith.addf %add3A_359, %mul3A_395 : vector<16xf32>
      %get3A_397 = arith.index_cast %add3A_391 : i32 to index
      %get3A_398 = arith.constant 16 : index
      %get3A_399 = tpu.vector_load %arg8[%get3A_397, %get3A_398] {strides = array<i32>} : memref<256x96xf32, #tpu.memory_space<vmem>>, vector<16xf32>,
      %mul3A_400 = arith.mulf %broadcast_in_dim3A_387, %get3A_399 : vector<16xf32>
      %add3A_401 = arith.addf %add3A_364, %mul3A_400 : vector<16xf32>
      %get3A_402 = arith.index_cast %add3A_391 : i32 to index
      %get3A_403 = arith.constant 32 : index
      %get3A_404 = tpu.vector_load %arg8[%get3A_402, %get3A_403] {strides = array<i32>} : memref<256x96xf32, #tpu.memory_space<vmem>>, vector<16xf32>,
      %mul3A_405 = arith.mulf %broadcast_in_dim3A_387, %get3A_404 : vector<16xf32>
      %add3A_406 = arith.addf %add3A_369, %mul3A_405 : vector<16xf32>
      %get3A_407 = arith.index_cast %add3A_391 : i32 to index
      %get3A_408 = arith.constant 48 : index
      %get3A_409 = tpu.vector_load %arg8[%get3A_407, %get3A_408] {strides = array<i32>} : memref<256x96xf32, #tpu.memory_space<vmem>>, vector<16xf32>,
      %mul3A_410 = arith.mulf %broadcast_in_dim3A_387, %get3A_409 : vector<16xf32>
      %add3A_411 = arith.addf %add3A_374, %mul3A_410 : vector<16xf32>
      %get3A_412 = arith.index_cast %add3A_391 : i32 to index
      %get3A_413 = arith.constant 64 : index
      %get3A_414 = tpu.vector_load %arg8[%get3A_412, %get3A_413] {strides = array<i32>} : memref<256x96xf32, #tpu.memory_space<vmem>>, vector<16xf32>,
      %mul3A_415 = arith.mulf %broadcast_in_dim3A_387, %get3A_414 : vector<16xf32>
      %add3A_416 = arith.addf %add3A_379, %mul3A_415 : vector<16xf32>
      %get3A_417 = arith.index_cast %add3A_391 : i32 to index
      %get3A_418 = arith.constant 80 : index
      %get3A_419 = tpu.vector_load %arg8[%get3A_417, %get3A_418] {strides = array<i32>} : memref<256x96xf32, #tpu.memory_space<vmem>>, vector<16xf32>,
      %mul3A_420 = arith.mulf %broadcast_in_dim3A_387, %get3A_419 : vector<16xf32>
      %add3A_421 = arith.addf %add3A_384, %mul3A_420 : vector<16xf32>
      %slice3A_422 = vector.extract_strided_slice %get3A_349 {offsets = [2], sizes = [1], strides = [1]} : vector<16xf32> to vector<1xf32>
      %squeeze3A_423 = vector.extract %slice3A_422[0] : f32 from vector<1xf32>
      %broadcast_in_dim3A_424 = vector.broadcast %squeeze3A_423 : f32 to vector<16xf32>
      %mul3A_425 = arith.constant 16 : i32
      %mul3A_426 = arith.muli %scan3A_340, %mul3A_425 : i32
      %add3A_427 = arith.constant 2 : i32
      %add3A_428 = arith.addi %mul3A_426, %add3A_427 : i32
      %get3A_429 = arith.index_cast %add3A_428 : i32 to index
      %get3A_430 = arith.constant 0 : index
      %get3A_431 = tpu.vector_load %arg8[%get3A_429, %get3A_430] {strides = array<i32>} : memref<256x96xf32, #tpu.memory_space<vmem>>, vector<16xf32>,
      %mul3A_432 = arith.mulf %broadcast_in_dim3A_424, %get3A_431 : vector<16xf32>
      %add3A_433 = arith.addf %add3A_396, %mul3A_432 : vector<16xf32>
      %get3A_434 = arith.index_cast %add3A_428 : i32 to index
      %get3A_435 = arith.constant 16 : index
      %get3A_436 = tpu.vector_load %arg8[%get3A_434, %get3A_435] {strides = array<i32>} : memref<256x96xf32, #tpu.memory_space<vmem>>, vector<16xf32>,
      %mul3A_437 = arith.mulf %broadcast_in_dim3A_424, %get3A_436 : vector<16xf32>
      %add3A_438 = arith.addf %add3A_401, %mul3A_437 : vector<16xf32>
      %get3A_439 = arith.index_cast %add3A_428 : i32 to index
      %get3A_440 = arith.constant 32 : index
      %get3A_441 = tpu.vector_load %arg8[%get3A_439, %get3A_440] {strides = array<i32>} : memref<256x96xf32, #tpu.memory_space<vmem>>, vector<16xf32>,
      %mul3A_442 = arith.mulf %broadcast_in_dim3A_424, %get3A_441 : vector<16xf32>
      %add3A_443 = arith.addf %add3A_406, %mul3A_442 : vector<16xf32>
      %get3A_444 = arith.index_cast %add3A_428 : i32 to index
      %get3A_445 = arith.constant 48 : index
      %get3A_446 = tpu.vector_load %arg8[%get3A_444, %get3A_445] {strides = array<i32>} : memref<256x96xf32, #tpu.memory_space<vmem>>, vector<16xf32>,
      %mul3A_447 = arith.mulf %broadcast_in_dim3A_424, %get3A_446 : vector<16xf32>
      %add3A_448 = arith.addf %add3A_411, %mul3A_447 : vector<16xf32>
      %get3A_449 = arith.index_cast %add3A_428 : i32 to index
      %get3A_450 = arith.constant 64 : index
      %get3A_451 = tpu.vector_load %arg8[%get3A_449, %get3A_450] {strides = array<i32>} : memref<256x96xf32, #tpu.memory_space<vmem>>, vector<16xf32>,
      %mul3A_452 = arith.mulf %broadcast_in_dim3A_424, %get3A_451 : vector<16xf32>
      %add3A_453 = arith.addf %add3A_416, %mul3A_452 : vector<16xf32>
      %get3A_454 = arith.index_cast %add3A_428 : i32 to index
      %get3A_455 = arith.constant 80 : index
      %get3A_456 = tpu.vector_load %arg8[%get3A_454, %get3A_455] {strides = array<i32>} : memref<256x96xf32, #tpu.memory_space<vmem>>, vector<16xf32>,
      %mul3A_457 = arith.mulf %broadcast_in_dim3A_424, %get3A_456 : vector<16xf32>
      %add3A_458 = arith.addf %add3A_421, %mul3A_457 : vector<16xf32>
      %slice3A_459 = vector.extract_strided_slice %get3A_349 {offsets = [3], sizes = [1], strides = [1]} : vector<16xf32> to vector<1xf32>
      %squeeze3A_460 = vector.extract %slice3A_459[0] : f32 from vector<1xf32>
      %broadcast_in_dim3A_461 = vector.broadcast %squeeze3A_460 : f32 to vector<16xf32>
      %mul3A_462 = arith.constant 16 : i32
      %mul3A_463 = arith.muli %scan3A_340, %mul3A_462 : i32
      %add3A_464 = arith.constant 3 : i32
      %add3A_465 = arith.addi %mul3A_463, %add3A_464 : i32
      %get3A_466 = arith.index_cast %add3A_465 : i32 to index
      %get3A_467 = arith.constant 0 : index
      %get3A_468 = tpu.vector_load %arg8[%get3A_466, %get3A_467] {strides = array<i32>} : memref<256x96xf32, #tpu.memory_space<vmem>>, vector<16xf32>,
      %mul3A_469 = arith.mulf %broadcast_in_dim3A_461, %get3A_468 : vector<16xf32>
      %add3A_470 = arith.addf %add3A_433, %mul3A_469 : vector<16xf32>
      %get3A_471 = arith.index_cast %add3A_465 : i32 to index
      %get3A_472 = arith.constant 16 : index
      %get3A_473 = tpu.vector_load %arg8[%get3A_471, %get3A_472] {strides = array<i32>} : memref<256x96xf32, #tpu.memory_space<vmem>>, vector<16xf32>,
      %mul3A_474 = arith.mulf %broadcast_in_dim3A_461, %get3A_473 : vector<16xf32>
      %add3A_475 = arith.addf %add3A_438, %mul3A_474 : vector<16xf32>
      %get3A_476 = arith.index_cast %add3A_465 : i32 to index
      %get3A_477 = arith.constant 32 : index
      %get3A_478 = tpu.vector_load %arg8[%get3A_476, %get3A_477] {strides = array<i32>} : memref<256x96xf32, #tpu.memory_space<vmem>>, vector<16xf32>,
      %mul3A_479 = arith.mulf %broadcast_in_dim3A_461, %get3A_478 : vector<16xf32>
      %add3A_480 = arith.addf %add3A_443, %mul3A_479 : vector<16xf32>
      %get3A_481 = arith.index_cast %add3A_465 : i32 to index
      %get3A_482 = arith.constant 48 : index
      %get3A_483 = tpu.vector_load %arg8[%get3A_481, %get3A_482] {strides = array<i32>} : memref<256x96xf32, #tpu.memory_space<vmem>>, vector<16xf32>,
      %mul3A_484 = arith.mulf %broadcast_in_dim3A_461, %get3A_483 : vector<16xf32>
      %add3A_485 = arith.addf %add3A_448, %mul3A_484 : vector<16xf32>
      %get3A_486 = arith.index_cast %add3A_465 : i32 to index
      %get3A_487 = arith.constant 64 : index
      %get3A_488 = tpu.vector_load %arg8[%get3A_486, %get3A_487] {strides = array<i32>} : memref<256x96xf32, #tpu.memory_space<vmem>>, vector<16xf32>,
      %mul3A_489 = arith.mulf %broadcast_in_dim3A_461, %get3A_488 : vector<16xf32>
      %add3A_490 = arith.addf %add3A_453, %mul3A_489 : vector<16xf32>
      %get3A_491 = arith.index_cast %add3A_465 : i32 to index
      %get3A_492 = arith.constant 80 : index
      %get3A_493 = tpu.vector_load %arg8[%get3A_491, %get3A_492] {strides = array<i32>} : memref<256x96xf32, #tpu.memory_space<vmem>>, vector<16xf32>,
      %mul3A_494 = arith.mulf %broadcast_in_dim3A_461, %get3A_493 : vector<16xf32>
      %add3A_495 = arith.addf %add3A_458, %mul3A_494 : vector<16xf32>
      %slice3A_496 = vector.extract_strided_slice %get3A_349 {offsets = [4], sizes = [1], strides = [1]} : vector<16xf32> to vector<1xf32>
      %squeeze3A_497 = vector.extract %slice3A_496[0] : f32 from vector<1xf32>
      %broadcast_in_dim3A_498 = vector.broadcast %squeeze3A_497 : f32 to vector<16xf32>
      %mul3A_499 = arith.constant 16 : i32
      %mul3A_500 = arith.muli %scan3A_340, %mul3A_499 : i32
      %add3A_501 = arith.constant 4 : i32
      %add3A_502 = arith.addi %mul3A_500, %add3A_501 : i32
      %get3A_503 = arith.index_cast %add3A_502 : i32 to index
      %get3A_504 = arith.constant 0 : index
      %get3A_505 = tpu.vector_load %arg8[%get3A_503, %get3A_504] {strides = array<i32>} : memref<256x96xf32, #tpu.memory_space<vmem>>, vector<16xf32>,
      %mul3A_506 = arith.mulf %broadcast_in_dim3A_498, %get3A_505 : vector<16xf32>
      %add3A_507 = arith.addf %add3A_470, %mul3A_506 : vector<16xf32>
      %get3A_508 = arith.index_cast %add3A_502 : i32 to index
      %get3A_509 = arith.constant 16 : index
      %get3A_510 = tpu.vector_load %arg8[%get3A_508, %get3A_509] {strides = array<i32>} : memref<256x96xf32, #tpu.memory_space<vmem>>, vector<16xf32>,
      %mul3A_511 = arith.mulf %broadcast_in_dim3A_498, %get3A_510 : vector<16xf32>
      %add3A_512 = arith.addf %add3A_475, %mul3A_511 : vector<16xf32>
      %get3A_513 = arith.index_cast %add3A_502 : i32 to index
      %get3A_514 = arith.constant 32 : index
      %get3A_515 = tpu.vector_load %arg8[%get3A_513, %get3A_514] {strides = array<i32>} : memref<256x96xf32, #tpu.memory_space<vmem>>, vector<16xf32>,
      %mul3A_516 = arith.mulf %broadcast_in_dim3A_498, %get3A_515 : vector<16xf32>
      %add3A_517 = arith.addf %add3A_480, %mul3A_516 : vector<16xf32>
      %get3A_518 = arith.index_cast %add3A_502 : i32 to index
      %get3A_519 = arith.constant 48 : index
      %get3A_520 = tpu.vector_load %arg8[%get3A_518, %get3A_519] {strides = array<i32>} : memref<256x96xf32, #tpu.memory_space<vmem>>, vector<16xf32>,
      %mul3A_521 = arith.mulf %broadcast_in_dim3A_498, %get3A_520 : vector<16xf32>
      %add3A_522 = arith.addf %add3A_485, %mul3A_521 : vector<16xf32>
      %get3A_523 = arith.index_cast %add3A_502 : i32 to index
      %get3A_524 = arith.constant 64 : index
      %get3A_525 = tpu.vector_load %arg8[%get3A_523, %get3A_524] {strides = array<i32>} : memref<256x96xf32, #tpu.memory_space<vmem>>, vector<16xf32>,
      %mul3A_526 = arith.mulf %broadcast_in_dim3A_498, %get3A_525 : vector<16xf32>
      %add3A_527 = arith.addf %add3A_490, %mul3A_526 : vector<16xf32>
      %get3A_528 = arith.index_cast %add3A_502 : i32 to index
      %get3A_529 = arith.constant 80 : index
      %get3A_530 = tpu.vector_load %arg8[%get3A_528, %get3A_529] {strides = array<i32>} : memref<256x96xf32, #tpu.memory_space<vmem>>, vector<16xf32>,
      %mul3A_531 = arith.mulf %broadcast_in_dim3A_498, %get3A_530 : vector<16xf32>
      %add3A_532 = arith.addf %add3A_495, %mul3A_531 : vector<16xf32>
      %slice3A_533 = vector.extract_strided_slice %get3A_349 {offsets = [5], sizes = [1], strides = [1]} : vector<16xf32> to vector<1xf32>
      %squeeze3A_534 = vector.extract %slice3A_533[0] : f32 from vector<1xf32>
      %broadcast_in_dim3A_535 = vector.broadcast %squeeze3A_534 : f32 to vector<16xf32>
      %mul3A_536 = arith.constant 16 : i32
      %mul3A_537 = arith.muli %scan3A_340, %mul3A_536 : i32
      %add3A_538 = arith.constant 5 : i32
      %add3A_539 = arith.addi %mul3A_537, %add3A_538 : i32
      %get3A_540 = arith.index_cast %add3A_539 : i32 to index
      %get3A_541 = arith.constant 0 : index
      %get3A_542 = tpu.vector_load %arg8[%get3A_540, %get3A_541] {strides = array<i32>} : memref<256x96xf32, #tpu.memory_space<vmem>>, vector<16xf32>,
      %mul3A_543 = arith.mulf %broadcast_in_dim3A_535, %get3A_542 : vector<16xf32>
      %add3A_544 = arith.addf %add3A_507, %mul3A_543 : vector<16xf32>
      %get3A_545 = arith.index_cast %add3A_539 : i32 to index
      %get3A_546 = arith.constant 16 : index
      %get3A_547 = tpu.vector_load %arg8[%get3A_545, %get3A_546] {strides = array<i32>} : memref<256x96xf32, #tpu.memory_space<vmem>>, vector<16xf32>,
      %mul3A_548 = arith.mulf %broadcast_in_dim3A_535, %get3A_547 : vector<16xf32>
      %add3A_549 = arith.addf %add3A_512, %mul3A_548 : vector<16xf32>
      %get3A_550 = arith.index_cast %add3A_539 : i32 to index
      %get3A_551 = arith.constant 32 : index
      %get3A_552 = tpu.vector_load %arg8[%get3A_550, %get3A_551] {strides = array<i32>} : memref<256x96xf32, #tpu.memory_space<vmem>>, vector<16xf32>,
      %mul3A_553 = arith.mulf %broadcast_in_dim3A_535, %get3A_552 : vector<16xf32>
      %add3A_554 = arith.addf %add3A_517, %mul3A_553 : vector<16xf32>
      %get3A_555 = arith.index_cast %add3A_539 : i32 to index
      %get3A_556 = arith.constant 48 : index
      %get3A_557 = tpu.vector_load %arg8[%get3A_555, %get3A_556] {strides = array<i32>} : memref<256x96xf32, #tpu.memory_space<vmem>>, vector<16xf32>,
      %mul3A_558 = arith.mulf %broadcast_in_dim3A_535, %get3A_557 : vector<16xf32>
      %add3A_559 = arith.addf %add3A_522, %mul3A_558 : vector<16xf32>
      %get3A_560 = arith.index_cast %add3A_539 : i32 to index
      %get3A_561 = arith.constant 64 : index
      %get3A_562 = tpu.vector_load %arg8[%get3A_560, %get3A_561] {strides = array<i32>} : memref<256x96xf32, #tpu.memory_space<vmem>>, vector<16xf32>,
      %mul3A_563 = arith.mulf %broadcast_in_dim3A_535, %get3A_562 : vector<16xf32>
      %add3A_564 = arith.addf %add3A_527, %mul3A_563 : vector<16xf32>
      %get3A_565 = arith.index_cast %add3A_539 : i32 to index
      %get3A_566 = arith.constant 80 : index
      %get3A_567 = tpu.vector_load %arg8[%get3A_565, %get3A_566] {strides = array<i32>} : memref<256x96xf32, #tpu.memory_space<vmem>>, vector<16xf32>,
      %mul3A_568 = arith.mulf %broadcast_in_dim3A_535, %get3A_567 : vector<16xf32>
      %add3A_569 = arith.addf %add3A_532, %mul3A_568 : vector<16xf32>
      %slice3A_570 = vector.extract_strided_slice %get3A_349 {offsets = [6], sizes = [1], strides = [1]} : vector<16xf32> to vector<1xf32>
      %squeeze3A_571 = vector.extract %slice3A_570[0] : f32 from vector<1xf32>
      %broadcast_in_dim3A_572 = vector.broadcast %squeeze3A_571 : f32 to vector<16xf32>
      %mul3A_573 = arith.constant 16 : i32
      %mul3A_574 = arith.muli %scan3A_340, %mul3A_573 : i32
      %add3A_575 = arith.constant 6 : i32
      %add3A_576 = arith.addi %mul3A_574, %add3A_575 : i32
      %get3A_577 = arith.index_cast %add3A_576 : i32 to index
      %get3A_578 = arith.constant 0 : index
      %get3A_579 = tpu.vector_load %arg8[%get3A_577, %get3A_578] {strides = array<i32>} : memref<256x96xf32, #tpu.memory_space<vmem>>, vector<16xf32>,
      %mul3A_580 = arith.mulf %broadcast_in_dim3A_572, %get3A_579 : vector<16xf32>
      %add3A_581 = arith.addf %add3A_544, %mul3A_580 : vector<16xf32>
      %get3A_582 = arith.index_cast %add3A_576 : i32 to index
      %get3A_583 = arith.constant 16 : index
      %get3A_584 = tpu.vector_load %arg8[%get3A_582, %get3A_583] {strides = array<i32>} : memref<256x96xf32, #tpu.memory_space<vmem>>, vector<16xf32>,
      %mul3A_585 = arith.mulf %broadcast_in_dim3A_572, %get3A_584 : vector<16xf32>
      %add3A_586 = arith.addf %add3A_549, %mul3A_585 : vector<16xf32>
      %get3A_587 = arith.index_cast %add3A_576 : i32 to index
      %get3A_588 = arith.constant 32 : index
      %get3A_589 = tpu.vector_load %arg8[%get3A_587, %get3A_588] {strides = array<i32>} : memref<256x96xf32, #tpu.memory_space<vmem>>, vector<16xf32>,
      %mul3A_590 = arith.mulf %broadcast_in_dim3A_572, %get3A_589 : vector<16xf32>
      %add3A_591 = arith.addf %add3A_554, %mul3A_590 : vector<16xf32>
      %get3A_592 = arith.index_cast %add3A_576 : i32 to index
      %get3A_593 = arith.constant 48 : index
      %get3A_594 = tpu.vector_load %arg8[%get3A_592, %get3A_593] {strides = array<i32>} : memref<256x96xf32, #tpu.memory_space<vmem>>, vector<16xf32>,
      %mul3A_595 = arith.mulf %broadcast_in_dim3A_572, %get3A_594 : vector<16xf32>
      %add3A_596 = arith.addf %add3A_559, %mul3A_595 : vector<16xf32>
      %get3A_597 = arith.index_cast %add3A_576 : i32 to index
      %get3A_598 = arith.constant 64 : index
      %get3A_599 = tpu.vector_load %arg8[%get3A_597, %get3A_598] {strides = array<i32>} : memref<256x96xf32, #tpu.memory_space<vmem>>, vector<16xf32>,
      %mul3A_600 = arith.mulf %broadcast_in_dim3A_572, %get3A_599 : vector<16xf32>
      %add3A_601 = arith.addf %add3A_564, %mul3A_600 : vector<16xf32>
      %get3A_602 = arith.index_cast %add3A_576 : i32 to index
      %get3A_603 = arith.constant 80 : index
      %get3A_604 = tpu.vector_load %arg8[%get3A_602, %get3A_603] {strides = array<i32>} : memref<256x96xf32, #tpu.memory_space<vmem>>, vector<16xf32>,
      %mul3A_605 = arith.mulf %broadcast_in_dim3A_572, %get3A_604 : vector<16xf32>
      %add3A_606 = arith.addf %add3A_569, %mul3A_605 : vector<16xf32>
      %slice3A_607 = vector.extract_strided_slice %get3A_349 {offsets = [7], sizes = [1], strides = [1]} : vector<16xf32> to vector<1xf32>
      %squeeze3A_608 = vector.extract %slice3A_607[0] : f32 from vector<1xf32>
      %broadcast_in_dim3A_609 = vector.broadcast %squeeze3A_608 : f32 to vector<16xf32>
      %mul3A_610 = arith.constant 16 : i32
      %mul3A_611 = arith.muli %scan3A_340, %mul3A_610 : i32
      %add3A_612 = arith.constant 7 : i32
      %add3A_613 = arith.addi %mul3A_611, %add3A_612 : i32
      %get3A_614 = arith.index_cast %add3A_613 : i32 to index
      %get3A_615 = arith.constant 0 : index
      %get3A_616 = tpu.vector_load %arg8[%get3A_614, %get3A_615] {strides = array<i32>} : memref<256x96xf32, #tpu.memory_space<vmem>>, vector<16xf32>,
      %mul3A_617 = arith.mulf %broadcast_in_dim3A_609, %get3A_616 : vector<16xf32>
      %add3A_618 = arith.addf %add3A_581, %mul3A_617 : vector<16xf32>
      %get3A_619 = arith.index_cast %add3A_613 : i32 to index
      %get3A_620 = arith.constant 16 : index
      %get3A_621 = tpu.vector_load %arg8[%get3A_619, %get3A_620] {strides = array<i32>} : memref<256x96xf32, #tpu.memory_space<vmem>>, vector<16xf32>,
      %mul3A_622 = arith.mulf %broadcast_in_dim3A_609, %get3A_621 : vector<16xf32>
      %add3A_623 = arith.addf %add3A_586, %mul3A_622 : vector<16xf32>
      %get3A_624 = arith.index_cast %add3A_613 : i32 to index
      %get3A_625 = arith.constant 32 : index
      %get3A_626 = tpu.vector_load %arg8[%get3A_624, %get3A_625] {strides = array<i32>} : memref<256x96xf32, #tpu.memory_space<vmem>>, vector<16xf32>,
      %mul3A_627 = arith.mulf %broadcast_in_dim3A_609, %get3A_626 : vector<16xf32>
      %add3A_628 = arith.addf %add3A_591, %mul3A_627 : vector<16xf32>
      %get3A_629 = arith.index_cast %add3A_613 : i32 to index
      %get3A_630 = arith.constant 48 : index
      %get3A_631 = tpu.vector_load %arg8[%get3A_629, %get3A_630] {strides = array<i32>} : memref<256x96xf32, #tpu.memory_space<vmem>>, vector<16xf32>,
      %mul3A_632 = arith.mulf %broadcast_in_dim3A_609, %get3A_631 : vector<16xf32>
      %add3A_633 = arith.addf %add3A_596, %mul3A_632 : vector<16xf32>
      %get3A_634 = arith.index_cast %add3A_613 : i32 to index
      %get3A_635 = arith.constant 64 : index
      %get3A_636 = tpu.vector_load %arg8[%get3A_634, %get3A_635] {strides = array<i32>} : memref<256x96xf32, #tpu.memory_space<vmem>>, vector<16xf32>,
      %mul3A_637 = arith.mulf %broadcast_in_dim3A_609, %get3A_636 : vector<16xf32>
      %add3A_638 = arith.addf %add3A_601, %mul3A_637 : vector<16xf32>
      %get3A_639 = arith.index_cast %add3A_613 : i32 to index
      %get3A_640 = arith.constant 80 : index
      %get3A_641 = tpu.vector_load %arg8[%get3A_639, %get3A_640] {strides = array<i32>} : memref<256x96xf32, #tpu.memory_space<vmem>>, vector<16xf32>,
      %mul3A_642 = arith.mulf %broadcast_in_dim3A_609, %get3A_641 : vector<16xf32>
      %add3A_643 = arith.addf %add3A_606, %mul3A_642 : vector<16xf32>
      %slice3A_644 = vector.extract_strided_slice %get3A_349 {offsets = [8], sizes = [1], strides = [1]} : vector<16xf32> to vector<1xf32>
      %squeeze3A_645 = vector.extract %slice3A_644[0] : f32 from vector<1xf32>
      %broadcast_in_dim3A_646 = vector.broadcast %squeeze3A_645 : f32 to vector<16xf32>
      %mul3A_647 = arith.constant 16 : i32
      %mul3A_648 = arith.muli %scan3A_340, %mul3A_647 : i32
      %add3A_649 = arith.constant 8 : i32
      %add3A_650 = arith.addi %mul3A_648, %add3A_649 : i32
      %get3A_651 = arith.index_cast %add3A_650 : i32 to index
      %get3A_652 = arith.constant 0 : index
      %get3A_653 = tpu.vector_load %arg8[%get3A_651, %get3A_652] {strides = array<i32>} : memref<256x96xf32, #tpu.memory_space<vmem>>, vector<16xf32>,
      %mul3A_654 = arith.mulf %broadcast_in_dim3A_646, %get3A_653 : vector<16xf32>
      %add3A_655 = arith.addf %add3A_618, %mul3A_654 : vector<16xf32>
      %get3A_656 = arith.index_cast %add3A_650 : i32 to index
      %get3A_657 = arith.constant 16 : index
      %get3A_658 = tpu.vector_load %arg8[%get3A_656, %get3A_657] {strides = array<i32>} : memref<256x96xf32, #tpu.memory_space<vmem>>, vector<16xf32>,
      %mul3A_659 = arith.mulf %broadcast_in_dim3A_646, %get3A_658 : vector<16xf32>
      %add3A_660 = arith.addf %add3A_623, %mul3A_659 : vector<16xf32>
      %get3A_661 = arith.index_cast %add3A_650 : i32 to index
      %get3A_662 = arith.constant 32 : index
      %get3A_663 = tpu.vector_load %arg8[%get3A_661, %get3A_662] {strides = array<i32>} : memref<256x96xf32, #tpu.memory_space<vmem>>, vector<16xf32>,
      %mul3A_664 = arith.mulf %broadcast_in_dim3A_646, %get3A_663 : vector<16xf32>
      %add3A_665 = arith.addf %add3A_628, %mul3A_664 : vector<16xf32>
      %get3A_666 = arith.index_cast %add3A_650 : i32 to index
      %get3A_667 = arith.constant 48 : index
      %get3A_668 = tpu.vector_load %arg8[%get3A_666, %get3A_667] {strides = array<i32>} : memref<256x96xf32, #tpu.memory_space<vmem>>, vector<16xf32>,
      %mul3A_669 = arith.mulf %broadcast_in_dim3A_646, %get3A_668 : vector<16xf32>
      %add3A_670 = arith.addf %add3A_633, %mul3A_669 : vector<16xf32>
      %get3A_671 = arith.index_cast %add3A_650 : i32 to index
      %get3A_672 = arith.constant 64 : index
      %get3A_673 = tpu.vector_load %arg8[%get3A_671, %get3A_672] {strides = array<i32>} : memref<256x96xf32, #tpu.memory_space<vmem>>, vector<16xf32>,
      %mul3A_674 = arith.mulf %broadcast_in_dim3A_646, %get3A_673 : vector<16xf32>
      %add3A_675 = arith.addf %add3A_638, %mul3A_674 : vector<16xf32>
      %get3A_676 = arith.index_cast %add3A_650 : i32 to index
      %get3A_677 = arith.constant 80 : index
      %get3A_678 = tpu.vector_load %arg8[%get3A_676, %get3A_677] {strides = array<i32>} : memref<256x96xf32, #tpu.memory_space<vmem>>, vector<16xf32>,
      %mul3A_679 = arith.mulf %broadcast_in_dim3A_646, %get3A_678 : vector<16xf32>
      %add3A_680 = arith.addf %add3A_643, %mul3A_679 : vector<16xf32>
      %slice3A_681 = vector.extract_strided_slice %get3A_349 {offsets = [9], sizes = [1], strides = [1]} : vector<16xf32> to vector<1xf32>
      %squeeze3A_682 = vector.extract %slice3A_681[0] : f32 from vector<1xf32>
      %broadcast_in_dim3A_683 = vector.broadcast %squeeze3A_682 : f32 to vector<16xf32>
      %mul3A_684 = arith.constant 16 : i32
      %mul3A_685 = arith.muli %scan3A_340, %mul3A_684 : i32
      %add3A_686 = arith.constant 9 : i32
      %add3A_687 = arith.addi %mul3A_685, %add3A_686 : i32
      %get3A_688 = arith.index_cast %add3A_687 : i32 to index
      %get3A_689 = arith.constant 0 : index
      %get3A_690 = tpu.vector_load %arg8[%get3A_688, %get3A_689] {strides = array<i32>} : memref<256x96xf32, #tpu.memory_space<vmem>>, vector<16xf32>,
      %mul3A_691 = arith.mulf %broadcast_in_dim3A_683, %get3A_690 : vector<16xf32>
      %add3A_692 = arith.addf %add3A_655, %mul3A_691 : vector<16xf32>
      %get3A_693 = arith.index_cast %add3A_687 : i32 to index
      %get3A_694 = arith.constant 16 : index
      %get3A_695 = tpu.vector_load %arg8[%get3A_693, %get3A_694] {strides = array<i32>} : memref<256x96xf32, #tpu.memory_space<vmem>>, vector<16xf32>,
      %mul3A_696 = arith.mulf %broadcast_in_dim3A_683, %get3A_695 : vector<16xf32>
      %add3A_697 = arith.addf %add3A_660, %mul3A_696 : vector<16xf32>
      %get3A_698 = arith.index_cast %add3A_687 : i32 to index
      %get3A_699 = arith.constant 32 : index
      %get3A_700 = tpu.vector_load %arg8[%get3A_698, %get3A_699] {strides = array<i32>} : memref<256x96xf32, #tpu.memory_space<vmem>>, vector<16xf32>,
      %mul3A_701 = arith.mulf %broadcast_in_dim3A_683, %get3A_700 : vector<16xf32>
      %add3A_702 = arith.addf %add3A_665, %mul3A_701 : vector<16xf32>
      %get3A_703 = arith.index_cast %add3A_687 : i32 to index
      %get3A_704 = arith.constant 48 : index
      %get3A_705 = tpu.vector_load %arg8[%get3A_703, %get3A_704] {strides = array<i32>} : memref<256x96xf32, #tpu.memory_space<vmem>>, vector<16xf32>,
      %mul3A_706 = arith.mulf %broadcast_in_dim3A_683, %get3A_705 : vector<16xf32>
      %add3A_707 = arith.addf %add3A_670, %mul3A_706 : vector<16xf32>
      %get3A_708 = arith.index_cast %add3A_687 : i32 to index
      %get3A_709 = arith.constant 64 : index
      %get3A_710 = tpu.vector_load %arg8[%get3A_708, %get3A_709] {strides = array<i32>} : memref<256x96xf32, #tpu.memory_space<vmem>>, vector<16xf32>,
      %mul3A_711 = arith.mulf %broadcast_in_dim3A_683, %get3A_710 : vector<16xf32>
      %add3A_712 = arith.addf %add3A_675, %mul3A_711 : vector<16xf32>
      %get3A_713 = arith.index_cast %add3A_687 : i32 to index
      %get3A_714 = arith.constant 80 : index
      %get3A_715 = tpu.vector_load %arg8[%get3A_713, %get3A_714] {strides = array<i32>} : memref<256x96xf32, #tpu.memory_space<vmem>>, vector<16xf32>,
      %mul3A_716 = arith.mulf %broadcast_in_dim3A_683, %get3A_715 : vector<16xf32>
      %add3A_717 = arith.addf %add3A_680, %mul3A_716 : vector<16xf32>
      %slice3A_718 = vector.extract_strided_slice %get3A_349 {offsets = [10], sizes = [1], strides = [1]} : vector<16xf32> to vector<1xf32>
      %squeeze3A_719 = vector.extract %slice3A_718[0] : f32 from vector<1xf32>
      %broadcast_in_dim3A_720 = vector.broadcast %squeeze3A_719 : f32 to vector<16xf32>
      %mul3A_721 = arith.constant 16 : i32
      %mul3A_722 = arith.muli %scan3A_340, %mul3A_721 : i32
      %add3A_723 = arith.constant 10 : i32
      %add3A_724 = arith.addi %mul3A_722, %add3A_723 : i32
      %get3A_725 = arith.index_cast %add3A_724 : i32 to index
      %get3A_726 = arith.constant 0 : index
      %get3A_727 = tpu.vector_load %arg8[%get3A_725, %get3A_726] {strides = array<i32>} : memref<256x96xf32, #tpu.memory_space<vmem>>, vector<16xf32>,
      %mul3A_728 = arith.mulf %broadcast_in_dim3A_720, %get3A_727 : vector<16xf32>
      %add3A_729 = arith.addf %add3A_692, %mul3A_728 : vector<16xf32>
      %get3A_730 = arith.index_cast %add3A_724 : i32 to index
      %get3A_731 = arith.constant 16 : index
      %get3A_732 = tpu.vector_load %arg8[%get3A_730, %get3A_731] {strides = array<i32>} : memref<256x96xf32, #tpu.memory_space<vmem>>, vector<16xf32>,
      %mul3A_733 = arith.mulf %broadcast_in_dim3A_720, %get3A_732 : vector<16xf32>
      %add3A_734 = arith.addf %add3A_697, %mul3A_733 : vector<16xf32>
      %get3A_735 = arith.index_cast %add3A_724 : i32 to index
      %get3A_736 = arith.constant 32 : index
      %get3A_737 = tpu.vector_load %arg8[%get3A_735, %get3A_736] {strides = array<i32>} : memref<256x96xf32, #tpu.memory_space<vmem>>, vector<16xf32>,
      %mul3A_738 = arith.mulf %broadcast_in_dim3A_720, %get3A_737 : vector<16xf32>
      %add3A_739 = arith.addf %add3A_702, %mul3A_738 : vector<16xf32>
      %get3A_740 = arith.index_cast %add3A_724 : i32 to index
      %get3A_741 = arith.constant 48 : index
      %get3A_742 = tpu.vector_load %arg8[%get3A_740, %get3A_741] {strides = array<i32>} : memref<256x96xf32, #tpu.memory_space<vmem>>, vector<16xf32>,
      %mul3A_743 = arith.mulf %broadcast_in_dim3A_720, %get3A_742 : vector<16xf32>
      %add3A_744 = arith.addf %add3A_707, %mul3A_743 : vector<16xf32>
      %get3A_745 = arith.index_cast %add3A_724 : i32 to index
      %get3A_746 = arith.constant 64 : index
      %get3A_747 = tpu.vector_load %arg8[%get3A_745, %get3A_746] {strides = array<i32>} : memref<256x96xf32, #tpu.memory_space<vmem>>, vector<16xf32>,
      %mul3A_748 = arith.mulf %broadcast_in_dim3A_720, %get3A_747 : vector<16xf32>
      %add3A_749 = arith.addf %add3A_712, %mul3A_748 : vector<16xf32>
      %get3A_750 = arith.index_cast %add3A_724 : i32 to index
      %get3A_751 = arith.constant 80 : index
      %get3A_752 = tpu.vector_load %arg8[%get3A_750, %get3A_751] {strides = array<i32>} : memref<256x96xf32, #tpu.memory_space<vmem>>, vector<16xf32>,
      %mul3A_753 = arith.mulf %broadcast_in_dim3A_720, %get3A_752 : vector<16xf32>
      %add3A_754 = arith.addf %add3A_717, %mul3A_753 : vector<16xf32>
      %slice3A_755 = vector.extract_strided_slice %get3A_349 {offsets = [11], sizes = [1], strides = [1]} : vector<16xf32> to vector<1xf32>
      %squeeze3A_756 = vector.extract %slice3A_755[0] : f32 from vector<1xf32>
      %broadcast_in_dim3A_757 = vector.broadcast %squeeze3A_756 : f32 to vector<16xf32>
      %mul3A_758 = arith.constant 16 : i32
      %mul3A_759 = arith.muli %scan3A_340, %mul3A_758 : i32
      %add3A_760 = arith.constant 11 : i32
      %add3A_761 = arith.addi %mul3A_759, %add3A_760 : i32
      %get3A_762 = arith.index_cast %add3A_761 : i32 to index
      %get3A_763 = arith.constant 0 : index
      %get3A_764 = tpu.vector_load %arg8[%get3A_762, %get3A_763] {strides = array<i32>} : memref<256x96xf32, #tpu.memory_space<vmem>>, vector<16xf32>,
      %mul3A_765 = arith.mulf %broadcast_in_dim3A_757, %get3A_764 : vector<16xf32>
      %add3A_766 = arith.addf %add3A_729, %mul3A_765 : vector<16xf32>
      %get3A_767 = arith.index_cast %add3A_761 : i32 to index
      %get3A_768 = arith.constant 16 : index
      %get3A_769 = tpu.vector_load %arg8[%get3A_767, %get3A_768] {strides = array<i32>} : memref<256x96xf32, #tpu.memory_space<vmem>>, vector<16xf32>,
      %mul3A_770 = arith.mulf %broadcast_in_dim3A_757, %get3A_769 : vector<16xf32>
      %add3A_771 = arith.addf %add3A_734, %mul3A_770 : vector<16xf32>
      %get3A_772 = arith.index_cast %add3A_761 : i32 to index
      %get3A_773 = arith.constant 32 : index
      %get3A_774 = tpu.vector_load %arg8[%get3A_772, %get3A_773] {strides = array<i32>} : memref<256x96xf32, #tpu.memory_space<vmem>>, vector<16xf32>,
      %mul3A_775 = arith.mulf %broadcast_in_dim3A_757, %get3A_774 : vector<16xf32>
      %add3A_776 = arith.addf %add3A_739, %mul3A_775 : vector<16xf32>
      %get3A_777 = arith.index_cast %add3A_761 : i32 to index
      %get3A_778 = arith.constant 48 : index
      %get3A_779 = tpu.vector_load %arg8[%get3A_777, %get3A_778] {strides = array<i32>} : memref<256x96xf32, #tpu.memory_space<vmem>>, vector<16xf32>,
      %mul3A_780 = arith.mulf %broadcast_in_dim3A_757, %get3A_779 : vector<16xf32>
      %add3A_781 = arith.addf %add3A_744, %mul3A_780 : vector<16xf32>
      %get3A_782 = arith.index_cast %add3A_761 : i32 to index
      %get3A_783 = arith.constant 64 : index
      %get3A_784 = tpu.vector_load %arg8[%get3A_782, %get3A_783] {strides = array<i32>} : memref<256x96xf32, #tpu.memory_space<vmem>>, vector<16xf32>,
      %mul3A_785 = arith.mulf %broadcast_in_dim3A_757, %get3A_784 : vector<16xf32>
      %add3A_786 = arith.addf %add3A_749, %mul3A_785 : vector<16xf32>
      %get3A_787 = arith.index_cast %add3A_761 : i32 to index
      %get3A_788 = arith.constant 80 : index
      %get3A_789 = tpu.vector_load %arg8[%get3A_787, %get3A_788] {strides = array<i32>} : memref<256x96xf32, #tpu.memory_space<vmem>>, vector<16xf32>,
      %mul3A_790 = arith.mulf %broadcast_in_dim3A_757, %get3A_789 : vector<16xf32>
      %add3A_791 = arith.addf %add3A_754, %mul3A_790 : vector<16xf32>
      %slice3A_792 = vector.extract_strided_slice %get3A_349 {offsets = [12], sizes = [1], strides = [1]} : vector<16xf32> to vector<1xf32>
      %squeeze3A_793 = vector.extract %slice3A_792[0] : f32 from vector<1xf32>
      %broadcast_in_dim3A_794 = vector.broadcast %squeeze3A_793 : f32 to vector<16xf32>
      %mul3A_795 = arith.constant 16 : i32
      %mul3A_796 = arith.muli %scan3A_340, %mul3A_795 : i32
      %add3A_797 = arith.constant 12 : i32
      %add3A_798 = arith.addi %mul3A_796, %add3A_797 : i32
      %get3A_799 = arith.index_cast %add3A_798 : i32 to index
      %get3A_800 = arith.constant 0 : index
      %get3A_801 = tpu.vector_load %arg8[%get3A_799, %get3A_800] {strides = array<i32>} : memref<256x96xf32, #tpu.memory_space<vmem>>, vector<16xf32>,
      %mul3A_802 = arith.mulf %broadcast_in_dim3A_794, %get3A_801 : vector<16xf32>
      %add3A_803 = arith.addf %add3A_766, %mul3A_802 : vector<16xf32>
      %get3A_804 = arith.index_cast %add3A_798 : i32 to index
      %get3A_805 = arith.constant 16 : index
      %get3A_806 = tpu.vector_load %arg8[%get3A_804, %get3A_805] {strides = array<i32>} : memref<256x96xf32, #tpu.memory_space<vmem>>, vector<16xf32>,
      %mul3A_807 = arith.mulf %broadcast_in_dim3A_794, %get3A_806 : vector<16xf32>
      %add3A_808 = arith.addf %add3A_771, %mul3A_807 : vector<16xf32>
      %get3A_809 = arith.index_cast %add3A_798 : i32 to index
      %get3A_810 = arith.constant 32 : index
      %get3A_811 = tpu.vector_load %arg8[%get3A_809, %get3A_810] {strides = array<i32>} : memref<256x96xf32, #tpu.memory_space<vmem>>, vector<16xf32>,
      %mul3A_812 = arith.mulf %broadcast_in_dim3A_794, %get3A_811 : vector<16xf32>
      %add3A_813 = arith.addf %add3A_776, %mul3A_812 : vector<16xf32>
      %get3A_814 = arith.index_cast %add3A_798 : i32 to index
      %get3A_815 = arith.constant 48 : index
      %get3A_816 = tpu.vector_load %arg8[%get3A_814, %get3A_815] {strides = array<i32>} : memref<256x96xf32, #tpu.memory_space<vmem>>, vector<16xf32>,
      %mul3A_817 = arith.mulf %broadcast_in_dim3A_794, %get3A_816 : vector<16xf32>
      %add3A_818 = arith.addf %add3A_781, %mul3A_817 : vector<16xf32>
      %get3A_819 = arith.index_cast %add3A_798 : i32 to index
      %get3A_820 = arith.constant 64 : index
      %get3A_821 = tpu.vector_load %arg8[%get3A_819, %get3A_820] {strides = array<i32>} : memref<256x96xf32, #tpu.memory_space<vmem>>, vector<16xf32>,
      %mul3A_822 = arith.mulf %broadcast_in_dim3A_794, %get3A_821 : vector<16xf32>
      %add3A_823 = arith.addf %add3A_786, %mul3A_822 : vector<16xf32>
      %get3A_824 = arith.index_cast %add3A_798 : i32 to index
      %get3A_825 = arith.constant 80 : index
      %get3A_826 = tpu.vector_load %arg8[%get3A_824, %get3A_825] {strides = array<i32>} : memref<256x96xf32, #tpu.memory_space<vmem>>, vector<16xf32>,
      %mul3A_827 = arith.mulf %broadcast_in_dim3A_794, %get3A_826 : vector<16xf32>
      %add3A_828 = arith.addf %add3A_791, %mul3A_827 : vector<16xf32>
      %slice3A_829 = vector.extract_strided_slice %get3A_349 {offsets = [13], sizes = [1], strides = [1]} : vector<16xf32> to vector<1xf32>
      %squeeze3A_830 = vector.extract %slice3A_829[0] : f32 from vector<1xf32>
      %broadcast_in_dim3A_831 = vector.broadcast %squeeze3A_830 : f32 to vector<16xf32>
      %mul3A_832 = arith.constant 16 : i32
      %mul3A_833 = arith.muli %scan3A_340, %mul3A_832 : i32
      %add3A_834 = arith.constant 13 : i32
      %add3A_835 = arith.addi %mul3A_833, %add3A_834 : i32
      %get3A_836 = arith.index_cast %add3A_835 : i32 to index
      %get3A_837 = arith.constant 0 : index
      %get3A_838 = tpu.vector_load %arg8[%get3A_836, %get3A_837] {strides = array<i32>} : memref<256x96xf32, #tpu.memory_space<vmem>>, vector<16xf32>,
      %mul3A_839 = arith.mulf %broadcast_in_dim3A_831, %get3A_838 : vector<16xf32>
      %add3A_840 = arith.addf %add3A_803, %mul3A_839 : vector<16xf32>
      %get3A_841 = arith.index_cast %add3A_835 : i32 to index
      %get3A_842 = arith.constant 16 : index
      %get3A_843 = tpu.vector_load %arg8[%get3A_841, %get3A_842] {strides = array<i32>} : memref<256x96xf32, #tpu.memory_space<vmem>>, vector<16xf32>,
      %mul3A_844 = arith.mulf %broadcast_in_dim3A_831, %get3A_843 : vector<16xf32>
      %add3A_845 = arith.addf %add3A_808, %mul3A_844 : vector<16xf32>
      %get3A_846 = arith.index_cast %add3A_835 : i32 to index
      %get3A_847 = arith.constant 32 : index
      %get3A_848 = tpu.vector_load %arg8[%get3A_846, %get3A_847] {strides = array<i32>} : memref<256x96xf32, #tpu.memory_space<vmem>>, vector<16xf32>,
      %mul3A_849 = arith.mulf %broadcast_in_dim3A_831, %get3A_848 : vector<16xf32>
      %add3A_850 = arith.addf %add3A_813, %mul3A_849 : vector<16xf32>
      %get3A_851 = arith.index_cast %add3A_835 : i32 to index
      %get3A_852 = arith.constant 48 : index
      %get3A_853 = tpu.vector_load %arg8[%get3A_851, %get3A_852] {strides = array<i32>} : memref<256x96xf32, #tpu.memory_space<vmem>>, vector<16xf32>,
      %mul3A_854 = arith.mulf %broadcast_in_dim3A_831, %get3A_853 : vector<16xf32>
      %add3A_855 = arith.addf %add3A_818, %mul3A_854 : vector<16xf32>
      %get3A_856 = arith.index_cast %add3A_835 : i32 to index
      %get3A_857 = arith.constant 64 : index
      %get3A_858 = tpu.vector_load %arg8[%get3A_856, %get3A_857] {strides = array<i32>} : memref<256x96xf32, #tpu.memory_space<vmem>>, vector<16xf32>,
      %mul3A_859 = arith.mulf %broadcast_in_dim3A_831, %get3A_858 : vector<16xf32>
      %add3A_860 = arith.addf %add3A_823, %mul3A_859 : vector<16xf32>
      %get3A_861 = arith.index_cast %add3A_835 : i32 to index
      %get3A_862 = arith.constant 80 : index
      %get3A_863 = tpu.vector_load %arg8[%get3A_861, %get3A_862] {strides = array<i32>} : memref<256x96xf32, #tpu.memory_space<vmem>>, vector<16xf32>,
      %mul3A_864 = arith.mulf %broadcast_in_dim3A_831, %get3A_863 : vector<16xf32>
      %add3A_865 = arith.addf %add3A_828, %mul3A_864 : vector<16xf32>
      %slice3A_866 = vector.extract_strided_slice %get3A_349 {offsets = [14], sizes = [1], strides = [1]} : vector<16xf32> to vector<1xf32>
      %squeeze3A_867 = vector.extract %slice3A_866[0] : f32 from vector<1xf32>
      %broadcast_in_dim3A_868 = vector.broadcast %squeeze3A_867 : f32 to vector<16xf32>
      %mul3A_869 = arith.constant 16 : i32
      %mul3A_870 = arith.muli %scan3A_340, %mul3A_869 : i32
      %add3A_871 = arith.constant 14 : i32
      %add3A_872 = arith.addi %mul3A_870, %add3A_871 : i32
      %get3A_873 = arith.index_cast %add3A_872 : i32 to index
      %get3A_874 = arith.constant 0 : index
      %get3A_875 = tpu.vector_load %arg8[%get3A_873, %get3A_874] {strides = array<i32>} : memref<256x96xf32, #tpu.memory_space<vmem>>, vector<16xf32>,
      %mul3A_876 = arith.mulf %broadcast_in_dim3A_868, %get3A_875 : vector<16xf32>
      %add3A_877 = arith.addf %add3A_840, %mul3A_876 : vector<16xf32>
      %get3A_878 = arith.index_cast %add3A_872 : i32 to index
      %get3A_879 = arith.constant 16 : index
      %get3A_880 = tpu.vector_load %arg8[%get3A_878, %get3A_879] {strides = array<i32>} : memref<256x96xf32, #tpu.memory_space<vmem>>, vector<16xf32>,
      %mul3A_881 = arith.mulf %broadcast_in_dim3A_868, %get3A_880 : vector<16xf32>
      %add3A_882 = arith.addf %add3A_845, %mul3A_881 : vector<16xf32>
      %get3A_883 = arith.index_cast %add3A_872 : i32 to index
      %get3A_884 = arith.constant 32 : index
      %get3A_885 = tpu.vector_load %arg8[%get3A_883, %get3A_884] {strides = array<i32>} : memref<256x96xf32, #tpu.memory_space<vmem>>, vector<16xf32>,
      %mul3A_886 = arith.mulf %broadcast_in_dim3A_868, %get3A_885 : vector<16xf32>
      %add3A_887 = arith.addf %add3A_850, %mul3A_886 : vector<16xf32>
      %get3A_888 = arith.index_cast %add3A_872 : i32 to index
      %get3A_889 = arith.constant 48 : index
      %get3A_890 = tpu.vector_load %arg8[%get3A_888, %get3A_889] {strides = array<i32>} : memref<256x96xf32, #tpu.memory_space<vmem>>, vector<16xf32>,
      %mul3A_891 = arith.mulf %broadcast_in_dim3A_868, %get3A_890 : vector<16xf32>
      %add3A_892 = arith.addf %add3A_855, %mul3A_891 : vector<16xf32>
      %get3A_893 = arith.index_cast %add3A_872 : i32 to index
      %get3A_894 = arith.constant 64 : index
      %get3A_895 = tpu.vector_load %arg8[%get3A_893, %get3A_894] {strides = array<i32>} : memref<256x96xf32, #tpu.memory_space<vmem>>, vector<16xf32>,
      %mul3A_896 = arith.mulf %broadcast_in_dim3A_868, %get3A_895 : vector<16xf32>
      %add3A_897 = arith.addf %add3A_860, %mul3A_896 : vector<16xf32>
      %get3A_898 = arith.index_cast %add3A_872 : i32 to index
      %get3A_899 = arith.constant 80 : index
      %get3A_900 = tpu.vector_load %arg8[%get3A_898, %get3A_899] {strides = array<i32>} : memref<256x96xf32, #tpu.memory_space<vmem>>, vector<16xf32>,
      %mul3A_901 = arith.mulf %broadcast_in_dim3A_868, %get3A_900 : vector<16xf32>
      %add3A_902 = arith.addf %add3A_865, %mul3A_901 : vector<16xf32>
      %slice3A_903 = vector.extract_strided_slice %get3A_349 {offsets = [15], sizes = [1], strides = [1]} : vector<16xf32> to vector<1xf32>
      %squeeze3A_904 = vector.extract %slice3A_903[0] : f32 from vector<1xf32>
      %broadcast_in_dim3A_905 = vector.broadcast %squeeze3A_904 : f32 to vector<16xf32>
      %mul3A_906 = arith.constant 16 : i32
      %mul3A_907 = arith.muli %scan3A_340, %mul3A_906 : i32
      %add3A_908 = arith.constant 15 : i32
      %add3A_909 = arith.addi %mul3A_907, %add3A_908 : i32
      %get3A_910 = arith.index_cast %add3A_909 : i32 to index
      %get3A_911 = arith.constant 0 : index
      %get3A_912 = tpu.vector_load %arg8[%get3A_910, %get3A_911] {strides = array<i32>} : memref<256x96xf32, #tpu.memory_space<vmem>>, vector<16xf32>,
      %mul3A_913 = arith.mulf %broadcast_in_dim3A_905, %get3A_912 : vector<16xf32>
      %add3A_914 = arith.addf %add3A_877, %mul3A_913 : vector<16xf32>
      %get3A_915 = arith.index_cast %add3A_909 : i32 to index
      %get3A_916 = arith.constant 16 : index
      %get3A_917 = tpu.vector_load %arg8[%get3A_915, %get3A_916] {strides = array<i32>} : memref<256x96xf32, #tpu.memory_space<vmem>>, vector<16xf32>,
      %mul3A_918 = arith.mulf %broadcast_in_dim3A_905, %get3A_917 : vector<16xf32>
      %add3A_919 = arith.addf %add3A_882, %mul3A_918 : vector<16xf32>
      %get3A_920 = arith.index_cast %add3A_909 : i32 to index
      %get3A_921 = arith.constant 32 : index
      %get3A_922 = tpu.vector_load %arg8[%get3A_920, %get3A_921] {strides = array<i32>} : memref<256x96xf32, #tpu.memory_space<vmem>>, vector<16xf32>,
      %mul3A_923 = arith.mulf %broadcast_in_dim3A_905, %get3A_922 : vector<16xf32>
      %add3A_924 = arith.addf %add3A_887, %mul3A_923 : vector<16xf32>
      %get3A_925 = arith.index_cast %add3A_909 : i32 to index
      %get3A_926 = arith.constant 48 : index
      %get3A_927 = tpu.vector_load %arg8[%get3A_925, %get3A_926] {strides = array<i32>} : memref<256x96xf32, #tpu.memory_space<vmem>>, vector<16xf32>,
      %mul3A_928 = arith.mulf %broadcast_in_dim3A_905, %get3A_927 : vector<16xf32>
      %add3A_929 = arith.addf %add3A_892, %mul3A_928 : vector<16xf32>
      %get3A_930 = arith.index_cast %add3A_909 : i32 to index
      %get3A_931 = arith.constant 64 : index
      %get3A_932 = tpu.vector_load %arg8[%get3A_930, %get3A_931] {strides = array<i32>} : memref<256x96xf32, #tpu.memory_space<vmem>>, vector<16xf32>,
      %mul3A_933 = arith.mulf %broadcast_in_dim3A_905, %get3A_932 : vector<16xf32>
      %add3A_934 = arith.addf %add3A_897, %mul3A_933 : vector<16xf32>
      %get3A_935 = arith.index_cast %add3A_909 : i32 to index
      %get3A_936 = arith.constant 80 : index
      %get3A_937 = tpu.vector_load %arg8[%get3A_935, %get3A_936] {strides = array<i32>} : memref<256x96xf32, #tpu.memory_space<vmem>>, vector<16xf32>,
      %mul3A_938 = arith.mulf %broadcast_in_dim3A_905, %get3A_937 : vector<16xf32>
      %add3A_939 = arith.addf %add3A_902, %mul3A_938 : vector<16xf32>
      scf.yield %add3A_914, %add3A_919, %add3A_924, %add3A_929, %add3A_934, %add3A_939 : vector<16xf32>, vector<16xf32>, vector<16xf32>, vector<16xf32>, vector<16xf32>, vector<16xf32>
    }
    %scan3A_96 = arith.constant 16 : i32
    %swap3A_97 = arith.constant 0 : index
    %swap3A_98 = tpu.vector_load %arg9[%swap3A_97] {strides = array<i32>} : memref<96xf32, #tpu.memory_space<vmem>>, vector<16xf32>,
    tpu.vector_store %arg9[%swap3A_97], %scan3A_95#0 {strides = array<i32>} : memref<96xf32, #tpu.memory_space<vmem>>, vector<16xf32>,
    %swap3A_99 = arith.constant 16 : index
    %swap3A_100 = tpu.vector_load %arg9[%swap3A_99] {strides = array<i32>} : memref<96xf32, #tpu.memory_space<vmem>>, vector<16xf32>,
    tpu.vector_store %arg9[%swap3A_99], %scan3A_95#1 {strides = array<i32>} : memref<96xf32, #tpu.memory_space<vmem>>, vector<16xf32>,
    %swap3A_101 = arith.constant 32 : index
    %swap3A_102 = tpu.vector_load %arg9[%swap3A_101] {strides = array<i32>} : memref<96xf32, #tpu.memory_space<vmem>>, vector<16xf32>,
    tpu.vector_store %arg9[%swap3A_101], %scan3A_95#2 {strides = array<i32>} : memref<96xf32, #tpu.memory_space<vmem>>, vector<16xf32>,
    %swap3A_103 = arith.constant 48 : index
    %swap3A_104 = tpu.vector_load %arg9[%swap3A_103] {strides = array<i32>} : memref<96xf32, #tpu.memory_space<vmem>>, vector<16xf32>,
    tpu.vector_store %arg9[%swap3A_103], %scan3A_95#3 {strides = array<i32>} : memref<96xf32, #tpu.memory_space<vmem>>, vector<16xf32>,
    %swap3A_105 = arith.constant 64 : index
    %swap3A_106 = tpu.vector_load %arg9[%swap3A_105] {strides = array<i32>} : memref<96xf32, #tpu.memory_space<vmem>>, vector<16xf32>,
    tpu.vector_store %arg9[%swap3A_105], %scan3A_95#4 {strides = array<i32>} : memref<96xf32, #tpu.memory_space<vmem>>, vector<16xf32>,
    %swap3A_107 = arith.constant 80 : index
    %swap3A_108 = tpu.vector_load %arg9[%swap3A_107] {strides = array<i32>} : memref<96xf32, #tpu.memory_space<vmem>>, vector<16xf32>,
    tpu.vector_store %arg9[%swap3A_107], %scan3A_95#5 {strides = array<i32>} : memref<96xf32, #tpu.memory_space<vmem>>, vector<16xf32>,
    "tpu.region"() ({
      %run_scoped3A = tpu.sem_alloc : memref<!tpu.dma_semaphore, #tpu.memory_space<semaphore_mem>>
      %dma_start3A_340 = arith.constant 0 : i32
      %dma_start3A_341 = tpu.memref_slice %arg4[%add3A_38, %dma_start3A_340] : memref<128x96xf32, #tpu.memory_space<hbm>> -> memref<1x96xf32, #tpu.memory_space<hbm>>
      %dma_start3A_342 = tpu.memref_squeeze %dma_start3A_341 : memref<1x96xf32, #tpu.memory_space<hbm>> -> memref<96xf32, #tpu.memory_space<hbm>>
      %dma_start3A_343 = arith.constant 0 : i32
      %dma_start3A_344 = tpu.memref_slice %arg4[%add3A_38, %dma_start3A_343] : memref<128x96xf32, #tpu.memory_space<hbm>> -> memref<1x96xf32, #tpu.memory_space<hbm>>
      %dma_start3A_345 = tpu.memref_squeeze %dma_start3A_344 : memref<1x96xf32, #tpu.memory_space<hbm>> -> memref<96xf32, #tpu.memory_space<hbm>>
      tpu.enqueue_dma source(%arg9 : memref<96xf32, #tpu.memory_space<vmem>>) target(%dma_start3A_345 : memref<96xf32, #tpu.memory_space<hbm>>) target_semaphore(%run_scoped3A : memref<!tpu.dma_semaphore, #tpu.memory_space<semaphore_mem>>)
      %dma_wait3A_346 = arith.constant 0 : i32
      %dma_wait3A_347 = tpu.memref_slice %arg4[%add3A_38, %dma_wait3A_346] : memref<128x96xf32, #tpu.memory_space<hbm>> -> memref<1x96xf32, #tpu.memory_space<hbm>>
      %dma_wait3A_348 = tpu.memref_squeeze %dma_wait3A_347 : memref<1x96xf32, #tpu.memory_space<hbm>> -> memref<96xf32, #tpu.memory_space<hbm>>
      %dma_wait3A_349 = arith.constant 0 : i32
      %dma_wait3A_350 = tpu.memref_slice %arg4[%add3A_38, %dma_wait3A_349] : memref<128x96xf32, #tpu.memory_space<hbm>> -> memref<1x96xf32, #tpu.memory_space<hbm>>
      %dma_wait3A_351 = tpu.memref_squeeze %dma_wait3A_350 : memref<1x96xf32, #tpu.memory_space<hbm>> -> memref<96xf32, #tpu.memory_space<hbm>>
      tpu.wait_dma2 semaphore(%run_scoped3A : memref<!tpu.dma_semaphore, #tpu.memory_space<semaphore_mem>>) src(%arg9 : memref<96xf32, #tpu.memory_space<vmem>>) dst(%dma_wait3A_351 : memref<96xf32, #tpu.memory_space<hbm>>)
      tpu.yield
    }) : () -> ()
    %mul3A_109 = arith.constant 4 : i32
    %mul3A_110 = arith.muli %add3A, %mul3A_109 : i32
    %add3A_111 = arith.constant 1 : i32
    %add3A_112 = arith.addi %mul3A_110, %add3A_111 : i32
    "tpu.region"() ({
      %run_scoped3A = tpu.sem_alloc : memref<!tpu.dma_semaphore, #tpu.memory_space<semaphore_mem>>
      %dma_start3A_340 = arith.constant 0 : i32
      %dma_start3A_341 = tpu.memref_slice %arg2[%add3A_112, %dma_start3A_340] : memref<128x1024xf32, #tpu.memory_space<hbm>> -> memref<1x1024xf32, #tpu.memory_space<hbm>>
      %dma_start3A_342 = tpu.memref_squeeze %dma_start3A_341 : memref<1x1024xf32, #tpu.memory_space<hbm>> -> memref<1024xf32, #tpu.memory_space<hbm>>
      %dma_start3A_343 = arith.constant 0 : i32
      %dma_start3A_344 = tpu.memref_slice %arg2[%add3A_112, %dma_start3A_343] : memref<128x1024xf32, #tpu.memory_space<hbm>> -> memref<1x1024xf32, #tpu.memory_space<hbm>>
      %dma_start3A_345 = tpu.memref_squeeze %dma_start3A_344 : memref<1x1024xf32, #tpu.memory_space<hbm>> -> memref<1024xf32, #tpu.memory_space<hbm>>
      tpu.enqueue_dma source(%dma_start3A_345 : memref<1024xf32, #tpu.memory_space<hbm>>) target(%arg5 : memref<1024xf32, #tpu.memory_space<vmem>>) target_semaphore(%run_scoped3A : memref<!tpu.dma_semaphore, #tpu.memory_space<semaphore_mem>>)
      %dma_wait3A_346 = arith.constant 0 : i32
      %dma_wait3A_347 = tpu.memref_slice %arg2[%add3A_112, %dma_wait3A_346] : memref<128x1024xf32, #tpu.memory_space<hbm>> -> memref<1x1024xf32, #tpu.memory_space<hbm>>
      %dma_wait3A_348 = tpu.memref_squeeze %dma_wait3A_347 : memref<1x1024xf32, #tpu.memory_space<hbm>> -> memref<1024xf32, #tpu.memory_space<hbm>>
      %dma_wait3A_349 = arith.constant 0 : i32
      %dma_wait3A_350 = tpu.memref_slice %arg2[%add3A_112, %dma_wait3A_349] : memref<128x1024xf32, #tpu.memory_space<hbm>> -> memref<1x1024xf32, #tpu.memory_space<hbm>>
      %dma_wait3A_351 = tpu.memref_squeeze %dma_wait3A_350 : memref<1x1024xf32, #tpu.memory_space<hbm>> -> memref<1024xf32, #tpu.memory_space<hbm>>
      tpu.wait_dma2 semaphore(%run_scoped3A : memref<!tpu.dma_semaphore, #tpu.memory_space<semaphore_mem>>) src(%dma_wait3A_351 : memref<1024xf32, #tpu.memory_space<hbm>>) dst(%arg5 : memref<1024xf32, #tpu.memory_space<vmem>>)
      tpu.yield
    }) : () -> ()
    %broadcast_in_dim3A_113 = arith.constant 1 : i32
    %broadcast_in_dim3A_114 = vector.broadcast %broadcast_in_dim3A_113 : i32 to vector<16xi32>
    %broadcast_in_dim3A_115 = arith.constant 264 : i32
    %broadcast_in_dim3A_116 = vector.broadcast %broadcast_in_dim3A_115 : i32 to vector<16xi32>
    %scan3A_117 = arith.constant 0 : i32
    %scan3A_118 = arith.constant 0 : i32
    %scan3A_119 = arith.constant 64 : i32
    %scan3A_120 = arith.addi %scan3A_118, %scan3A_119 : i32
    %scan3A_121 = arith.constant 1 : i32
    %scan3A_122 = scf.for %scan3A_340 = %scan3A_118 to %scan3A_120 step %scan3A_121 iter_args(%scan3A_341 = %scan3A_117) -> (i32)  : i32 {
      %mul3A_342 = arith.constant 16 : i32
      %mul3A_343 = arith.muli %scan3A_340, %mul3A_342 : i32
      %get3A = arith.index_cast %mul3A_343 : i32 to index
      %get3A_344 = tpu.vector_load %arg5[%get3A] {strides = array<i32>} : memref<1024xf32, #tpu.memory_space<vmem>>, vector<16xf32>,
      %bitcast3A = vector.bitcast %get3A_344 : vector<16xf32> to vector<16xi32>
      %min3A = arith.minsi %bitcast3A, %broadcast_in_dim3A_114 : vector<16xi32>
      %iota3A = tpu.iota {dimensions = array<i32: 0>} : vector<16xi32>
      %mul3A_345 = arith.constant 16 : i32
      %mul3A_346 = arith.muli %scan3A_340, %mul3A_345 : i32
      %mul3A_347 = arith.constant 1024 : i32
      %mul3A_348 = arith.muli %add3A_112, %mul3A_347 : i32
      %add3A_349 = arith.addi %mul3A_346, %mul3A_348 : i32
      %broadcast_in_dim3A_350 = vector.broadcast %add3A_349 : i32 to vector<16xi32>
      %add3A_351 = arith.addi %iota3A, %broadcast_in_dim3A_350 : vector<16xi32>
      %broadcast_in_dim3A_352 = arith.constant true
      %broadcast_in_dim3A_353 = vector.broadcast %broadcast_in_dim3A_352 : i1 to vector<16xi1>
      %masked_cumsum3A = tpu.scan <sum>, %min3A masked %broadcast_in_dim3A_353 : vector<16xi32>, vector<16xi1> -> vector<16xi32>
      %sub3A = arith.subi %masked_cumsum3A, %min3A : vector<16xi32>
      %broadcast_in_dim3A_354 = vector.broadcast %scan3A_341 : i32 to vector<16xi32>
      %add3A_355 = arith.addi %sub3A, %broadcast_in_dim3A_354 : vector<16xi32>
      %sub3A_356 = arith.subi %add3A_355, %broadcast_in_dim3A_116 : vector<16xi32>
      %mul3A_357 = arith.muli %min3A, %sub3A_356 : vector<16xi32>
      %add3A_358 = arith.addi %mul3A_357, %broadcast_in_dim3A_116 : vector<16xi32>
      tpu.vector_store_idx %arg6[%add3A_358], %add3A_351 : memref<272xi32, #tpu.memory_space<vmem>>[vector<16xi32>], vector<16xi32>,
      tpu.vector_store_idx %arg7[%add3A_358], %get3A_344 : memref<272xf32, #tpu.memory_space<vmem>>[vector<16xi32>], vector<16xf32>,
      %reduce_sum3A = arith.constant true
      %reduce_sum3A_359 = vector.broadcast %reduce_sum3A : i1 to vector<16xi1>
      %reduce_sum3A_360 = tpu.scan <sum>, %min3A masked %reduce_sum3A_359 : vector<16xi32>, vector<16xi1> -> vector<16xi32>
      %reduce_sum3A_361 = vector.extract %reduce_sum3A_360[15] : i32 from vector<16xi32>
      %add3A_362 = arith.addi %scan3A_341, %reduce_sum3A_361 : i32
      scf.yield %add3A_362 : i32
    }
    %scan3A_123 = arith.constant 64 : i32
    %dma_start3A_124 = arith.constant 0 : i32
    %dma_start3A_125 = arith.constant 0 : i32
    %dma_start3A_126 = tpu.memref_slice %arg8[%dma_start3A_124, %dma_start3A_125] : memref<256x96xf32, #tpu.memory_space<vmem>> -> memref<128x96xf32, #tpu.memory_space<vmem>>
    %dma_start3A_127 = arith.constant 0 : i32
    %dma_start3A_128 = tpu.memref_slice %arg6[%dma_start3A_127] : memref<272xi32, #tpu.memory_space<vmem>> -> memref<128xi32, #tpu.memory_space<vmem>>
    %dma_start3A_129 = arith.constant 0 : i32
    %dma_start3A_130 = arith.constant 0 : i32
    %dma_start3A_131 = tpu.memref_slice %arg3[%dma_start3A_129, %dma_start3A_130] : memref<131072x96xf32, #tpu.memory_space<hbm>> -> memref<131072x96xf32, #tpu.memory_space<hbm>>
    tpu.enqueue_indirect_dma source(%dma_start3A_131 : memref<131072x96xf32, #tpu.memory_space<hbm>>) target(%dma_start3A_126 : memref<128x96xf32, #tpu.memory_space<vmem>>) offsets(%dma_start3A_128 : memref<128xi32, #tpu.memory_space<vmem>>) semaphore(%arg10 : memref<!tpu.dma_semaphore, #tpu.memory_space<semaphore_mem>>)
    %dma_start3A_132 = arith.constant 128 : i32
    %dma_start3A_133 = arith.constant 0 : i32
    %dma_start3A_134 = tpu.memref_slice %arg8[%dma_start3A_132, %dma_start3A_133] : memref<256x96xf32, #tpu.memory_space<vmem>> -> memref<128x96xf32, #tpu.memory_space<vmem>>
    %dma_start3A_135 = arith.constant 128 : i32
    %dma_start3A_136 = tpu.memref_slice %arg6[%dma_start3A_135] : memref<272xi32, #tpu.memory_space<vmem>> -> memref<128xi32, #tpu.memory_space<vmem>>
    %dma_start3A_137 = arith.constant 0 : i32
    %dma_start3A_138 = arith.constant 0 : i32
    %dma_start3A_139 = tpu.memref_slice %arg3[%dma_start3A_137, %dma_start3A_138] : memref<131072x96xf32, #tpu.memory_space<hbm>> -> memref<131072x96xf32, #tpu.memory_space<hbm>>
    tpu.enqueue_indirect_dma source(%dma_start3A_139 : memref<131072x96xf32, #tpu.memory_space<hbm>>) target(%dma_start3A_134 : memref<128x96xf32, #tpu.memory_space<vmem>>) offsets(%dma_start3A_136 : memref<128xi32, #tpu.memory_space<vmem>>) semaphore(%arg10 : memref<!tpu.dma_semaphore, #tpu.memory_space<semaphore_mem>>)
    %dma_wait3A_140 = arith.constant 0 : i32
    %dma_wait3A_141 = arith.constant 0 : i32
    %dma_wait3A_142 = tpu.memref_slice %arg8[%dma_wait3A_140, %dma_wait3A_141] : memref<256x96xf32, #tpu.memory_space<vmem>> -> memref<128x96xf32, #tpu.memory_space<vmem>>
    %dma_wait3A_143 = arith.constant 0 : i32
    %dma_wait3A_144 = tpu.memref_slice %arg6[%dma_wait3A_143] : memref<272xi32, #tpu.memory_space<vmem>> -> memref<128xi32, #tpu.memory_space<vmem>>
    %dma_wait3A_145 = arith.constant 0 : i32
    %dma_wait3A_146 = arith.constant 0 : i32
    %dma_wait3A_147 = tpu.memref_slice %arg3[%dma_wait3A_145, %dma_wait3A_146] : memref<131072x96xf32, #tpu.memory_space<hbm>> -> memref<131072x96xf32, #tpu.memory_space<hbm>>
    tpu.wait_indirect_dma semaphore(%arg10 : memref<!tpu.dma_semaphore, #tpu.memory_space<semaphore_mem>>) src(%dma_wait3A_147 : memref<131072x96xf32, #tpu.memory_space<hbm>>) dst(%dma_wait3A_142 : memref<128x96xf32, #tpu.memory_space<vmem>>)
    %dma_wait3A_148 = arith.constant 128 : i32
    %dma_wait3A_149 = arith.constant 0 : i32
    %dma_wait3A_150 = tpu.memref_slice %arg8[%dma_wait3A_148, %dma_wait3A_149] : memref<256x96xf32, #tpu.memory_space<vmem>> -> memref<128x96xf32, #tpu.memory_space<vmem>>
    %dma_wait3A_151 = arith.constant 128 : i32
    %dma_wait3A_152 = tpu.memref_slice %arg6[%dma_wait3A_151] : memref<272xi32, #tpu.memory_space<vmem>> -> memref<128xi32, #tpu.memory_space<vmem>>
    %dma_wait3A_153 = arith.constant 0 : i32
    %dma_wait3A_154 = arith.constant 0 : i32
    %dma_wait3A_155 = tpu.memref_slice %arg3[%dma_wait3A_153, %dma_wait3A_154] : memref<131072x96xf32, #tpu.memory_space<hbm>> -> memref<131072x96xf32, #tpu.memory_space<hbm>>
    tpu.wait_indirect_dma semaphore(%arg10 : memref<!tpu.dma_semaphore, #tpu.memory_space<semaphore_mem>>) src(%dma_wait3A_155 : memref<131072x96xf32, #tpu.memory_space<hbm>>) dst(%dma_wait3A_150 : memref<128x96xf32, #tpu.memory_space<vmem>>)
    %broadcast_in_dim3A_156 = arith.constant 0.000000e+00 : f32
    %broadcast_in_dim3A_157 = vector.broadcast %broadcast_in_dim3A_156 : f32 to vector<16xf32>
    %broadcast_in_dim3A_158 = arith.constant 0.000000e+00 : f32
    %broadcast_in_dim3A_159 = vector.broadcast %broadcast_in_dim3A_158 : f32 to vector<16xf32>
    %broadcast_in_dim3A_160 = arith.constant 0.000000e+00 : f32
    %broadcast_in_dim3A_161 = vector.broadcast %broadcast_in_dim3A_160 : f32 to vector<16xf32>
    %broadcast_in_dim3A_162 = arith.constant 0.000000e+00 : f32
    %broadcast_in_dim3A_163 = vector.broadcast %broadcast_in_dim3A_162 : f32 to vector<16xf32>
    %broadcast_in_dim3A_164 = arith.constant 0.000000e+00 : f32
    %broadcast_in_dim3A_165 = vector.broadcast %broadcast_in_dim3A_164 : f32 to vector<16xf32>
    %broadcast_in_dim3A_166 = arith.constant 0.000000e+00 : f32
    %broadcast_in_dim3A_167 = vector.broadcast %broadcast_in_dim3A_166 : f32 to vector<16xf32>
    %scan3A_168 = arith.constant 0 : i32
    %scan3A_169 = arith.constant 16 : i32
    %scan3A_170 = arith.addi %scan3A_168, %scan3A_169 : i32
    %scan3A_171 = arith.constant 1 : i32
    %scan3A_172:6 = scf.for %scan3A_340 = %scan3A_168 to %scan3A_170 step %scan3A_171 iter_args(%scan3A_341 = %broadcast_in_dim3A_157, %scan3A_342 = %broadcast_in_dim3A_159, %scan3A_343 = %broadcast_in_dim3A_161, %scan3A_344 = %broadcast_in_dim3A_163, %scan3A_345 = %broadcast_in_dim3A_165, %scan3A_346 = %broadcast_in_dim3A_167) -> (vector<16xf32>, vector<16xf32>, vector<16xf32>, vector<16xf32>, vector<16xf32>, vector<16xf32>)  : i32 {
      %mul3A_347 = arith.constant 16 : i32
      %mul3A_348 = arith.muli %scan3A_340, %mul3A_347 : i32
      %get3A = arith.index_cast %mul3A_348 : i32 to index
      %get3A_349 = tpu.vector_load %arg7[%get3A] {strides = array<i32>} : memref<272xf32, #tpu.memory_space<vmem>>, vector<16xf32>,
      %slice3A = vector.extract_strided_slice %get3A_349 {offsets = [0], sizes = [1], strides = [1]} : vector<16xf32> to vector<1xf32>
      %squeeze3A = vector.extract %slice3A[0] : f32 from vector<1xf32>
      %broadcast_in_dim3A_350 = vector.broadcast %squeeze3A : f32 to vector<16xf32>
      %mul3A_351 = arith.constant 16 : i32
      %mul3A_352 = arith.muli %scan3A_340, %mul3A_351 : i32
      %add3A_353 = arith.constant 0 : i32
      %add3A_354 = arith.addi %mul3A_352, %add3A_353 : i32
      %get3A_355 = arith.index_cast %add3A_354 : i32 to index
      %get3A_356 = arith.constant 0 : index
      %get3A_357 = tpu.vector_load %arg8[%get3A_355, %get3A_356] {strides = array<i32>} : memref<256x96xf32, #tpu.memory_space<vmem>>, vector<16xf32>,
      %mul3A_358 = arith.mulf %broadcast_in_dim3A_350, %get3A_357 : vector<16xf32>
      %add3A_359 = arith.addf %scan3A_341, %mul3A_358 : vector<16xf32>
      %get3A_360 = arith.index_cast %add3A_354 : i32 to index
      %get3A_361 = arith.constant 16 : index
      %get3A_362 = tpu.vector_load %arg8[%get3A_360, %get3A_361] {strides = array<i32>} : memref<256x96xf32, #tpu.memory_space<vmem>>, vector<16xf32>,
      %mul3A_363 = arith.mulf %broadcast_in_dim3A_350, %get3A_362 : vector<16xf32>
      %add3A_364 = arith.addf %scan3A_342, %mul3A_363 : vector<16xf32>
      %get3A_365 = arith.index_cast %add3A_354 : i32 to index
      %get3A_366 = arith.constant 32 : index
      %get3A_367 = tpu.vector_load %arg8[%get3A_365, %get3A_366] {strides = array<i32>} : memref<256x96xf32, #tpu.memory_space<vmem>>, vector<16xf32>,
      %mul3A_368 = arith.mulf %broadcast_in_dim3A_350, %get3A_367 : vector<16xf32>
      %add3A_369 = arith.addf %scan3A_343, %mul3A_368 : vector<16xf32>
      %get3A_370 = arith.index_cast %add3A_354 : i32 to index
      %get3A_371 = arith.constant 48 : index
      %get3A_372 = tpu.vector_load %arg8[%get3A_370, %get3A_371] {strides = array<i32>} : memref<256x96xf32, #tpu.memory_space<vmem>>, vector<16xf32>,
      %mul3A_373 = arith.mulf %broadcast_in_dim3A_350, %get3A_372 : vector<16xf32>
      %add3A_374 = arith.addf %scan3A_344, %mul3A_373 : vector<16xf32>
      %get3A_375 = arith.index_cast %add3A_354 : i32 to index
      %get3A_376 = arith.constant 64 : index
      %get3A_377 = tpu.vector_load %arg8[%get3A_375, %get3A_376] {strides = array<i32>} : memref<256x96xf32, #tpu.memory_space<vmem>>, vector<16xf32>,
      %mul3A_378 = arith.mulf %broadcast_in_dim3A_350, %get3A_377 : vector<16xf32>
      %add3A_379 = arith.addf %scan3A_345, %mul3A_378 : vector<16xf32>
      %get3A_380 = arith.index_cast %add3A_354 : i32 to index
      %get3A_381 = arith.constant 80 : index
      %get3A_382 = tpu.vector_load %arg8[%get3A_380, %get3A_381] {strides = array<i32>} : memref<256x96xf32, #tpu.memory_space<vmem>>, vector<16xf32>,
      %mul3A_383 = arith.mulf %broadcast_in_dim3A_350, %get3A_382 : vector<16xf32>
      %add3A_384 = arith.addf %scan3A_346, %mul3A_383 : vector<16xf32>
      %slice3A_385 = vector.extract_strided_slice %get3A_349 {offsets = [1], sizes = [1], strides = [1]} : vector<16xf32> to vector<1xf32>
      %squeeze3A_386 = vector.extract %slice3A_385[0] : f32 from vector<1xf32>
      %broadcast_in_dim3A_387 = vector.broadcast %squeeze3A_386 : f32 to vector<16xf32>
      %mul3A_388 = arith.constant 16 : i32
      %mul3A_389 = arith.muli %scan3A_340, %mul3A_388 : i32
      %add3A_390 = arith.constant 1 : i32
      %add3A_391 = arith.addi %mul3A_389, %add3A_390 : i32
      %get3A_392 = arith.index_cast %add3A_391 : i32 to index
      %get3A_393 = arith.constant 0 : index
      %get3A_394 = tpu.vector_load %arg8[%get3A_392, %get3A_393] {strides = array<i32>} : memref<256x96xf32, #tpu.memory_space<vmem>>, vector<16xf32>,
      %mul3A_395 = arith.mulf %broadcast_in_dim3A_387, %get3A_394 : vector<16xf32>
      %add3A_396 = arith.addf %add3A_359, %mul3A_395 : vector<16xf32>
      %get3A_397 = arith.index_cast %add3A_391 : i32 to index
      %get3A_398 = arith.constant 16 : index
      %get3A_399 = tpu.vector_load %arg8[%get3A_397, %get3A_398] {strides = array<i32>} : memref<256x96xf32, #tpu.memory_space<vmem>>, vector<16xf32>,
      %mul3A_400 = arith.mulf %broadcast_in_dim3A_387, %get3A_399 : vector<16xf32>
      %add3A_401 = arith.addf %add3A_364, %mul3A_400 : vector<16xf32>
      %get3A_402 = arith.index_cast %add3A_391 : i32 to index
      %get3A_403 = arith.constant 32 : index
      %get3A_404 = tpu.vector_load %arg8[%get3A_402, %get3A_403] {strides = array<i32>} : memref<256x96xf32, #tpu.memory_space<vmem>>, vector<16xf32>,
      %mul3A_405 = arith.mulf %broadcast_in_dim3A_387, %get3A_404 : vector<16xf32>
      %add3A_406 = arith.addf %add3A_369, %mul3A_405 : vector<16xf32>
      %get3A_407 = arith.index_cast %add3A_391 : i32 to index
      %get3A_408 = arith.constant 48 : index
      %get3A_409 = tpu.vector_load %arg8[%get3A_407, %get3A_408] {strides = array<i32>} : memref<256x96xf32, #tpu.memory_space<vmem>>, vector<16xf32>,
      %mul3A_410 = arith.mulf %broadcast_in_dim3A_387, %get3A_409 : vector<16xf32>
      %add3A_411 = arith.addf %add3A_374, %mul3A_410 : vector<16xf32>
      %get3A_412 = arith.index_cast %add3A_391 : i32 to index
      %get3A_413 = arith.constant 64 : index
      %get3A_414 = tpu.vector_load %arg8[%get3A_412, %get3A_413] {strides = array<i32>} : memref<256x96xf32, #tpu.memory_space<vmem>>, vector<16xf32>,
      %mul3A_415 = arith.mulf %broadcast_in_dim3A_387, %get3A_414 : vector<16xf32>
      %add3A_416 = arith.addf %add3A_379, %mul3A_415 : vector<16xf32>
      %get3A_417 = arith.index_cast %add3A_391 : i32 to index
      %get3A_418 = arith.constant 80 : index
      %get3A_419 = tpu.vector_load %arg8[%get3A_417, %get3A_418] {strides = array<i32>} : memref<256x96xf32, #tpu.memory_space<vmem>>, vector<16xf32>,
      %mul3A_420 = arith.mulf %broadcast_in_dim3A_387, %get3A_419 : vector<16xf32>
      %add3A_421 = arith.addf %add3A_384, %mul3A_420 : vector<16xf32>
      %slice3A_422 = vector.extract_strided_slice %get3A_349 {offsets = [2], sizes = [1], strides = [1]} : vector<16xf32> to vector<1xf32>
      %squeeze3A_423 = vector.extract %slice3A_422[0] : f32 from vector<1xf32>
      %broadcast_in_dim3A_424 = vector.broadcast %squeeze3A_423 : f32 to vector<16xf32>
      %mul3A_425 = arith.constant 16 : i32
      %mul3A_426 = arith.muli %scan3A_340, %mul3A_425 : i32
      %add3A_427 = arith.constant 2 : i32
      %add3A_428 = arith.addi %mul3A_426, %add3A_427 : i32
      %get3A_429 = arith.index_cast %add3A_428 : i32 to index
      %get3A_430 = arith.constant 0 : index
      %get3A_431 = tpu.vector_load %arg8[%get3A_429, %get3A_430] {strides = array<i32>} : memref<256x96xf32, #tpu.memory_space<vmem>>, vector<16xf32>,
      %mul3A_432 = arith.mulf %broadcast_in_dim3A_424, %get3A_431 : vector<16xf32>
      %add3A_433 = arith.addf %add3A_396, %mul3A_432 : vector<16xf32>
      %get3A_434 = arith.index_cast %add3A_428 : i32 to index
      %get3A_435 = arith.constant 16 : index
      %get3A_436 = tpu.vector_load %arg8[%get3A_434, %get3A_435] {strides = array<i32>} : memref<256x96xf32, #tpu.memory_space<vmem>>, vector<16xf32>,
      %mul3A_437 = arith.mulf %broadcast_in_dim3A_424, %get3A_436 : vector<16xf32>
      %add3A_438 = arith.addf %add3A_401, %mul3A_437 : vector<16xf32>
      %get3A_439 = arith.index_cast %add3A_428 : i32 to index
      %get3A_440 = arith.constant 32 : index
      %get3A_441 = tpu.vector_load %arg8[%get3A_439, %get3A_440] {strides = array<i32>} : memref<256x96xf32, #tpu.memory_space<vmem>>, vector<16xf32>,
      %mul3A_442 = arith.mulf %broadcast_in_dim3A_424, %get3A_441 : vector<16xf32>
      %add3A_443 = arith.addf %add3A_406, %mul3A_442 : vector<16xf32>
      %get3A_444 = arith.index_cast %add3A_428 : i32 to index
      %get3A_445 = arith.constant 48 : index
      %get3A_446 = tpu.vector_load %arg8[%get3A_444, %get3A_445] {strides = array<i32>} : memref<256x96xf32, #tpu.memory_space<vmem>>, vector<16xf32>,
      %mul3A_447 = arith.mulf %broadcast_in_dim3A_424, %get3A_446 : vector<16xf32>
      %add3A_448 = arith.addf %add3A_411, %mul3A_447 : vector<16xf32>
      %get3A_449 = arith.index_cast %add3A_428 : i32 to index
      %get3A_450 = arith.constant 64 : index
      %get3A_451 = tpu.vector_load %arg8[%get3A_449, %get3A_450] {strides = array<i32>} : memref<256x96xf32, #tpu.memory_space<vmem>>, vector<16xf32>,
      %mul3A_452 = arith.mulf %broadcast_in_dim3A_424, %get3A_451 : vector<16xf32>
      %add3A_453 = arith.addf %add3A_416, %mul3A_452 : vector<16xf32>
      %get3A_454 = arith.index_cast %add3A_428 : i32 to index
      %get3A_455 = arith.constant 80 : index
      %get3A_456 = tpu.vector_load %arg8[%get3A_454, %get3A_455] {strides = array<i32>} : memref<256x96xf32, #tpu.memory_space<vmem>>, vector<16xf32>,
      %mul3A_457 = arith.mulf %broadcast_in_dim3A_424, %get3A_456 : vector<16xf32>
      %add3A_458 = arith.addf %add3A_421, %mul3A_457 : vector<16xf32>
      %slice3A_459 = vector.extract_strided_slice %get3A_349 {offsets = [3], sizes = [1], strides = [1]} : vector<16xf32> to vector<1xf32>
      %squeeze3A_460 = vector.extract %slice3A_459[0] : f32 from vector<1xf32>
      %broadcast_in_dim3A_461 = vector.broadcast %squeeze3A_460 : f32 to vector<16xf32>
      %mul3A_462 = arith.constant 16 : i32
      %mul3A_463 = arith.muli %scan3A_340, %mul3A_462 : i32
      %add3A_464 = arith.constant 3 : i32
      %add3A_465 = arith.addi %mul3A_463, %add3A_464 : i32
      %get3A_466 = arith.index_cast %add3A_465 : i32 to index
      %get3A_467 = arith.constant 0 : index
      %get3A_468 = tpu.vector_load %arg8[%get3A_466, %get3A_467] {strides = array<i32>} : memref<256x96xf32, #tpu.memory_space<vmem>>, vector<16xf32>,
      %mul3A_469 = arith.mulf %broadcast_in_dim3A_461, %get3A_468 : vector<16xf32>
      %add3A_470 = arith.addf %add3A_433, %mul3A_469 : vector<16xf32>
      %get3A_471 = arith.index_cast %add3A_465 : i32 to index
      %get3A_472 = arith.constant 16 : index
      %get3A_473 = tpu.vector_load %arg8[%get3A_471, %get3A_472] {strides = array<i32>} : memref<256x96xf32, #tpu.memory_space<vmem>>, vector<16xf32>,
      %mul3A_474 = arith.mulf %broadcast_in_dim3A_461, %get3A_473 : vector<16xf32>
      %add3A_475 = arith.addf %add3A_438, %mul3A_474 : vector<16xf32>
      %get3A_476 = arith.index_cast %add3A_465 : i32 to index
      %get3A_477 = arith.constant 32 : index
      %get3A_478 = tpu.vector_load %arg8[%get3A_476, %get3A_477] {strides = array<i32>} : memref<256x96xf32, #tpu.memory_space<vmem>>, vector<16xf32>,
      %mul3A_479 = arith.mulf %broadcast_in_dim3A_461, %get3A_478 : vector<16xf32>
      %add3A_480 = arith.addf %add3A_443, %mul3A_479 : vector<16xf32>
      %get3A_481 = arith.index_cast %add3A_465 : i32 to index
      %get3A_482 = arith.constant 48 : index
      %get3A_483 = tpu.vector_load %arg8[%get3A_481, %get3A_482] {strides = array<i32>} : memref<256x96xf32, #tpu.memory_space<vmem>>, vector<16xf32>,
      %mul3A_484 = arith.mulf %broadcast_in_dim3A_461, %get3A_483 : vector<16xf32>
      %add3A_485 = arith.addf %add3A_448, %mul3A_484 : vector<16xf32>
      %get3A_486 = arith.index_cast %add3A_465 : i32 to index
      %get3A_487 = arith.constant 64 : index
      %get3A_488 = tpu.vector_load %arg8[%get3A_486, %get3A_487] {strides = array<i32>} : memref<256x96xf32, #tpu.memory_space<vmem>>, vector<16xf32>,
      %mul3A_489 = arith.mulf %broadcast_in_dim3A_461, %get3A_488 : vector<16xf32>
      %add3A_490 = arith.addf %add3A_453, %mul3A_489 : vector<16xf32>
      %get3A_491 = arith.index_cast %add3A_465 : i32 to index
      %get3A_492 = arith.constant 80 : index
      %get3A_493 = tpu.vector_load %arg8[%get3A_491, %get3A_492] {strides = array<i32>} : memref<256x96xf32, #tpu.memory_space<vmem>>, vector<16xf32>,
      %mul3A_494 = arith.mulf %broadcast_in_dim3A_461, %get3A_493 : vector<16xf32>
      %add3A_495 = arith.addf %add3A_458, %mul3A_494 : vector<16xf32>
      %slice3A_496 = vector.extract_strided_slice %get3A_349 {offsets = [4], sizes = [1], strides = [1]} : vector<16xf32> to vector<1xf32>
      %squeeze3A_497 = vector.extract %slice3A_496[0] : f32 from vector<1xf32>
      %broadcast_in_dim3A_498 = vector.broadcast %squeeze3A_497 : f32 to vector<16xf32>
      %mul3A_499 = arith.constant 16 : i32
      %mul3A_500 = arith.muli %scan3A_340, %mul3A_499 : i32
      %add3A_501 = arith.constant 4 : i32
      %add3A_502 = arith.addi %mul3A_500, %add3A_501 : i32
      %get3A_503 = arith.index_cast %add3A_502 : i32 to index
      %get3A_504 = arith.constant 0 : index
      %get3A_505 = tpu.vector_load %arg8[%get3A_503, %get3A_504] {strides = array<i32>} : memref<256x96xf32, #tpu.memory_space<vmem>>, vector<16xf32>,
      %mul3A_506 = arith.mulf %broadcast_in_dim3A_498, %get3A_505 : vector<16xf32>
      %add3A_507 = arith.addf %add3A_470, %mul3A_506 : vector<16xf32>
      %get3A_508 = arith.index_cast %add3A_502 : i32 to index
      %get3A_509 = arith.constant 16 : index
      %get3A_510 = tpu.vector_load %arg8[%get3A_508, %get3A_509] {strides = array<i32>} : memref<256x96xf32, #tpu.memory_space<vmem>>, vector<16xf32>,
      %mul3A_511 = arith.mulf %broadcast_in_dim3A_498, %get3A_510 : vector<16xf32>
      %add3A_512 = arith.addf %add3A_475, %mul3A_511 : vector<16xf32>
      %get3A_513 = arith.index_cast %add3A_502 : i32 to index
      %get3A_514 = arith.constant 32 : index
      %get3A_515 = tpu.vector_load %arg8[%get3A_513, %get3A_514] {strides = array<i32>} : memref<256x96xf32, #tpu.memory_space<vmem>>, vector<16xf32>,
      %mul3A_516 = arith.mulf %broadcast_in_dim3A_498, %get3A_515 : vector<16xf32>
      %add3A_517 = arith.addf %add3A_480, %mul3A_516 : vector<16xf32>
      %get3A_518 = arith.index_cast %add3A_502 : i32 to index
      %get3A_519 = arith.constant 48 : index
      %get3A_520 = tpu.vector_load %arg8[%get3A_518, %get3A_519] {strides = array<i32>} : memref<256x96xf32, #tpu.memory_space<vmem>>, vector<16xf32>,
      %mul3A_521 = arith.mulf %broadcast_in_dim3A_498, %get3A_520 : vector<16xf32>
      %add3A_522 = arith.addf %add3A_485, %mul3A_521 : vector<16xf32>
      %get3A_523 = arith.index_cast %add3A_502 : i32 to index
      %get3A_524 = arith.constant 64 : index
      %get3A_525 = tpu.vector_load %arg8[%get3A_523, %get3A_524] {strides = array<i32>} : memref<256x96xf32, #tpu.memory_space<vmem>>, vector<16xf32>,
      %mul3A_526 = arith.mulf %broadcast_in_dim3A_498, %get3A_525 : vector<16xf32>
      %add3A_527 = arith.addf %add3A_490, %mul3A_526 : vector<16xf32>
      %get3A_528 = arith.index_cast %add3A_502 : i32 to index
      %get3A_529 = arith.constant 80 : index
      %get3A_530 = tpu.vector_load %arg8[%get3A_528, %get3A_529] {strides = array<i32>} : memref<256x96xf32, #tpu.memory_space<vmem>>, vector<16xf32>,
      %mul3A_531 = arith.mulf %broadcast_in_dim3A_498, %get3A_530 : vector<16xf32>
      %add3A_532 = arith.addf %add3A_495, %mul3A_531 : vector<16xf32>
      %slice3A_533 = vector.extract_strided_slice %get3A_349 {offsets = [5], sizes = [1], strides = [1]} : vector<16xf32> to vector<1xf32>
      %squeeze3A_534 = vector.extract %slice3A_533[0] : f32 from vector<1xf32>
      %broadcast_in_dim3A_535 = vector.broadcast %squeeze3A_534 : f32 to vector<16xf32>
      %mul3A_536 = arith.constant 16 : i32
      %mul3A_537 = arith.muli %scan3A_340, %mul3A_536 : i32
      %add3A_538 = arith.constant 5 : i32
      %add3A_539 = arith.addi %mul3A_537, %add3A_538 : i32
      %get3A_540 = arith.index_cast %add3A_539 : i32 to index
      %get3A_541 = arith.constant 0 : index
      %get3A_542 = tpu.vector_load %arg8[%get3A_540, %get3A_541] {strides = array<i32>} : memref<256x96xf32, #tpu.memory_space<vmem>>, vector<16xf32>,
      %mul3A_543 = arith.mulf %broadcast_in_dim3A_535, %get3A_542 : vector<16xf32>
      %add3A_544 = arith.addf %add3A_507, %mul3A_543 : vector<16xf32>
      %get3A_545 = arith.index_cast %add3A_539 : i32 to index
      %get3A_546 = arith.constant 16 : index
      %get3A_547 = tpu.vector_load %arg8[%get3A_545, %get3A_546] {strides = array<i32>} : memref<256x96xf32, #tpu.memory_space<vmem>>, vector<16xf32>,
      %mul3A_548 = arith.mulf %broadcast_in_dim3A_535, %get3A_547 : vector<16xf32>
      %add3A_549 = arith.addf %add3A_512, %mul3A_548 : vector<16xf32>
      %get3A_550 = arith.index_cast %add3A_539 : i32 to index
      %get3A_551 = arith.constant 32 : index
      %get3A_552 = tpu.vector_load %arg8[%get3A_550, %get3A_551] {strides = array<i32>} : memref<256x96xf32, #tpu.memory_space<vmem>>, vector<16xf32>,
      %mul3A_553 = arith.mulf %broadcast_in_dim3A_535, %get3A_552 : vector<16xf32>
      %add3A_554 = arith.addf %add3A_517, %mul3A_553 : vector<16xf32>
      %get3A_555 = arith.index_cast %add3A_539 : i32 to index
      %get3A_556 = arith.constant 48 : index
      %get3A_557 = tpu.vector_load %arg8[%get3A_555, %get3A_556] {strides = array<i32>} : memref<256x96xf32, #tpu.memory_space<vmem>>, vector<16xf32>,
      %mul3A_558 = arith.mulf %broadcast_in_dim3A_535, %get3A_557 : vector<16xf32>
      %add3A_559 = arith.addf %add3A_522, %mul3A_558 : vector<16xf32>
      %get3A_560 = arith.index_cast %add3A_539 : i32 to index
      %get3A_561 = arith.constant 64 : index
      %get3A_562 = tpu.vector_load %arg8[%get3A_560, %get3A_561] {strides = array<i32>} : memref<256x96xf32, #tpu.memory_space<vmem>>, vector<16xf32>,
      %mul3A_563 = arith.mulf %broadcast_in_dim3A_535, %get3A_562 : vector<16xf32>
      %add3A_564 = arith.addf %add3A_527, %mul3A_563 : vector<16xf32>
      %get3A_565 = arith.index_cast %add3A_539 : i32 to index
      %get3A_566 = arith.constant 80 : index
      %get3A_567 = tpu.vector_load %arg8[%get3A_565, %get3A_566] {strides = array<i32>} : memref<256x96xf32, #tpu.memory_space<vmem>>, vector<16xf32>,
      %mul3A_568 = arith.mulf %broadcast_in_dim3A_535, %get3A_567 : vector<16xf32>
      %add3A_569 = arith.addf %add3A_532, %mul3A_568 : vector<16xf32>
      %slice3A_570 = vector.extract_strided_slice %get3A_349 {offsets = [6], sizes = [1], strides = [1]} : vector<16xf32> to vector<1xf32>
      %squeeze3A_571 = vector.extract %slice3A_570[0] : f32 from vector<1xf32>
      %broadcast_in_dim3A_572 = vector.broadcast %squeeze3A_571 : f32 to vector<16xf32>
      %mul3A_573 = arith.constant 16 : i32
      %mul3A_574 = arith.muli %scan3A_340, %mul3A_573 : i32
      %add3A_575 = arith.constant 6 : i32
      %add3A_576 = arith.addi %mul3A_574, %add3A_575 : i32
      %get3A_577 = arith.index_cast %add3A_576 : i32 to index
      %get3A_578 = arith.constant 0 : index
      %get3A_579 = tpu.vector_load %arg8[%get3A_577, %get3A_578] {strides = array<i32>} : memref<256x96xf32, #tpu.memory_space<vmem>>, vector<16xf32>,
      %mul3A_580 = arith.mulf %broadcast_in_dim3A_572, %get3A_579 : vector<16xf32>
      %add3A_581 = arith.addf %add3A_544, %mul3A_580 : vector<16xf32>
      %get3A_582 = arith.index_cast %add3A_576 : i32 to index
      %get3A_583 = arith.constant 16 : index
      %get3A_584 = tpu.vector_load %arg8[%get3A_582, %get3A_583] {strides = array<i32>} : memref<256x96xf32, #tpu.memory_space<vmem>>, vector<16xf32>,
      %mul3A_585 = arith.mulf %broadcast_in_dim3A_572, %get3A_584 : vector<16xf32>
      %add3A_586 = arith.addf %add3A_549, %mul3A_585 : vector<16xf32>
      %get3A_587 = arith.index_cast %add3A_576 : i32 to index
      %get3A_588 = arith.constant 32 : index
      %get3A_589 = tpu.vector_load %arg8[%get3A_587, %get3A_588] {strides = array<i32>} : memref<256x96xf32, #tpu.memory_space<vmem>>, vector<16xf32>,
      %mul3A_590 = arith.mulf %broadcast_in_dim3A_572, %get3A_589 : vector<16xf32>
      %add3A_591 = arith.addf %add3A_554, %mul3A_590 : vector<16xf32>
      %get3A_592 = arith.index_cast %add3A_576 : i32 to index
      %get3A_593 = arith.constant 48 : index
      %get3A_594 = tpu.vector_load %arg8[%get3A_592, %get3A_593] {strides = array<i32>} : memref<256x96xf32, #tpu.memory_space<vmem>>, vector<16xf32>,
      %mul3A_595 = arith.mulf %broadcast_in_dim3A_572, %get3A_594 : vector<16xf32>
      %add3A_596 = arith.addf %add3A_559, %mul3A_595 : vector<16xf32>
      %get3A_597 = arith.index_cast %add3A_576 : i32 to index
      %get3A_598 = arith.constant 64 : index
      %get3A_599 = tpu.vector_load %arg8[%get3A_597, %get3A_598] {strides = array<i32>} : memref<256x96xf32, #tpu.memory_space<vmem>>, vector<16xf32>,
      %mul3A_600 = arith.mulf %broadcast_in_dim3A_572, %get3A_599 : vector<16xf32>
      %add3A_601 = arith.addf %add3A_564, %mul3A_600 : vector<16xf32>
      %get3A_602 = arith.index_cast %add3A_576 : i32 to index
      %get3A_603 = arith.constant 80 : index
      %get3A_604 = tpu.vector_load %arg8[%get3A_602, %get3A_603] {strides = array<i32>} : memref<256x96xf32, #tpu.memory_space<vmem>>, vector<16xf32>,
      %mul3A_605 = arith.mulf %broadcast_in_dim3A_572, %get3A_604 : vector<16xf32>
      %add3A_606 = arith.addf %add3A_569, %mul3A_605 : vector<16xf32>
      %slice3A_607 = vector.extract_strided_slice %get3A_349 {offsets = [7], sizes = [1], strides = [1]} : vector<16xf32> to vector<1xf32>
      %squeeze3A_608 = vector.extract %slice3A_607[0] : f32 from vector<1xf32>
      %broadcast_in_dim3A_609 = vector.broadcast %squeeze3A_608 : f32 to vector<16xf32>
      %mul3A_610 = arith.constant 16 : i32
      %mul3A_611 = arith.muli %scan3A_340, %mul3A_610 : i32
      %add3A_612 = arith.constant 7 : i32
      %add3A_613 = arith.addi %mul3A_611, %add3A_612 : i32
      %get3A_614 = arith.index_cast %add3A_613 : i32 to index
      %get3A_615 = arith.constant 0 : index
      %get3A_616 = tpu.vector_load %arg8[%get3A_614, %get3A_615] {strides = array<i32>} : memref<256x96xf32, #tpu.memory_space<vmem>>, vector<16xf32>,
      %mul3A_617 = arith.mulf %broadcast_in_dim3A_609, %get3A_616 : vector<16xf32>
      %add3A_618 = arith.addf %add3A_581, %mul3A_617 : vector<16xf32>
      %get3A_619 = arith.index_cast %add3A_613 : i32 to index
      %get3A_620 = arith.constant 16 : index
      %get3A_621 = tpu.vector_load %arg8[%get3A_619, %get3A_620] {strides = array<i32>} : memref<256x96xf32, #tpu.memory_space<vmem>>, vector<16xf32>,
      %mul3A_622 = arith.mulf %broadcast_in_dim3A_609, %get3A_621 : vector<16xf32>
      %add3A_623 = arith.addf %add3A_586, %mul3A_622 : vector<16xf32>
      %get3A_624 = arith.index_cast %add3A_613 : i32 to index
      %get3A_625 = arith.constant 32 : index
      %get3A_626 = tpu.vector_load %arg8[%get3A_624, %get3A_625] {strides = array<i32>} : memref<256x96xf32, #tpu.memory_space<vmem>>, vector<16xf32>,
      %mul3A_627 = arith.mulf %broadcast_in_dim3A_609, %get3A_626 : vector<16xf32>
      %add3A_628 = arith.addf %add3A_591, %mul3A_627 : vector<16xf32>
      %get3A_629 = arith.index_cast %add3A_613 : i32 to index
      %get3A_630 = arith.constant 48 : index
      %get3A_631 = tpu.vector_load %arg8[%get3A_629, %get3A_630] {strides = array<i32>} : memref<256x96xf32, #tpu.memory_space<vmem>>, vector<16xf32>,
      %mul3A_632 = arith.mulf %broadcast_in_dim3A_609, %get3A_631 : vector<16xf32>
      %add3A_633 = arith.addf %add3A_596, %mul3A_632 : vector<16xf32>
      %get3A_634 = arith.index_cast %add3A_613 : i32 to index
      %get3A_635 = arith.constant 64 : index
      %get3A_636 = tpu.vector_load %arg8[%get3A_634, %get3A_635] {strides = array<i32>} : memref<256x96xf32, #tpu.memory_space<vmem>>, vector<16xf32>,
      %mul3A_637 = arith.mulf %broadcast_in_dim3A_609, %get3A_636 : vector<16xf32>
      %add3A_638 = arith.addf %add3A_601, %mul3A_637 : vector<16xf32>
      %get3A_639 = arith.index_cast %add3A_613 : i32 to index
      %get3A_640 = arith.constant 80 : index
      %get3A_641 = tpu.vector_load %arg8[%get3A_639, %get3A_640] {strides = array<i32>} : memref<256x96xf32, #tpu.memory_space<vmem>>, vector<16xf32>,
      %mul3A_642 = arith.mulf %broadcast_in_dim3A_609, %get3A_641 : vector<16xf32>
      %add3A_643 = arith.addf %add3A_606, %mul3A_642 : vector<16xf32>
      %slice3A_644 = vector.extract_strided_slice %get3A_349 {offsets = [8], sizes = [1], strides = [1]} : vector<16xf32> to vector<1xf32>
      %squeeze3A_645 = vector.extract %slice3A_644[0] : f32 from vector<1xf32>
      %broadcast_in_dim3A_646 = vector.broadcast %squeeze3A_645 : f32 to vector<16xf32>
      %mul3A_647 = arith.constant 16 : i32
      %mul3A_648 = arith.muli %scan3A_340, %mul3A_647 : i32
      %add3A_649 = arith.constant 8 : i32
      %add3A_650 = arith.addi %mul3A_648, %add3A_649 : i32
      %get3A_651 = arith.index_cast %add3A_650 : i32 to index
      %get3A_652 = arith.constant 0 : index
      %get3A_653 = tpu.vector_load %arg8[%get3A_651, %get3A_652] {strides = array<i32>} : memref<256x96xf32, #tpu.memory_space<vmem>>, vector<16xf32>,
      %mul3A_654 = arith.mulf %broadcast_in_dim3A_646, %get3A_653 : vector<16xf32>
      %add3A_655 = arith.addf %add3A_618, %mul3A_654 : vector<16xf32>
      %get3A_656 = arith.index_cast %add3A_650 : i32 to index
      %get3A_657 = arith.constant 16 : index
      %get3A_658 = tpu.vector_load %arg8[%get3A_656, %get3A_657] {strides = array<i32>} : memref<256x96xf32, #tpu.memory_space<vmem>>, vector<16xf32>,
      %mul3A_659 = arith.mulf %broadcast_in_dim3A_646, %get3A_658 : vector<16xf32>
      %add3A_660 = arith.addf %add3A_623, %mul3A_659 : vector<16xf32>
      %get3A_661 = arith.index_cast %add3A_650 : i32 to index
      %get3A_662 = arith.constant 32 : index
      %get3A_663 = tpu.vector_load %arg8[%get3A_661, %get3A_662] {strides = array<i32>} : memref<256x96xf32, #tpu.memory_space<vmem>>, vector<16xf32>,
      %mul3A_664 = arith.mulf %broadcast_in_dim3A_646, %get3A_663 : vector<16xf32>
      %add3A_665 = arith.addf %add3A_628, %mul3A_664 : vector<16xf32>
      %get3A_666 = arith.index_cast %add3A_650 : i32 to index
      %get3A_667 = arith.constant 48 : index
      %get3A_668 = tpu.vector_load %arg8[%get3A_666, %get3A_667] {strides = array<i32>} : memref<256x96xf32, #tpu.memory_space<vmem>>, vector<16xf32>,
      %mul3A_669 = arith.mulf %broadcast_in_dim3A_646, %get3A_668 : vector<16xf32>
      %add3A_670 = arith.addf %add3A_633, %mul3A_669 : vector<16xf32>
      %get3A_671 = arith.index_cast %add3A_650 : i32 to index
      %get3A_672 = arith.constant 64 : index
      %get3A_673 = tpu.vector_load %arg8[%get3A_671, %get3A_672] {strides = array<i32>} : memref<256x96xf32, #tpu.memory_space<vmem>>, vector<16xf32>,
      %mul3A_674 = arith.mulf %broadcast_in_dim3A_646, %get3A_673 : vector<16xf32>
      %add3A_675 = arith.addf %add3A_638, %mul3A_674 : vector<16xf32>
      %get3A_676 = arith.index_cast %add3A_650 : i32 to index
      %get3A_677 = arith.constant 80 : index
      %get3A_678 = tpu.vector_load %arg8[%get3A_676, %get3A_677] {strides = array<i32>} : memref<256x96xf32, #tpu.memory_space<vmem>>, vector<16xf32>,
      %mul3A_679 = arith.mulf %broadcast_in_dim3A_646, %get3A_678 : vector<16xf32>
      %add3A_680 = arith.addf %add3A_643, %mul3A_679 : vector<16xf32>
      %slice3A_681 = vector.extract_strided_slice %get3A_349 {offsets = [9], sizes = [1], strides = [1]} : vector<16xf32> to vector<1xf32>
      %squeeze3A_682 = vector.extract %slice3A_681[0] : f32 from vector<1xf32>
      %broadcast_in_dim3A_683 = vector.broadcast %squeeze3A_682 : f32 to vector<16xf32>
      %mul3A_684 = arith.constant 16 : i32
      %mul3A_685 = arith.muli %scan3A_340, %mul3A_684 : i32
      %add3A_686 = arith.constant 9 : i32
      %add3A_687 = arith.addi %mul3A_685, %add3A_686 : i32
      %get3A_688 = arith.index_cast %add3A_687 : i32 to index
      %get3A_689 = arith.constant 0 : index
      %get3A_690 = tpu.vector_load %arg8[%get3A_688, %get3A_689] {strides = array<i32>} : memref<256x96xf32, #tpu.memory_space<vmem>>, vector<16xf32>,
      %mul3A_691 = arith.mulf %broadcast_in_dim3A_683, %get3A_690 : vector<16xf32>
      %add3A_692 = arith.addf %add3A_655, %mul3A_691 : vector<16xf32>
      %get3A_693 = arith.index_cast %add3A_687 : i32 to index
      %get3A_694 = arith.constant 16 : index
      %get3A_695 = tpu.vector_load %arg8[%get3A_693, %get3A_694] {strides = array<i32>} : memref<256x96xf32, #tpu.memory_space<vmem>>, vector<16xf32>,
      %mul3A_696 = arith.mulf %broadcast_in_dim3A_683, %get3A_695 : vector<16xf32>
      %add3A_697 = arith.addf %add3A_660, %mul3A_696 : vector<16xf32>
      %get3A_698 = arith.index_cast %add3A_687 : i32 to index
      %get3A_699 = arith.constant 32 : index
      %get3A_700 = tpu.vector_load %arg8[%get3A_698, %get3A_699] {strides = array<i32>} : memref<256x96xf32, #tpu.memory_space<vmem>>, vector<16xf32>,
      %mul3A_701 = arith.mulf %broadcast_in_dim3A_683, %get3A_700 : vector<16xf32>
      %add3A_702 = arith.addf %add3A_665, %mul3A_701 : vector<16xf32>
      %get3A_703 = arith.index_cast %add3A_687 : i32 to index
      %get3A_704 = arith.constant 48 : index
      %get3A_705 = tpu.vector_load %arg8[%get3A_703, %get3A_704] {strides = array<i32>} : memref<256x96xf32, #tpu.memory_space<vmem>>, vector<16xf32>,
      %mul3A_706 = arith.mulf %broadcast_in_dim3A_683, %get3A_705 : vector<16xf32>
      %add3A_707 = arith.addf %add3A_670, %mul3A_706 : vector<16xf32>
      %get3A_708 = arith.index_cast %add3A_687 : i32 to index
      %get3A_709 = arith.constant 64 : index
      %get3A_710 = tpu.vector_load %arg8[%get3A_708, %get3A_709] {strides = array<i32>} : memref<256x96xf32, #tpu.memory_space<vmem>>, vector<16xf32>,
      %mul3A_711 = arith.mulf %broadcast_in_dim3A_683, %get3A_710 : vector<16xf32>
      %add3A_712 = arith.addf %add3A_675, %mul3A_711 : vector<16xf32>
      %get3A_713 = arith.index_cast %add3A_687 : i32 to index
      %get3A_714 = arith.constant 80 : index
      %get3A_715 = tpu.vector_load %arg8[%get3A_713, %get3A_714] {strides = array<i32>} : memref<256x96xf32, #tpu.memory_space<vmem>>, vector<16xf32>,
      %mul3A_716 = arith.mulf %broadcast_in_dim3A_683, %get3A_715 : vector<16xf32>
      %add3A_717 = arith.addf %add3A_680, %mul3A_716 : vector<16xf32>
      %slice3A_718 = vector.extract_strided_slice %get3A_349 {offsets = [10], sizes = [1], strides = [1]} : vector<16xf32> to vector<1xf32>
      %squeeze3A_719 = vector.extract %slice3A_718[0] : f32 from vector<1xf32>
      %broadcast_in_dim3A_720 = vector.broadcast %squeeze3A_719 : f32 to vector<16xf32>
      %mul3A_721 = arith.constant 16 : i32
      %mul3A_722 = arith.muli %scan3A_340, %mul3A_721 : i32
      %add3A_723 = arith.constant 10 : i32
      %add3A_724 = arith.addi %mul3A_722, %add3A_723 : i32
      %get3A_725 = arith.index_cast %add3A_724 : i32 to index
      %get3A_726 = arith.constant 0 : index
      %get3A_727 = tpu.vector_load %arg8[%get3A_725, %get3A_726] {strides = array<i32>} : memref<256x96xf32, #tpu.memory_space<vmem>>, vector<16xf32>,
      %mul3A_728 = arith.mulf %broadcast_in_dim3A_720, %get3A_727 : vector<16xf32>
      %add3A_729 = arith.addf %add3A_692, %mul3A_728 : vector<16xf32>
      %get3A_730 = arith.index_cast %add3A_724 : i32 to index
      %get3A_731 = arith.constant 16 : index
      %get3A_732 = tpu.vector_load %arg8[%get3A_730, %get3A_731] {strides = array<i32>} : memref<256x96xf32, #tpu.memory_space<vmem>>, vector<16xf32>,
      %mul3A_733 = arith.mulf %broadcast_in_dim3A_720, %get3A_732 : vector<16xf32>
      %add3A_734 = arith.addf %add3A_697, %mul3A_733 : vector<16xf32>
      %get3A_735 = arith.index_cast %add3A_724 : i32 to index
      %get3A_736 = arith.constant 32 : index
      %get3A_737 = tpu.vector_load %arg8[%get3A_735, %get3A_736] {strides = array<i32>} : memref<256x96xf32, #tpu.memory_space<vmem>>, vector<16xf32>,
      %mul3A_738 = arith.mulf %broadcast_in_dim3A_720, %get3A_737 : vector<16xf32>
      %add3A_739 = arith.addf %add3A_702, %mul3A_738 : vector<16xf32>
      %get3A_740 = arith.index_cast %add3A_724 : i32 to index
      %get3A_741 = arith.constant 48 : index
      %get3A_742 = tpu.vector_load %arg8[%get3A_740, %get3A_741] {strides = array<i32>} : memref<256x96xf32, #tpu.memory_space<vmem>>, vector<16xf32>,
      %mul3A_743 = arith.mulf %broadcast_in_dim3A_720, %get3A_742 : vector<16xf32>
      %add3A_744 = arith.addf %add3A_707, %mul3A_743 : vector<16xf32>
      %get3A_745 = arith.index_cast %add3A_724 : i32 to index
      %get3A_746 = arith.constant 64 : index
      %get3A_747 = tpu.vector_load %arg8[%get3A_745, %get3A_746] {strides = array<i32>} : memref<256x96xf32, #tpu.memory_space<vmem>>, vector<16xf32>,
      %mul3A_748 = arith.mulf %broadcast_in_dim3A_720, %get3A_747 : vector<16xf32>
      %add3A_749 = arith.addf %add3A_712, %mul3A_748 : vector<16xf32>
      %get3A_750 = arith.index_cast %add3A_724 : i32 to index
      %get3A_751 = arith.constant 80 : index
      %get3A_752 = tpu.vector_load %arg8[%get3A_750, %get3A_751] {strides = array<i32>} : memref<256x96xf32, #tpu.memory_space<vmem>>, vector<16xf32>,
      %mul3A_753 = arith.mulf %broadcast_in_dim3A_720, %get3A_752 : vector<16xf32>
      %add3A_754 = arith.addf %add3A_717, %mul3A_753 : vector<16xf32>
      %slice3A_755 = vector.extract_strided_slice %get3A_349 {offsets = [11], sizes = [1], strides = [1]} : vector<16xf32> to vector<1xf32>
      %squeeze3A_756 = vector.extract %slice3A_755[0] : f32 from vector<1xf32>
      %broadcast_in_dim3A_757 = vector.broadcast %squeeze3A_756 : f32 to vector<16xf32>
      %mul3A_758 = arith.constant 16 : i32
      %mul3A_759 = arith.muli %scan3A_340, %mul3A_758 : i32
      %add3A_760 = arith.constant 11 : i32
      %add3A_761 = arith.addi %mul3A_759, %add3A_760 : i32
      %get3A_762 = arith.index_cast %add3A_761 : i32 to index
      %get3A_763 = arith.constant 0 : index
      %get3A_764 = tpu.vector_load %arg8[%get3A_762, %get3A_763] {strides = array<i32>} : memref<256x96xf32, #tpu.memory_space<vmem>>, vector<16xf32>,
      %mul3A_765 = arith.mulf %broadcast_in_dim3A_757, %get3A_764 : vector<16xf32>
      %add3A_766 = arith.addf %add3A_729, %mul3A_765 : vector<16xf32>
      %get3A_767 = arith.index_cast %add3A_761 : i32 to index
      %get3A_768 = arith.constant 16 : index
      %get3A_769 = tpu.vector_load %arg8[%get3A_767, %get3A_768] {strides = array<i32>} : memref<256x96xf32, #tpu.memory_space<vmem>>, vector<16xf32>,
      %mul3A_770 = arith.mulf %broadcast_in_dim3A_757, %get3A_769 : vector<16xf32>
      %add3A_771 = arith.addf %add3A_734, %mul3A_770 : vector<16xf32>
      %get3A_772 = arith.index_cast %add3A_761 : i32 to index
      %get3A_773 = arith.constant 32 : index
      %get3A_774 = tpu.vector_load %arg8[%get3A_772, %get3A_773] {strides = array<i32>} : memref<256x96xf32, #tpu.memory_space<vmem>>, vector<16xf32>,
      %mul3A_775 = arith.mulf %broadcast_in_dim3A_757, %get3A_774 : vector<16xf32>
      %add3A_776 = arith.addf %add3A_739, %mul3A_775 : vector<16xf32>
      %get3A_777 = arith.index_cast %add3A_761 : i32 to index
      %get3A_778 = arith.constant 48 : index
      %get3A_779 = tpu.vector_load %arg8[%get3A_777, %get3A_778] {strides = array<i32>} : memref<256x96xf32, #tpu.memory_space<vmem>>, vector<16xf32>,
      %mul3A_780 = arith.mulf %broadcast_in_dim3A_757, %get3A_779 : vector<16xf32>
      %add3A_781 = arith.addf %add3A_744, %mul3A_780 : vector<16xf32>
      %get3A_782 = arith.index_cast %add3A_761 : i32 to index
      %get3A_783 = arith.constant 64 : index
      %get3A_784 = tpu.vector_load %arg8[%get3A_782, %get3A_783] {strides = array<i32>} : memref<256x96xf32, #tpu.memory_space<vmem>>, vector<16xf32>,
      %mul3A_785 = arith.mulf %broadcast_in_dim3A_757, %get3A_784 : vector<16xf32>
      %add3A_786 = arith.addf %add3A_749, %mul3A_785 : vector<16xf32>
      %get3A_787 = arith.index_cast %add3A_761 : i32 to index
      %get3A_788 = arith.constant 80 : index
      %get3A_789 = tpu.vector_load %arg8[%get3A_787, %get3A_788] {strides = array<i32>} : memref<256x96xf32, #tpu.memory_space<vmem>>, vector<16xf32>,
      %mul3A_790 = arith.mulf %broadcast_in_dim3A_757, %get3A_789 : vector<16xf32>
      %add3A_791 = arith.addf %add3A_754, %mul3A_790 : vector<16xf32>
      %slice3A_792 = vector.extract_strided_slice %get3A_349 {offsets = [12], sizes = [1], strides = [1]} : vector<16xf32> to vector<1xf32>
      %squeeze3A_793 = vector.extract %slice3A_792[0] : f32 from vector<1xf32>
      %broadcast_in_dim3A_794 = vector.broadcast %squeeze3A_793 : f32 to vector<16xf32>
      %mul3A_795 = arith.constant 16 : i32
      %mul3A_796 = arith.muli %scan3A_340, %mul3A_795 : i32
      %add3A_797 = arith.constant 12 : i32
      %add3A_798 = arith.addi %mul3A_796, %add3A_797 : i32
      %get3A_799 = arith.index_cast %add3A_798 : i32 to index
      %get3A_800 = arith.constant 0 : index
      %get3A_801 = tpu.vector_load %arg8[%get3A_799, %get3A_800] {strides = array<i32>} : memref<256x96xf32, #tpu.memory_space<vmem>>, vector<16xf32>,
      %mul3A_802 = arith.mulf %broadcast_in_dim3A_794, %get3A_801 : vector<16xf32>
      %add3A_803 = arith.addf %add3A_766, %mul3A_802 : vector<16xf32>
      %get3A_804 = arith.index_cast %add3A_798 : i32 to index
      %get3A_805 = arith.constant 16 : index
      %get3A_806 = tpu.vector_load %arg8[%get3A_804, %get3A_805] {strides = array<i32>} : memref<256x96xf32, #tpu.memory_space<vmem>>, vector<16xf32>,
      %mul3A_807 = arith.mulf %broadcast_in_dim3A_794, %get3A_806 : vector<16xf32>
      %add3A_808 = arith.addf %add3A_771, %mul3A_807 : vector<16xf32>
      %get3A_809 = arith.index_cast %add3A_798 : i32 to index
      %get3A_810 = arith.constant 32 : index
      %get3A_811 = tpu.vector_load %arg8[%get3A_809, %get3A_810] {strides = array<i32>} : memref<256x96xf32, #tpu.memory_space<vmem>>, vector<16xf32>,
      %mul3A_812 = arith.mulf %broadcast_in_dim3A_794, %get3A_811 : vector<16xf32>
      %add3A_813 = arith.addf %add3A_776, %mul3A_812 : vector<16xf32>
      %get3A_814 = arith.index_cast %add3A_798 : i32 to index
      %get3A_815 = arith.constant 48 : index
      %get3A_816 = tpu.vector_load %arg8[%get3A_814, %get3A_815] {strides = array<i32>} : memref<256x96xf32, #tpu.memory_space<vmem>>, vector<16xf32>,
      %mul3A_817 = arith.mulf %broadcast_in_dim3A_794, %get3A_816 : vector<16xf32>
      %add3A_818 = arith.addf %add3A_781, %mul3A_817 : vector<16xf32>
      %get3A_819 = arith.index_cast %add3A_798 : i32 to index
      %get3A_820 = arith.constant 64 : index
      %get3A_821 = tpu.vector_load %arg8[%get3A_819, %get3A_820] {strides = array<i32>} : memref<256x96xf32, #tpu.memory_space<vmem>>, vector<16xf32>,
      %mul3A_822 = arith.mulf %broadcast_in_dim3A_794, %get3A_821 : vector<16xf32>
      %add3A_823 = arith.addf %add3A_786, %mul3A_822 : vector<16xf32>
      %get3A_824 = arith.index_cast %add3A_798 : i32 to index
      %get3A_825 = arith.constant 80 : index
      %get3A_826 = tpu.vector_load %arg8[%get3A_824, %get3A_825] {strides = array<i32>} : memref<256x96xf32, #tpu.memory_space<vmem>>, vector<16xf32>,
      %mul3A_827 = arith.mulf %broadcast_in_dim3A_794, %get3A_826 : vector<16xf32>
      %add3A_828 = arith.addf %add3A_791, %mul3A_827 : vector<16xf32>
      %slice3A_829 = vector.extract_strided_slice %get3A_349 {offsets = [13], sizes = [1], strides = [1]} : vector<16xf32> to vector<1xf32>
      %squeeze3A_830 = vector.extract %slice3A_829[0] : f32 from vector<1xf32>
      %broadcast_in_dim3A_831 = vector.broadcast %squeeze3A_830 : f32 to vector<16xf32>
      %mul3A_832 = arith.constant 16 : i32
      %mul3A_833 = arith.muli %scan3A_340, %mul3A_832 : i32
      %add3A_834 = arith.constant 13 : i32
      %add3A_835 = arith.addi %mul3A_833, %add3A_834 : i32
      %get3A_836 = arith.index_cast %add3A_835 : i32 to index
      %get3A_837 = arith.constant 0 : index
      %get3A_838 = tpu.vector_load %arg8[%get3A_836, %get3A_837] {strides = array<i32>} : memref<256x96xf32, #tpu.memory_space<vmem>>, vector<16xf32>,
      %mul3A_839 = arith.mulf %broadcast_in_dim3A_831, %get3A_838 : vector<16xf32>
      %add3A_840 = arith.addf %add3A_803, %mul3A_839 : vector<16xf32>
      %get3A_841 = arith.index_cast %add3A_835 : i32 to index
      %get3A_842 = arith.constant 16 : index
      %get3A_843 = tpu.vector_load %arg8[%get3A_841, %get3A_842] {strides = array<i32>} : memref<256x96xf32, #tpu.memory_space<vmem>>, vector<16xf32>,
      %mul3A_844 = arith.mulf %broadcast_in_dim3A_831, %get3A_843 : vector<16xf32>
      %add3A_845 = arith.addf %add3A_808, %mul3A_844 : vector<16xf32>
      %get3A_846 = arith.index_cast %add3A_835 : i32 to index
      %get3A_847 = arith.constant 32 : index
      %get3A_848 = tpu.vector_load %arg8[%get3A_846, %get3A_847] {strides = array<i32>} : memref<256x96xf32, #tpu.memory_space<vmem>>, vector<16xf32>,
      %mul3A_849 = arith.mulf %broadcast_in_dim3A_831, %get3A_848 : vector<16xf32>
      %add3A_850 = arith.addf %add3A_813, %mul3A_849 : vector<16xf32>
      %get3A_851 = arith.index_cast %add3A_835 : i32 to index
      %get3A_852 = arith.constant 48 : index
      %get3A_853 = tpu.vector_load %arg8[%get3A_851, %get3A_852] {strides = array<i32>} : memref<256x96xf32, #tpu.memory_space<vmem>>, vector<16xf32>,
      %mul3A_854 = arith.mulf %broadcast_in_dim3A_831, %get3A_853 : vector<16xf32>
      %add3A_855 = arith.addf %add3A_818, %mul3A_854 : vector<16xf32>
      %get3A_856 = arith.index_cast %add3A_835 : i32 to index
      %get3A_857 = arith.constant 64 : index
      %get3A_858 = tpu.vector_load %arg8[%get3A_856, %get3A_857] {strides = array<i32>} : memref<256x96xf32, #tpu.memory_space<vmem>>, vector<16xf32>,
      %mul3A_859 = arith.mulf %broadcast_in_dim3A_831, %get3A_858 : vector<16xf32>
      %add3A_860 = arith.addf %add3A_823, %mul3A_859 : vector<16xf32>
      %get3A_861 = arith.index_cast %add3A_835 : i32 to index
      %get3A_862 = arith.constant 80 : index
      %get3A_863 = tpu.vector_load %arg8[%get3A_861, %get3A_862] {strides = array<i32>} : memref<256x96xf32, #tpu.memory_space<vmem>>, vector<16xf32>,
      %mul3A_864 = arith.mulf %broadcast_in_dim3A_831, %get3A_863 : vector<16xf32>
      %add3A_865 = arith.addf %add3A_828, %mul3A_864 : vector<16xf32>
      %slice3A_866 = vector.extract_strided_slice %get3A_349 {offsets = [14], sizes = [1], strides = [1]} : vector<16xf32> to vector<1xf32>
      %squeeze3A_867 = vector.extract %slice3A_866[0] : f32 from vector<1xf32>
      %broadcast_in_dim3A_868 = vector.broadcast %squeeze3A_867 : f32 to vector<16xf32>
      %mul3A_869 = arith.constant 16 : i32
      %mul3A_870 = arith.muli %scan3A_340, %mul3A_869 : i32
      %add3A_871 = arith.constant 14 : i32
      %add3A_872 = arith.addi %mul3A_870, %add3A_871 : i32
      %get3A_873 = arith.index_cast %add3A_872 : i32 to index
      %get3A_874 = arith.constant 0 : index
      %get3A_875 = tpu.vector_load %arg8[%get3A_873, %get3A_874] {strides = array<i32>} : memref<256x96xf32, #tpu.memory_space<vmem>>, vector<16xf32>,
      %mul3A_876 = arith.mulf %broadcast_in_dim3A_868, %get3A_875 : vector<16xf32>
      %add3A_877 = arith.addf %add3A_840, %mul3A_876 : vector<16xf32>
      %get3A_878 = arith.index_cast %add3A_872 : i32 to index
      %get3A_879 = arith.constant 16 : index
      %get3A_880 = tpu.vector_load %arg8[%get3A_878, %get3A_879] {strides = array<i32>} : memref<256x96xf32, #tpu.memory_space<vmem>>, vector<16xf32>,
      %mul3A_881 = arith.mulf %broadcast_in_dim3A_868, %get3A_880 : vector<16xf32>
      %add3A_882 = arith.addf %add3A_845, %mul3A_881 : vector<16xf32>
      %get3A_883 = arith.index_cast %add3A_872 : i32 to index
      %get3A_884 = arith.constant 32 : index
      %get3A_885 = tpu.vector_load %arg8[%get3A_883, %get3A_884] {strides = array<i32>} : memref<256x96xf32, #tpu.memory_space<vmem>>, vector<16xf32>,
      %mul3A_886 = arith.mulf %broadcast_in_dim3A_868, %get3A_885 : vector<16xf32>
      %add3A_887 = arith.addf %add3A_850, %mul3A_886 : vector<16xf32>
      %get3A_888 = arith.index_cast %add3A_872 : i32 to index
      %get3A_889 = arith.constant 48 : index
      %get3A_890 = tpu.vector_load %arg8[%get3A_888, %get3A_889] {strides = array<i32>} : memref<256x96xf32, #tpu.memory_space<vmem>>, vector<16xf32>,
      %mul3A_891 = arith.mulf %broadcast_in_dim3A_868, %get3A_890 : vector<16xf32>
      %add3A_892 = arith.addf %add3A_855, %mul3A_891 : vector<16xf32>
      %get3A_893 = arith.index_cast %add3A_872 : i32 to index
      %get3A_894 = arith.constant 64 : index
      %get3A_895 = tpu.vector_load %arg8[%get3A_893, %get3A_894] {strides = array<i32>} : memref<256x96xf32, #tpu.memory_space<vmem>>, vector<16xf32>,
      %mul3A_896 = arith.mulf %broadcast_in_dim3A_868, %get3A_895 : vector<16xf32>
      %add3A_897 = arith.addf %add3A_860, %mul3A_896 : vector<16xf32>
      %get3A_898 = arith.index_cast %add3A_872 : i32 to index
      %get3A_899 = arith.constant 80 : index
      %get3A_900 = tpu.vector_load %arg8[%get3A_898, %get3A_899] {strides = array<i32>} : memref<256x96xf32, #tpu.memory_space<vmem>>, vector<16xf32>,
      %mul3A_901 = arith.mulf %broadcast_in_dim3A_868, %get3A_900 : vector<16xf32>
      %add3A_902 = arith.addf %add3A_865, %mul3A_901 : vector<16xf32>
      %slice3A_903 = vector.extract_strided_slice %get3A_349 {offsets = [15], sizes = [1], strides = [1]} : vector<16xf32> to vector<1xf32>
      %squeeze3A_904 = vector.extract %slice3A_903[0] : f32 from vector<1xf32>
      %broadcast_in_dim3A_905 = vector.broadcast %squeeze3A_904 : f32 to vector<16xf32>
      %mul3A_906 = arith.constant 16 : i32
      %mul3A_907 = arith.muli %scan3A_340, %mul3A_906 : i32
      %add3A_908 = arith.constant 15 : i32
      %add3A_909 = arith.addi %mul3A_907, %add3A_908 : i32
      %get3A_910 = arith.index_cast %add3A_909 : i32 to index
      %get3A_911 = arith.constant 0 : index
      %get3A_912 = tpu.vector_load %arg8[%get3A_910, %get3A_911] {strides = array<i32>} : memref<256x96xf32, #tpu.memory_space<vmem>>, vector<16xf32>,
      %mul3A_913 = arith.mulf %broadcast_in_dim3A_905, %get3A_912 : vector<16xf32>
      %add3A_914 = arith.addf %add3A_877, %mul3A_913 : vector<16xf32>
      %get3A_915 = arith.index_cast %add3A_909 : i32 to index
      %get3A_916 = arith.constant 16 : index
      %get3A_917 = tpu.vector_load %arg8[%get3A_915, %get3A_916] {strides = array<i32>} : memref<256x96xf32, #tpu.memory_space<vmem>>, vector<16xf32>,
      %mul3A_918 = arith.mulf %broadcast_in_dim3A_905, %get3A_917 : vector<16xf32>
      %add3A_919 = arith.addf %add3A_882, %mul3A_918 : vector<16xf32>
      %get3A_920 = arith.index_cast %add3A_909 : i32 to index
      %get3A_921 = arith.constant 32 : index
      %get3A_922 = tpu.vector_load %arg8[%get3A_920, %get3A_921] {strides = array<i32>} : memref<256x96xf32, #tpu.memory_space<vmem>>, vector<16xf32>,
      %mul3A_923 = arith.mulf %broadcast_in_dim3A_905, %get3A_922 : vector<16xf32>
      %add3A_924 = arith.addf %add3A_887, %mul3A_923 : vector<16xf32>
      %get3A_925 = arith.index_cast %add3A_909 : i32 to index
      %get3A_926 = arith.constant 48 : index
      %get3A_927 = tpu.vector_load %arg8[%get3A_925, %get3A_926] {strides = array<i32>} : memref<256x96xf32, #tpu.memory_space<vmem>>, vector<16xf32>,
      %mul3A_928 = arith.mulf %broadcast_in_dim3A_905, %get3A_927 : vector<16xf32>
      %add3A_929 = arith.addf %add3A_892, %mul3A_928 : vector<16xf32>
      %get3A_930 = arith.index_cast %add3A_909 : i32 to index
      %get3A_931 = arith.constant 64 : index
      %get3A_932 = tpu.vector_load %arg8[%get3A_930, %get3A_931] {strides = array<i32>} : memref<256x96xf32, #tpu.memory_space<vmem>>, vector<16xf32>,
      %mul3A_933 = arith.mulf %broadcast_in_dim3A_905, %get3A_932 : vector<16xf32>
      %add3A_934 = arith.addf %add3A_897, %mul3A_933 : vector<16xf32>
      %get3A_935 = arith.index_cast %add3A_909 : i32 to index
      %get3A_936 = arith.constant 80 : index
      %get3A_937 = tpu.vector_load %arg8[%get3A_935, %get3A_936] {strides = array<i32>} : memref<256x96xf32, #tpu.memory_space<vmem>>, vector<16xf32>,
      %mul3A_938 = arith.mulf %broadcast_in_dim3A_905, %get3A_937 : vector<16xf32>
      %add3A_939 = arith.addf %add3A_902, %mul3A_938 : vector<16xf32>
      scf.yield %add3A_914, %add3A_919, %add3A_924, %add3A_929, %add3A_934, %add3A_939 : vector<16xf32>, vector<16xf32>, vector<16xf32>, vector<16xf32>, vector<16xf32>, vector<16xf32>
    }
    %scan3A_173 = arith.constant 16 : i32
    %swap3A_174 = arith.constant 0 : index
    %swap3A_175 = tpu.vector_load %arg9[%swap3A_174] {strides = array<i32>} : memref<96xf32, #tpu.memory_space<vmem>>, vector<16xf32>,
    tpu.vector_store %arg9[%swap3A_174], %scan3A_172#0 {strides = array<i32>} : memref<96xf32, #tpu.memory_space<vmem>>, vector<16xf32>,
    %swap3A_176 = arith.constant 16 : index
    %swap3A_177 = tpu.vector_load %arg9[%swap3A_176] {strides = array<i32>} : memref<96xf32, #tpu.memory_space<vmem>>, vector<16xf32>,
    tpu.vector_store %arg9[%swap3A_176], %scan3A_172#1 {strides = array<i32>} : memref<96xf32, #tpu.memory_space<vmem>>, vector<16xf32>,
    %swap3A_178 = arith.constant 32 : index
    %swap3A_179 = tpu.vector_load %arg9[%swap3A_178] {strides = array<i32>} : memref<96xf32, #tpu.memory_space<vmem>>, vector<16xf32>,
    tpu.vector_store %arg9[%swap3A_178], %scan3A_172#2 {strides = array<i32>} : memref<96xf32, #tpu.memory_space<vmem>>, vector<16xf32>,
    %swap3A_180 = arith.constant 48 : index
    %swap3A_181 = tpu.vector_load %arg9[%swap3A_180] {strides = array<i32>} : memref<96xf32, #tpu.memory_space<vmem>>, vector<16xf32>,
    tpu.vector_store %arg9[%swap3A_180], %scan3A_172#3 {strides = array<i32>} : memref<96xf32, #tpu.memory_space<vmem>>, vector<16xf32>,
    %swap3A_182 = arith.constant 64 : index
    %swap3A_183 = tpu.vector_load %arg9[%swap3A_182] {strides = array<i32>} : memref<96xf32, #tpu.memory_space<vmem>>, vector<16xf32>,
    tpu.vector_store %arg9[%swap3A_182], %scan3A_172#4 {strides = array<i32>} : memref<96xf32, #tpu.memory_space<vmem>>, vector<16xf32>,
    %swap3A_184 = arith.constant 80 : index
    %swap3A_185 = tpu.vector_load %arg9[%swap3A_184] {strides = array<i32>} : memref<96xf32, #tpu.memory_space<vmem>>, vector<16xf32>,
    tpu.vector_store %arg9[%swap3A_184], %scan3A_172#5 {strides = array<i32>} : memref<96xf32, #tpu.memory_space<vmem>>, vector<16xf32>,
    "tpu.region"() ({
      %run_scoped3A = tpu.sem_alloc : memref<!tpu.dma_semaphore, #tpu.memory_space<semaphore_mem>>
      %dma_start3A_340 = arith.constant 0 : i32
      %dma_start3A_341 = tpu.memref_slice %arg4[%add3A_112, %dma_start3A_340] : memref<128x96xf32, #tpu.memory_space<hbm>> -> memref<1x96xf32, #tpu.memory_space<hbm>>
      %dma_start3A_342 = tpu.memref_squeeze %dma_start3A_341 : memref<1x96xf32, #tpu.memory_space<hbm>> -> memref<96xf32, #tpu.memory_space<hbm>>
      %dma_start3A_343 = arith.constant 0 : i32
      %dma_start3A_344 = tpu.memref_slice %arg4[%add3A_112, %dma_start3A_343] : memref<128x96xf32, #tpu.memory_space<hbm>> -> memref<1x96xf32, #tpu.memory_space<hbm>>
      %dma_start3A_345 = tpu.memref_squeeze %dma_start3A_344 : memref<1x96xf32, #tpu.memory_space<hbm>> -> memref<96xf32, #tpu.memory_space<hbm>>
      tpu.enqueue_dma source(%arg9 : memref<96xf32, #tpu.memory_space<vmem>>) target(%dma_start3A_345 : memref<96xf32, #tpu.memory_space<hbm>>) target_semaphore(%run_scoped3A : memref<!tpu.dma_semaphore, #tpu.memory_space<semaphore_mem>>)
      %dma_wait3A_346 = arith.constant 0 : i32
      %dma_wait3A_347 = tpu.memref_slice %arg4[%add3A_112, %dma_wait3A_346] : memref<128x96xf32, #tpu.memory_space<hbm>> -> memref<1x96xf32, #tpu.memory_space<hbm>>
      %dma_wait3A_348 = tpu.memref_squeeze %dma_wait3A_347 : memref<1x96xf32, #tpu.memory_space<hbm>> -> memref<96xf32, #tpu.memory_space<hbm>>
      %dma_wait3A_349 = arith.constant 0 : i32
      %dma_wait3A_350 = tpu.memref_slice %arg4[%add3A_112, %dma_wait3A_349] : memref<128x96xf32, #tpu.memory_space<hbm>> -> memref<1x96xf32, #tpu.memory_space<hbm>>
      %dma_wait3A_351 = tpu.memref_squeeze %dma_wait3A_350 : memref<1x96xf32, #tpu.memory_space<hbm>> -> memref<96xf32, #tpu.memory_space<hbm>>
      tpu.wait_dma2 semaphore(%run_scoped3A : memref<!tpu.dma_semaphore, #tpu.memory_space<semaphore_mem>>) src(%arg9 : memref<96xf32, #tpu.memory_space<vmem>>) dst(%dma_wait3A_351 : memref<96xf32, #tpu.memory_space<hbm>>)
      tpu.yield
    }) : () -> ()
    %mul3A_186 = arith.constant 4 : i32
    %mul3A_187 = arith.muli %add3A, %mul3A_186 : i32
    %add3A_188 = arith.constant 2 : i32
    %add3A_189 = arith.addi %mul3A_187, %add3A_188 : i32
    "tpu.region"() ({
      %run_scoped3A = tpu.sem_alloc : memref<!tpu.dma_semaphore, #tpu.memory_space<semaphore_mem>>
      %dma_start3A_340 = arith.constant 0 : i32
      %dma_start3A_341 = tpu.memref_slice %arg2[%add3A_189, %dma_start3A_340] : memref<128x1024xf32, #tpu.memory_space<hbm>> -> memref<1x1024xf32, #tpu.memory_space<hbm>>
      %dma_start3A_342 = tpu.memref_squeeze %dma_start3A_341 : memref<1x1024xf32, #tpu.memory_space<hbm>> -> memref<1024xf32, #tpu.memory_space<hbm>>
      %dma_start3A_343 = arith.constant 0 : i32
      %dma_start3A_344 = tpu.memref_slice %arg2[%add3A_189, %dma_start3A_343] : memref<128x1024xf32, #tpu.memory_space<hbm>> -> memref<1x1024xf32, #tpu.memory_space<hbm>>
      %dma_start3A_345 = tpu.memref_squeeze %dma_start3A_344 : memref<1x1024xf32, #tpu.memory_space<hbm>> -> memref<1024xf32, #tpu.memory_space<hbm>>
      tpu.enqueue_dma source(%dma_start3A_345 : memref<1024xf32, #tpu.memory_space<hbm>>) target(%arg5 : memref<1024xf32, #tpu.memory_space<vmem>>) target_semaphore(%run_scoped3A : memref<!tpu.dma_semaphore, #tpu.memory_space<semaphore_mem>>)
      %dma_wait3A_346 = arith.constant 0 : i32
      %dma_wait3A_347 = tpu.memref_slice %arg2[%add3A_189, %dma_wait3A_346] : memref<128x1024xf32, #tpu.memory_space<hbm>> -> memref<1x1024xf32, #tpu.memory_space<hbm>>
      %dma_wait3A_348 = tpu.memref_squeeze %dma_wait3A_347 : memref<1x1024xf32, #tpu.memory_space<hbm>> -> memref<1024xf32, #tpu.memory_space<hbm>>
      %dma_wait3A_349 = arith.constant 0 : i32
      %dma_wait3A_350 = tpu.memref_slice %arg2[%add3A_189, %dma_wait3A_349] : memref<128x1024xf32, #tpu.memory_space<hbm>> -> memref<1x1024xf32, #tpu.memory_space<hbm>>
      %dma_wait3A_351 = tpu.memref_squeeze %dma_wait3A_350 : memref<1x1024xf32, #tpu.memory_space<hbm>> -> memref<1024xf32, #tpu.memory_space<hbm>>
      tpu.wait_dma2 semaphore(%run_scoped3A : memref<!tpu.dma_semaphore, #tpu.memory_space<semaphore_mem>>) src(%dma_wait3A_351 : memref<1024xf32, #tpu.memory_space<hbm>>) dst(%arg5 : memref<1024xf32, #tpu.memory_space<vmem>>)
      tpu.yield
    }) : () -> ()
    %broadcast_in_dim3A_190 = arith.constant 1 : i32
    %broadcast_in_dim3A_191 = vector.broadcast %broadcast_in_dim3A_190 : i32 to vector<16xi32>
    %broadcast_in_dim3A_192 = arith.constant 264 : i32
    %broadcast_in_dim3A_193 = vector.broadcast %broadcast_in_dim3A_192 : i32 to vector<16xi32>
    %scan3A_194 = arith.constant 0 : i32
    %scan3A_195 = arith.constant 0 : i32
    %scan3A_196 = arith.constant 64 : i32
    %scan3A_197 = arith.addi %scan3A_195, %scan3A_196 : i32
    %scan3A_198 = arith.constant 1 : i32
    %scan3A_199 = scf.for %scan3A_340 = %scan3A_195 to %scan3A_197 step %scan3A_198 iter_args(%scan3A_341 = %scan3A_194) -> (i32)  : i32 {
      %mul3A_342 = arith.constant 16 : i32
      %mul3A_343 = arith.muli %scan3A_340, %mul3A_342 : i32
      %get3A = arith.index_cast %mul3A_343 : i32 to index
      %get3A_344 = tpu.vector_load %arg5[%get3A] {strides = array<i32>} : memref<1024xf32, #tpu.memory_space<vmem>>, vector<16xf32>,
      %bitcast3A = vector.bitcast %get3A_344 : vector<16xf32> to vector<16xi32>
      %min3A = arith.minsi %bitcast3A, %broadcast_in_dim3A_191 : vector<16xi32>
      %iota3A = tpu.iota {dimensions = array<i32: 0>} : vector<16xi32>
      %mul3A_345 = arith.constant 16 : i32
      %mul3A_346 = arith.muli %scan3A_340, %mul3A_345 : i32
      %mul3A_347 = arith.constant 1024 : i32
      %mul3A_348 = arith.muli %add3A_189, %mul3A_347 : i32
      %add3A_349 = arith.addi %mul3A_346, %mul3A_348 : i32
      %broadcast_in_dim3A_350 = vector.broadcast %add3A_349 : i32 to vector<16xi32>
      %add3A_351 = arith.addi %iota3A, %broadcast_in_dim3A_350 : vector<16xi32>
      %broadcast_in_dim3A_352 = arith.constant true
      %broadcast_in_dim3A_353 = vector.broadcast %broadcast_in_dim3A_352 : i1 to vector<16xi1>
      %masked_cumsum3A = tpu.scan <sum>, %min3A masked %broadcast_in_dim3A_353 : vector<16xi32>, vector<16xi1> -> vector<16xi32>
      %sub3A = arith.subi %masked_cumsum3A, %min3A : vector<16xi32>
      %broadcast_in_dim3A_354 = vector.broadcast %scan3A_341 : i32 to vector<16xi32>
      %add3A_355 = arith.addi %sub3A, %broadcast_in_dim3A_354 : vector<16xi32>
      %sub3A_356 = arith.subi %add3A_355, %broadcast_in_dim3A_193 : vector<16xi32>
      %mul3A_357 = arith.muli %min3A, %sub3A_356 : vector<16xi32>
      %add3A_358 = arith.addi %mul3A_357, %broadcast_in_dim3A_193 : vector<16xi32>
      tpu.vector_store_idx %arg6[%add3A_358], %add3A_351 : memref<272xi32, #tpu.memory_space<vmem>>[vector<16xi32>], vector<16xi32>,
      tpu.vector_store_idx %arg7[%add3A_358], %get3A_344 : memref<272xf32, #tpu.memory_space<vmem>>[vector<16xi32>], vector<16xf32>,
      %reduce_sum3A = arith.constant true
      %reduce_sum3A_359 = vector.broadcast %reduce_sum3A : i1 to vector<16xi1>
      %reduce_sum3A_360 = tpu.scan <sum>, %min3A masked %reduce_sum3A_359 : vector<16xi32>, vector<16xi1> -> vector<16xi32>
      %reduce_sum3A_361 = vector.extract %reduce_sum3A_360[15] : i32 from vector<16xi32>
      %add3A_362 = arith.addi %scan3A_341, %reduce_sum3A_361 : i32
      scf.yield %add3A_362 : i32
    }
    %scan3A_200 = arith.constant 64 : i32
    %dma_start3A_201 = arith.constant 0 : i32
    %dma_start3A_202 = arith.constant 0 : i32
    %dma_start3A_203 = tpu.memref_slice %arg8[%dma_start3A_201, %dma_start3A_202] : memref<256x96xf32, #tpu.memory_space<vmem>> -> memref<128x96xf32, #tpu.memory_space<vmem>>
    %dma_start3A_204 = arith.constant 0 : i32
    %dma_start3A_205 = tpu.memref_slice %arg6[%dma_start3A_204] : memref<272xi32, #tpu.memory_space<vmem>> -> memref<128xi32, #tpu.memory_space<vmem>>
    %dma_start3A_206 = arith.constant 0 : i32
    %dma_start3A_207 = arith.constant 0 : i32
    %dma_start3A_208 = tpu.memref_slice %arg3[%dma_start3A_206, %dma_start3A_207] : memref<131072x96xf32, #tpu.memory_space<hbm>> -> memref<131072x96xf32, #tpu.memory_space<hbm>>
    tpu.enqueue_indirect_dma source(%dma_start3A_208 : memref<131072x96xf32, #tpu.memory_space<hbm>>) target(%dma_start3A_203 : memref<128x96xf32, #tpu.memory_space<vmem>>) offsets(%dma_start3A_205 : memref<128xi32, #tpu.memory_space<vmem>>) semaphore(%arg10 : memref<!tpu.dma_semaphore, #tpu.memory_space<semaphore_mem>>)
    %dma_start3A_209 = arith.constant 128 : i32
    %dma_start3A_210 = arith.constant 0 : i32
    %dma_start3A_211 = tpu.memref_slice %arg8[%dma_start3A_209, %dma_start3A_210] : memref<256x96xf32, #tpu.memory_space<vmem>> -> memref<128x96xf32, #tpu.memory_space<vmem>>
    %dma_start3A_212 = arith.constant 128 : i32
    %dma_start3A_213 = tpu.memref_slice %arg6[%dma_start3A_212] : memref<272xi32, #tpu.memory_space<vmem>> -> memref<128xi32, #tpu.memory_space<vmem>>
    %dma_start3A_214 = arith.constant 0 : i32
    %dma_start3A_215 = arith.constant 0 : i32
    %dma_start3A_216 = tpu.memref_slice %arg3[%dma_start3A_214, %dma_start3A_215] : memref<131072x96xf32, #tpu.memory_space<hbm>> -> memref<131072x96xf32, #tpu.memory_space<hbm>>
    tpu.enqueue_indirect_dma source(%dma_start3A_216 : memref<131072x96xf32, #tpu.memory_space<hbm>>) target(%dma_start3A_211 : memref<128x96xf32, #tpu.memory_space<vmem>>) offsets(%dma_start3A_213 : memref<128xi32, #tpu.memory_space<vmem>>) semaphore(%arg10 : memref<!tpu.dma_semaphore, #tpu.memory_space<semaphore_mem>>)
    %dma_wait3A_217 = arith.constant 0 : i32
    %dma_wait3A_218 = arith.constant 0 : i32
    %dma_wait3A_219 = tpu.memref_slice %arg8[%dma_wait3A_217, %dma_wait3A_218] : memref<256x96xf32, #tpu.memory_space<vmem>> -> memref<128x96xf32, #tpu.memory_space<vmem>>
    %dma_wait3A_220 = arith.constant 0 : i32
    %dma_wait3A_221 = tpu.memref_slice %arg6[%dma_wait3A_220] : memref<272xi32, #tpu.memory_space<vmem>> -> memref<128xi32, #tpu.memory_space<vmem>>
    %dma_wait3A_222 = arith.constant 0 : i32
    %dma_wait3A_223 = arith.constant 0 : i32
    %dma_wait3A_224 = tpu.memref_slice %arg3[%dma_wait3A_222, %dma_wait3A_223] : memref<131072x96xf32, #tpu.memory_space<hbm>> -> memref<131072x96xf32, #tpu.memory_space<hbm>>
    tpu.wait_indirect_dma semaphore(%arg10 : memref<!tpu.dma_semaphore, #tpu.memory_space<semaphore_mem>>) src(%dma_wait3A_224 : memref<131072x96xf32, #tpu.memory_space<hbm>>) dst(%dma_wait3A_219 : memref<128x96xf32, #tpu.memory_space<vmem>>)
    %dma_wait3A_225 = arith.constant 128 : i32
    %dma_wait3A_226 = arith.constant 0 : i32
    %dma_wait3A_227 = tpu.memref_slice %arg8[%dma_wait3A_225, %dma_wait3A_226] : memref<256x96xf32, #tpu.memory_space<vmem>> -> memref<128x96xf32, #tpu.memory_space<vmem>>
    %dma_wait3A_228 = arith.constant 128 : i32
    %dma_wait3A_229 = tpu.memref_slice %arg6[%dma_wait3A_228] : memref<272xi32, #tpu.memory_space<vmem>> -> memref<128xi32, #tpu.memory_space<vmem>>
    %dma_wait3A_230 = arith.constant 0 : i32
    %dma_wait3A_231 = arith.constant 0 : i32
    %dma_wait3A_232 = tpu.memref_slice %arg3[%dma_wait3A_230, %dma_wait3A_231] : memref<131072x96xf32, #tpu.memory_space<hbm>> -> memref<131072x96xf32, #tpu.memory_space<hbm>>
    tpu.wait_indirect_dma semaphore(%arg10 : memref<!tpu.dma_semaphore, #tpu.memory_space<semaphore_mem>>) src(%dma_wait3A_232 : memref<131072x96xf32, #tpu.memory_space<hbm>>) dst(%dma_wait3A_227 : memref<128x96xf32, #tpu.memory_space<vmem>>)
    %broadcast_in_dim3A_233 = arith.constant 0.000000e+00 : f32
    %broadcast_in_dim3A_234 = vector.broadcast %broadcast_in_dim3A_233 : f32 to vector<16xf32>
    %broadcast_in_dim3A_235 = arith.constant 0.000000e+00 : f32
    %broadcast_in_dim3A_236 = vector.broadcast %broadcast_in_dim3A_235 : f32 to vector<16xf32>
    %broadcast_in_dim3A_237 = arith.constant 0.000000e+00 : f32
    %broadcast_in_dim3A_238 = vector.broadcast %broadcast_in_dim3A_237 : f32 to vector<16xf32>
    %broadcast_in_dim3A_239 = arith.constant 0.000000e+00 : f32
    %broadcast_in_dim3A_240 = vector.broadcast %broadcast_in_dim3A_239 : f32 to vector<16xf32>
    %broadcast_in_dim3A_241 = arith.constant 0.000000e+00 : f32
    %broadcast_in_dim3A_242 = vector.broadcast %broadcast_in_dim3A_241 : f32 to vector<16xf32>
    %broadcast_in_dim3A_243 = arith.constant 0.000000e+00 : f32
    %broadcast_in_dim3A_244 = vector.broadcast %broadcast_in_dim3A_243 : f32 to vector<16xf32>
    %scan3A_245 = arith.constant 0 : i32
    %scan3A_246 = arith.constant 16 : i32
    %scan3A_247 = arith.addi %scan3A_245, %scan3A_246 : i32
    %scan3A_248 = arith.constant 1 : i32
    %scan3A_249:6 = scf.for %scan3A_340 = %scan3A_245 to %scan3A_247 step %scan3A_248 iter_args(%scan3A_341 = %broadcast_in_dim3A_234, %scan3A_342 = %broadcast_in_dim3A_236, %scan3A_343 = %broadcast_in_dim3A_238, %scan3A_344 = %broadcast_in_dim3A_240, %scan3A_345 = %broadcast_in_dim3A_242, %scan3A_346 = %broadcast_in_dim3A_244) -> (vector<16xf32>, vector<16xf32>, vector<16xf32>, vector<16xf32>, vector<16xf32>, vector<16xf32>)  : i32 {
      %mul3A_347 = arith.constant 16 : i32
      %mul3A_348 = arith.muli %scan3A_340, %mul3A_347 : i32
      %get3A = arith.index_cast %mul3A_348 : i32 to index
      %get3A_349 = tpu.vector_load %arg7[%get3A] {strides = array<i32>} : memref<272xf32, #tpu.memory_space<vmem>>, vector<16xf32>,
      %slice3A = vector.extract_strided_slice %get3A_349 {offsets = [0], sizes = [1], strides = [1]} : vector<16xf32> to vector<1xf32>
      %squeeze3A = vector.extract %slice3A[0] : f32 from vector<1xf32>
      %broadcast_in_dim3A_350 = vector.broadcast %squeeze3A : f32 to vector<16xf32>
      %mul3A_351 = arith.constant 16 : i32
      %mul3A_352 = arith.muli %scan3A_340, %mul3A_351 : i32
      %add3A_353 = arith.constant 0 : i32
      %add3A_354 = arith.addi %mul3A_352, %add3A_353 : i32
      %get3A_355 = arith.index_cast %add3A_354 : i32 to index
      %get3A_356 = arith.constant 0 : index
      %get3A_357 = tpu.vector_load %arg8[%get3A_355, %get3A_356] {strides = array<i32>} : memref<256x96xf32, #tpu.memory_space<vmem>>, vector<16xf32>,
      %mul3A_358 = arith.mulf %broadcast_in_dim3A_350, %get3A_357 : vector<16xf32>
      %add3A_359 = arith.addf %scan3A_341, %mul3A_358 : vector<16xf32>
      %get3A_360 = arith.index_cast %add3A_354 : i32 to index
      %get3A_361 = arith.constant 16 : index
      %get3A_362 = tpu.vector_load %arg8[%get3A_360, %get3A_361] {strides = array<i32>} : memref<256x96xf32, #tpu.memory_space<vmem>>, vector<16xf32>,
      %mul3A_363 = arith.mulf %broadcast_in_dim3A_350, %get3A_362 : vector<16xf32>
      %add3A_364 = arith.addf %scan3A_342, %mul3A_363 : vector<16xf32>
      %get3A_365 = arith.index_cast %add3A_354 : i32 to index
      %get3A_366 = arith.constant 32 : index
      %get3A_367 = tpu.vector_load %arg8[%get3A_365, %get3A_366] {strides = array<i32>} : memref<256x96xf32, #tpu.memory_space<vmem>>, vector<16xf32>,
      %mul3A_368 = arith.mulf %broadcast_in_dim3A_350, %get3A_367 : vector<16xf32>
      %add3A_369 = arith.addf %scan3A_343, %mul3A_368 : vector<16xf32>
      %get3A_370 = arith.index_cast %add3A_354 : i32 to index
      %get3A_371 = arith.constant 48 : index
      %get3A_372 = tpu.vector_load %arg8[%get3A_370, %get3A_371] {strides = array<i32>} : memref<256x96xf32, #tpu.memory_space<vmem>>, vector<16xf32>,
      %mul3A_373 = arith.mulf %broadcast_in_dim3A_350, %get3A_372 : vector<16xf32>
      %add3A_374 = arith.addf %scan3A_344, %mul3A_373 : vector<16xf32>
      %get3A_375 = arith.index_cast %add3A_354 : i32 to index
      %get3A_376 = arith.constant 64 : index
      %get3A_377 = tpu.vector_load %arg8[%get3A_375, %get3A_376] {strides = array<i32>} : memref<256x96xf32, #tpu.memory_space<vmem>>, vector<16xf32>,
      %mul3A_378 = arith.mulf %broadcast_in_dim3A_350, %get3A_377 : vector<16xf32>
      %add3A_379 = arith.addf %scan3A_345, %mul3A_378 : vector<16xf32>
      %get3A_380 = arith.index_cast %add3A_354 : i32 to index
      %get3A_381 = arith.constant 80 : index
      %get3A_382 = tpu.vector_load %arg8[%get3A_380, %get3A_381] {strides = array<i32>} : memref<256x96xf32, #tpu.memory_space<vmem>>, vector<16xf32>,
      %mul3A_383 = arith.mulf %broadcast_in_dim3A_350, %get3A_382 : vector<16xf32>
      %add3A_384 = arith.addf %scan3A_346, %mul3A_383 : vector<16xf32>
      %slice3A_385 = vector.extract_strided_slice %get3A_349 {offsets = [1], sizes = [1], strides = [1]} : vector<16xf32> to vector<1xf32>
      %squeeze3A_386 = vector.extract %slice3A_385[0] : f32 from vector<1xf32>
      %broadcast_in_dim3A_387 = vector.broadcast %squeeze3A_386 : f32 to vector<16xf32>
      %mul3A_388 = arith.constant 16 : i32
      %mul3A_389 = arith.muli %scan3A_340, %mul3A_388 : i32
      %add3A_390 = arith.constant 1 : i32
      %add3A_391 = arith.addi %mul3A_389, %add3A_390 : i32
      %get3A_392 = arith.index_cast %add3A_391 : i32 to index
      %get3A_393 = arith.constant 0 : index
      %get3A_394 = tpu.vector_load %arg8[%get3A_392, %get3A_393] {strides = array<i32>} : memref<256x96xf32, #tpu.memory_space<vmem>>, vector<16xf32>,
      %mul3A_395 = arith.mulf %broadcast_in_dim3A_387, %get3A_394 : vector<16xf32>
      %add3A_396 = arith.addf %add3A_359, %mul3A_395 : vector<16xf32>
      %get3A_397 = arith.index_cast %add3A_391 : i32 to index
      %get3A_398 = arith.constant 16 : index
      %get3A_399 = tpu.vector_load %arg8[%get3A_397, %get3A_398] {strides = array<i32>} : memref<256x96xf32, #tpu.memory_space<vmem>>, vector<16xf32>,
      %mul3A_400 = arith.mulf %broadcast_in_dim3A_387, %get3A_399 : vector<16xf32>
      %add3A_401 = arith.addf %add3A_364, %mul3A_400 : vector<16xf32>
      %get3A_402 = arith.index_cast %add3A_391 : i32 to index
      %get3A_403 = arith.constant 32 : index
      %get3A_404 = tpu.vector_load %arg8[%get3A_402, %get3A_403] {strides = array<i32>} : memref<256x96xf32, #tpu.memory_space<vmem>>, vector<16xf32>,
      %mul3A_405 = arith.mulf %broadcast_in_dim3A_387, %get3A_404 : vector<16xf32>
      %add3A_406 = arith.addf %add3A_369, %mul3A_405 : vector<16xf32>
      %get3A_407 = arith.index_cast %add3A_391 : i32 to index
      %get3A_408 = arith.constant 48 : index
      %get3A_409 = tpu.vector_load %arg8[%get3A_407, %get3A_408] {strides = array<i32>} : memref<256x96xf32, #tpu.memory_space<vmem>>, vector<16xf32>,
      %mul3A_410 = arith.mulf %broadcast_in_dim3A_387, %get3A_409 : vector<16xf32>
      %add3A_411 = arith.addf %add3A_374, %mul3A_410 : vector<16xf32>
      %get3A_412 = arith.index_cast %add3A_391 : i32 to index
      %get3A_413 = arith.constant 64 : index
      %get3A_414 = tpu.vector_load %arg8[%get3A_412, %get3A_413] {strides = array<i32>} : memref<256x96xf32, #tpu.memory_space<vmem>>, vector<16xf32>,
      %mul3A_415 = arith.mulf %broadcast_in_dim3A_387, %get3A_414 : vector<16xf32>
      %add3A_416 = arith.addf %add3A_379, %mul3A_415 : vector<16xf32>
      %get3A_417 = arith.index_cast %add3A_391 : i32 to index
      %get3A_418 = arith.constant 80 : index
      %get3A_419 = tpu.vector_load %arg8[%get3A_417, %get3A_418] {strides = array<i32>} : memref<256x96xf32, #tpu.memory_space<vmem>>, vector<16xf32>,
      %mul3A_420 = arith.mulf %broadcast_in_dim3A_387, %get3A_419 : vector<16xf32>
      %add3A_421 = arith.addf %add3A_384, %mul3A_420 : vector<16xf32>
      %slice3A_422 = vector.extract_strided_slice %get3A_349 {offsets = [2], sizes = [1], strides = [1]} : vector<16xf32> to vector<1xf32>
      %squeeze3A_423 = vector.extract %slice3A_422[0] : f32 from vector<1xf32>
      %broadcast_in_dim3A_424 = vector.broadcast %squeeze3A_423 : f32 to vector<16xf32>
      %mul3A_425 = arith.constant 16 : i32
      %mul3A_426 = arith.muli %scan3A_340, %mul3A_425 : i32
      %add3A_427 = arith.constant 2 : i32
      %add3A_428 = arith.addi %mul3A_426, %add3A_427 : i32
      %get3A_429 = arith.index_cast %add3A_428 : i32 to index
      %get3A_430 = arith.constant 0 : index
      %get3A_431 = tpu.vector_load %arg8[%get3A_429, %get3A_430] {strides = array<i32>} : memref<256x96xf32, #tpu.memory_space<vmem>>, vector<16xf32>,
      %mul3A_432 = arith.mulf %broadcast_in_dim3A_424, %get3A_431 : vector<16xf32>
      %add3A_433 = arith.addf %add3A_396, %mul3A_432 : vector<16xf32>
      %get3A_434 = arith.index_cast %add3A_428 : i32 to index
      %get3A_435 = arith.constant 16 : index
      %get3A_436 = tpu.vector_load %arg8[%get3A_434, %get3A_435] {strides = array<i32>} : memref<256x96xf32, #tpu.memory_space<vmem>>, vector<16xf32>,
      %mul3A_437 = arith.mulf %broadcast_in_dim3A_424, %get3A_436 : vector<16xf32>
      %add3A_438 = arith.addf %add3A_401, %mul3A_437 : vector<16xf32>
      %get3A_439 = arith.index_cast %add3A_428 : i32 to index
      %get3A_440 = arith.constant 32 : index
      %get3A_441 = tpu.vector_load %arg8[%get3A_439, %get3A_440] {strides = array<i32>} : memref<256x96xf32, #tpu.memory_space<vmem>>, vector<16xf32>,
      %mul3A_442 = arith.mulf %broadcast_in_dim3A_424, %get3A_441 : vector<16xf32>
      %add3A_443 = arith.addf %add3A_406, %mul3A_442 : vector<16xf32>
      %get3A_444 = arith.index_cast %add3A_428 : i32 to index
      %get3A_445 = arith.constant 48 : index
      %get3A_446 = tpu.vector_load %arg8[%get3A_444, %get3A_445] {strides = array<i32>} : memref<256x96xf32, #tpu.memory_space<vmem>>, vector<16xf32>,
      %mul3A_447 = arith.mulf %broadcast_in_dim3A_424, %get3A_446 : vector<16xf32>
      %add3A_448 = arith.addf %add3A_411, %mul3A_447 : vector<16xf32>
      %get3A_449 = arith.index_cast %add3A_428 : i32 to index
      %get3A_450 = arith.constant 64 : index
      %get3A_451 = tpu.vector_load %arg8[%get3A_449, %get3A_450] {strides = array<i32>} : memref<256x96xf32, #tpu.memory_space<vmem>>, vector<16xf32>,
      %mul3A_452 = arith.mulf %broadcast_in_dim3A_424, %get3A_451 : vector<16xf32>
      %add3A_453 = arith.addf %add3A_416, %mul3A_452 : vector<16xf32>
      %get3A_454 = arith.index_cast %add3A_428 : i32 to index
      %get3A_455 = arith.constant 80 : index
      %get3A_456 = tpu.vector_load %arg8[%get3A_454, %get3A_455] {strides = array<i32>} : memref<256x96xf32, #tpu.memory_space<vmem>>, vector<16xf32>,
      %mul3A_457 = arith.mulf %broadcast_in_dim3A_424, %get3A_456 : vector<16xf32>
      %add3A_458 = arith.addf %add3A_421, %mul3A_457 : vector<16xf32>
      %slice3A_459 = vector.extract_strided_slice %get3A_349 {offsets = [3], sizes = [1], strides = [1]} : vector<16xf32> to vector<1xf32>
      %squeeze3A_460 = vector.extract %slice3A_459[0] : f32 from vector<1xf32>
      %broadcast_in_dim3A_461 = vector.broadcast %squeeze3A_460 : f32 to vector<16xf32>
      %mul3A_462 = arith.constant 16 : i32
      %mul3A_463 = arith.muli %scan3A_340, %mul3A_462 : i32
      %add3A_464 = arith.constant 3 : i32
      %add3A_465 = arith.addi %mul3A_463, %add3A_464 : i32
      %get3A_466 = arith.index_cast %add3A_465 : i32 to index
      %get3A_467 = arith.constant 0 : index
      %get3A_468 = tpu.vector_load %arg8[%get3A_466, %get3A_467] {strides = array<i32>} : memref<256x96xf32, #tpu.memory_space<vmem>>, vector<16xf32>,
      %mul3A_469 = arith.mulf %broadcast_in_dim3A_461, %get3A_468 : vector<16xf32>
      %add3A_470 = arith.addf %add3A_433, %mul3A_469 : vector<16xf32>
      %get3A_471 = arith.index_cast %add3A_465 : i32 to index
      %get3A_472 = arith.constant 16 : index
      %get3A_473 = tpu.vector_load %arg8[%get3A_471, %get3A_472] {strides = array<i32>} : memref<256x96xf32, #tpu.memory_space<vmem>>, vector<16xf32>,
      %mul3A_474 = arith.mulf %broadcast_in_dim3A_461, %get3A_473 : vector<16xf32>
      %add3A_475 = arith.addf %add3A_438, %mul3A_474 : vector<16xf32>
      %get3A_476 = arith.index_cast %add3A_465 : i32 to index
      %get3A_477 = arith.constant 32 : index
      %get3A_478 = tpu.vector_load %arg8[%get3A_476, %get3A_477] {strides = array<i32>} : memref<256x96xf32, #tpu.memory_space<vmem>>, vector<16xf32>,
      %mul3A_479 = arith.mulf %broadcast_in_dim3A_461, %get3A_478 : vector<16xf32>
      %add3A_480 = arith.addf %add3A_443, %mul3A_479 : vector<16xf32>
      %get3A_481 = arith.index_cast %add3A_465 : i32 to index
      %get3A_482 = arith.constant 48 : index
      %get3A_483 = tpu.vector_load %arg8[%get3A_481, %get3A_482] {strides = array<i32>} : memref<256x96xf32, #tpu.memory_space<vmem>>, vector<16xf32>,
      %mul3A_484 = arith.mulf %broadcast_in_dim3A_461, %get3A_483 : vector<16xf32>
      %add3A_485 = arith.addf %add3A_448, %mul3A_484 : vector<16xf32>
      %get3A_486 = arith.index_cast %add3A_465 : i32 to index
      %get3A_487 = arith.constant 64 : index
      %get3A_488 = tpu.vector_load %arg8[%get3A_486, %get3A_487] {strides = array<i32>} : memref<256x96xf32, #tpu.memory_space<vmem>>, vector<16xf32>,
      %mul3A_489 = arith.mulf %broadcast_in_dim3A_461, %get3A_488 : vector<16xf32>
      %add3A_490 = arith.addf %add3A_453, %mul3A_489 : vector<16xf32>
      %get3A_491 = arith.index_cast %add3A_465 : i32 to index
      %get3A_492 = arith.constant 80 : index
      %get3A_493 = tpu.vector_load %arg8[%get3A_491, %get3A_492] {strides = array<i32>} : memref<256x96xf32, #tpu.memory_space<vmem>>, vector<16xf32>,
      %mul3A_494 = arith.mulf %broadcast_in_dim3A_461, %get3A_493 : vector<16xf32>
      %add3A_495 = arith.addf %add3A_458, %mul3A_494 : vector<16xf32>
      %slice3A_496 = vector.extract_strided_slice %get3A_349 {offsets = [4], sizes = [1], strides = [1]} : vector<16xf32> to vector<1xf32>
      %squeeze3A_497 = vector.extract %slice3A_496[0] : f32 from vector<1xf32>
      %broadcast_in_dim3A_498 = vector.broadcast %squeeze3A_497 : f32 to vector<16xf32>
      %mul3A_499 = arith.constant 16 : i32
      %mul3A_500 = arith.muli %scan3A_340, %mul3A_499 : i32
      %add3A_501 = arith.constant 4 : i32
      %add3A_502 = arith.addi %mul3A_500, %add3A_501 : i32
      %get3A_503 = arith.index_cast %add3A_502 : i32 to index
      %get3A_504 = arith.constant 0 : index
      %get3A_505 = tpu.vector_load %arg8[%get3A_503, %get3A_504] {strides = array<i32>} : memref<256x96xf32, #tpu.memory_space<vmem>>, vector<16xf32>,
      %mul3A_506 = arith.mulf %broadcast_in_dim3A_498, %get3A_505 : vector<16xf32>
      %add3A_507 = arith.addf %add3A_470, %mul3A_506 : vector<16xf32>
      %get3A_508 = arith.index_cast %add3A_502 : i32 to index
      %get3A_509 = arith.constant 16 : index
      %get3A_510 = tpu.vector_load %arg8[%get3A_508, %get3A_509] {strides = array<i32>} : memref<256x96xf32, #tpu.memory_space<vmem>>, vector<16xf32>,
      %mul3A_511 = arith.mulf %broadcast_in_dim3A_498, %get3A_510 : vector<16xf32>
      %add3A_512 = arith.addf %add3A_475, %mul3A_511 : vector<16xf32>
      %get3A_513 = arith.index_cast %add3A_502 : i32 to index
      %get3A_514 = arith.constant 32 : index
      %get3A_515 = tpu.vector_load %arg8[%get3A_513, %get3A_514] {strides = array<i32>} : memref<256x96xf32, #tpu.memory_space<vmem>>, vector<16xf32>,
      %mul3A_516 = arith.mulf %broadcast_in_dim3A_498, %get3A_515 : vector<16xf32>
      %add3A_517 = arith.addf %add3A_480, %mul3A_516 : vector<16xf32>
      %get3A_518 = arith.index_cast %add3A_502 : i32 to index
      %get3A_519 = arith.constant 48 : index
      %get3A_520 = tpu.vector_load %arg8[%get3A_518, %get3A_519] {strides = array<i32>} : memref<256x96xf32, #tpu.memory_space<vmem>>, vector<16xf32>,
      %mul3A_521 = arith.mulf %broadcast_in_dim3A_498, %get3A_520 : vector<16xf32>
      %add3A_522 = arith.addf %add3A_485, %mul3A_521 : vector<16xf32>
      %get3A_523 = arith.index_cast %add3A_502 : i32 to index
      %get3A_524 = arith.constant 64 : index
      %get3A_525 = tpu.vector_load %arg8[%get3A_523, %get3A_524] {strides = array<i32>} : memref<256x96xf32, #tpu.memory_space<vmem>>, vector<16xf32>,
      %mul3A_526 = arith.mulf %broadcast_in_dim3A_498, %get3A_525 : vector<16xf32>
      %add3A_527 = arith.addf %add3A_490, %mul3A_526 : vector<16xf32>
      %get3A_528 = arith.index_cast %add3A_502 : i32 to index
      %get3A_529 = arith.constant 80 : index
      %get3A_530 = tpu.vector_load %arg8[%get3A_528, %get3A_529] {strides = array<i32>} : memref<256x96xf32, #tpu.memory_space<vmem>>, vector<16xf32>,
      %mul3A_531 = arith.mulf %broadcast_in_dim3A_498, %get3A_530 : vector<16xf32>
      %add3A_532 = arith.addf %add3A_495, %mul3A_531 : vector<16xf32>
      %slice3A_533 = vector.extract_strided_slice %get3A_349 {offsets = [5], sizes = [1], strides = [1]} : vector<16xf32> to vector<1xf32>
      %squeeze3A_534 = vector.extract %slice3A_533[0] : f32 from vector<1xf32>
      %broadcast_in_dim3A_535 = vector.broadcast %squeeze3A_534 : f32 to vector<16xf32>
      %mul3A_536 = arith.constant 16 : i32
      %mul3A_537 = arith.muli %scan3A_340, %mul3A_536 : i32
      %add3A_538 = arith.constant 5 : i32
      %add3A_539 = arith.addi %mul3A_537, %add3A_538 : i32
      %get3A_540 = arith.index_cast %add3A_539 : i32 to index
      %get3A_541 = arith.constant 0 : index
      %get3A_542 = tpu.vector_load %arg8[%get3A_540, %get3A_541] {strides = array<i32>} : memref<256x96xf32, #tpu.memory_space<vmem>>, vector<16xf32>,
      %mul3A_543 = arith.mulf %broadcast_in_dim3A_535, %get3A_542 : vector<16xf32>
      %add3A_544 = arith.addf %add3A_507, %mul3A_543 : vector<16xf32>
      %get3A_545 = arith.index_cast %add3A_539 : i32 to index
      %get3A_546 = arith.constant 16 : index
      %get3A_547 = tpu.vector_load %arg8[%get3A_545, %get3A_546] {strides = array<i32>} : memref<256x96xf32, #tpu.memory_space<vmem>>, vector<16xf32>,
      %mul3A_548 = arith.mulf %broadcast_in_dim3A_535, %get3A_547 : vector<16xf32>
      %add3A_549 = arith.addf %add3A_512, %mul3A_548 : vector<16xf32>
      %get3A_550 = arith.index_cast %add3A_539 : i32 to index
      %get3A_551 = arith.constant 32 : index
      %get3A_552 = tpu.vector_load %arg8[%get3A_550, %get3A_551] {strides = array<i32>} : memref<256x96xf32, #tpu.memory_space<vmem>>, vector<16xf32>,
      %mul3A_553 = arith.mulf %broadcast_in_dim3A_535, %get3A_552 : vector<16xf32>
      %add3A_554 = arith.addf %add3A_517, %mul3A_553 : vector<16xf32>
      %get3A_555 = arith.index_cast %add3A_539 : i32 to index
      %get3A_556 = arith.constant 48 : index
      %get3A_557 = tpu.vector_load %arg8[%get3A_555, %get3A_556] {strides = array<i32>} : memref<256x96xf32, #tpu.memory_space<vmem>>, vector<16xf32>,
      %mul3A_558 = arith.mulf %broadcast_in_dim3A_535, %get3A_557 : vector<16xf32>
      %add3A_559 = arith.addf %add3A_522, %mul3A_558 : vector<16xf32>
      %get3A_560 = arith.index_cast %add3A_539 : i32 to index
      %get3A_561 = arith.constant 64 : index
      %get3A_562 = tpu.vector_load %arg8[%get3A_560, %get3A_561] {strides = array<i32>} : memref<256x96xf32, #tpu.memory_space<vmem>>, vector<16xf32>,
      %mul3A_563 = arith.mulf %broadcast_in_dim3A_535, %get3A_562 : vector<16xf32>
      %add3A_564 = arith.addf %add3A_527, %mul3A_563 : vector<16xf32>
      %get3A_565 = arith.index_cast %add3A_539 : i32 to index
      %get3A_566 = arith.constant 80 : index
      %get3A_567 = tpu.vector_load %arg8[%get3A_565, %get3A_566] {strides = array<i32>} : memref<256x96xf32, #tpu.memory_space<vmem>>, vector<16xf32>,
      %mul3A_568 = arith.mulf %broadcast_in_dim3A_535, %get3A_567 : vector<16xf32>
      %add3A_569 = arith.addf %add3A_532, %mul3A_568 : vector<16xf32>
      %slice3A_570 = vector.extract_strided_slice %get3A_349 {offsets = [6], sizes = [1], strides = [1]} : vector<16xf32> to vector<1xf32>
      %squeeze3A_571 = vector.extract %slice3A_570[0] : f32 from vector<1xf32>
      %broadcast_in_dim3A_572 = vector.broadcast %squeeze3A_571 : f32 to vector<16xf32>
      %mul3A_573 = arith.constant 16 : i32
      %mul3A_574 = arith.muli %scan3A_340, %mul3A_573 : i32
      %add3A_575 = arith.constant 6 : i32
      %add3A_576 = arith.addi %mul3A_574, %add3A_575 : i32
      %get3A_577 = arith.index_cast %add3A_576 : i32 to index
      %get3A_578 = arith.constant 0 : index
      %get3A_579 = tpu.vector_load %arg8[%get3A_577, %get3A_578] {strides = array<i32>} : memref<256x96xf32, #tpu.memory_space<vmem>>, vector<16xf32>,
      %mul3A_580 = arith.mulf %broadcast_in_dim3A_572, %get3A_579 : vector<16xf32>
      %add3A_581 = arith.addf %add3A_544, %mul3A_580 : vector<16xf32>
      %get3A_582 = arith.index_cast %add3A_576 : i32 to index
      %get3A_583 = arith.constant 16 : index
      %get3A_584 = tpu.vector_load %arg8[%get3A_582, %get3A_583] {strides = array<i32>} : memref<256x96xf32, #tpu.memory_space<vmem>>, vector<16xf32>,
      %mul3A_585 = arith.mulf %broadcast_in_dim3A_572, %get3A_584 : vector<16xf32>
      %add3A_586 = arith.addf %add3A_549, %mul3A_585 : vector<16xf32>
      %get3A_587 = arith.index_cast %add3A_576 : i32 to index
      %get3A_588 = arith.constant 32 : index
      %get3A_589 = tpu.vector_load %arg8[%get3A_587, %get3A_588] {strides = array<i32>} : memref<256x96xf32, #tpu.memory_space<vmem>>, vector<16xf32>,
      %mul3A_590 = arith.mulf %broadcast_in_dim3A_572, %get3A_589 : vector<16xf32>
      %add3A_591 = arith.addf %add3A_554, %mul3A_590 : vector<16xf32>
      %get3A_592 = arith.index_cast %add3A_576 : i32 to index
      %get3A_593 = arith.constant 48 : index
      %get3A_594 = tpu.vector_load %arg8[%get3A_592, %get3A_593] {strides = array<i32>} : memref<256x96xf32, #tpu.memory_space<vmem>>, vector<16xf32>,
      %mul3A_595 = arith.mulf %broadcast_in_dim3A_572, %get3A_594 : vector<16xf32>
      %add3A_596 = arith.addf %add3A_559, %mul3A_595 : vector<16xf32>
      %get3A_597 = arith.index_cast %add3A_576 : i32 to index
      %get3A_598 = arith.constant 64 : index
      %get3A_599 = tpu.vector_load %arg8[%get3A_597, %get3A_598] {strides = array<i32>} : memref<256x96xf32, #tpu.memory_space<vmem>>, vector<16xf32>,
      %mul3A_600 = arith.mulf %broadcast_in_dim3A_572, %get3A_599 : vector<16xf32>
      %add3A_601 = arith.addf %add3A_564, %mul3A_600 : vector<16xf32>
      %get3A_602 = arith.index_cast %add3A_576 : i32 to index
      %get3A_603 = arith.constant 80 : index
      %get3A_604 = tpu.vector_load %arg8[%get3A_602, %get3A_603] {strides = array<i32>} : memref<256x96xf32, #tpu.memory_space<vmem>>, vector<16xf32>,
      %mul3A_605 = arith.mulf %broadcast_in_dim3A_572, %get3A_604 : vector<16xf32>
      %add3A_606 = arith.addf %add3A_569, %mul3A_605 : vector<16xf32>
      %slice3A_607 = vector.extract_strided_slice %get3A_349 {offsets = [7], sizes = [1], strides = [1]} : vector<16xf32> to vector<1xf32>
      %squeeze3A_608 = vector.extract %slice3A_607[0] : f32 from vector<1xf32>
      %broadcast_in_dim3A_609 = vector.broadcast %squeeze3A_608 : f32 to vector<16xf32>
      %mul3A_610 = arith.constant 16 : i32
      %mul3A_611 = arith.muli %scan3A_340, %mul3A_610 : i32
      %add3A_612 = arith.constant 7 : i32
      %add3A_613 = arith.addi %mul3A_611, %add3A_612 : i32
      %get3A_614 = arith.index_cast %add3A_613 : i32 to index
      %get3A_615 = arith.constant 0 : index
      %get3A_616 = tpu.vector_load %arg8[%get3A_614, %get3A_615] {strides = array<i32>} : memref<256x96xf32, #tpu.memory_space<vmem>>, vector<16xf32>,
      %mul3A_617 = arith.mulf %broadcast_in_dim3A_609, %get3A_616 : vector<16xf32>
      %add3A_618 = arith.addf %add3A_581, %mul3A_617 : vector<16xf32>
      %get3A_619 = arith.index_cast %add3A_613 : i32 to index
      %get3A_620 = arith.constant 16 : index
      %get3A_621 = tpu.vector_load %arg8[%get3A_619, %get3A_620] {strides = array<i32>} : memref<256x96xf32, #tpu.memory_space<vmem>>, vector<16xf32>,
      %mul3A_622 = arith.mulf %broadcast_in_dim3A_609, %get3A_621 : vector<16xf32>
      %add3A_623 = arith.addf %add3A_586, %mul3A_622 : vector<16xf32>
      %get3A_624 = arith.index_cast %add3A_613 : i32 to index
      %get3A_625 = arith.constant 32 : index
      %get3A_626 = tpu.vector_load %arg8[%get3A_624, %get3A_625] {strides = array<i32>} : memref<256x96xf32, #tpu.memory_space<vmem>>, vector<16xf32>,
      %mul3A_627 = arith.mulf %broadcast_in_dim3A_609, %get3A_626 : vector<16xf32>
      %add3A_628 = arith.addf %add3A_591, %mul3A_627 : vector<16xf32>
      %get3A_629 = arith.index_cast %add3A_613 : i32 to index
      %get3A_630 = arith.constant 48 : index
      %get3A_631 = tpu.vector_load %arg8[%get3A_629, %get3A_630] {strides = array<i32>} : memref<256x96xf32, #tpu.memory_space<vmem>>, vector<16xf32>,
      %mul3A_632 = arith.mulf %broadcast_in_dim3A_609, %get3A_631 : vector<16xf32>
      %add3A_633 = arith.addf %add3A_596, %mul3A_632 : vector<16xf32>
      %get3A_634 = arith.index_cast %add3A_613 : i32 to index
      %get3A_635 = arith.constant 64 : index
      %get3A_636 = tpu.vector_load %arg8[%get3A_634, %get3A_635] {strides = array<i32>} : memref<256x96xf32, #tpu.memory_space<vmem>>, vector<16xf32>,
      %mul3A_637 = arith.mulf %broadcast_in_dim3A_609, %get3A_636 : vector<16xf32>
      %add3A_638 = arith.addf %add3A_601, %mul3A_637 : vector<16xf32>
      %get3A_639 = arith.index_cast %add3A_613 : i32 to index
      %get3A_640 = arith.constant 80 : index
      %get3A_641 = tpu.vector_load %arg8[%get3A_639, %get3A_640] {strides = array<i32>} : memref<256x96xf32, #tpu.memory_space<vmem>>, vector<16xf32>,
      %mul3A_642 = arith.mulf %broadcast_in_dim3A_609, %get3A_641 : vector<16xf32>
      %add3A_643 = arith.addf %add3A_606, %mul3A_642 : vector<16xf32>
      %slice3A_644 = vector.extract_strided_slice %get3A_349 {offsets = [8], sizes = [1], strides = [1]} : vector<16xf32> to vector<1xf32>
      %squeeze3A_645 = vector.extract %slice3A_644[0] : f32 from vector<1xf32>
      %broadcast_in_dim3A_646 = vector.broadcast %squeeze3A_645 : f32 to vector<16xf32>
      %mul3A_647 = arith.constant 16 : i32
      %mul3A_648 = arith.muli %scan3A_340, %mul3A_647 : i32
      %add3A_649 = arith.constant 8 : i32
      %add3A_650 = arith.addi %mul3A_648, %add3A_649 : i32
      %get3A_651 = arith.index_cast %add3A_650 : i32 to index
      %get3A_652 = arith.constant 0 : index
      %get3A_653 = tpu.vector_load %arg8[%get3A_651, %get3A_652] {strides = array<i32>} : memref<256x96xf32, #tpu.memory_space<vmem>>, vector<16xf32>,
      %mul3A_654 = arith.mulf %broadcast_in_dim3A_646, %get3A_653 : vector<16xf32>
      %add3A_655 = arith.addf %add3A_618, %mul3A_654 : vector<16xf32>
      %get3A_656 = arith.index_cast %add3A_650 : i32 to index
      %get3A_657 = arith.constant 16 : index
      %get3A_658 = tpu.vector_load %arg8[%get3A_656, %get3A_657] {strides = array<i32>} : memref<256x96xf32, #tpu.memory_space<vmem>>, vector<16xf32>,
      %mul3A_659 = arith.mulf %broadcast_in_dim3A_646, %get3A_658 : vector<16xf32>
      %add3A_660 = arith.addf %add3A_623, %mul3A_659 : vector<16xf32>
      %get3A_661 = arith.index_cast %add3A_650 : i32 to index
      %get3A_662 = arith.constant 32 : index
      %get3A_663 = tpu.vector_load %arg8[%get3A_661, %get3A_662] {strides = array<i32>} : memref<256x96xf32, #tpu.memory_space<vmem>>, vector<16xf32>,
      %mul3A_664 = arith.mulf %broadcast_in_dim3A_646, %get3A_663 : vector<16xf32>
      %add3A_665 = arith.addf %add3A_628, %mul3A_664 : vector<16xf32>
      %get3A_666 = arith.index_cast %add3A_650 : i32 to index
      %get3A_667 = arith.constant 48 : index
      %get3A_668 = tpu.vector_load %arg8[%get3A_666, %get3A_667] {strides = array<i32>} : memref<256x96xf32, #tpu.memory_space<vmem>>, vector<16xf32>,
      %mul3A_669 = arith.mulf %broadcast_in_dim3A_646, %get3A_668 : vector<16xf32>
      %add3A_670 = arith.addf %add3A_633, %mul3A_669 : vector<16xf32>
      %get3A_671 = arith.index_cast %add3A_650 : i32 to index
      %get3A_672 = arith.constant 64 : index
      %get3A_673 = tpu.vector_load %arg8[%get3A_671, %get3A_672] {strides = array<i32>} : memref<256x96xf32, #tpu.memory_space<vmem>>, vector<16xf32>,
      %mul3A_674 = arith.mulf %broadcast_in_dim3A_646, %get3A_673 : vector<16xf32>
      %add3A_675 = arith.addf %add3A_638, %mul3A_674 : vector<16xf32>
      %get3A_676 = arith.index_cast %add3A_650 : i32 to index
      %get3A_677 = arith.constant 80 : index
      %get3A_678 = tpu.vector_load %arg8[%get3A_676, %get3A_677] {strides = array<i32>} : memref<256x96xf32, #tpu.memory_space<vmem>>, vector<16xf32>,
      %mul3A_679 = arith.mulf %broadcast_in_dim3A_646, %get3A_678 : vector<16xf32>
      %add3A_680 = arith.addf %add3A_643, %mul3A_679 : vector<16xf32>
      %slice3A_681 = vector.extract_strided_slice %get3A_349 {offsets = [9], sizes = [1], strides = [1]} : vector<16xf32> to vector<1xf32>
      %squeeze3A_682 = vector.extract %slice3A_681[0] : f32 from vector<1xf32>
      %broadcast_in_dim3A_683 = vector.broadcast %squeeze3A_682 : f32 to vector<16xf32>
      %mul3A_684 = arith.constant 16 : i32
      %mul3A_685 = arith.muli %scan3A_340, %mul3A_684 : i32
      %add3A_686 = arith.constant 9 : i32
      %add3A_687 = arith.addi %mul3A_685, %add3A_686 : i32
      %get3A_688 = arith.index_cast %add3A_687 : i32 to index
      %get3A_689 = arith.constant 0 : index
      %get3A_690 = tpu.vector_load %arg8[%get3A_688, %get3A_689] {strides = array<i32>} : memref<256x96xf32, #tpu.memory_space<vmem>>, vector<16xf32>,
      %mul3A_691 = arith.mulf %broadcast_in_dim3A_683, %get3A_690 : vector<16xf32>
      %add3A_692 = arith.addf %add3A_655, %mul3A_691 : vector<16xf32>
      %get3A_693 = arith.index_cast %add3A_687 : i32 to index
      %get3A_694 = arith.constant 16 : index
      %get3A_695 = tpu.vector_load %arg8[%get3A_693, %get3A_694] {strides = array<i32>} : memref<256x96xf32, #tpu.memory_space<vmem>>, vector<16xf32>,
      %mul3A_696 = arith.mulf %broadcast_in_dim3A_683, %get3A_695 : vector<16xf32>
      %add3A_697 = arith.addf %add3A_660, %mul3A_696 : vector<16xf32>
      %get3A_698 = arith.index_cast %add3A_687 : i32 to index
      %get3A_699 = arith.constant 32 : index
      %get3A_700 = tpu.vector_load %arg8[%get3A_698, %get3A_699] {strides = array<i32>} : memref<256x96xf32, #tpu.memory_space<vmem>>, vector<16xf32>,
      %mul3A_701 = arith.mulf %broadcast_in_dim3A_683, %get3A_700 : vector<16xf32>
      %add3A_702 = arith.addf %add3A_665, %mul3A_701 : vector<16xf32>
      %get3A_703 = arith.index_cast %add3A_687 : i32 to index
      %get3A_704 = arith.constant 48 : index
      %get3A_705 = tpu.vector_load %arg8[%get3A_703, %get3A_704] {strides = array<i32>} : memref<256x96xf32, #tpu.memory_space<vmem>>, vector<16xf32>,
      %mul3A_706 = arith.mulf %broadcast_in_dim3A_683, %get3A_705 : vector<16xf32>
      %add3A_707 = arith.addf %add3A_670, %mul3A_706 : vector<16xf32>
      %get3A_708 = arith.index_cast %add3A_687 : i32 to index
      %get3A_709 = arith.constant 64 : index
      %get3A_710 = tpu.vector_load %arg8[%get3A_708, %get3A_709] {strides = array<i32>} : memref<256x96xf32, #tpu.memory_space<vmem>>, vector<16xf32>,
      %mul3A_711 = arith.mulf %broadcast_in_dim3A_683, %get3A_710 : vector<16xf32>
      %add3A_712 = arith.addf %add3A_675, %mul3A_711 : vector<16xf32>
      %get3A_713 = arith.index_cast %add3A_687 : i32 to index
      %get3A_714 = arith.constant 80 : index
      %get3A_715 = tpu.vector_load %arg8[%get3A_713, %get3A_714] {strides = array<i32>} : memref<256x96xf32, #tpu.memory_space<vmem>>, vector<16xf32>,
      %mul3A_716 = arith.mulf %broadcast_in_dim3A_683, %get3A_715 : vector<16xf32>
      %add3A_717 = arith.addf %add3A_680, %mul3A_716 : vector<16xf32>
      %slice3A_718 = vector.extract_strided_slice %get3A_349 {offsets = [10], sizes = [1], strides = [1]} : vector<16xf32> to vector<1xf32>
      %squeeze3A_719 = vector.extract %slice3A_718[0] : f32 from vector<1xf32>
      %broadcast_in_dim3A_720 = vector.broadcast %squeeze3A_719 : f32 to vector<16xf32>
      %mul3A_721 = arith.constant 16 : i32
      %mul3A_722 = arith.muli %scan3A_340, %mul3A_721 : i32
      %add3A_723 = arith.constant 10 : i32
      %add3A_724 = arith.addi %mul3A_722, %add3A_723 : i32
      %get3A_725 = arith.index_cast %add3A_724 : i32 to index
      %get3A_726 = arith.constant 0 : index
      %get3A_727 = tpu.vector_load %arg8[%get3A_725, %get3A_726] {strides = array<i32>} : memref<256x96xf32, #tpu.memory_space<vmem>>, vector<16xf32>,
      %mul3A_728 = arith.mulf %broadcast_in_dim3A_720, %get3A_727 : vector<16xf32>
      %add3A_729 = arith.addf %add3A_692, %mul3A_728 : vector<16xf32>
      %get3A_730 = arith.index_cast %add3A_724 : i32 to index
      %get3A_731 = arith.constant 16 : index
      %get3A_732 = tpu.vector_load %arg8[%get3A_730, %get3A_731] {strides = array<i32>} : memref<256x96xf32, #tpu.memory_space<vmem>>, vector<16xf32>,
      %mul3A_733 = arith.mulf %broadcast_in_dim3A_720, %get3A_732 : vector<16xf32>
      %add3A_734 = arith.addf %add3A_697, %mul3A_733 : vector<16xf32>
      %get3A_735 = arith.index_cast %add3A_724 : i32 to index
      %get3A_736 = arith.constant 32 : index
      %get3A_737 = tpu.vector_load %arg8[%get3A_735, %get3A_736] {strides = array<i32>} : memref<256x96xf32, #tpu.memory_space<vmem>>, vector<16xf32>,
      %mul3A_738 = arith.mulf %broadcast_in_dim3A_720, %get3A_737 : vector<16xf32>
      %add3A_739 = arith.addf %add3A_702, %mul3A_738 : vector<16xf32>
      %get3A_740 = arith.index_cast %add3A_724 : i32 to index
      %get3A_741 = arith.constant 48 : index
      %get3A_742 = tpu.vector_load %arg8[%get3A_740, %get3A_741] {strides = array<i32>} : memref<256x96xf32, #tpu.memory_space<vmem>>, vector<16xf32>,
      %mul3A_743 = arith.mulf %broadcast_in_dim3A_720, %get3A_742 : vector<16xf32>
      %add3A_744 = arith.addf %add3A_707, %mul3A_743 : vector<16xf32>
      %get3A_745 = arith.index_cast %add3A_724 : i32 to index
      %get3A_746 = arith.constant 64 : index
      %get3A_747 = tpu.vector_load %arg8[%get3A_745, %get3A_746] {strides = array<i32>} : memref<256x96xf32, #tpu.memory_space<vmem>>, vector<16xf32>,
      %mul3A_748 = arith.mulf %broadcast_in_dim3A_720, %get3A_747 : vector<16xf32>
      %add3A_749 = arith.addf %add3A_712, %mul3A_748 : vector<16xf32>
      %get3A_750 = arith.index_cast %add3A_724 : i32 to index
      %get3A_751 = arith.constant 80 : index
      %get3A_752 = tpu.vector_load %arg8[%get3A_750, %get3A_751] {strides = array<i32>} : memref<256x96xf32, #tpu.memory_space<vmem>>, vector<16xf32>,
      %mul3A_753 = arith.mulf %broadcast_in_dim3A_720, %get3A_752 : vector<16xf32>
      %add3A_754 = arith.addf %add3A_717, %mul3A_753 : vector<16xf32>
      %slice3A_755 = vector.extract_strided_slice %get3A_349 {offsets = [11], sizes = [1], strides = [1]} : vector<16xf32> to vector<1xf32>
      %squeeze3A_756 = vector.extract %slice3A_755[0] : f32 from vector<1xf32>
      %broadcast_in_dim3A_757 = vector.broadcast %squeeze3A_756 : f32 to vector<16xf32>
      %mul3A_758 = arith.constant 16 : i32
      %mul3A_759 = arith.muli %scan3A_340, %mul3A_758 : i32
      %add3A_760 = arith.constant 11 : i32
      %add3A_761 = arith.addi %mul3A_759, %add3A_760 : i32
      %get3A_762 = arith.index_cast %add3A_761 : i32 to index
      %get3A_763 = arith.constant 0 : index
      %get3A_764 = tpu.vector_load %arg8[%get3A_762, %get3A_763] {strides = array<i32>} : memref<256x96xf32, #tpu.memory_space<vmem>>, vector<16xf32>,
      %mul3A_765 = arith.mulf %broadcast_in_dim3A_757, %get3A_764 : vector<16xf32>
      %add3A_766 = arith.addf %add3A_729, %mul3A_765 : vector<16xf32>
      %get3A_767 = arith.index_cast %add3A_761 : i32 to index
      %get3A_768 = arith.constant 16 : index
      %get3A_769 = tpu.vector_load %arg8[%get3A_767, %get3A_768] {strides = array<i32>} : memref<256x96xf32, #tpu.memory_space<vmem>>, vector<16xf32>,
      %mul3A_770 = arith.mulf %broadcast_in_dim3A_757, %get3A_769 : vector<16xf32>
      %add3A_771 = arith.addf %add3A_734, %mul3A_770 : vector<16xf32>
      %get3A_772 = arith.index_cast %add3A_761 : i32 to index
      %get3A_773 = arith.constant 32 : index
      %get3A_774 = tpu.vector_load %arg8[%get3A_772, %get3A_773] {strides = array<i32>} : memref<256x96xf32, #tpu.memory_space<vmem>>, vector<16xf32>,
      %mul3A_775 = arith.mulf %broadcast_in_dim3A_757, %get3A_774 : vector<16xf32>
      %add3A_776 = arith.addf %add3A_739, %mul3A_775 : vector<16xf32>
      %get3A_777 = arith.index_cast %add3A_761 : i32 to index
      %get3A_778 = arith.constant 48 : index
      %get3A_779 = tpu.vector_load %arg8[%get3A_777, %get3A_778] {strides = array<i32>} : memref<256x96xf32, #tpu.memory_space<vmem>>, vector<16xf32>,
      %mul3A_780 = arith.mulf %broadcast_in_dim3A_757, %get3A_779 : vector<16xf32>
      %add3A_781 = arith.addf %add3A_744, %mul3A_780 : vector<16xf32>
      %get3A_782 = arith.index_cast %add3A_761 : i32 to index
      %get3A_783 = arith.constant 64 : index
      %get3A_784 = tpu.vector_load %arg8[%get3A_782, %get3A_783] {strides = array<i32>} : memref<256x96xf32, #tpu.memory_space<vmem>>, vector<16xf32>,
      %mul3A_785 = arith.mulf %broadcast_in_dim3A_757, %get3A_784 : vector<16xf32>
      %add3A_786 = arith.addf %add3A_749, %mul3A_785 : vector<16xf32>
      %get3A_787 = arith.index_cast %add3A_761 : i32 to index
      %get3A_788 = arith.constant 80 : index
      %get3A_789 = tpu.vector_load %arg8[%get3A_787, %get3A_788] {strides = array<i32>} : memref<256x96xf32, #tpu.memory_space<vmem>>, vector<16xf32>,
      %mul3A_790 = arith.mulf %broadcast_in_dim3A_757, %get3A_789 : vector<16xf32>
      %add3A_791 = arith.addf %add3A_754, %mul3A_790 : vector<16xf32>
      %slice3A_792 = vector.extract_strided_slice %get3A_349 {offsets = [12], sizes = [1], strides = [1]} : vector<16xf32> to vector<1xf32>
      %squeeze3A_793 = vector.extract %slice3A_792[0] : f32 from vector<1xf32>
      %broadcast_in_dim3A_794 = vector.broadcast %squeeze3A_793 : f32 to vector<16xf32>
      %mul3A_795 = arith.constant 16 : i32
      %mul3A_796 = arith.muli %scan3A_340, %mul3A_795 : i32
      %add3A_797 = arith.constant 12 : i32
      %add3A_798 = arith.addi %mul3A_796, %add3A_797 : i32
      %get3A_799 = arith.index_cast %add3A_798 : i32 to index
      %get3A_800 = arith.constant 0 : index
      %get3A_801 = tpu.vector_load %arg8[%get3A_799, %get3A_800] {strides = array<i32>} : memref<256x96xf32, #tpu.memory_space<vmem>>, vector<16xf32>,
      %mul3A_802 = arith.mulf %broadcast_in_dim3A_794, %get3A_801 : vector<16xf32>
      %add3A_803 = arith.addf %add3A_766, %mul3A_802 : vector<16xf32>
      %get3A_804 = arith.index_cast %add3A_798 : i32 to index
      %get3A_805 = arith.constant 16 : index
      %get3A_806 = tpu.vector_load %arg8[%get3A_804, %get3A_805] {strides = array<i32>} : memref<256x96xf32, #tpu.memory_space<vmem>>, vector<16xf32>,
      %mul3A_807 = arith.mulf %broadcast_in_dim3A_794, %get3A_806 : vector<16xf32>
      %add3A_808 = arith.addf %add3A_771, %mul3A_807 : vector<16xf32>
      %get3A_809 = arith.index_cast %add3A_798 : i32 to index
      %get3A_810 = arith.constant 32 : index
      %get3A_811 = tpu.vector_load %arg8[%get3A_809, %get3A_810] {strides = array<i32>} : memref<256x96xf32, #tpu.memory_space<vmem>>, vector<16xf32>,
      %mul3A_812 = arith.mulf %broadcast_in_dim3A_794, %get3A_811 : vector<16xf32>
      %add3A_813 = arith.addf %add3A_776, %mul3A_812 : vector<16xf32>
      %get3A_814 = arith.index_cast %add3A_798 : i32 to index
      %get3A_815 = arith.constant 48 : index
      %get3A_816 = tpu.vector_load %arg8[%get3A_814, %get3A_815] {strides = array<i32>} : memref<256x96xf32, #tpu.memory_space<vmem>>, vector<16xf32>,
      %mul3A_817 = arith.mulf %broadcast_in_dim3A_794, %get3A_816 : vector<16xf32>
      %add3A_818 = arith.addf %add3A_781, %mul3A_817 : vector<16xf32>
      %get3A_819 = arith.index_cast %add3A_798 : i32 to index
      %get3A_820 = arith.constant 64 : index
      %get3A_821 = tpu.vector_load %arg8[%get3A_819, %get3A_820] {strides = array<i32>} : memref<256x96xf32, #tpu.memory_space<vmem>>, vector<16xf32>,
      %mul3A_822 = arith.mulf %broadcast_in_dim3A_794, %get3A_821 : vector<16xf32>
      %add3A_823 = arith.addf %add3A_786, %mul3A_822 : vector<16xf32>
      %get3A_824 = arith.index_cast %add3A_798 : i32 to index
      %get3A_825 = arith.constant 80 : index
      %get3A_826 = tpu.vector_load %arg8[%get3A_824, %get3A_825] {strides = array<i32>} : memref<256x96xf32, #tpu.memory_space<vmem>>, vector<16xf32>,
      %mul3A_827 = arith.mulf %broadcast_in_dim3A_794, %get3A_826 : vector<16xf32>
      %add3A_828 = arith.addf %add3A_791, %mul3A_827 : vector<16xf32>
      %slice3A_829 = vector.extract_strided_slice %get3A_349 {offsets = [13], sizes = [1], strides = [1]} : vector<16xf32> to vector<1xf32>
      %squeeze3A_830 = vector.extract %slice3A_829[0] : f32 from vector<1xf32>
      %broadcast_in_dim3A_831 = vector.broadcast %squeeze3A_830 : f32 to vector<16xf32>
      %mul3A_832 = arith.constant 16 : i32
      %mul3A_833 = arith.muli %scan3A_340, %mul3A_832 : i32
      %add3A_834 = arith.constant 13 : i32
      %add3A_835 = arith.addi %mul3A_833, %add3A_834 : i32
      %get3A_836 = arith.index_cast %add3A_835 : i32 to index
      %get3A_837 = arith.constant 0 : index
      %get3A_838 = tpu.vector_load %arg8[%get3A_836, %get3A_837] {strides = array<i32>} : memref<256x96xf32, #tpu.memory_space<vmem>>, vector<16xf32>,
      %mul3A_839 = arith.mulf %broadcast_in_dim3A_831, %get3A_838 : vector<16xf32>
      %add3A_840 = arith.addf %add3A_803, %mul3A_839 : vector<16xf32>
      %get3A_841 = arith.index_cast %add3A_835 : i32 to index
      %get3A_842 = arith.constant 16 : index
      %get3A_843 = tpu.vector_load %arg8[%get3A_841, %get3A_842] {strides = array<i32>} : memref<256x96xf32, #tpu.memory_space<vmem>>, vector<16xf32>,
      %mul3A_844 = arith.mulf %broadcast_in_dim3A_831, %get3A_843 : vector<16xf32>
      %add3A_845 = arith.addf %add3A_808, %mul3A_844 : vector<16xf32>
      %get3A_846 = arith.index_cast %add3A_835 : i32 to index
      %get3A_847 = arith.constant 32 : index
      %get3A_848 = tpu.vector_load %arg8[%get3A_846, %get3A_847] {strides = array<i32>} : memref<256x96xf32, #tpu.memory_space<vmem>>, vector<16xf32>,
      %mul3A_849 = arith.mulf %broadcast_in_dim3A_831, %get3A_848 : vector<16xf32>
      %add3A_850 = arith.addf %add3A_813, %mul3A_849 : vector<16xf32>
      %get3A_851 = arith.index_cast %add3A_835 : i32 to index
      %get3A_852 = arith.constant 48 : index
      %get3A_853 = tpu.vector_load %arg8[%get3A_851, %get3A_852] {strides = array<i32>} : memref<256x96xf32, #tpu.memory_space<vmem>>, vector<16xf32>,
      %mul3A_854 = arith.mulf %broadcast_in_dim3A_831, %get3A_853 : vector<16xf32>
      %add3A_855 = arith.addf %add3A_818, %mul3A_854 : vector<16xf32>
      %get3A_856 = arith.index_cast %add3A_835 : i32 to index
      %get3A_857 = arith.constant 64 : index
      %get3A_858 = tpu.vector_load %arg8[%get3A_856, %get3A_857] {strides = array<i32>} : memref<256x96xf32, #tpu.memory_space<vmem>>, vector<16xf32>,
      %mul3A_859 = arith.mulf %broadcast_in_dim3A_831, %get3A_858 : vector<16xf32>
      %add3A_860 = arith.addf %add3A_823, %mul3A_859 : vector<16xf32>
      %get3A_861 = arith.index_cast %add3A_835 : i32 to index
      %get3A_862 = arith.constant 80 : index
      %get3A_863 = tpu.vector_load %arg8[%get3A_861, %get3A_862] {strides = array<i32>} : memref<256x96xf32, #tpu.memory_space<vmem>>, vector<16xf32>,
      %mul3A_864 = arith.mulf %broadcast_in_dim3A_831, %get3A_863 : vector<16xf32>
      %add3A_865 = arith.addf %add3A_828, %mul3A_864 : vector<16xf32>
      %slice3A_866 = vector.extract_strided_slice %get3A_349 {offsets = [14], sizes = [1], strides = [1]} : vector<16xf32> to vector<1xf32>
      %squeeze3A_867 = vector.extract %slice3A_866[0] : f32 from vector<1xf32>
      %broadcast_in_dim3A_868 = vector.broadcast %squeeze3A_867 : f32 to vector<16xf32>
      %mul3A_869 = arith.constant 16 : i32
      %mul3A_870 = arith.muli %scan3A_340, %mul3A_869 : i32
      %add3A_871 = arith.constant 14 : i32
      %add3A_872 = arith.addi %mul3A_870, %add3A_871 : i32
      %get3A_873 = arith.index_cast %add3A_872 : i32 to index
      %get3A_874 = arith.constant 0 : index
      %get3A_875 = tpu.vector_load %arg8[%get3A_873, %get3A_874] {strides = array<i32>} : memref<256x96xf32, #tpu.memory_space<vmem>>, vector<16xf32>,
      %mul3A_876 = arith.mulf %broadcast_in_dim3A_868, %get3A_875 : vector<16xf32>
      %add3A_877 = arith.addf %add3A_840, %mul3A_876 : vector<16xf32>
      %get3A_878 = arith.index_cast %add3A_872 : i32 to index
      %get3A_879 = arith.constant 16 : index
      %get3A_880 = tpu.vector_load %arg8[%get3A_878, %get3A_879] {strides = array<i32>} : memref<256x96xf32, #tpu.memory_space<vmem>>, vector<16xf32>,
      %mul3A_881 = arith.mulf %broadcast_in_dim3A_868, %get3A_880 : vector<16xf32>
      %add3A_882 = arith.addf %add3A_845, %mul3A_881 : vector<16xf32>
      %get3A_883 = arith.index_cast %add3A_872 : i32 to index
      %get3A_884 = arith.constant 32 : index
      %get3A_885 = tpu.vector_load %arg8[%get3A_883, %get3A_884] {strides = array<i32>} : memref<256x96xf32, #tpu.memory_space<vmem>>, vector<16xf32>,
      %mul3A_886 = arith.mulf %broadcast_in_dim3A_868, %get3A_885 : vector<16xf32>
      %add3A_887 = arith.addf %add3A_850, %mul3A_886 : vector<16xf32>
      %get3A_888 = arith.index_cast %add3A_872 : i32 to index
      %get3A_889 = arith.constant 48 : index
      %get3A_890 = tpu.vector_load %arg8[%get3A_888, %get3A_889] {strides = array<i32>} : memref<256x96xf32, #tpu.memory_space<vmem>>, vector<16xf32>,
      %mul3A_891 = arith.mulf %broadcast_in_dim3A_868, %get3A_890 : vector<16xf32>
      %add3A_892 = arith.addf %add3A_855, %mul3A_891 : vector<16xf32>
      %get3A_893 = arith.index_cast %add3A_872 : i32 to index
      %get3A_894 = arith.constant 64 : index
      %get3A_895 = tpu.vector_load %arg8[%get3A_893, %get3A_894] {strides = array<i32>} : memref<256x96xf32, #tpu.memory_space<vmem>>, vector<16xf32>,
      %mul3A_896 = arith.mulf %broadcast_in_dim3A_868, %get3A_895 : vector<16xf32>
      %add3A_897 = arith.addf %add3A_860, %mul3A_896 : vector<16xf32>
      %get3A_898 = arith.index_cast %add3A_872 : i32 to index
      %get3A_899 = arith.constant 80 : index
      %get3A_900 = tpu.vector_load %arg8[%get3A_898, %get3A_899] {strides = array<i32>} : memref<256x96xf32, #tpu.memory_space<vmem>>, vector<16xf32>,
      %mul3A_901 = arith.mulf %broadcast_in_dim3A_868, %get3A_900 : vector<16xf32>
      %add3A_902 = arith.addf %add3A_865, %mul3A_901 : vector<16xf32>
      %slice3A_903 = vector.extract_strided_slice %get3A_349 {offsets = [15], sizes = [1], strides = [1]} : vector<16xf32> to vector<1xf32>
      %squeeze3A_904 = vector.extract %slice3A_903[0] : f32 from vector<1xf32>
      %broadcast_in_dim3A_905 = vector.broadcast %squeeze3A_904 : f32 to vector<16xf32>
      %mul3A_906 = arith.constant 16 : i32
      %mul3A_907 = arith.muli %scan3A_340, %mul3A_906 : i32
      %add3A_908 = arith.constant 15 : i32
      %add3A_909 = arith.addi %mul3A_907, %add3A_908 : i32
      %get3A_910 = arith.index_cast %add3A_909 : i32 to index
      %get3A_911 = arith.constant 0 : index
      %get3A_912 = tpu.vector_load %arg8[%get3A_910, %get3A_911] {strides = array<i32>} : memref<256x96xf32, #tpu.memory_space<vmem>>, vector<16xf32>,
      %mul3A_913 = arith.mulf %broadcast_in_dim3A_905, %get3A_912 : vector<16xf32>
      %add3A_914 = arith.addf %add3A_877, %mul3A_913 : vector<16xf32>
      %get3A_915 = arith.index_cast %add3A_909 : i32 to index
      %get3A_916 = arith.constant 16 : index
      %get3A_917 = tpu.vector_load %arg8[%get3A_915, %get3A_916] {strides = array<i32>} : memref<256x96xf32, #tpu.memory_space<vmem>>, vector<16xf32>,
      %mul3A_918 = arith.mulf %broadcast_in_dim3A_905, %get3A_917 : vector<16xf32>
      %add3A_919 = arith.addf %add3A_882, %mul3A_918 : vector<16xf32>
      %get3A_920 = arith.index_cast %add3A_909 : i32 to index
      %get3A_921 = arith.constant 32 : index
      %get3A_922 = tpu.vector_load %arg8[%get3A_920, %get3A_921] {strides = array<i32>} : memref<256x96xf32, #tpu.memory_space<vmem>>, vector<16xf32>,
      %mul3A_923 = arith.mulf %broadcast_in_dim3A_905, %get3A_922 : vector<16xf32>
      %add3A_924 = arith.addf %add3A_887, %mul3A_923 : vector<16xf32>
      %get3A_925 = arith.index_cast %add3A_909 : i32 to index
      %get3A_926 = arith.constant 48 : index
      %get3A_927 = tpu.vector_load %arg8[%get3A_925, %get3A_926] {strides = array<i32>} : memref<256x96xf32, #tpu.memory_space<vmem>>, vector<16xf32>,
      %mul3A_928 = arith.mulf %broadcast_in_dim3A_905, %get3A_927 : vector<16xf32>
      %add3A_929 = arith.addf %add3A_892, %mul3A_928 : vector<16xf32>
      %get3A_930 = arith.index_cast %add3A_909 : i32 to index
      %get3A_931 = arith.constant 64 : index
      %get3A_932 = tpu.vector_load %arg8[%get3A_930, %get3A_931] {strides = array<i32>} : memref<256x96xf32, #tpu.memory_space<vmem>>, vector<16xf32>,
      %mul3A_933 = arith.mulf %broadcast_in_dim3A_905, %get3A_932 : vector<16xf32>
      %add3A_934 = arith.addf %add3A_897, %mul3A_933 : vector<16xf32>
      %get3A_935 = arith.index_cast %add3A_909 : i32 to index
      %get3A_936 = arith.constant 80 : index
      %get3A_937 = tpu.vector_load %arg8[%get3A_935, %get3A_936] {strides = array<i32>} : memref<256x96xf32, #tpu.memory_space<vmem>>, vector<16xf32>,
      %mul3A_938 = arith.mulf %broadcast_in_dim3A_905, %get3A_937 : vector<16xf32>
      %add3A_939 = arith.addf %add3A_902, %mul3A_938 : vector<16xf32>
      scf.yield %add3A_914, %add3A_919, %add3A_924, %add3A_929, %add3A_934, %add3A_939 : vector<16xf32>, vector<16xf32>, vector<16xf32>, vector<16xf32>, vector<16xf32>, vector<16xf32>
    }
    %scan3A_250 = arith.constant 16 : i32
    %swap3A_251 = arith.constant 0 : index
    %swap3A_252 = tpu.vector_load %arg9[%swap3A_251] {strides = array<i32>} : memref<96xf32, #tpu.memory_space<vmem>>, vector<16xf32>,
    tpu.vector_store %arg9[%swap3A_251], %scan3A_249#0 {strides = array<i32>} : memref<96xf32, #tpu.memory_space<vmem>>, vector<16xf32>,
    %swap3A_253 = arith.constant 16 : index
    %swap3A_254 = tpu.vector_load %arg9[%swap3A_253] {strides = array<i32>} : memref<96xf32, #tpu.memory_space<vmem>>, vector<16xf32>,
    tpu.vector_store %arg9[%swap3A_253], %scan3A_249#1 {strides = array<i32>} : memref<96xf32, #tpu.memory_space<vmem>>, vector<16xf32>,
    %swap3A_255 = arith.constant 32 : index
    %swap3A_256 = tpu.vector_load %arg9[%swap3A_255] {strides = array<i32>} : memref<96xf32, #tpu.memory_space<vmem>>, vector<16xf32>,
    tpu.vector_store %arg9[%swap3A_255], %scan3A_249#2 {strides = array<i32>} : memref<96xf32, #tpu.memory_space<vmem>>, vector<16xf32>,
    %swap3A_257 = arith.constant 48 : index
    %swap3A_258 = tpu.vector_load %arg9[%swap3A_257] {strides = array<i32>} : memref<96xf32, #tpu.memory_space<vmem>>, vector<16xf32>,
    tpu.vector_store %arg9[%swap3A_257], %scan3A_249#3 {strides = array<i32>} : memref<96xf32, #tpu.memory_space<vmem>>, vector<16xf32>,
    %swap3A_259 = arith.constant 64 : index
    %swap3A_260 = tpu.vector_load %arg9[%swap3A_259] {strides = array<i32>} : memref<96xf32, #tpu.memory_space<vmem>>, vector<16xf32>,
    tpu.vector_store %arg9[%swap3A_259], %scan3A_249#4 {strides = array<i32>} : memref<96xf32, #tpu.memory_space<vmem>>, vector<16xf32>,
    %swap3A_261 = arith.constant 80 : index
    %swap3A_262 = tpu.vector_load %arg9[%swap3A_261] {strides = array<i32>} : memref<96xf32, #tpu.memory_space<vmem>>, vector<16xf32>,
    tpu.vector_store %arg9[%swap3A_261], %scan3A_249#5 {strides = array<i32>} : memref<96xf32, #tpu.memory_space<vmem>>, vector<16xf32>,
    "tpu.region"() ({
      %run_scoped3A = tpu.sem_alloc : memref<!tpu.dma_semaphore, #tpu.memory_space<semaphore_mem>>
      %dma_start3A_340 = arith.constant 0 : i32
      %dma_start3A_341 = tpu.memref_slice %arg4[%add3A_189, %dma_start3A_340] : memref<128x96xf32, #tpu.memory_space<hbm>> -> memref<1x96xf32, #tpu.memory_space<hbm>>
      %dma_start3A_342 = tpu.memref_squeeze %dma_start3A_341 : memref<1x96xf32, #tpu.memory_space<hbm>> -> memref<96xf32, #tpu.memory_space<hbm>>
      %dma_start3A_343 = arith.constant 0 : i32
      %dma_start3A_344 = tpu.memref_slice %arg4[%add3A_189, %dma_start3A_343] : memref<128x96xf32, #tpu.memory_space<hbm>> -> memref<1x96xf32, #tpu.memory_space<hbm>>
      %dma_start3A_345 = tpu.memref_squeeze %dma_start3A_344 : memref<1x96xf32, #tpu.memory_space<hbm>> -> memref<96xf32, #tpu.memory_space<hbm>>
      tpu.enqueue_dma source(%arg9 : memref<96xf32, #tpu.memory_space<vmem>>) target(%dma_start3A_345 : memref<96xf32, #tpu.memory_space<hbm>>) target_semaphore(%run_scoped3A : memref<!tpu.dma_semaphore, #tpu.memory_space<semaphore_mem>>)
      %dma_wait3A_346 = arith.constant 0 : i32
      %dma_wait3A_347 = tpu.memref_slice %arg4[%add3A_189, %dma_wait3A_346] : memref<128x96xf32, #tpu.memory_space<hbm>> -> memref<1x96xf32, #tpu.memory_space<hbm>>
      %dma_wait3A_348 = tpu.memref_squeeze %dma_wait3A_347 : memref<1x96xf32, #tpu.memory_space<hbm>> -> memref<96xf32, #tpu.memory_space<hbm>>
      %dma_wait3A_349 = arith.constant 0 : i32
      %dma_wait3A_350 = tpu.memref_slice %arg4[%add3A_189, %dma_wait3A_349] : memref<128x96xf32, #tpu.memory_space<hbm>> -> memref<1x96xf32, #tpu.memory_space<hbm>>
      %dma_wait3A_351 = tpu.memref_squeeze %dma_wait3A_350 : memref<1x96xf32, #tpu.memory_space<hbm>> -> memref<96xf32, #tpu.memory_space<hbm>>
      tpu.wait_dma2 semaphore(%run_scoped3A : memref<!tpu.dma_semaphore, #tpu.memory_space<semaphore_mem>>) src(%arg9 : memref<96xf32, #tpu.memory_space<vmem>>) dst(%dma_wait3A_351 : memref<96xf32, #tpu.memory_space<hbm>>)
      tpu.yield
    }) : () -> ()
    %mul3A_263 = arith.constant 4 : i32
    %mul3A_264 = arith.muli %add3A, %mul3A_263 : i32
    %add3A_265 = arith.constant 3 : i32
    %add3A_266 = arith.addi %mul3A_264, %add3A_265 : i32
    "tpu.region"() ({
      %run_scoped3A = tpu.sem_alloc : memref<!tpu.dma_semaphore, #tpu.memory_space<semaphore_mem>>
      %dma_start3A_340 = arith.constant 0 : i32
      %dma_start3A_341 = tpu.memref_slice %arg2[%add3A_266, %dma_start3A_340] : memref<128x1024xf32, #tpu.memory_space<hbm>> -> memref<1x1024xf32, #tpu.memory_space<hbm>>
      %dma_start3A_342 = tpu.memref_squeeze %dma_start3A_341 : memref<1x1024xf32, #tpu.memory_space<hbm>> -> memref<1024xf32, #tpu.memory_space<hbm>>
      %dma_start3A_343 = arith.constant 0 : i32
      %dma_start3A_344 = tpu.memref_slice %arg2[%add3A_266, %dma_start3A_343] : memref<128x1024xf32, #tpu.memory_space<hbm>> -> memref<1x1024xf32, #tpu.memory_space<hbm>>
      %dma_start3A_345 = tpu.memref_squeeze %dma_start3A_344 : memref<1x1024xf32, #tpu.memory_space<hbm>> -> memref<1024xf32, #tpu.memory_space<hbm>>
      tpu.enqueue_dma source(%dma_start3A_345 : memref<1024xf32, #tpu.memory_space<hbm>>) target(%arg5 : memref<1024xf32, #tpu.memory_space<vmem>>) target_semaphore(%run_scoped3A : memref<!tpu.dma_semaphore, #tpu.memory_space<semaphore_mem>>)
      %dma_wait3A_346 = arith.constant 0 : i32
      %dma_wait3A_347 = tpu.memref_slice %arg2[%add3A_266, %dma_wait3A_346] : memref<128x1024xf32, #tpu.memory_space<hbm>> -> memref<1x1024xf32, #tpu.memory_space<hbm>>
      %dma_wait3A_348 = tpu.memref_squeeze %dma_wait3A_347 : memref<1x1024xf32, #tpu.memory_space<hbm>> -> memref<1024xf32, #tpu.memory_space<hbm>>
      %dma_wait3A_349 = arith.constant 0 : i32
      %dma_wait3A_350 = tpu.memref_slice %arg2[%add3A_266, %dma_wait3A_349] : memref<128x1024xf32, #tpu.memory_space<hbm>> -> memref<1x1024xf32, #tpu.memory_space<hbm>>
      %dma_wait3A_351 = tpu.memref_squeeze %dma_wait3A_350 : memref<1x1024xf32, #tpu.memory_space<hbm>> -> memref<1024xf32, #tpu.memory_space<hbm>>
      tpu.wait_dma2 semaphore(%run_scoped3A : memref<!tpu.dma_semaphore, #tpu.memory_space<semaphore_mem>>) src(%dma_wait3A_351 : memref<1024xf32, #tpu.memory_space<hbm>>) dst(%arg5 : memref<1024xf32, #tpu.memory_space<vmem>>)
      tpu.yield
    }) : () -> ()
    %broadcast_in_dim3A_267 = arith.constant 1 : i32
    %broadcast_in_dim3A_268 = vector.broadcast %broadcast_in_dim3A_267 : i32 to vector<16xi32>
    %broadcast_in_dim3A_269 = arith.constant 264 : i32
    %broadcast_in_dim3A_270 = vector.broadcast %broadcast_in_dim3A_269 : i32 to vector<16xi32>
    %scan3A_271 = arith.constant 0 : i32
    %scan3A_272 = arith.constant 0 : i32
    %scan3A_273 = arith.constant 64 : i32
    %scan3A_274 = arith.addi %scan3A_272, %scan3A_273 : i32
    %scan3A_275 = arith.constant 1 : i32
    %scan3A_276 = scf.for %scan3A_340 = %scan3A_272 to %scan3A_274 step %scan3A_275 iter_args(%scan3A_341 = %scan3A_271) -> (i32)  : i32 {
      %mul3A_342 = arith.constant 16 : i32
      %mul3A_343 = arith.muli %scan3A_340, %mul3A_342 : i32
      %get3A = arith.index_cast %mul3A_343 : i32 to index
      %get3A_344 = tpu.vector_load %arg5[%get3A] {strides = array<i32>} : memref<1024xf32, #tpu.memory_space<vmem>>, vector<16xf32>,
      %bitcast3A = vector.bitcast %get3A_344 : vector<16xf32> to vector<16xi32>
      %min3A = arith.minsi %bitcast3A, %broadcast_in_dim3A_268 : vector<16xi32>
      %iota3A = tpu.iota {dimensions = array<i32: 0>} : vector<16xi32>
      %mul3A_345 = arith.constant 16 : i32
      %mul3A_346 = arith.muli %scan3A_340, %mul3A_345 : i32
      %mul3A_347 = arith.constant 1024 : i32
      %mul3A_348 = arith.muli %add3A_266, %mul3A_347 : i32
      %add3A_349 = arith.addi %mul3A_346, %mul3A_348 : i32
      %broadcast_in_dim3A_350 = vector.broadcast %add3A_349 : i32 to vector<16xi32>
      %add3A_351 = arith.addi %iota3A, %broadcast_in_dim3A_350 : vector<16xi32>
      %broadcast_in_dim3A_352 = arith.constant true
      %broadcast_in_dim3A_353 = vector.broadcast %broadcast_in_dim3A_352 : i1 to vector<16xi1>
      %masked_cumsum3A = tpu.scan <sum>, %min3A masked %broadcast_in_dim3A_353 : vector<16xi32>, vector<16xi1> -> vector<16xi32>
      %sub3A = arith.subi %masked_cumsum3A, %min3A : vector<16xi32>
      %broadcast_in_dim3A_354 = vector.broadcast %scan3A_341 : i32 to vector<16xi32>
      %add3A_355 = arith.addi %sub3A, %broadcast_in_dim3A_354 : vector<16xi32>
      %sub3A_356 = arith.subi %add3A_355, %broadcast_in_dim3A_270 : vector<16xi32>
      %mul3A_357 = arith.muli %min3A, %sub3A_356 : vector<16xi32>
      %add3A_358 = arith.addi %mul3A_357, %broadcast_in_dim3A_270 : vector<16xi32>
      tpu.vector_store_idx %arg6[%add3A_358], %add3A_351 : memref<272xi32, #tpu.memory_space<vmem>>[vector<16xi32>], vector<16xi32>,
      tpu.vector_store_idx %arg7[%add3A_358], %get3A_344 : memref<272xf32, #tpu.memory_space<vmem>>[vector<16xi32>], vector<16xf32>,
      %reduce_sum3A = arith.constant true
      %reduce_sum3A_359 = vector.broadcast %reduce_sum3A : i1 to vector<16xi1>
      %reduce_sum3A_360 = tpu.scan <sum>, %min3A masked %reduce_sum3A_359 : vector<16xi32>, vector<16xi1> -> vector<16xi32>
      %reduce_sum3A_361 = vector.extract %reduce_sum3A_360[15] : i32 from vector<16xi32>
      %add3A_362 = arith.addi %scan3A_341, %reduce_sum3A_361 : i32
      scf.yield %add3A_362 : i32
    }
    %scan3A_277 = arith.constant 64 : i32
    %dma_start3A_278 = arith.constant 0 : i32
    %dma_start3A_279 = arith.constant 0 : i32
    %dma_start3A_280 = tpu.memref_slice %arg8[%dma_start3A_278, %dma_start3A_279] : memref<256x96xf32, #tpu.memory_space<vmem>> -> memref<128x96xf32, #tpu.memory_space<vmem>>
    %dma_start3A_281 = arith.constant 0 : i32
    %dma_start3A_282 = tpu.memref_slice %arg6[%dma_start3A_281] : memref<272xi32, #tpu.memory_space<vmem>> -> memref<128xi32, #tpu.memory_space<vmem>>
    %dma_start3A_283 = arith.constant 0 : i32
    %dma_start3A_284 = arith.constant 0 : i32
    %dma_start3A_285 = tpu.memref_slice %arg3[%dma_start3A_283, %dma_start3A_284] : memref<131072x96xf32, #tpu.memory_space<hbm>> -> memref<131072x96xf32, #tpu.memory_space<hbm>>
    tpu.enqueue_indirect_dma source(%dma_start3A_285 : memref<131072x96xf32, #tpu.memory_space<hbm>>) target(%dma_start3A_280 : memref<128x96xf32, #tpu.memory_space<vmem>>) offsets(%dma_start3A_282 : memref<128xi32, #tpu.memory_space<vmem>>) semaphore(%arg10 : memref<!tpu.dma_semaphore, #tpu.memory_space<semaphore_mem>>)
    %dma_start3A_286 = arith.constant 128 : i32
    %dma_start3A_287 = arith.constant 0 : i32
    %dma_start3A_288 = tpu.memref_slice %arg8[%dma_start3A_286, %dma_start3A_287] : memref<256x96xf32, #tpu.memory_space<vmem>> -> memref<128x96xf32, #tpu.memory_space<vmem>>
    %dma_start3A_289 = arith.constant 128 : i32
    %dma_start3A_290 = tpu.memref_slice %arg6[%dma_start3A_289] : memref<272xi32, #tpu.memory_space<vmem>> -> memref<128xi32, #tpu.memory_space<vmem>>
    %dma_start3A_291 = arith.constant 0 : i32
    %dma_start3A_292 = arith.constant 0 : i32
    %dma_start3A_293 = tpu.memref_slice %arg3[%dma_start3A_291, %dma_start3A_292] : memref<131072x96xf32, #tpu.memory_space<hbm>> -> memref<131072x96xf32, #tpu.memory_space<hbm>>
    tpu.enqueue_indirect_dma source(%dma_start3A_293 : memref<131072x96xf32, #tpu.memory_space<hbm>>) target(%dma_start3A_288 : memref<128x96xf32, #tpu.memory_space<vmem>>) offsets(%dma_start3A_290 : memref<128xi32, #tpu.memory_space<vmem>>) semaphore(%arg10 : memref<!tpu.dma_semaphore, #tpu.memory_space<semaphore_mem>>)
    %dma_wait3A_294 = arith.constant 0 : i32
    %dma_wait3A_295 = arith.constant 0 : i32
    %dma_wait3A_296 = tpu.memref_slice %arg8[%dma_wait3A_294, %dma_wait3A_295] : memref<256x96xf32, #tpu.memory_space<vmem>> -> memref<128x96xf32, #tpu.memory_space<vmem>>
    %dma_wait3A_297 = arith.constant 0 : i32
    %dma_wait3A_298 = tpu.memref_slice %arg6[%dma_wait3A_297] : memref<272xi32, #tpu.memory_space<vmem>> -> memref<128xi32, #tpu.memory_space<vmem>>
    %dma_wait3A_299 = arith.constant 0 : i32
    %dma_wait3A_300 = arith.constant 0 : i32
    %dma_wait3A_301 = tpu.memref_slice %arg3[%dma_wait3A_299, %dma_wait3A_300] : memref<131072x96xf32, #tpu.memory_space<hbm>> -> memref<131072x96xf32, #tpu.memory_space<hbm>>
    tpu.wait_indirect_dma semaphore(%arg10 : memref<!tpu.dma_semaphore, #tpu.memory_space<semaphore_mem>>) src(%dma_wait3A_301 : memref<131072x96xf32, #tpu.memory_space<hbm>>) dst(%dma_wait3A_296 : memref<128x96xf32, #tpu.memory_space<vmem>>)
    %dma_wait3A_302 = arith.constant 128 : i32
    %dma_wait3A_303 = arith.constant 0 : i32
    %dma_wait3A_304 = tpu.memref_slice %arg8[%dma_wait3A_302, %dma_wait3A_303] : memref<256x96xf32, #tpu.memory_space<vmem>> -> memref<128x96xf32, #tpu.memory_space<vmem>>
    %dma_wait3A_305 = arith.constant 128 : i32
    %dma_wait3A_306 = tpu.memref_slice %arg6[%dma_wait3A_305] : memref<272xi32, #tpu.memory_space<vmem>> -> memref<128xi32, #tpu.memory_space<vmem>>
    %dma_wait3A_307 = arith.constant 0 : i32
    %dma_wait3A_308 = arith.constant 0 : i32
    %dma_wait3A_309 = tpu.memref_slice %arg3[%dma_wait3A_307, %dma_wait3A_308] : memref<131072x96xf32, #tpu.memory_space<hbm>> -> memref<131072x96xf32, #tpu.memory_space<hbm>>
    tpu.wait_indirect_dma semaphore(%arg10 : memref<!tpu.dma_semaphore, #tpu.memory_space<semaphore_mem>>) src(%dma_wait3A_309 : memref<131072x96xf32, #tpu.memory_space<hbm>>) dst(%dma_wait3A_304 : memref<128x96xf32, #tpu.memory_space<vmem>>)
    %broadcast_in_dim3A_310 = arith.constant 0.000000e+00 : f32
    %broadcast_in_dim3A_311 = vector.broadcast %broadcast_in_dim3A_310 : f32 to vector<16xf32>
    %broadcast_in_dim3A_312 = arith.constant 0.000000e+00 : f32
    %broadcast_in_dim3A_313 = vector.broadcast %broadcast_in_dim3A_312 : f32 to vector<16xf32>
    %broadcast_in_dim3A_314 = arith.constant 0.000000e+00 : f32
    %broadcast_in_dim3A_315 = vector.broadcast %broadcast_in_dim3A_314 : f32 to vector<16xf32>
    %broadcast_in_dim3A_316 = arith.constant 0.000000e+00 : f32
    %broadcast_in_dim3A_317 = vector.broadcast %broadcast_in_dim3A_316 : f32 to vector<16xf32>
    %broadcast_in_dim3A_318 = arith.constant 0.000000e+00 : f32
    %broadcast_in_dim3A_319 = vector.broadcast %broadcast_in_dim3A_318 : f32 to vector<16xf32>
    %broadcast_in_dim3A_320 = arith.constant 0.000000e+00 : f32
    %broadcast_in_dim3A_321 = vector.broadcast %broadcast_in_dim3A_320 : f32 to vector<16xf32>
    %scan3A_322 = arith.constant 0 : i32
    %scan3A_323 = arith.constant 16 : i32
    %scan3A_324 = arith.addi %scan3A_322, %scan3A_323 : i32
    %scan3A_325 = arith.constant 1 : i32
    %scan3A_326:6 = scf.for %scan3A_340 = %scan3A_322 to %scan3A_324 step %scan3A_325 iter_args(%scan3A_341 = %broadcast_in_dim3A_311, %scan3A_342 = %broadcast_in_dim3A_313, %scan3A_343 = %broadcast_in_dim3A_315, %scan3A_344 = %broadcast_in_dim3A_317, %scan3A_345 = %broadcast_in_dim3A_319, %scan3A_346 = %broadcast_in_dim3A_321) -> (vector<16xf32>, vector<16xf32>, vector<16xf32>, vector<16xf32>, vector<16xf32>, vector<16xf32>)  : i32 {
      %mul3A_347 = arith.constant 16 : i32
      %mul3A_348 = arith.muli %scan3A_340, %mul3A_347 : i32
      %get3A = arith.index_cast %mul3A_348 : i32 to index
      %get3A_349 = tpu.vector_load %arg7[%get3A] {strides = array<i32>} : memref<272xf32, #tpu.memory_space<vmem>>, vector<16xf32>,
      %slice3A = vector.extract_strided_slice %get3A_349 {offsets = [0], sizes = [1], strides = [1]} : vector<16xf32> to vector<1xf32>
      %squeeze3A = vector.extract %slice3A[0] : f32 from vector<1xf32>
      %broadcast_in_dim3A_350 = vector.broadcast %squeeze3A : f32 to vector<16xf32>
      %mul3A_351 = arith.constant 16 : i32
      %mul3A_352 = arith.muli %scan3A_340, %mul3A_351 : i32
      %add3A_353 = arith.constant 0 : i32
      %add3A_354 = arith.addi %mul3A_352, %add3A_353 : i32
      %get3A_355 = arith.index_cast %add3A_354 : i32 to index
      %get3A_356 = arith.constant 0 : index
      %get3A_357 = tpu.vector_load %arg8[%get3A_355, %get3A_356] {strides = array<i32>} : memref<256x96xf32, #tpu.memory_space<vmem>>, vector<16xf32>,
      %mul3A_358 = arith.mulf %broadcast_in_dim3A_350, %get3A_357 : vector<16xf32>
      %add3A_359 = arith.addf %scan3A_341, %mul3A_358 : vector<16xf32>
      %get3A_360 = arith.index_cast %add3A_354 : i32 to index
      %get3A_361 = arith.constant 16 : index
      %get3A_362 = tpu.vector_load %arg8[%get3A_360, %get3A_361] {strides = array<i32>} : memref<256x96xf32, #tpu.memory_space<vmem>>, vector<16xf32>,
      %mul3A_363 = arith.mulf %broadcast_in_dim3A_350, %get3A_362 : vector<16xf32>
      %add3A_364 = arith.addf %scan3A_342, %mul3A_363 : vector<16xf32>
      %get3A_365 = arith.index_cast %add3A_354 : i32 to index
      %get3A_366 = arith.constant 32 : index
      %get3A_367 = tpu.vector_load %arg8[%get3A_365, %get3A_366] {strides = array<i32>} : memref<256x96xf32, #tpu.memory_space<vmem>>, vector<16xf32>,
      %mul3A_368 = arith.mulf %broadcast_in_dim3A_350, %get3A_367 : vector<16xf32>
      %add3A_369 = arith.addf %scan3A_343, %mul3A_368 : vector<16xf32>
      %get3A_370 = arith.index_cast %add3A_354 : i32 to index
      %get3A_371 = arith.constant 48 : index
      %get3A_372 = tpu.vector_load %arg8[%get3A_370, %get3A_371] {strides = array<i32>} : memref<256x96xf32, #tpu.memory_space<vmem>>, vector<16xf32>,
      %mul3A_373 = arith.mulf %broadcast_in_dim3A_350, %get3A_372 : vector<16xf32>
      %add3A_374 = arith.addf %scan3A_344, %mul3A_373 : vector<16xf32>
      %get3A_375 = arith.index_cast %add3A_354 : i32 to index
      %get3A_376 = arith.constant 64 : index
      %get3A_377 = tpu.vector_load %arg8[%get3A_375, %get3A_376] {strides = array<i32>} : memref<256x96xf32, #tpu.memory_space<vmem>>, vector<16xf32>,
      %mul3A_378 = arith.mulf %broadcast_in_dim3A_350, %get3A_377 : vector<16xf32>
      %add3A_379 = arith.addf %scan3A_345, %mul3A_378 : vector<16xf32>
      %get3A_380 = arith.index_cast %add3A_354 : i32 to index
      %get3A_381 = arith.constant 80 : index
      %get3A_382 = tpu.vector_load %arg8[%get3A_380, %get3A_381] {strides = array<i32>} : memref<256x96xf32, #tpu.memory_space<vmem>>, vector<16xf32>,
      %mul3A_383 = arith.mulf %broadcast_in_dim3A_350, %get3A_382 : vector<16xf32>
      %add3A_384 = arith.addf %scan3A_346, %mul3A_383 : vector<16xf32>
      %slice3A_385 = vector.extract_strided_slice %get3A_349 {offsets = [1], sizes = [1], strides = [1]} : vector<16xf32> to vector<1xf32>
      %squeeze3A_386 = vector.extract %slice3A_385[0] : f32 from vector<1xf32>
      %broadcast_in_dim3A_387 = vector.broadcast %squeeze3A_386 : f32 to vector<16xf32>
      %mul3A_388 = arith.constant 16 : i32
      %mul3A_389 = arith.muli %scan3A_340, %mul3A_388 : i32
      %add3A_390 = arith.constant 1 : i32
      %add3A_391 = arith.addi %mul3A_389, %add3A_390 : i32
      %get3A_392 = arith.index_cast %add3A_391 : i32 to index
      %get3A_393 = arith.constant 0 : index
      %get3A_394 = tpu.vector_load %arg8[%get3A_392, %get3A_393] {strides = array<i32>} : memref<256x96xf32, #tpu.memory_space<vmem>>, vector<16xf32>,
      %mul3A_395 = arith.mulf %broadcast_in_dim3A_387, %get3A_394 : vector<16xf32>
      %add3A_396 = arith.addf %add3A_359, %mul3A_395 : vector<16xf32>
      %get3A_397 = arith.index_cast %add3A_391 : i32 to index
      %get3A_398 = arith.constant 16 : index
      %get3A_399 = tpu.vector_load %arg8[%get3A_397, %get3A_398] {strides = array<i32>} : memref<256x96xf32, #tpu.memory_space<vmem>>, vector<16xf32>,
      %mul3A_400 = arith.mulf %broadcast_in_dim3A_387, %get3A_399 : vector<16xf32>
      %add3A_401 = arith.addf %add3A_364, %mul3A_400 : vector<16xf32>
      %get3A_402 = arith.index_cast %add3A_391 : i32 to index
      %get3A_403 = arith.constant 32 : index
      %get3A_404 = tpu.vector_load %arg8[%get3A_402, %get3A_403] {strides = array<i32>} : memref<256x96xf32, #tpu.memory_space<vmem>>, vector<16xf32>,
      %mul3A_405 = arith.mulf %broadcast_in_dim3A_387, %get3A_404 : vector<16xf32>
      %add3A_406 = arith.addf %add3A_369, %mul3A_405 : vector<16xf32>
      %get3A_407 = arith.index_cast %add3A_391 : i32 to index
      %get3A_408 = arith.constant 48 : index
      %get3A_409 = tpu.vector_load %arg8[%get3A_407, %get3A_408] {strides = array<i32>} : memref<256x96xf32, #tpu.memory_space<vmem>>, vector<16xf32>,
      %mul3A_410 = arith.mulf %broadcast_in_dim3A_387, %get3A_409 : vector<16xf32>
      %add3A_411 = arith.addf %add3A_374, %mul3A_410 : vector<16xf32>
      %get3A_412 = arith.index_cast %add3A_391 : i32 to index
      %get3A_413 = arith.constant 64 : index
      %get3A_414 = tpu.vector_load %arg8[%get3A_412, %get3A_413] {strides = array<i32>} : memref<256x96xf32, #tpu.memory_space<vmem>>, vector<16xf32>,
      %mul3A_415 = arith.mulf %broadcast_in_dim3A_387, %get3A_414 : vector<16xf32>
      %add3A_416 = arith.addf %add3A_379, %mul3A_415 : vector<16xf32>
      %get3A_417 = arith.index_cast %add3A_391 : i32 to index
      %get3A_418 = arith.constant 80 : index
      %get3A_419 = tpu.vector_load %arg8[%get3A_417, %get3A_418] {strides = array<i32>} : memref<256x96xf32, #tpu.memory_space<vmem>>, vector<16xf32>,
      %mul3A_420 = arith.mulf %broadcast_in_dim3A_387, %get3A_419 : vector<16xf32>
      %add3A_421 = arith.addf %add3A_384, %mul3A_420 : vector<16xf32>
      %slice3A_422 = vector.extract_strided_slice %get3A_349 {offsets = [2], sizes = [1], strides = [1]} : vector<16xf32> to vector<1xf32>
      %squeeze3A_423 = vector.extract %slice3A_422[0] : f32 from vector<1xf32>
      %broadcast_in_dim3A_424 = vector.broadcast %squeeze3A_423 : f32 to vector<16xf32>
      %mul3A_425 = arith.constant 16 : i32
      %mul3A_426 = arith.muli %scan3A_340, %mul3A_425 : i32
      %add3A_427 = arith.constant 2 : i32
      %add3A_428 = arith.addi %mul3A_426, %add3A_427 : i32
      %get3A_429 = arith.index_cast %add3A_428 : i32 to index
      %get3A_430 = arith.constant 0 : index
      %get3A_431 = tpu.vector_load %arg8[%get3A_429, %get3A_430] {strides = array<i32>} : memref<256x96xf32, #tpu.memory_space<vmem>>, vector<16xf32>,
      %mul3A_432 = arith.mulf %broadcast_in_dim3A_424, %get3A_431 : vector<16xf32>
      %add3A_433 = arith.addf %add3A_396, %mul3A_432 : vector<16xf32>
      %get3A_434 = arith.index_cast %add3A_428 : i32 to index
      %get3A_435 = arith.constant 16 : index
      %get3A_436 = tpu.vector_load %arg8[%get3A_434, %get3A_435] {strides = array<i32>} : memref<256x96xf32, #tpu.memory_space<vmem>>, vector<16xf32>,
      %mul3A_437 = arith.mulf %broadcast_in_dim3A_424, %get3A_436 : vector<16xf32>
      %add3A_438 = arith.addf %add3A_401, %mul3A_437 : vector<16xf32>
      %get3A_439 = arith.index_cast %add3A_428 : i32 to index
      %get3A_440 = arith.constant 32 : index
      %get3A_441 = tpu.vector_load %arg8[%get3A_439, %get3A_440] {strides = array<i32>} : memref<256x96xf32, #tpu.memory_space<vmem>>, vector<16xf32>,
      %mul3A_442 = arith.mulf %broadcast_in_dim3A_424, %get3A_441 : vector<16xf32>
      %add3A_443 = arith.addf %add3A_406, %mul3A_442 : vector<16xf32>
      %get3A_444 = arith.index_cast %add3A_428 : i32 to index
      %get3A_445 = arith.constant 48 : index
      %get3A_446 = tpu.vector_load %arg8[%get3A_444, %get3A_445] {strides = array<i32>} : memref<256x96xf32, #tpu.memory_space<vmem>>, vector<16xf32>,
      %mul3A_447 = arith.mulf %broadcast_in_dim3A_424, %get3A_446 : vector<16xf32>
      %add3A_448 = arith.addf %add3A_411, %mul3A_447 : vector<16xf32>
      %get3A_449 = arith.index_cast %add3A_428 : i32 to index
      %get3A_450 = arith.constant 64 : index
      %get3A_451 = tpu.vector_load %arg8[%get3A_449, %get3A_450] {strides = array<i32>} : memref<256x96xf32, #tpu.memory_space<vmem>>, vector<16xf32>,
      %mul3A_452 = arith.mulf %broadcast_in_dim3A_424, %get3A_451 : vector<16xf32>
      %add3A_453 = arith.addf %add3A_416, %mul3A_452 : vector<16xf32>
      %get3A_454 = arith.index_cast %add3A_428 : i32 to index
      %get3A_455 = arith.constant 80 : index
      %get3A_456 = tpu.vector_load %arg8[%get3A_454, %get3A_455] {strides = array<i32>} : memref<256x96xf32, #tpu.memory_space<vmem>>, vector<16xf32>,
      %mul3A_457 = arith.mulf %broadcast_in_dim3A_424, %get3A_456 : vector<16xf32>
      %add3A_458 = arith.addf %add3A_421, %mul3A_457 : vector<16xf32>
      %slice3A_459 = vector.extract_strided_slice %get3A_349 {offsets = [3], sizes = [1], strides = [1]} : vector<16xf32> to vector<1xf32>
      %squeeze3A_460 = vector.extract %slice3A_459[0] : f32 from vector<1xf32>
      %broadcast_in_dim3A_461 = vector.broadcast %squeeze3A_460 : f32 to vector<16xf32>
      %mul3A_462 = arith.constant 16 : i32
      %mul3A_463 = arith.muli %scan3A_340, %mul3A_462 : i32
      %add3A_464 = arith.constant 3 : i32
      %add3A_465 = arith.addi %mul3A_463, %add3A_464 : i32
      %get3A_466 = arith.index_cast %add3A_465 : i32 to index
      %get3A_467 = arith.constant 0 : index
      %get3A_468 = tpu.vector_load %arg8[%get3A_466, %get3A_467] {strides = array<i32>} : memref<256x96xf32, #tpu.memory_space<vmem>>, vector<16xf32>,
      %mul3A_469 = arith.mulf %broadcast_in_dim3A_461, %get3A_468 : vector<16xf32>
      %add3A_470 = arith.addf %add3A_433, %mul3A_469 : vector<16xf32>
      %get3A_471 = arith.index_cast %add3A_465 : i32 to index
      %get3A_472 = arith.constant 16 : index
      %get3A_473 = tpu.vector_load %arg8[%get3A_471, %get3A_472] {strides = array<i32>} : memref<256x96xf32, #tpu.memory_space<vmem>>, vector<16xf32>,
      %mul3A_474 = arith.mulf %broadcast_in_dim3A_461, %get3A_473 : vector<16xf32>
      %add3A_475 = arith.addf %add3A_438, %mul3A_474 : vector<16xf32>
      %get3A_476 = arith.index_cast %add3A_465 : i32 to index
      %get3A_477 = arith.constant 32 : index
      %get3A_478 = tpu.vector_load %arg8[%get3A_476, %get3A_477] {strides = array<i32>} : memref<256x96xf32, #tpu.memory_space<vmem>>, vector<16xf32>,
      %mul3A_479 = arith.mulf %broadcast_in_dim3A_461, %get3A_478 : vector<16xf32>
      %add3A_480 = arith.addf %add3A_443, %mul3A_479 : vector<16xf32>
      %get3A_481 = arith.index_cast %add3A_465 : i32 to index
      %get3A_482 = arith.constant 48 : index
      %get3A_483 = tpu.vector_load %arg8[%get3A_481, %get3A_482] {strides = array<i32>} : memref<256x96xf32, #tpu.memory_space<vmem>>, vector<16xf32>,
      %mul3A_484 = arith.mulf %broadcast_in_dim3A_461, %get3A_483 : vector<16xf32>
      %add3A_485 = arith.addf %add3A_448, %mul3A_484 : vector<16xf32>
      %get3A_486 = arith.index_cast %add3A_465 : i32 to index
      %get3A_487 = arith.constant 64 : index
      %get3A_488 = tpu.vector_load %arg8[%get3A_486, %get3A_487] {strides = array<i32>} : memref<256x96xf32, #tpu.memory_space<vmem>>, vector<16xf32>,
      %mul3A_489 = arith.mulf %broadcast_in_dim3A_461, %get3A_488 : vector<16xf32>
      %add3A_490 = arith.addf %add3A_453, %mul3A_489 : vector<16xf32>
      %get3A_491 = arith.index_cast %add3A_465 : i32 to index
      %get3A_492 = arith.constant 80 : index
      %get3A_493 = tpu.vector_load %arg8[%get3A_491, %get3A_492] {strides = array<i32>} : memref<256x96xf32, #tpu.memory_space<vmem>>, vector<16xf32>,
      %mul3A_494 = arith.mulf %broadcast_in_dim3A_461, %get3A_493 : vector<16xf32>
      %add3A_495 = arith.addf %add3A_458, %mul3A_494 : vector<16xf32>
      %slice3A_496 = vector.extract_strided_slice %get3A_349 {offsets = [4], sizes = [1], strides = [1]} : vector<16xf32> to vector<1xf32>
      %squeeze3A_497 = vector.extract %slice3A_496[0] : f32 from vector<1xf32>
      %broadcast_in_dim3A_498 = vector.broadcast %squeeze3A_497 : f32 to vector<16xf32>
      %mul3A_499 = arith.constant 16 : i32
      %mul3A_500 = arith.muli %scan3A_340, %mul3A_499 : i32
      %add3A_501 = arith.constant 4 : i32
      %add3A_502 = arith.addi %mul3A_500, %add3A_501 : i32
      %get3A_503 = arith.index_cast %add3A_502 : i32 to index
      %get3A_504 = arith.constant 0 : index
      %get3A_505 = tpu.vector_load %arg8[%get3A_503, %get3A_504] {strides = array<i32>} : memref<256x96xf32, #tpu.memory_space<vmem>>, vector<16xf32>,
      %mul3A_506 = arith.mulf %broadcast_in_dim3A_498, %get3A_505 : vector<16xf32>
      %add3A_507 = arith.addf %add3A_470, %mul3A_506 : vector<16xf32>
      %get3A_508 = arith.index_cast %add3A_502 : i32 to index
      %get3A_509 = arith.constant 16 : index
      %get3A_510 = tpu.vector_load %arg8[%get3A_508, %get3A_509] {strides = array<i32>} : memref<256x96xf32, #tpu.memory_space<vmem>>, vector<16xf32>,
      %mul3A_511 = arith.mulf %broadcast_in_dim3A_498, %get3A_510 : vector<16xf32>
      %add3A_512 = arith.addf %add3A_475, %mul3A_511 : vector<16xf32>
      %get3A_513 = arith.index_cast %add3A_502 : i32 to index
      %get3A_514 = arith.constant 32 : index
      %get3A_515 = tpu.vector_load %arg8[%get3A_513, %get3A_514] {strides = array<i32>} : memref<256x96xf32, #tpu.memory_space<vmem>>, vector<16xf32>,
      %mul3A_516 = arith.mulf %broadcast_in_dim3A_498, %get3A_515 : vector<16xf32>
      %add3A_517 = arith.addf %add3A_480, %mul3A_516 : vector<16xf32>
      %get3A_518 = arith.index_cast %add3A_502 : i32 to index
      %get3A_519 = arith.constant 48 : index
      %get3A_520 = tpu.vector_load %arg8[%get3A_518, %get3A_519] {strides = array<i32>} : memref<256x96xf32, #tpu.memory_space<vmem>>, vector<16xf32>,
      %mul3A_521 = arith.mulf %broadcast_in_dim3A_498, %get3A_520 : vector<16xf32>
      %add3A_522 = arith.addf %add3A_485, %mul3A_521 : vector<16xf32>
      %get3A_523 = arith.index_cast %add3A_502 : i32 to index
      %get3A_524 = arith.constant 64 : index
      %get3A_525 = tpu.vector_load %arg8[%get3A_523, %get3A_524] {strides = array<i32>} : memref<256x96xf32, #tpu.memory_space<vmem>>, vector<16xf32>,
      %mul3A_526 = arith.mulf %broadcast_in_dim3A_498, %get3A_525 : vector<16xf32>
      %add3A_527 = arith.addf %add3A_490, %mul3A_526 : vector<16xf32>
      %get3A_528 = arith.index_cast %add3A_502 : i32 to index
      %get3A_529 = arith.constant 80 : index
      %get3A_530 = tpu.vector_load %arg8[%get3A_528, %get3A_529] {strides = array<i32>} : memref<256x96xf32, #tpu.memory_space<vmem>>, vector<16xf32>,
      %mul3A_531 = arith.mulf %broadcast_in_dim3A_498, %get3A_530 : vector<16xf32>
      %add3A_532 = arith.addf %add3A_495, %mul3A_531 : vector<16xf32>
      %slice3A_533 = vector.extract_strided_slice %get3A_349 {offsets = [5], sizes = [1], strides = [1]} : vector<16xf32> to vector<1xf32>
      %squeeze3A_534 = vector.extract %slice3A_533[0] : f32 from vector<1xf32>
      %broadcast_in_dim3A_535 = vector.broadcast %squeeze3A_534 : f32 to vector<16xf32>
      %mul3A_536 = arith.constant 16 : i32
      %mul3A_537 = arith.muli %scan3A_340, %mul3A_536 : i32
      %add3A_538 = arith.constant 5 : i32
      %add3A_539 = arith.addi %mul3A_537, %add3A_538 : i32
      %get3A_540 = arith.index_cast %add3A_539 : i32 to index
      %get3A_541 = arith.constant 0 : index
      %get3A_542 = tpu.vector_load %arg8[%get3A_540, %get3A_541] {strides = array<i32>} : memref<256x96xf32, #tpu.memory_space<vmem>>, vector<16xf32>,
      %mul3A_543 = arith.mulf %broadcast_in_dim3A_535, %get3A_542 : vector<16xf32>
      %add3A_544 = arith.addf %add3A_507, %mul3A_543 : vector<16xf32>
      %get3A_545 = arith.index_cast %add3A_539 : i32 to index
      %get3A_546 = arith.constant 16 : index
      %get3A_547 = tpu.vector_load %arg8[%get3A_545, %get3A_546] {strides = array<i32>} : memref<256x96xf32, #tpu.memory_space<vmem>>, vector<16xf32>,
      %mul3A_548 = arith.mulf %broadcast_in_dim3A_535, %get3A_547 : vector<16xf32>
      %add3A_549 = arith.addf %add3A_512, %mul3A_548 : vector<16xf32>
      %get3A_550 = arith.index_cast %add3A_539 : i32 to index
      %get3A_551 = arith.constant 32 : index
      %get3A_552 = tpu.vector_load %arg8[%get3A_550, %get3A_551] {strides = array<i32>} : memref<256x96xf32, #tpu.memory_space<vmem>>, vector<16xf32>,
      %mul3A_553 = arith.mulf %broadcast_in_dim3A_535, %get3A_552 : vector<16xf32>
      %add3A_554 = arith.addf %add3A_517, %mul3A_553 : vector<16xf32>
      %get3A_555 = arith.index_cast %add3A_539 : i32 to index
      %get3A_556 = arith.constant 48 : index
      %get3A_557 = tpu.vector_load %arg8[%get3A_555, %get3A_556] {strides = array<i32>} : memref<256x96xf32, #tpu.memory_space<vmem>>, vector<16xf32>,
      %mul3A_558 = arith.mulf %broadcast_in_dim3A_535, %get3A_557 : vector<16xf32>
      %add3A_559 = arith.addf %add3A_522, %mul3A_558 : vector<16xf32>
      %get3A_560 = arith.index_cast %add3A_539 : i32 to index
      %get3A_561 = arith.constant 64 : index
      %get3A_562 = tpu.vector_load %arg8[%get3A_560, %get3A_561] {strides = array<i32>} : memref<256x96xf32, #tpu.memory_space<vmem>>, vector<16xf32>,
      %mul3A_563 = arith.mulf %broadcast_in_dim3A_535, %get3A_562 : vector<16xf32>
      %add3A_564 = arith.addf %add3A_527, %mul3A_563 : vector<16xf32>
      %get3A_565 = arith.index_cast %add3A_539 : i32 to index
      %get3A_566 = arith.constant 80 : index
      %get3A_567 = tpu.vector_load %arg8[%get3A_565, %get3A_566] {strides = array<i32>} : memref<256x96xf32, #tpu.memory_space<vmem>>, vector<16xf32>,
      %mul3A_568 = arith.mulf %broadcast_in_dim3A_535, %get3A_567 : vector<16xf32>
      %add3A_569 = arith.addf %add3A_532, %mul3A_568 : vector<16xf32>
      %slice3A_570 = vector.extract_strided_slice %get3A_349 {offsets = [6], sizes = [1], strides = [1]} : vector<16xf32> to vector<1xf32>
      %squeeze3A_571 = vector.extract %slice3A_570[0] : f32 from vector<1xf32>
      %broadcast_in_dim3A_572 = vector.broadcast %squeeze3A_571 : f32 to vector<16xf32>
      %mul3A_573 = arith.constant 16 : i32
      %mul3A_574 = arith.muli %scan3A_340, %mul3A_573 : i32
      %add3A_575 = arith.constant 6 : i32
      %add3A_576 = arith.addi %mul3A_574, %add3A_575 : i32
      %get3A_577 = arith.index_cast %add3A_576 : i32 to index
      %get3A_578 = arith.constant 0 : index
      %get3A_579 = tpu.vector_load %arg8[%get3A_577, %get3A_578] {strides = array<i32>} : memref<256x96xf32, #tpu.memory_space<vmem>>, vector<16xf32>,
      %mul3A_580 = arith.mulf %broadcast_in_dim3A_572, %get3A_579 : vector<16xf32>
      %add3A_581 = arith.addf %add3A_544, %mul3A_580 : vector<16xf32>
      %get3A_582 = arith.index_cast %add3A_576 : i32 to index
      %get3A_583 = arith.constant 16 : index
      %get3A_584 = tpu.vector_load %arg8[%get3A_582, %get3A_583] {strides = array<i32>} : memref<256x96xf32, #tpu.memory_space<vmem>>, vector<16xf32>,
      %mul3A_585 = arith.mulf %broadcast_in_dim3A_572, %get3A_584 : vector<16xf32>
      %add3A_586 = arith.addf %add3A_549, %mul3A_585 : vector<16xf32>
      %get3A_587 = arith.index_cast %add3A_576 : i32 to index
      %get3A_588 = arith.constant 32 : index
      %get3A_589 = tpu.vector_load %arg8[%get3A_587, %get3A_588] {strides = array<i32>} : memref<256x96xf32, #tpu.memory_space<vmem>>, vector<16xf32>,
      %mul3A_590 = arith.mulf %broadcast_in_dim3A_572, %get3A_589 : vector<16xf32>
      %add3A_591 = arith.addf %add3A_554, %mul3A_590 : vector<16xf32>
      %get3A_592 = arith.index_cast %add3A_576 : i32 to index
      %get3A_593 = arith.constant 48 : index
      %get3A_594 = tpu.vector_load %arg8[%get3A_592, %get3A_593] {strides = array<i32>} : memref<256x96xf32, #tpu.memory_space<vmem>>, vector<16xf32>,
      %mul3A_595 = arith.mulf %broadcast_in_dim3A_572, %get3A_594 : vector<16xf32>
      %add3A_596 = arith.addf %add3A_559, %mul3A_595 : vector<16xf32>
      %get3A_597 = arith.index_cast %add3A_576 : i32 to index
      %get3A_598 = arith.constant 64 : index
      %get3A_599 = tpu.vector_load %arg8[%get3A_597, %get3A_598] {strides = array<i32>} : memref<256x96xf32, #tpu.memory_space<vmem>>, vector<16xf32>,
      %mul3A_600 = arith.mulf %broadcast_in_dim3A_572, %get3A_599 : vector<16xf32>
      %add3A_601 = arith.addf %add3A_564, %mul3A_600 : vector<16xf32>
      %get3A_602 = arith.index_cast %add3A_576 : i32 to index
      %get3A_603 = arith.constant 80 : index
      %get3A_604 = tpu.vector_load %arg8[%get3A_602, %get3A_603] {strides = array<i32>} : memref<256x96xf32, #tpu.memory_space<vmem>>, vector<16xf32>,
      %mul3A_605 = arith.mulf %broadcast_in_dim3A_572, %get3A_604 : vector<16xf32>
      %add3A_606 = arith.addf %add3A_569, %mul3A_605 : vector<16xf32>
      %slice3A_607 = vector.extract_strided_slice %get3A_349 {offsets = [7], sizes = [1], strides = [1]} : vector<16xf32> to vector<1xf32>
      %squeeze3A_608 = vector.extract %slice3A_607[0] : f32 from vector<1xf32>
      %broadcast_in_dim3A_609 = vector.broadcast %squeeze3A_608 : f32 to vector<16xf32>
      %mul3A_610 = arith.constant 16 : i32
      %mul3A_611 = arith.muli %scan3A_340, %mul3A_610 : i32
      %add3A_612 = arith.constant 7 : i32
      %add3A_613 = arith.addi %mul3A_611, %add3A_612 : i32
      %get3A_614 = arith.index_cast %add3A_613 : i32 to index
      %get3A_615 = arith.constant 0 : index
      %get3A_616 = tpu.vector_load %arg8[%get3A_614, %get3A_615] {strides = array<i32>} : memref<256x96xf32, #tpu.memory_space<vmem>>, vector<16xf32>,
      %mul3A_617 = arith.mulf %broadcast_in_dim3A_609, %get3A_616 : vector<16xf32>
      %add3A_618 = arith.addf %add3A_581, %mul3A_617 : vector<16xf32>
      %get3A_619 = arith.index_cast %add3A_613 : i32 to index
      %get3A_620 = arith.constant 16 : index
      %get3A_621 = tpu.vector_load %arg8[%get3A_619, %get3A_620] {strides = array<i32>} : memref<256x96xf32, #tpu.memory_space<vmem>>, vector<16xf32>,
      %mul3A_622 = arith.mulf %broadcast_in_dim3A_609, %get3A_621 : vector<16xf32>
      %add3A_623 = arith.addf %add3A_586, %mul3A_622 : vector<16xf32>
      %get3A_624 = arith.index_cast %add3A_613 : i32 to index
      %get3A_625 = arith.constant 32 : index
      %get3A_626 = tpu.vector_load %arg8[%get3A_624, %get3A_625] {strides = array<i32>} : memref<256x96xf32, #tpu.memory_space<vmem>>, vector<16xf32>,
      %mul3A_627 = arith.mulf %broadcast_in_dim3A_609, %get3A_626 : vector<16xf32>
      %add3A_628 = arith.addf %add3A_591, %mul3A_627 : vector<16xf32>
      %get3A_629 = arith.index_cast %add3A_613 : i32 to index
      %get3A_630 = arith.constant 48 : index
      %get3A_631 = tpu.vector_load %arg8[%get3A_629, %get3A_630] {strides = array<i32>} : memref<256x96xf32, #tpu.memory_space<vmem>>, vector<16xf32>,
      %mul3A_632 = arith.mulf %broadcast_in_dim3A_609, %get3A_631 : vector<16xf32>
      %add3A_633 = arith.addf %add3A_596, %mul3A_632 : vector<16xf32>
      %get3A_634 = arith.index_cast %add3A_613 : i32 to index
      %get3A_635 = arith.constant 64 : index
      %get3A_636 = tpu.vector_load %arg8[%get3A_634, %get3A_635] {strides = array<i32>} : memref<256x96xf32, #tpu.memory_space<vmem>>, vector<16xf32>,
      %mul3A_637 = arith.mulf %broadcast_in_dim3A_609, %get3A_636 : vector<16xf32>
      %add3A_638 = arith.addf %add3A_601, %mul3A_637 : vector<16xf32>
      %get3A_639 = arith.index_cast %add3A_613 : i32 to index
      %get3A_640 = arith.constant 80 : index
      %get3A_641 = tpu.vector_load %arg8[%get3A_639, %get3A_640] {strides = array<i32>} : memref<256x96xf32, #tpu.memory_space<vmem>>, vector<16xf32>,
      %mul3A_642 = arith.mulf %broadcast_in_dim3A_609, %get3A_641 : vector<16xf32>
      %add3A_643 = arith.addf %add3A_606, %mul3A_642 : vector<16xf32>
      %slice3A_644 = vector.extract_strided_slice %get3A_349 {offsets = [8], sizes = [1], strides = [1]} : vector<16xf32> to vector<1xf32>
      %squeeze3A_645 = vector.extract %slice3A_644[0] : f32 from vector<1xf32>
      %broadcast_in_dim3A_646 = vector.broadcast %squeeze3A_645 : f32 to vector<16xf32>
      %mul3A_647 = arith.constant 16 : i32
      %mul3A_648 = arith.muli %scan3A_340, %mul3A_647 : i32
      %add3A_649 = arith.constant 8 : i32
      %add3A_650 = arith.addi %mul3A_648, %add3A_649 : i32
      %get3A_651 = arith.index_cast %add3A_650 : i32 to index
      %get3A_652 = arith.constant 0 : index
      %get3A_653 = tpu.vector_load %arg8[%get3A_651, %get3A_652] {strides = array<i32>} : memref<256x96xf32, #tpu.memory_space<vmem>>, vector<16xf32>,
      %mul3A_654 = arith.mulf %broadcast_in_dim3A_646, %get3A_653 : vector<16xf32>
      %add3A_655 = arith.addf %add3A_618, %mul3A_654 : vector<16xf32>
      %get3A_656 = arith.index_cast %add3A_650 : i32 to index
      %get3A_657 = arith.constant 16 : index
      %get3A_658 = tpu.vector_load %arg8[%get3A_656, %get3A_657] {strides = array<i32>} : memref<256x96xf32, #tpu.memory_space<vmem>>, vector<16xf32>,
      %mul3A_659 = arith.mulf %broadcast_in_dim3A_646, %get3A_658 : vector<16xf32>
      %add3A_660 = arith.addf %add3A_623, %mul3A_659 : vector<16xf32>
      %get3A_661 = arith.index_cast %add3A_650 : i32 to index
      %get3A_662 = arith.constant 32 : index
      %get3A_663 = tpu.vector_load %arg8[%get3A_661, %get3A_662] {strides = array<i32>} : memref<256x96xf32, #tpu.memory_space<vmem>>, vector<16xf32>,
      %mul3A_664 = arith.mulf %broadcast_in_dim3A_646, %get3A_663 : vector<16xf32>
      %add3A_665 = arith.addf %add3A_628, %mul3A_664 : vector<16xf32>
      %get3A_666 = arith.index_cast %add3A_650 : i32 to index
      %get3A_667 = arith.constant 48 : index
      %get3A_668 = tpu.vector_load %arg8[%get3A_666, %get3A_667] {strides = array<i32>} : memref<256x96xf32, #tpu.memory_space<vmem>>, vector<16xf32>,
      %mul3A_669 = arith.mulf %broadcast_in_dim3A_646, %get3A_668 : vector<16xf32>
      %add3A_670 = arith.addf %add3A_633, %mul3A_669 : vector<16xf32>
      %get3A_671 = arith.index_cast %add3A_650 : i32 to index
      %get3A_672 = arith.constant 64 : index
      %get3A_673 = tpu.vector_load %arg8[%get3A_671, %get3A_672] {strides = array<i32>} : memref<256x96xf32, #tpu.memory_space<vmem>>, vector<16xf32>,
      %mul3A_674 = arith.mulf %broadcast_in_dim3A_646, %get3A_673 : vector<16xf32>
      %add3A_675 = arith.addf %add3A_638, %mul3A_674 : vector<16xf32>
      %get3A_676 = arith.index_cast %add3A_650 : i32 to index
      %get3A_677 = arith.constant 80 : index
      %get3A_678 = tpu.vector_load %arg8[%get3A_676, %get3A_677] {strides = array<i32>} : memref<256x96xf32, #tpu.memory_space<vmem>>, vector<16xf32>,
      %mul3A_679 = arith.mulf %broadcast_in_dim3A_646, %get3A_678 : vector<16xf32>
      %add3A_680 = arith.addf %add3A_643, %mul3A_679 : vector<16xf32>
      %slice3A_681 = vector.extract_strided_slice %get3A_349 {offsets = [9], sizes = [1], strides = [1]} : vector<16xf32> to vector<1xf32>
      %squeeze3A_682 = vector.extract %slice3A_681[0] : f32 from vector<1xf32>
      %broadcast_in_dim3A_683 = vector.broadcast %squeeze3A_682 : f32 to vector<16xf32>
      %mul3A_684 = arith.constant 16 : i32
      %mul3A_685 = arith.muli %scan3A_340, %mul3A_684 : i32
      %add3A_686 = arith.constant 9 : i32
      %add3A_687 = arith.addi %mul3A_685, %add3A_686 : i32
      %get3A_688 = arith.index_cast %add3A_687 : i32 to index
      %get3A_689 = arith.constant 0 : index
      %get3A_690 = tpu.vector_load %arg8[%get3A_688, %get3A_689] {strides = array<i32>} : memref<256x96xf32, #tpu.memory_space<vmem>>, vector<16xf32>,
      %mul3A_691 = arith.mulf %broadcast_in_dim3A_683, %get3A_690 : vector<16xf32>
      %add3A_692 = arith.addf %add3A_655, %mul3A_691 : vector<16xf32>
      %get3A_693 = arith.index_cast %add3A_687 : i32 to index
      %get3A_694 = arith.constant 16 : index
      %get3A_695 = tpu.vector_load %arg8[%get3A_693, %get3A_694] {strides = array<i32>} : memref<256x96xf32, #tpu.memory_space<vmem>>, vector<16xf32>,
      %mul3A_696 = arith.mulf %broadcast_in_dim3A_683, %get3A_695 : vector<16xf32>
      %add3A_697 = arith.addf %add3A_660, %mul3A_696 : vector<16xf32>
      %get3A_698 = arith.index_cast %add3A_687 : i32 to index
      %get3A_699 = arith.constant 32 : index
      %get3A_700 = tpu.vector_load %arg8[%get3A_698, %get3A_699] {strides = array<i32>} : memref<256x96xf32, #tpu.memory_space<vmem>>, vector<16xf32>,
      %mul3A_701 = arith.mulf %broadcast_in_dim3A_683, %get3A_700 : vector<16xf32>
      %add3A_702 = arith.addf %add3A_665, %mul3A_701 : vector<16xf32>
      %get3A_703 = arith.index_cast %add3A_687 : i32 to index
      %get3A_704 = arith.constant 48 : index
      %get3A_705 = tpu.vector_load %arg8[%get3A_703, %get3A_704] {strides = array<i32>} : memref<256x96xf32, #tpu.memory_space<vmem>>, vector<16xf32>,
      %mul3A_706 = arith.mulf %broadcast_in_dim3A_683, %get3A_705 : vector<16xf32>
      %add3A_707 = arith.addf %add3A_670, %mul3A_706 : vector<16xf32>
      %get3A_708 = arith.index_cast %add3A_687 : i32 to index
      %get3A_709 = arith.constant 64 : index
      %get3A_710 = tpu.vector_load %arg8[%get3A_708, %get3A_709] {strides = array<i32>} : memref<256x96xf32, #tpu.memory_space<vmem>>, vector<16xf32>,
      %mul3A_711 = arith.mulf %broadcast_in_dim3A_683, %get3A_710 : vector<16xf32>
      %add3A_712 = arith.addf %add3A_675, %mul3A_711 : vector<16xf32>
      %get3A_713 = arith.index_cast %add3A_687 : i32 to index
      %get3A_714 = arith.constant 80 : index
      %get3A_715 = tpu.vector_load %arg8[%get3A_713, %get3A_714] {strides = array<i32>} : memref<256x96xf32, #tpu.memory_space<vmem>>, vector<16xf32>,
      %mul3A_716 = arith.mulf %broadcast_in_dim3A_683, %get3A_715 : vector<16xf32>
      %add3A_717 = arith.addf %add3A_680, %mul3A_716 : vector<16xf32>
      %slice3A_718 = vector.extract_strided_slice %get3A_349 {offsets = [10], sizes = [1], strides = [1]} : vector<16xf32> to vector<1xf32>
      %squeeze3A_719 = vector.extract %slice3A_718[0] : f32 from vector<1xf32>
      %broadcast_in_dim3A_720 = vector.broadcast %squeeze3A_719 : f32 to vector<16xf32>
      %mul3A_721 = arith.constant 16 : i32
      %mul3A_722 = arith.muli %scan3A_340, %mul3A_721 : i32
      %add3A_723 = arith.constant 10 : i32
      %add3A_724 = arith.addi %mul3A_722, %add3A_723 : i32
      %get3A_725 = arith.index_cast %add3A_724 : i32 to index
      %get3A_726 = arith.constant 0 : index
      %get3A_727 = tpu.vector_load %arg8[%get3A_725, %get3A_726] {strides = array<i32>} : memref<256x96xf32, #tpu.memory_space<vmem>>, vector<16xf32>,
      %mul3A_728 = arith.mulf %broadcast_in_dim3A_720, %get3A_727 : vector<16xf32>
      %add3A_729 = arith.addf %add3A_692, %mul3A_728 : vector<16xf32>
      %get3A_730 = arith.index_cast %add3A_724 : i32 to index
      %get3A_731 = arith.constant 16 : index
      %get3A_732 = tpu.vector_load %arg8[%get3A_730, %get3A_731] {strides = array<i32>} : memref<256x96xf32, #tpu.memory_space<vmem>>, vector<16xf32>,
      %mul3A_733 = arith.mulf %broadcast_in_dim3A_720, %get3A_732 : vector<16xf32>
      %add3A_734 = arith.addf %add3A_697, %mul3A_733 : vector<16xf32>
      %get3A_735 = arith.index_cast %add3A_724 : i32 to index
      %get3A_736 = arith.constant 32 : index
      %get3A_737 = tpu.vector_load %arg8[%get3A_735, %get3A_736] {strides = array<i32>} : memref<256x96xf32, #tpu.memory_space<vmem>>, vector<16xf32>,
      %mul3A_738 = arith.mulf %broadcast_in_dim3A_720, %get3A_737 : vector<16xf32>
      %add3A_739 = arith.addf %add3A_702, %mul3A_738 : vector<16xf32>
      %get3A_740 = arith.index_cast %add3A_724 : i32 to index
      %get3A_741 = arith.constant 48 : index
      %get3A_742 = tpu.vector_load %arg8[%get3A_740, %get3A_741] {strides = array<i32>} : memref<256x96xf32, #tpu.memory_space<vmem>>, vector<16xf32>,
      %mul3A_743 = arith.mulf %broadcast_in_dim3A_720, %get3A_742 : vector<16xf32>
      %add3A_744 = arith.addf %add3A_707, %mul3A_743 : vector<16xf32>
      %get3A_745 = arith.index_cast %add3A_724 : i32 to index
      %get3A_746 = arith.constant 64 : index
      %get3A_747 = tpu.vector_load %arg8[%get3A_745, %get3A_746] {strides = array<i32>} : memref<256x96xf32, #tpu.memory_space<vmem>>, vector<16xf32>,
      %mul3A_748 = arith.mulf %broadcast_in_dim3A_720, %get3A_747 : vector<16xf32>
      %add3A_749 = arith.addf %add3A_712, %mul3A_748 : vector<16xf32>
      %get3A_750 = arith.index_cast %add3A_724 : i32 to index
      %get3A_751 = arith.constant 80 : index
      %get3A_752 = tpu.vector_load %arg8[%get3A_750, %get3A_751] {strides = array<i32>} : memref<256x96xf32, #tpu.memory_space<vmem>>, vector<16xf32>,
      %mul3A_753 = arith.mulf %broadcast_in_dim3A_720, %get3A_752 : vector<16xf32>
      %add3A_754 = arith.addf %add3A_717, %mul3A_753 : vector<16xf32>
      %slice3A_755 = vector.extract_strided_slice %get3A_349 {offsets = [11], sizes = [1], strides = [1]} : vector<16xf32> to vector<1xf32>
      %squeeze3A_756 = vector.extract %slice3A_755[0] : f32 from vector<1xf32>
      %broadcast_in_dim3A_757 = vector.broadcast %squeeze3A_756 : f32 to vector<16xf32>
      %mul3A_758 = arith.constant 16 : i32
      %mul3A_759 = arith.muli %scan3A_340, %mul3A_758 : i32
      %add3A_760 = arith.constant 11 : i32
      %add3A_761 = arith.addi %mul3A_759, %add3A_760 : i32
      %get3A_762 = arith.index_cast %add3A_761 : i32 to index
      %get3A_763 = arith.constant 0 : index
      %get3A_764 = tpu.vector_load %arg8[%get3A_762, %get3A_763] {strides = array<i32>} : memref<256x96xf32, #tpu.memory_space<vmem>>, vector<16xf32>,
      %mul3A_765 = arith.mulf %broadcast_in_dim3A_757, %get3A_764 : vector<16xf32>
      %add3A_766 = arith.addf %add3A_729, %mul3A_765 : vector<16xf32>
      %get3A_767 = arith.index_cast %add3A_761 : i32 to index
      %get3A_768 = arith.constant 16 : index
      %get3A_769 = tpu.vector_load %arg8[%get3A_767, %get3A_768] {strides = array<i32>} : memref<256x96xf32, #tpu.memory_space<vmem>>, vector<16xf32>,
      %mul3A_770 = arith.mulf %broadcast_in_dim3A_757, %get3A_769 : vector<16xf32>
      %add3A_771 = arith.addf %add3A_734, %mul3A_770 : vector<16xf32>
      %get3A_772 = arith.index_cast %add3A_761 : i32 to index
      %get3A_773 = arith.constant 32 : index
      %get3A_774 = tpu.vector_load %arg8[%get3A_772, %get3A_773] {strides = array<i32>} : memref<256x96xf32, #tpu.memory_space<vmem>>, vector<16xf32>,
      %mul3A_775 = arith.mulf %broadcast_in_dim3A_757, %get3A_774 : vector<16xf32>
      %add3A_776 = arith.addf %add3A_739, %mul3A_775 : vector<16xf32>
      %get3A_777 = arith.index_cast %add3A_761 : i32 to index
      %get3A_778 = arith.constant 48 : index
      %get3A_779 = tpu.vector_load %arg8[%get3A_777, %get3A_778] {strides = array<i32>} : memref<256x96xf32, #tpu.memory_space<vmem>>, vector<16xf32>,
      %mul3A_780 = arith.mulf %broadcast_in_dim3A_757, %get3A_779 : vector<16xf32>
      %add3A_781 = arith.addf %add3A_744, %mul3A_780 : vector<16xf32>
      %get3A_782 = arith.index_cast %add3A_761 : i32 to index
      %get3A_783 = arith.constant 64 : index
      %get3A_784 = tpu.vector_load %arg8[%get3A_782, %get3A_783] {strides = array<i32>} : memref<256x96xf32, #tpu.memory_space<vmem>>, vector<16xf32>,
      %mul3A_785 = arith.mulf %broadcast_in_dim3A_757, %get3A_784 : vector<16xf32>
      %add3A_786 = arith.addf %add3A_749, %mul3A_785 : vector<16xf32>
      %get3A_787 = arith.index_cast %add3A_761 : i32 to index
      %get3A_788 = arith.constant 80 : index
      %get3A_789 = tpu.vector_load %arg8[%get3A_787, %get3A_788] {strides = array<i32>} : memref<256x96xf32, #tpu.memory_space<vmem>>, vector<16xf32>,
      %mul3A_790 = arith.mulf %broadcast_in_dim3A_757, %get3A_789 : vector<16xf32>
      %add3A_791 = arith.addf %add3A_754, %mul3A_790 : vector<16xf32>
      %slice3A_792 = vector.extract_strided_slice %get3A_349 {offsets = [12], sizes = [1], strides = [1]} : vector<16xf32> to vector<1xf32>
      %squeeze3A_793 = vector.extract %slice3A_792[0] : f32 from vector<1xf32>
      %broadcast_in_dim3A_794 = vector.broadcast %squeeze3A_793 : f32 to vector<16xf32>
      %mul3A_795 = arith.constant 16 : i32
      %mul3A_796 = arith.muli %scan3A_340, %mul3A_795 : i32
      %add3A_797 = arith.constant 12 : i32
      %add3A_798 = arith.addi %mul3A_796, %add3A_797 : i32
      %get3A_799 = arith.index_cast %add3A_798 : i32 to index
      %get3A_800 = arith.constant 0 : index
      %get3A_801 = tpu.vector_load %arg8[%get3A_799, %get3A_800] {strides = array<i32>} : memref<256x96xf32, #tpu.memory_space<vmem>>, vector<16xf32>,
      %mul3A_802 = arith.mulf %broadcast_in_dim3A_794, %get3A_801 : vector<16xf32>
      %add3A_803 = arith.addf %add3A_766, %mul3A_802 : vector<16xf32>
      %get3A_804 = arith.index_cast %add3A_798 : i32 to index
      %get3A_805 = arith.constant 16 : index
      %get3A_806 = tpu.vector_load %arg8[%get3A_804, %get3A_805] {strides = array<i32>} : memref<256x96xf32, #tpu.memory_space<vmem>>, vector<16xf32>,
      %mul3A_807 = arith.mulf %broadcast_in_dim3A_794, %get3A_806 : vector<16xf32>
      %add3A_808 = arith.addf %add3A_771, %mul3A_807 : vector<16xf32>
      %get3A_809 = arith.index_cast %add3A_798 : i32 to index
      %get3A_810 = arith.constant 32 : index
      %get3A_811 = tpu.vector_load %arg8[%get3A_809, %get3A_810] {strides = array<i32>} : memref<256x96xf32, #tpu.memory_space<vmem>>, vector<16xf32>,
      %mul3A_812 = arith.mulf %broadcast_in_dim3A_794, %get3A_811 : vector<16xf32>
      %add3A_813 = arith.addf %add3A_776, %mul3A_812 : vector<16xf32>
      %get3A_814 = arith.index_cast %add3A_798 : i32 to index
      %get3A_815 = arith.constant 48 : index
      %get3A_816 = tpu.vector_load %arg8[%get3A_814, %get3A_815] {strides = array<i32>} : memref<256x96xf32, #tpu.memory_space<vmem>>, vector<16xf32>,
      %mul3A_817 = arith.mulf %broadcast_in_dim3A_794, %get3A_816 : vector<16xf32>
      %add3A_818 = arith.addf %add3A_781, %mul3A_817 : vector<16xf32>
      %get3A_819 = arith.index_cast %add3A_798 : i32 to index
      %get3A_820 = arith.constant 64 : index
      %get3A_821 = tpu.vector_load %arg8[%get3A_819, %get3A_820] {strides = array<i32>} : memref<256x96xf32, #tpu.memory_space<vmem>>, vector<16xf32>,
      %mul3A_822 = arith.mulf %broadcast_in_dim3A_794, %get3A_821 : vector<16xf32>
      %add3A_823 = arith.addf %add3A_786, %mul3A_822 : vector<16xf32>
      %get3A_824 = arith.index_cast %add3A_798 : i32 to index
      %get3A_825 = arith.constant 80 : index
      %get3A_826 = tpu.vector_load %arg8[%get3A_824, %get3A_825] {strides = array<i32>} : memref<256x96xf32, #tpu.memory_space<vmem>>, vector<16xf32>,
      %mul3A_827 = arith.mulf %broadcast_in_dim3A_794, %get3A_826 : vector<16xf32>
      %add3A_828 = arith.addf %add3A_791, %mul3A_827 : vector<16xf32>
      %slice3A_829 = vector.extract_strided_slice %get3A_349 {offsets = [13], sizes = [1], strides = [1]} : vector<16xf32> to vector<1xf32>
      %squeeze3A_830 = vector.extract %slice3A_829[0] : f32 from vector<1xf32>
      %broadcast_in_dim3A_831 = vector.broadcast %squeeze3A_830 : f32 to vector<16xf32>
      %mul3A_832 = arith.constant 16 : i32
      %mul3A_833 = arith.muli %scan3A_340, %mul3A_832 : i32
      %add3A_834 = arith.constant 13 : i32
      %add3A_835 = arith.addi %mul3A_833, %add3A_834 : i32
      %get3A_836 = arith.index_cast %add3A_835 : i32 to index
      %get3A_837 = arith.constant 0 : index
      %get3A_838 = tpu.vector_load %arg8[%get3A_836, %get3A_837] {strides = array<i32>} : memref<256x96xf32, #tpu.memory_space<vmem>>, vector<16xf32>,
      %mul3A_839 = arith.mulf %broadcast_in_dim3A_831, %get3A_838 : vector<16xf32>
      %add3A_840 = arith.addf %add3A_803, %mul3A_839 : vector<16xf32>
      %get3A_841 = arith.index_cast %add3A_835 : i32 to index
      %get3A_842 = arith.constant 16 : index
      %get3A_843 = tpu.vector_load %arg8[%get3A_841, %get3A_842] {strides = array<i32>} : memref<256x96xf32, #tpu.memory_space<vmem>>, vector<16xf32>,
      %mul3A_844 = arith.mulf %broadcast_in_dim3A_831, %get3A_843 : vector<16xf32>
      %add3A_845 = arith.addf %add3A_808, %mul3A_844 : vector<16xf32>
      %get3A_846 = arith.index_cast %add3A_835 : i32 to index
      %get3A_847 = arith.constant 32 : index
      %get3A_848 = tpu.vector_load %arg8[%get3A_846, %get3A_847] {strides = array<i32>} : memref<256x96xf32, #tpu.memory_space<vmem>>, vector<16xf32>,
      %mul3A_849 = arith.mulf %broadcast_in_dim3A_831, %get3A_848 : vector<16xf32>
      %add3A_850 = arith.addf %add3A_813, %mul3A_849 : vector<16xf32>
      %get3A_851 = arith.index_cast %add3A_835 : i32 to index
      %get3A_852 = arith.constant 48 : index
      %get3A_853 = tpu.vector_load %arg8[%get3A_851, %get3A_852] {strides = array<i32>} : memref<256x96xf32, #tpu.memory_space<vmem>>, vector<16xf32>,
      %mul3A_854 = arith.mulf %broadcast_in_dim3A_831, %get3A_853 : vector<16xf32>
      %add3A_855 = arith.addf %add3A_818, %mul3A_854 : vector<16xf32>
      %get3A_856 = arith.index_cast %add3A_835 : i32 to index
      %get3A_857 = arith.constant 64 : index
      %get3A_858 = tpu.vector_load %arg8[%get3A_856, %get3A_857] {strides = array<i32>} : memref<256x96xf32, #tpu.memory_space<vmem>>, vector<16xf32>,
      %mul3A_859 = arith.mulf %broadcast_in_dim3A_831, %get3A_858 : vector<16xf32>
      %add3A_860 = arith.addf %add3A_823, %mul3A_859 : vector<16xf32>
      %get3A_861 = arith.index_cast %add3A_835 : i32 to index
      %get3A_862 = arith.constant 80 : index
      %get3A_863 = tpu.vector_load %arg8[%get3A_861, %get3A_862] {strides = array<i32>} : memref<256x96xf32, #tpu.memory_space<vmem>>, vector<16xf32>,
      %mul3A_864 = arith.mulf %broadcast_in_dim3A_831, %get3A_863 : vector<16xf32>
      %add3A_865 = arith.addf %add3A_828, %mul3A_864 : vector<16xf32>
      %slice3A_866 = vector.extract_strided_slice %get3A_349 {offsets = [14], sizes = [1], strides = [1]} : vector<16xf32> to vector<1xf32>
      %squeeze3A_867 = vector.extract %slice3A_866[0] : f32 from vector<1xf32>
      %broadcast_in_dim3A_868 = vector.broadcast %squeeze3A_867 : f32 to vector<16xf32>
      %mul3A_869 = arith.constant 16 : i32
      %mul3A_870 = arith.muli %scan3A_340, %mul3A_869 : i32
      %add3A_871 = arith.constant 14 : i32
      %add3A_872 = arith.addi %mul3A_870, %add3A_871 : i32
      %get3A_873 = arith.index_cast %add3A_872 : i32 to index
      %get3A_874 = arith.constant 0 : index
      %get3A_875 = tpu.vector_load %arg8[%get3A_873, %get3A_874] {strides = array<i32>} : memref<256x96xf32, #tpu.memory_space<vmem>>, vector<16xf32>,
      %mul3A_876 = arith.mulf %broadcast_in_dim3A_868, %get3A_875 : vector<16xf32>
      %add3A_877 = arith.addf %add3A_840, %mul3A_876 : vector<16xf32>
      %get3A_878 = arith.index_cast %add3A_872 : i32 to index
      %get3A_879 = arith.constant 16 : index
      %get3A_880 = tpu.vector_load %arg8[%get3A_878, %get3A_879] {strides = array<i32>} : memref<256x96xf32, #tpu.memory_space<vmem>>, vector<16xf32>,
      %mul3A_881 = arith.mulf %broadcast_in_dim3A_868, %get3A_880 : vector<16xf32>
      %add3A_882 = arith.addf %add3A_845, %mul3A_881 : vector<16xf32>
      %get3A_883 = arith.index_cast %add3A_872 : i32 to index
      %get3A_884 = arith.constant 32 : index
      %get3A_885 = tpu.vector_load %arg8[%get3A_883, %get3A_884] {strides = array<i32>} : memref<256x96xf32, #tpu.memory_space<vmem>>, vector<16xf32>,
      %mul3A_886 = arith.mulf %broadcast_in_dim3A_868, %get3A_885 : vector<16xf32>
      %add3A_887 = arith.addf %add3A_850, %mul3A_886 : vector<16xf32>
      %get3A_888 = arith.index_cast %add3A_872 : i32 to index
      %get3A_889 = arith.constant 48 : index
      %get3A_890 = tpu.vector_load %arg8[%get3A_888, %get3A_889] {strides = array<i32>} : memref<256x96xf32, #tpu.memory_space<vmem>>, vector<16xf32>,
      %mul3A_891 = arith.mulf %broadcast_in_dim3A_868, %get3A_890 : vector<16xf32>
      %add3A_892 = arith.addf %add3A_855, %mul3A_891 : vector<16xf32>
      %get3A_893 = arith.index_cast %add3A_872 : i32 to index
      %get3A_894 = arith.constant 64 : index
      %get3A_895 = tpu.vector_load %arg8[%get3A_893, %get3A_894] {strides = array<i32>} : memref<256x96xf32, #tpu.memory_space<vmem>>, vector<16xf32>,
      %mul3A_896 = arith.mulf %broadcast_in_dim3A_868, %get3A_895 : vector<16xf32>
      %add3A_897 = arith.addf %add3A_860, %mul3A_896 : vector<16xf32>
      %get3A_898 = arith.index_cast %add3A_872 : i32 to index
      %get3A_899 = arith.constant 80 : index
      %get3A_900 = tpu.vector_load %arg8[%get3A_898, %get3A_899] {strides = array<i32>} : memref<256x96xf32, #tpu.memory_space<vmem>>, vector<16xf32>,
      %mul3A_901 = arith.mulf %broadcast_in_dim3A_868, %get3A_900 : vector<16xf32>
      %add3A_902 = arith.addf %add3A_865, %mul3A_901 : vector<16xf32>
      %slice3A_903 = vector.extract_strided_slice %get3A_349 {offsets = [15], sizes = [1], strides = [1]} : vector<16xf32> to vector<1xf32>
      %squeeze3A_904 = vector.extract %slice3A_903[0] : f32 from vector<1xf32>
      %broadcast_in_dim3A_905 = vector.broadcast %squeeze3A_904 : f32 to vector<16xf32>
      %mul3A_906 = arith.constant 16 : i32
      %mul3A_907 = arith.muli %scan3A_340, %mul3A_906 : i32
      %add3A_908 = arith.constant 15 : i32
      %add3A_909 = arith.addi %mul3A_907, %add3A_908 : i32
      %get3A_910 = arith.index_cast %add3A_909 : i32 to index
      %get3A_911 = arith.constant 0 : index
      %get3A_912 = tpu.vector_load %arg8[%get3A_910, %get3A_911] {strides = array<i32>} : memref<256x96xf32, #tpu.memory_space<vmem>>, vector<16xf32>,
      %mul3A_913 = arith.mulf %broadcast_in_dim3A_905, %get3A_912 : vector<16xf32>
      %add3A_914 = arith.addf %add3A_877, %mul3A_913 : vector<16xf32>
      %get3A_915 = arith.index_cast %add3A_909 : i32 to index
      %get3A_916 = arith.constant 16 : index
      %get3A_917 = tpu.vector_load %arg8[%get3A_915, %get3A_916] {strides = array<i32>} : memref<256x96xf32, #tpu.memory_space<vmem>>, vector<16xf32>,
      %mul3A_918 = arith.mulf %broadcast_in_dim3A_905, %get3A_917 : vector<16xf32>
      %add3A_919 = arith.addf %add3A_882, %mul3A_918 : vector<16xf32>
      %get3A_920 = arith.index_cast %add3A_909 : i32 to index
      %get3A_921 = arith.constant 32 : index
      %get3A_922 = tpu.vector_load %arg8[%get3A_920, %get3A_921] {strides = array<i32>} : memref<256x96xf32, #tpu.memory_space<vmem>>, vector<16xf32>,
      %mul3A_923 = arith.mulf %broadcast_in_dim3A_905, %get3A_922 : vector<16xf32>
      %add3A_924 = arith.addf %add3A_887, %mul3A_923 : vector<16xf32>
      %get3A_925 = arith.index_cast %add3A_909 : i32 to index
      %get3A_926 = arith.constant 48 : index
      %get3A_927 = tpu.vector_load %arg8[%get3A_925, %get3A_926] {strides = array<i32>} : memref<256x96xf32, #tpu.memory_space<vmem>>, vector<16xf32>,
      %mul3A_928 = arith.mulf %broadcast_in_dim3A_905, %get3A_927 : vector<16xf32>
      %add3A_929 = arith.addf %add3A_892, %mul3A_928 : vector<16xf32>
      %get3A_930 = arith.index_cast %add3A_909 : i32 to index
      %get3A_931 = arith.constant 64 : index
      %get3A_932 = tpu.vector_load %arg8[%get3A_930, %get3A_931] {strides = array<i32>} : memref<256x96xf32, #tpu.memory_space<vmem>>, vector<16xf32>,
      %mul3A_933 = arith.mulf %broadcast_in_dim3A_905, %get3A_932 : vector<16xf32>
      %add3A_934 = arith.addf %add3A_897, %mul3A_933 : vector<16xf32>
      %get3A_935 = arith.index_cast %add3A_909 : i32 to index
      %get3A_936 = arith.constant 80 : index
      %get3A_937 = tpu.vector_load %arg8[%get3A_935, %get3A_936] {strides = array<i32>} : memref<256x96xf32, #tpu.memory_space<vmem>>, vector<16xf32>,
      %mul3A_938 = arith.mulf %broadcast_in_dim3A_905, %get3A_937 : vector<16xf32>
      %add3A_939 = arith.addf %add3A_902, %mul3A_938 : vector<16xf32>
      scf.yield %add3A_914, %add3A_919, %add3A_924, %add3A_929, %add3A_934, %add3A_939 : vector<16xf32>, vector<16xf32>, vector<16xf32>, vector<16xf32>, vector<16xf32>, vector<16xf32>
    }
    %scan3A_327 = arith.constant 16 : i32
    %swap3A_328 = arith.constant 0 : index
    %swap3A_329 = tpu.vector_load %arg9[%swap3A_328] {strides = array<i32>} : memref<96xf32, #tpu.memory_space<vmem>>, vector<16xf32>,
    tpu.vector_store %arg9[%swap3A_328], %scan3A_326#0 {strides = array<i32>} : memref<96xf32, #tpu.memory_space<vmem>>, vector<16xf32>,
    %swap3A_330 = arith.constant 16 : index
    %swap3A_331 = tpu.vector_load %arg9[%swap3A_330] {strides = array<i32>} : memref<96xf32, #tpu.memory_space<vmem>>, vector<16xf32>,
    tpu.vector_store %arg9[%swap3A_330], %scan3A_326#1 {strides = array<i32>} : memref<96xf32, #tpu.memory_space<vmem>>, vector<16xf32>,
    %swap3A_332 = arith.constant 32 : index
    %swap3A_333 = tpu.vector_load %arg9[%swap3A_332] {strides = array<i32>} : memref<96xf32, #tpu.memory_space<vmem>>, vector<16xf32>,
    tpu.vector_store %arg9[%swap3A_332], %scan3A_326#2 {strides = array<i32>} : memref<96xf32, #tpu.memory_space<vmem>>, vector<16xf32>,
    %swap3A_334 = arith.constant 48 : index
    %swap3A_335 = tpu.vector_load %arg9[%swap3A_334] {strides = array<i32>} : memref<96xf32, #tpu.memory_space<vmem>>, vector<16xf32>,
    tpu.vector_store %arg9[%swap3A_334], %scan3A_326#3 {strides = array<i32>} : memref<96xf32, #tpu.memory_space<vmem>>, vector<16xf32>,
    %swap3A_336 = arith.constant 64 : index
    %swap3A_337 = tpu.vector_load %arg9[%swap3A_336] {strides = array<i32>} : memref<96xf32, #tpu.memory_space<vmem>>, vector<16xf32>,
    tpu.vector_store %arg9[%swap3A_336], %scan3A_326#4 {strides = array<i32>} : memref<96xf32, #tpu.memory_space<vmem>>, vector<16xf32>,
    %swap3A_338 = arith.constant 80 : index
    %swap3A_339 = tpu.vector_load %arg9[%swap3A_338] {strides = array<i32>} : memref<96xf32, #tpu.memory_space<vmem>>, vector<16xf32>,
    tpu.vector_store %arg9[%swap3A_338], %scan3A_326#5 {strides = array<i32>} : memref<96xf32, #tpu.memory_space<vmem>>, vector<16xf32>,
    "tpu.region"() ({
      %run_scoped3A = tpu.sem_alloc : memref<!tpu.dma_semaphore, #tpu.memory_space<semaphore_mem>>
      %dma_start3A_340 = arith.constant 0 : i32
      %dma_start3A_341 = tpu.memref_slice %arg4[%add3A_266, %dma_start3A_340] : memref<128x96xf32, #tpu.memory_space<hbm>> -> memref<1x96xf32, #tpu.memory_space<hbm>>
      %dma_start3A_342 = tpu.memref_squeeze %dma_start3A_341 : memref<1x96xf32, #tpu.memory_space<hbm>> -> memref<96xf32, #tpu.memory_space<hbm>>
      %dma_start3A_343 = arith.constant 0 : i32
      %dma_start3A_344 = tpu.memref_slice %arg4[%add3A_266, %dma_start3A_343] : memref<128x96xf32, #tpu.memory_space<hbm>> -> memref<1x96xf32, #tpu.memory_space<hbm>>
      %dma_start3A_345 = tpu.memref_squeeze %dma_start3A_344 : memref<1x96xf32, #tpu.memory_space<hbm>> -> memref<96xf32, #tpu.memory_space<hbm>>
      tpu.enqueue_dma source(%arg9 : memref<96xf32, #tpu.memory_space<vmem>>) target(%dma_start3A_345 : memref<96xf32, #tpu.memory_space<hbm>>) target_semaphore(%run_scoped3A : memref<!tpu.dma_semaphore, #tpu.memory_space<semaphore_mem>>)
      %dma_wait3A_346 = arith.constant 0 : i32
      %dma_wait3A_347 = tpu.memref_slice %arg4[%add3A_266, %dma_wait3A_346] : memref<128x96xf32, #tpu.memory_space<hbm>> -> memref<1x96xf32, #tpu.memory_space<hbm>>
      %dma_wait3A_348 = tpu.memref_squeeze %dma_wait3A_347 : memref<1x96xf32, #tpu.memory_space<hbm>> -> memref<96xf32, #tpu.memory_space<hbm>>
      %dma_wait3A_349 = arith.constant 0 : i32
      %dma_wait3A_350 = tpu.memref_slice %arg4[%add3A_266, %dma_wait3A_349] : memref<128x96xf32, #tpu.memory_space<hbm>> -> memref<1x96xf32, #tpu.memory_space<hbm>>
      %dma_wait3A_351 = tpu.memref_squeeze %dma_wait3A_350 : memref<1x96xf32, #tpu.memory_space<hbm>> -> memref<96xf32, #tpu.memory_space<hbm>>
      tpu.wait_dma2 semaphore(%run_scoped3A : memref<!tpu.dma_semaphore, #tpu.memory_space<semaphore_mem>>) src(%arg9 : memref<96xf32, #tpu.memory_space<vmem>>) dst(%dma_wait3A_351 : memref<96xf32, #tpu.memory_space<hbm>>)
      tpu.yield
    }) : () -> ()
    return
  }
}

module attributes {stable_mosaic.version = 14 : i64} {
  func.func @_weights_body(%arg0: memref<128x1024xf32, #tpu.memory_space<vmem>>, %arg1: memref<128x1024xf32, #tpu.memory_space<vmem>>) attributes {dimension_semantics = [], scalar_prefetch = 0 : i64, scratch_operands = 0 : i64, tpu.core_type = #tpu.core_type<tc>} {
    %get3A = arith.constant 0 : index
    %get3A_0 = arith.constant 0 : index
    %get3A_1 = vector.load %arg0[%get3A, %get3A_0] : memref<128x1024xf32, #tpu.memory_space<vmem>>, vector<128x1024xf32>
    %bitcast_convert_type3A = tpu.bitcast %get3A_1 : vector<128x1024xf32> -> vector<128x1024xi32>
    %lt3A = arith.constant 0 : i32
    %lt3A_2 = vector.broadcast %lt3A : i32 to vector<128x1024xi32>
    %lt3A_3 = arith.cmpi slt, %bitcast_convert_type3A, %lt3A_2 : vector<128x1024xi32>
    %xor3A = arith.constant 2147483647 : i32
    %xor3A_4 = vector.broadcast %xor3A : i32 to vector<128x1024xi32>
    %xor3A_5 = arith.xori %bitcast_convert_type3A, %xor3A_4 : vector<128x1024xi32>
    %select_n3A = arith.select %lt3A_3, %xor3A_5, %bitcast_convert_type3A : vector<128x1024xi1>, vector<128x1024xi32>
    %ge3A = arith.constant 0 : i32
    %ge3A_6 = vector.broadcast %ge3A : i32 to vector<128x1024xi32>
    %ge3A_7 = arith.cmpi sge, %select_n3A, %ge3A_6 : vector<128x1024xi32>
    %convert_element_type3A = arith.extui %ge3A_7 : vector<128x1024xi1> to vector<128x1024xi32>
    %reduce_sum3A = arith.constant dense<0> : vector<128xi32>
    %reduce_sum3A_8 = vector.multi_reduction <add>, %convert_element_type3A, %reduce_sum3A [1] : vector<128x1024xi32> to vector<128xi32>
    %broadcast_in_dim3A = vector.shape_cast %reduce_sum3A_8 : vector<128xi32> to vector<128x1xi32>
    %ge3A_9 = arith.constant 256 : i32
    %ge3A_10 = vector.broadcast %ge3A_9 : i32 to vector<128x1xi32>
    %ge3A_11 = arith.cmpi sge, %broadcast_in_dim3A, %ge3A_10 : vector<128x1xi32>
    %jit3A = arith.constant 0 : i32
    %jit3A_12 = arith.constant -2147483648 : i32
    %broadcast_in_dim3A_13 = vector.broadcast %jit3A : i32 to vector<128x1xi32>
    %broadcast_in_dim3A_14 = vector.broadcast %jit3A_12 : i32 to vector<128x1xi32>
    %select_n3A_15 = arith.select %ge3A_11, %broadcast_in_dim3A_13, %broadcast_in_dim3A_14 : vector<128x1xi1>, vector<128x1xi32>
    %scan3A = arith.constant 256 : i32
    %scan3A_16 = arith.constant 0 : i32
    %scan3A_17 = arith.constant 31 : i32
    %scan3A_18 = arith.addi %scan3A_16, %scan3A_17 : i32
    %scan3A_19 = arith.constant 1 : i32
    %scan3A_20 = scf.for %scan3A_59 = %scan3A_16 to %scan3A_18 step %scan3A_19 iter_args(%scan3A_60 = %select_n3A_15) -> (vector<128x1xi32>)  : i32 {
      %sub3A_61 = arith.constant 30 : i32
      %sub3A_62 = arith.subi %sub3A_61, %scan3A_59 : i32
      %shift_left3A = arith.constant 1 : i32
      %shift_left3A_63 = arith.shli %shift_left3A, %sub3A_62 : i32
      %or3A_64 = vector.broadcast %shift_left3A_63 : i32 to vector<128x1xi32>
      %or3A_65 = arith.ori %scan3A_60, %or3A_64 : vector<128x1xi32>
      %ge3A_66 = vector.broadcast %or3A_65 : vector<128x1xi32> to vector<128x1024xi32>
      %ge3A_67 = arith.cmpi sge, %select_n3A, %ge3A_66 : vector<128x1024xi32>
      %convert_element_type3A_68 = arith.extui %ge3A_67 : vector<128x1024xi1> to vector<128x1024xi32>
      %reduce_sum3A_69 = arith.constant dense<0> : vector<128xi32>
      %reduce_sum3A_70 = vector.multi_reduction <add>, %convert_element_type3A_68, %reduce_sum3A_69 [1] : vector<128x1024xi32> to vector<128xi32>
      %broadcast_in_dim3A_71 = vector.shape_cast %reduce_sum3A_70 : vector<128xi32> to vector<128x1xi32>
      %ge3A_72 = vector.broadcast %scan3A : i32 to vector<128x1xi32>
      %ge3A_73 = arith.cmpi sge, %broadcast_in_dim3A_71, %ge3A_72 : vector<128x1xi32>
      %select_n3A_74 = arith.select %ge3A_73, %or3A_65, %scan3A_60 : vector<128x1xi1>, vector<128x1xi32>
      scf.yield %select_n3A_74 : vector<128x1xi32>
    }
    %scan3A_21 = arith.constant 31 : i32
    %gt3A = vector.broadcast %scan3A_20 : vector<128x1xi32> to vector<128x1024xi32>
    %gt3A_22 = arith.cmpi sgt, %select_n3A, %gt3A : vector<128x1024xi32>
    %eq3A = vector.broadcast %scan3A_20 : vector<128x1xi32> to vector<128x1024xi32>
    %eq3A_23 = arith.cmpi eq, %select_n3A, %eq3A : vector<128x1024xi32>
    %convert_element_type3A_24 = arith.extui %gt3A_22 : vector<128x1024xi1> to vector<128x1024xi32>
    %reduce_sum3A_25 = arith.constant dense<0> : vector<128xi32>
    %reduce_sum3A_26 = vector.multi_reduction <add>, %convert_element_type3A_24, %reduce_sum3A_25 [1] : vector<128x1024xi32> to vector<128xi32>
    %broadcast_in_dim3A_27 = vector.shape_cast %reduce_sum3A_26 : vector<128xi32> to vector<128x1xi32>
    %sub3A = arith.constant 256 : i32
    %sub3A_28 = vector.broadcast %sub3A : i32 to vector<128x1xi32>
    %sub3A_29 = arith.subi %sub3A_28, %broadcast_in_dim3A_27 : vector<128x1xi32>
    %iota3A = tpu.iota {dimensions = array<i32: 1>} : vector<128x1024xi32>
    %sub3A_30 = arith.constant 1023 : i32
    %sub3A_31 = vector.broadcast %sub3A_30 : i32 to vector<128x1024xi32>
    %sub3A_32 = arith.subi %sub3A_31, %iota3A : vector<128x1024xi32>
    %jit3A_33 = arith.constant -1 : i32
    %broadcast_in_dim3A_34 = vector.broadcast %jit3A_33 : i32 to vector<128x1024xi32>
    %select_n3A_35 = arith.select %eq3A_23, %sub3A_32, %broadcast_in_dim3A_34 : vector<128x1024xi1>, vector<128x1024xi32>
    %broadcast_in_dim3A_36 = arith.constant 0 : i32
    %broadcast_in_dim3A_37 = vector.broadcast %broadcast_in_dim3A_36 : i32 to vector<128x1xi32>
    %scan3A_38 = arith.constant 0 : i32
    %scan3A_39 = arith.constant 10 : i32
    %scan3A_40 = arith.addi %scan3A_38, %scan3A_39 : i32
    %scan3A_41 = arith.constant 1 : i32
    %scan3A_42 = scf.for %scan3A_59 = %scan3A_38 to %scan3A_40 step %scan3A_41 iter_args(%scan3A_60 = %broadcast_in_dim3A_37) -> (vector<128x1xi32>)  : i32 {
      %sub3A_61 = arith.constant 9 : i32
      %sub3A_62 = arith.subi %sub3A_61, %scan3A_59 : i32
      %shift_left3A = arith.constant 1 : i32
      %shift_left3A_63 = arith.shli %shift_left3A, %sub3A_62 : i32
      %or3A_64 = vector.broadcast %shift_left3A_63 : i32 to vector<128x1xi32>
      %or3A_65 = arith.ori %scan3A_60, %or3A_64 : vector<128x1xi32>
      %ge3A_66 = vector.broadcast %or3A_65 : vector<128x1xi32> to vector<128x1024xi32>
      %ge3A_67 = arith.cmpi sge, %select_n3A_35, %ge3A_66 : vector<128x1024xi32>
      %convert_element_type3A_68 = arith.extui %ge3A_67 : vector<128x1024xi1> to vector<128x1024xi32>
      %reduce_sum3A_69 = arith.constant dense<0> : vector<128xi32>
      %reduce_sum3A_70 = vector.multi_reduction <add>, %convert_element_type3A_68, %reduce_sum3A_69 [1] : vector<128x1024xi32> to vector<128xi32>
      %broadcast_in_dim3A_71 = vector.shape_cast %reduce_sum3A_70 : vector<128xi32> to vector<128x1xi32>
      %ge3A_72 = arith.cmpi sge, %broadcast_in_dim3A_71, %sub3A_29 : vector<128x1xi32>
      %select_n3A_73 = arith.select %ge3A_72, %or3A_65, %scan3A_60 : vector<128x1xi1>, vector<128x1xi32>
      scf.yield %select_n3A_73 : vector<128x1xi32>
    }
    %scan3A_43 = arith.constant 10 : i32
    %ge3A_44 = vector.broadcast %scan3A_42 : vector<128x1xi32> to vector<128x1024xi32>
    %ge3A_45 = arith.cmpi sge, %select_n3A_35, %ge3A_44 : vector<128x1024xi32>
    %or3A = arith.ori %gt3A_22, %ge3A_45 : vector<128x1024xi1>
    %reduce_max3A = arith.constant dense<0xFF800000> : vector<128xf32>
    %reduce_max3A_46 = vector.multi_reduction <maximumf>, %get3A_1, %reduce_max3A [1] : vector<128x1024xf32> to vector<128xf32>
    %broadcast_in_dim3A_47 = vector.shape_cast %reduce_max3A_46 : vector<128xf32> to vector<128x1xf32>
    %sub3A_48 = vector.broadcast %broadcast_in_dim3A_47 : vector<128x1xf32> to vector<128x1024xf32>
    %sub3A_49 = arith.subf %get3A_1, %sub3A_48 : vector<128x1024xf32>
    %exp3A = math.exp %sub3A_49 : vector<128x1024xf32>
    %jit3A_50 = arith.constant 0.000000e+00 : f32
    %broadcast_in_dim3A_51 = vector.broadcast %jit3A_50 : f32 to vector<128x1024xf32>
    %select_n3A_52 = arith.select %or3A, %exp3A, %broadcast_in_dim3A_51 : vector<128x1024xi1>, vector<128x1024xf32>
    %reduce_sum3A_53 = arith.constant dense<0.000000e+00> : vector<128xf32>
    %reduce_sum3A_54 = vector.multi_reduction <add>, %select_n3A_52, %reduce_sum3A_53 [1] : vector<128x1024xf32> to vector<128xf32>
    %broadcast_in_dim3A_55 = vector.shape_cast %reduce_sum3A_54 : vector<128xf32> to vector<128x1xf32>
    %div3A = vector.broadcast %broadcast_in_dim3A_55 : vector<128x1xf32> to vector<128x1024xf32>
    %div3A_56 = arith.divf %select_n3A_52, %div3A : vector<128x1024xf32>
    %swap3A = arith.constant 0 : index
    %swap3A_57 = arith.constant 0 : index
    %swap3A_58 = vector.load %arg1[%swap3A, %swap3A_57] : memref<128x1024xf32, #tpu.memory_space<vmem>>, vector<128x1024xf32>
    tpu.vector_store %arg1[%swap3A, %swap3A_57], %div3A_56 {strides = array<i32>} : memref<128x1024xf32, #tpu.memory_space<vmem>>, vector<128x1024xf32>,
    return
  }
}

module attributes {stable_mosaic.version = 14 : i64} {
  func.func @_fc_body(%arg0: memref<128x96xf32, #tpu.memory_space<vmem>>, %arg1: memref<1000x96xf32, #tpu.memory_space<vmem>>, %arg2: memref<1x1000xf32, #tpu.memory_space<vmem>>, %arg3: memref<128x1000xf32, #tpu.memory_space<vmem>>) attributes {dimension_semantics = [], scalar_prefetch = 0 : i64, scratch_operands = 0 : i64, tpu.core_type = #tpu.core_type<tc>} {
    %get3A = arith.constant 0 : index
    %get3A_0 = arith.constant 0 : index
    %get3A_1 = vector.load %arg0[%get3A, %get3A_0] : memref<128x96xf32, #tpu.memory_space<vmem>>, vector<128x96xf32>
    %get3A_2 = arith.constant 0 : index
    %get3A_3 = arith.constant 0 : index
    %get3A_4 = vector.load %arg1[%get3A_2, %get3A_3] : memref<1000x96xf32, #tpu.memory_space<vmem>>, vector<1000x96xf32>
    %dot_general3A = arith.constant dense<0.000000e+00> : vector<128x1000xf32>
    %dot_general3A_5 = tpu.matmul %get3A_1, %get3A_4, %dot_general3A {dimension_numbers = #tpu.dot_dimension_numbers<[1], [1], [0], [0], [0, 0, 1, 0], [], []>, transpose_lhs_hint = false} : vector<128x96xf32>, vector<1000x96xf32>, vector<128x1000xf32> -> vector<128x1000xf32>
    %get3A_6 = arith.constant 0 : index
    %get3A_7 = arith.constant 0 : index
    %get3A_8 = vector.load %arg2[%get3A_6, %get3A_7] : memref<1x1000xf32, #tpu.memory_space<vmem>>, vector<1x1000xf32>
    %add3A = vector.broadcast %get3A_8 : vector<1x1000xf32> to vector<128x1000xf32>
    %add3A_9 = arith.addf %dot_general3A_5, %add3A : vector<128x1000xf32>
    %swap3A = arith.constant 0 : index
    %swap3A_10 = arith.constant 0 : index
    %swap3A_11 = vector.load %arg3[%swap3A, %swap3A_10] : memref<128x1000xf32, #tpu.memory_space<vmem>>, vector<128x1000xf32>
    tpu.vector_store %arg3[%swap3A, %swap3A_10], %add3A_9 {strides = array<i32>} : memref<128x1000xf32, #tpu.memory_space<vmem>>, vector<128x1000xf32>,
    return
  }
}

</mosaic_0001>

<sc_bundles>
// kernel: kernel.5.cloned.1.call-start
scs
__scs_entry_jumppad:
0x0: {  	(pc) =	sbr.rel $0x88, $3  }
0x1: {  	(tag) =	ssettag $0x0;
	lr =	simm.s32 $0x1  }
0x2: {  	[smem:$0x3F9D] =	sst lr;
	_ =	strace $0xD0000000  }
0x3: {  	_ = 	snop  }
0x4: {  	_ = 	snop  }
0x5: {  	_ = 	snop  }
0x6: {  	_ = 	snop  }
0x7: {  	_ = 	snop  }
__scs_overlays_trampoline_lowered:
0x8: {  	[smem:$0x3FAC] =	sst s0  }
0x9: {  	[smem:$0x3FAD] =	sst s1  }
0xa: {  	[smem:$0x3FAE] =	sst s2  }
0xb: {  	[smem:$0x3FAF] =	sst s3  }
0xc: {  	[smem:$0x3FB0] =	sst s4  }
0xd: {  	[smem:$0x3FB1] =	sst s5  }
0xe: {  	[smem:$0x3FB2] =	sst s6  }
0xf: {  	[smem:$0x3FB3] =	sst s7  }
0x10: {  	[smem:$0x3FB4] =	sst s8  }
0x11: {  	[smem:$0x3FB5] =	sst s9;
	s0 =	simm.s32 @!p0 $0x0  }
0x12: {  	s1 =	sld [smem:$0x3F9B];
	s0 =	simm.s32 @p0 $0x1  }
0x13: {  	[smem:$0x3FB6] =	sst s0;
	s0 =	simm.s32 @!p1 $0x0  }
0x14: {  	s2 =	sld [smem:$0x3F9A];
	s0 =	simm.s32 @p1 $0x1  }
0x15: {  	[smem:$0x3FB7] =	sst s0;
	s0 =	simm.s32 @!p2 $0x0  }
0x16: {  	s3 =	sld [smem:$0x3FDB];
	s0 =	simm.s32 @p2 $0x1  }
0x17: {  	s4 =	simm.s32 $0x1BF5;
	[smem:$0x3FB9] =	sst s0  }
0x18: {  	s0 =	sld [smem:$0x3F9C];
	_ =	swait.ge [sflag:s4], $0x0  }
0x19: {  	s7 =	sld [smem:$0x3F9D]  }
0x1a: {  	s8 =	sadd.s32 $0xFFFFE003, lr  }
0x1b: {  	s9 =	sadd.s32 $0xFFFFFEF7, lr;
	s5 =	simm.s32 $0xFFFFFFFF;
	p2 =	slt.u32 s8, $0xFFFFF086  }
0x1c: {  	p1 =	slt.u32 s9, $0xF7A;
	s5 =	simm.s32 @!p2 $0x0  }
0x1d: {  	s5 =	simm.s32 @p1 $0x1;
	p0 =	seq.s32 s7, s2  }
0x1e: {  	s7 =	smul.u32 @!p0 $0xF7A, s2;
	p2 =	seq.s32 @!p0 s5, $0x0  }
0x1f: {  	s9 =	smul.u32 $0xF7A, s1;
	s8 =	simm.s32 @!p0 $0x1BF5;
	p2 =	por !p2, p0  }
0x20: {  	[sflag:s8] =	ssyncset.s32 @!p0 $0xFFFFF086;
	s6 =	sadd.s32 @!p0 s3, s7;
	s7 =	simm.s32 @!p0 $0x108  }
0x21: {  	s3 =	sadd.s32 s3, s9;
	s6 =	sadd.s32 @!p0 $0x88, s6;
	s7 =	simm.s32 @p2 $0x1082  }
0x22: {  	[simem:s7], [sflag:s8] =	dma.local @!p0 [hbm:s6], $0xF7A  }
0x23: {  	s9 =	sor.u32 $0xD0000000, s2;
	s6 =	simm.s32 $0x108;
	_ =	swait.ge @!p0 [sflag:s8], $0x0  }
0x24: {  	s3 =	sadd.s32 $0x88, s3;
	s6 =	simm.s32 @!p1 $0x1082;
	[sflag:s4] =	ssyncset.s32 $0xFFFFF086  }
0x25: {  	[simem:s6], [sflag:s4] =	dma.local [hbm:s3], $0xF7A  }
0x26: {  	[smem:$0x3F9D] =	sst s1;
	(tag) =	ssettag s2;
	_ =	strace s9  }
0x27: {  	s1 =	sld [smem:$0x3FAD]  }
0x28: {  	s2 =	sld [smem:$0x3FAE]  }
0x29: {  	s4 =	sld [smem:$0x3FB0]  }
0x2a: {  	p0 =	seq.s32 s5, $0x0;
	s5 =	sld [smem:$0x3FB1]  }
0x2b: {  	s6 =	sld [smem:$0x3FB2]  }
0x2c: {  	s7 =	sld [smem:$0x3FB3]  }
0x2d: {  	s3 =	simm.s32 $0x108;
	s8 =	sld [smem:$0x3FB4]  }
0x2e: {  	s3 =	simm.s32 @!p0 $0x1082;
	s9 =	sld [smem:$0x3FB5]  }
0x2f: {  	lr =	sadd.s32 s0, s3;
	s0 =	sld [smem:$0x3FAC]  }
0x30: {  	s3 =	sld [smem:$0x3FAF]  }
0x31: {  	[smem:$0x3FB8] =	sst s10  }
0x32: {  	s10 =	sld [smem:$0x3FB6];
	_ =	sdelay $0x3  }
0x33: {  	p0 =	seq.s32 s10, $0x1;
	s10 =	sld [smem:$0x3FB8];
	_ =	sdelay $0x3  }
0x34: {  	[smem:$0x3FB8] =	sst s10  }
0x35: {  	s10 =	sld [smem:$0x3FB7];
	_ =	sdelay $0x3  }
0x36: {  	p1 =	seq.s32 s10, $0x1;
	s10 =	sld [smem:$0x3FB8];
	_ =	sdelay $0x3  }
0x37: {  	[smem:$0x3FB8] =	sst s10  }
0x38: {  	s10 =	sld [smem:$0x3FB9]  }
0x39: {  	_ = 	snop;
	(pc) =	sbr.ind lr, $3  }
0x3a: {  	_ = 	snop  }
0x3b: {  	_ = 	snop  }
0x3c: {  	p2 =	seq.s32 s10, $0x1;
	s10 =	sld [smem:$0x3FB8]  }
0x3d: {  	_ =	shalt  }
0x3e: {  	_ =	shalt  }
0x3f: {  	_ =	shalt  }
0x40: {  	_ =	shalt  }
0x41: {  	_ =	shalt  }
0x42: {  	_ =	shalt  }
0x43: {  	_ =	shalt  }
0x44: {  	_ =	shalt  }
0x45: {  	_ =	shalt  }
0x46: {  	_ =	shalt  }
0x47: {  	_ =	shalt  }
0x48: {  	_ =	shalt  }
0x49: {  	_ =	shalt  }
0x4a: {  	_ =	shalt  }
0x4b: {  	_ =	shalt  }
0x4c: {  	_ =	shalt  }
0x4d: {  	_ =	shalt  }
0x4e: {  	_ =	shalt  }
0x4f: {  	_ =	shalt  }
0x50: {  	_ =	shalt  }
0x51: {  	_ =	shalt  }
0x52: {  	_ =	shalt  }
0x53: {  	_ =	shalt  }
0x54: {  	_ =	shalt  }
0x55: {  	_ =	shalt  }
0x56: {  	_ =	shalt  }
0x57: {  	_ =	shalt  }
0x58: {  	_ =	shalt  }
0x59: {  	_ =	shalt  }
0x5a: {  	_ =	shalt  }
0x5b: {  	_ =	shalt  }
0x5c: {  	_ =	shalt  }
0x5d: {  	_ =	shalt  }
0x5e: {  	_ =	shalt  }
0x5f: {  	_ =	shalt  }
0x60: {  	_ =	shalt  }
0x61: {  	_ =	shalt  }
0x62: {  	_ =	shalt  }
0x63: {  	_ =	shalt  }
0x64: {  	_ =	shalt  }
0x65: {  	_ =	shalt  }
0x66: {  	_ =	shalt  }
0x67: {  	_ =	shalt  }
0x68: {  	_ =	shalt  }
0x69: {  	_ =	shalt  }
0x6a: {  	_ =	shalt  }
0x6b: {  	_ =	shalt  }
0x6c: {  	_ =	shalt  }
0x6d: {  	_ =	shalt  }
0x6e: {  	_ =	shalt  }
0x6f: {  	_ =	shalt  }
0x70: {  	_ =	shalt  }
0x71: {  	_ =	shalt  }
0x72: {  	_ =	shalt  }
0x73: {  	_ =	shalt  }
0x74: {  	_ =	shalt  }
0x75: {  	_ =	shalt  }
0x76: {  	_ =	shalt  }
0x77: {  	_ =	shalt  }
0x78: {  	_ =	shalt  }
0x79: {  	_ =	shalt  }
0x7a: {  	_ =	shalt  }
0x7b: {  	_ =	shalt  }
0x7c: {  	_ =	shalt  }
0x7d: {  	_ =	shalt  }
0x7e: {  	_ =	shalt  }
0x7f: {  	_ =	shalt  }
0x80: {  	_ =	shalt  }
0x81: {  	_ =	shalt  }
0x82: {  	_ =	shalt  }
0x83: {  	_ =	shalt  }
0x84: {  	_ =	shalt  }
0x85: {  	_ =	shalt  }
0x86: {  	_ =	shalt  }
0x87: {  	_ =	shalt  }
.Lfunc_end0:
.L_simem_size_0:
called_computation_lowered:
.L_overlay_start_0:
0x88: {  	s2 =	sld [smem:$0x3FD9]  }
0x89: {  	s3 =	sld [smem:$0x3FFE];
	_ =	sdelay $0x1  }
0x8a: {  	s1 =	srdreg.scid  }
0x8b: {  	s0 =	sand.u32 $0x1, s1  }
0x8c: {  	s17 =	sshll.u32 s0, $0xA;
	s2 =	sadd.s32 s3, s2  }
0x8d: {  	s2 =	sadd.s32 s2, s17  }
0x8e: {  	[smem:$0x3FC4] =	sst s2  }
0x8f: {  	_ = 	snop  }
0x90: {  	s2 =	sld [smem:$0x3FD0];
	(tm) =	ssettm $0x1  }
0x91: {  	s18 =	sld [smem:$0x3FFB];
	_ =	sdelay $0x3  }
0x92: {  	_ =	strace s18  }
0x93: {  	s3 =	sld [smem:$0x3FFC];
	_ =	sdelay $0x3  }
0x94: {  	_ =	strace s3  }
0x95: {  	s3 =	sld [smem:$0x3FFD];
	_ =	sdelay $0x3  }
0x96: {  	_ =	strace s3  }
0x97: {  	_ =	strace $0x8FFFFFFF  }
0x98: {  	s19 =	sld [smem:$0x3FDB];
	_ =	sdelay $0x1  }
0x99: {  	s4 =	simm.s32 $_scs_section_size  }
0x9a: {  	s5 =	simm.s32 $_size__tile_overlayer_lowered;
	s6 =	simm.s32 $_tile_overlayer_lowered  }
0x9b: {  	s22 =	simm.s32 $0x1BFF;
	s21 =	sshll.u32 s6, $0x1;
	s3 =	sadd.s32 s4, s19  }
0x9c: {  	s7 =	simm.s32 $0x0;
	s20 =	sshll.u32 s5, $0x1;
	s5 =	sadd.s32 s21, s3  }
0x9d: {  	[timem:s7], [sflag:s22] =	dma.local [hbm:s5], s20  }
0x9e: {  	_ =	swait.ge [sflag:s22], s20  }
0x9f: {  	s4 =	ssub.s32 $0x0, s20;
	[sflag:s22] =	ssyncset.done $0x0  }
0xa0: {  	[sflag:s22] =	ssyncadd.s32 s4;
	_ =	sdelay $0x1  }
0xa1: {  	s23 =	simm.s32 $0x1B8B  }
0xa2: {  	_ =	swait.ge [sflag:s23], $0x1  }
0xa3: {  	[sflag:s23] =	ssyncset.done $0x0  }
0xa4: {  	s25 =	simm.s32 $0x1B8E;
	s24 =	sld [smem:$0x3FFE];
	[sflag:s23] =	ssyncadd.s32 $0xFFFFFFFF  }
0xa5: {  	s26 =	simm.s32 $execute0_lowered;
	[smem:$0x3FD2] =	sst s25  }
0xa6: {  	s5 =	sshll.u32 s26, $0x1;
	_ =	strace $0x80000046;
	[dreg:$0x1] =	wrdreg $0xFFFFFFFF  }
0xa7: {  	s28 =	simm.s32 $_size_execute0_lowered;
	s3 =	sadd.s32 s3, s5;
	[dreg:$0x0] =	wrdreg $0x0  }
0xa8: {  	s5 =	sshll.u32 s28, $0x1;
	[dreg:$0x2] =	wrdreg s3  }
0xa9: {  	[dreg:$0x3] =	wrdreg s5  }
0xaa: {  	[dreg:$0x4] =	wrdreg $0xC0  }
0xab: {  	_ =	task [dreg:s7], $0x5FFFF  }
0xac: {  	[dreg:$0x1] =	wrdreg $0xFFFFFFFF  }
0xad: {  	[dreg:$0x0] =	wrdreg $0x60  }
0xae: {  	[dreg:$0x2] =	wrdreg s24  }
0xaf: {  	[dreg:$0x3] =	wrdreg s2  }
0xb0: {  	[dreg:$0x4] =	wrdreg $0x9  }
0xb1: {  	_ =	task.clear_ibuf [dreg:s7], $0x5FFFF;
	_ =	strace $0x90000046  }
0xb2: {  	s29 =	simm.s32 $0x9;
	_ =	strace $0x80000048  }
0xb3: {  	_ =	swait.ge [sflag:s29], $0x1  }
0xb4: {  	[sflag:s29] =	ssyncadd.s32 $0xFFFFFFFF  }
0xb5: {  	_ =	strace $0x90000048  }
0xb6: {  	_ =	sfence  }
0xb7: {  	s30 =	sld [smem:$0x0];
	_ =	sdelay $0x2  }
0xb8: {  	s31 =	sshll.u32 s1, $0xD;
	s1 =	sshrl.u32 s1, $0x2  }
0xb9: {  	s3 =	sand.u32 $0x4000, s31;
	s1 =	sadd.s32 s1, s30  }
0xba: {  	s0 =	sor.u32 s3, s0;
	s1 =	sshll.u32 s1, $0x11  }
0xbb: {  	s0 =	sor.u32 s1, s0  }
0xbc: {  	s0 =	sadd.s32 $0x8F2B, s0  }
0xbd: {  	[sflag:s0] =	ssyncadd.remote.s32 $0x1  }
0xbe: {  	_ =	sfence.sel $0xFFFF  }
0xbf: {  	[dreg:$0x0] =	wrdreg $0xFFFFFFFF;
	(pc) =	sbr.abs _section_cstart, $3  }
0xc0: {  	[dreg:$0x1] =	wrdreg $0xFFFFFFFF  }
0xc1: {  	_ =	task.clear_ibuf [dreg:s7], $0x2FFFF;
	_ =	strace $0x9FFFFFFF  }
0xc2: {  	(tm) =	ssettm $0x7FFFFFFF  }
0xc3: {  	_ =	shalt  }
tec
execute0_lowered:
.L_overlay_start_1:
0x0: {  	(tag) =	ssettag $0x1  }
0x1: {  	s3 =	rddreg [dreg:$0x0]  }
0x2: {  	s12 =	rddreg [dreg:$0x1]  }
0x3: {  	s0 =	rddreg [dreg:$0x2];
	s2 =	simm.s32 $0x0;
	s4 =	srdreg.scid  }
0x4: {  	s1 =	stileid.u32;
	s18 =	simm.s32 $0x400;
	s19 =	simm.s32 $0x510  }
0x5: {  	s20 =	simm.s32 $0x80;
	s21 =	simm.s32 $0x620;
	s22 =	simm.s32 $0x480  }
0x6: {  	s23 =	simm.s32 $0x3620;
	s24 =	simm.s32 $0x1;
	s25 =	simm.s32 $0x6620  }
0x7: {  	[smem:$0x7FF] =	sst s2;
	s9 =	sand.u32 $0x1, s4;
	s5 =	sshll.u32 s1, $0x1  }
0x8: {  	s10 =	sadd.s32 $0xA00, s3;
	s3 =	sadd.s32 $0x200A00, s3;
	s16 =	sshll.u32 s1, $0xD  }
0x9: {  	_ =	strace $0x80000047;
	s4 =	ssub.s32 $0x2, s9;
	s8 =	sor.u32 s9, s5  }
0xa: {  	s17 =	sshll.u32 s9, $0xC;
	s6 =	sshrl.u32 s4, $0x1;
	s7 =	sshll.u32 s8, $0x2  }
0xb: {  	s26 =	sshll.u32 s8, $0x9;
	s5 =	smul.u32 $0x30, s8;
	s15 =	sshllo.u32 s8, $0x2  }
0xc: {  	s13 =	ssub.s32 s4, s6;
	s28 =	sor.u32 $0x1, s7;
	s4 =	sadd.s32 s10, s26  }
0xd: {  	s29 =	sor.u32 $0x2, s7;
	s31 =	sshll.u32 s15, $0x7;
	s15 =	smul.u32 $0xC, s15  }
0xe: {  	s26 =	simm.s32 $0x0;
	s11 =	sshll.u32 s28, $0x7;
	s14 =	smul.u32 $0xC, s28  }
0xf: {  	s30 =	sshll.u32 s29, $0x7;
	s6 =	sadd.s32 s10, s11;
	s11 =	smul.u32 $0xC, s29  }
0x10: {  	s5 =	sadd.s32 s12, s5;
	s13 =	smax.u32 s13, $0x1;
	s8 =	sadd.s32 s10, s30  }
0x11: {  	s10 =	sadd.s32 s10, s31;
	s7 =	sadd.s32 s12, s14;
	s9 =	sadd.s32 s12, s11  }
0x12: {  	s11 =	sor.u32 s17, s16;
	s12 =	sadd.s32 s12, s15;
	s17 =	simm.s32 $0x2  }
0x13: {  	v1 =	vlaneseq.u32;
	s14 =	sor.u32 $0x400, s11;
	s15 =	sor.u32 $0x800, s11;
	s16 =	sor.u32 $0xC00, s11  }
.LBB2_1:
0x14: {  	v0 =	vimm.s32 $0x0  }
0x15: {  	[tilespmem:$0x400] =	vst v0  }
0x16: {  	[tilespmem:$0x410] =	vst v0  }
0x17: {  	[tilespmem:$0x420] =	vst v0  }
0x18: {  	[tilespmem:$0x430] =	vst v0  }
0x19: {  	[tilespmem:$0x440] =	vst v0  }
0x1a: {  	[tilespmem:$0x450] =	vst v0  }
0x1b: {  	[tilespmem:$0x460] =	vst v0  }
0x1c: {  	[tilespmem:$0x470] =	vst v0  }
0x1d: {  	[tilespmem:$0x480] =	vst v0  }
0x1e: {  	[tilespmem:$0x490] =	vst v0  }
0x1f: {  	[tilespmem:$0x4A0] =	vst v0  }
0x20: {  	[tilespmem:$0x4B0] =	vst v0  }
0x21: {  	[tilespmem:$0x4C0] =	vst v0  }
0x22: {  	[tilespmem:$0x4D0] =	vst v0  }
0x23: {  	[tilespmem:$0x4E0] =	vst v0  }
0x24: {  	[tilespmem:$0x4F0] =	vst v0  }
0x25: {  	[tilespmem:$0x500] =	vst v0  }
0x26: {  	[tilespmem:s2], [sflag:$0x2] =	stream.linear.gather [hbm4b:s4+s2], $0x400, $0x38;
	[tilespmem:$0x6680] =	vst v63  }
0x27: {  	_ =	swait.ge [sflag:s17], $0x400  }
0x28: {  	[sflag:s17] =	ssyncset.done $0x0  }
0x29: {  	s28 =	simm.s32 $0x0;
	[sflag:s17] =	ssyncadd.s32 $0xFFFFFC00  }
0x2a: {  	v2 =	vld [tilespmem:s28+$0x0];
	_ =	sdelay $0x4  }
0x2b: {  	vm0 =	vlt.s32 v2, $0x1  }
0x2c: {  	v3 =	vnsel vm0, $0x1, v2  }
0x2d: {  	(xrf0) =	vadd.scan.msk.s32 $0xffff, v3;
	_ =	sdelay $0x1  }
0x2e: {  	v4 =	vmov s2  }
0x2f: {  	v4 =	vadd.s32 $0xFFFFFEF8, v4  }
0x30: {  	v4 =	vbroadcast v4, $0x0;
	_ =	sdelay $0x1  }
0x31: {  	v4 =	vsub.s32 v4, v3;
	v5, _, _ =	vpop (xrf0)  }
0x32: {  	v4 =	vadd.s32 v5, v4;
	(v2sf) =	vpush v5, $0xF  }
0x33: {  	v3 =	vmul.u32 v3, v4;
	_ =	sdelay $0x1  }
0x34: {  	v3 =	vadd.s32 $0x108, v3;
	_ =	sdelay $0x3  }
0x35: {  	v63 =	vor.u32 s11, v1  }
0x36: {  	s31 =	simm.s32 $0x10;
	[tilespmem:v3+s18+$0x0] =	vst.idx.msk $0xffff, v63  }
0x37: {  	s30 =	simm.s32 $0x80;
	s29 =	simm.s32 $0x0;
	s28 =	smov.u32 s11;
	[tilespmem:v3+s19+$0x0] =	vst.idx.msk $0xffff, v2  }
.LBB2_2:
0x38: {  	p0 =	sne.s32 s30, $0xFC0;
	v2 =	vld [tilespmem:s31+$0x0];
	_ =	sdelay $0x4  }
0x39: {  	vm0 =	vlt.s32 v2, $0x1;
	s31 =	spop (v2sf)  }
0x3a: {  	v3 =	vnsel vm0, $0x1, v2;
	s29 =	sadd.s32 s29, s31  }
0x3b: {  	v4 =	vmov s29;
	(xrf0) =	vadd.scan.msk.s32 $0xffff, v3  }
0x3c: {  	v4 =	vadd.s32 $0xFFFFFEF8, v4  }
0x3d: {  	v4 =	vbroadcast v4, $0x0;
	_ =	sdelay $0x1  }
0x3e: {  	v4 =	vsub.s32 v4, v3;
	_ =	sdelay $0x1  }
0x3f: {  	v5, _, _ =	vpop (xrf0)  }
0x40: {  	v4 =	vadd.s32 v5, v4;
	(v2sf) =	vpush v5, $0xF  }
0x41: {  	v3 =	vmul.u32 v3, v4;
	_ =	sdelay $0x1  }
0x42: {  	v3 =	vadd.s32 $0x108, v3;
	_ =	sdelay $0x1  }
.Ltmp0:
0x43: {  	(pc) =	sbr.rel @p0 .LBB2_2-.Ltmp0, $4  }
0x44: {  	s28 =	sadd.s32 $0x10, s28  }
0x45: {  	v4 =	vor.u32 s28, v1  }
0x46: {  	[tilespmem:v3+s18+$0x0] =	vst.idx.msk $0xffff, v4  }
0x47: {  	s31 =	sshra.s32 s30, $0x2;
	s30 =	sadd.s32 $0x40, s30;
	[tilespmem:v3+s19+$0x0] =	vst.idx.msk $0xffff, v2  }
0x48: {  	v2 =	vld [tilespmem:s31+$0x0];
	_ =	sdelay $0x4  }
0x49: {  	vm0 =	vlt.s32 v2, $0x1  }
0x4a: {  	v3 =	vnsel vm0, $0x1, v2  }
0x4b: {  	(xrf0) =	vadd.scan.msk.s32 $0xffff, v3;
	_ =	sdelay $0x1  }
0x4c: {  	s30 =	spop (v2sf)  }
0x4d: {  	s29 =	sadd.s32 s29, s30  }
0x4e: {  	v4 =	vmov s29  }
0x4f: {  	v4 =	vadd.s32 $0xFFFFFEF8, v4  }
0x50: {  	v4 =	vbroadcast v4, $0x0;
	v5, _, _ =	vpop (xrf0)  }
0x51: {  	(v2sf) =	vpush v5, $0xF  }
0x52: {  	v4 =	vsub.s32 v4, v3  }
0x53: {  	v4 =	vadd.s32 v5, v4  }
0x54: {  	v3 =	vmul.u32 v3, v4;
	_ =	sdelay $0x1  }
0x55: {  	v3 =	vadd.s32 $0x108, v3;
	_ =	sdelay $0x2  }
0x56: {  	s28 =	sadd.s32 $0x10, s28  }
0x57: {  	v4 =	vor.u32 s28, v1  }
0x58: {  	[tilespmem:v3+s18+$0x0] =	vst.idx.msk $0xffff, v4  }
0x59: {  	[tilespmem:v3+s19+$0x0] =	vst.idx.msk $0xffff, v2  }
0x5a: {  	[tilespmem:s21], [sflag:$0x1] =	stream.indirect.gather [hbm4b:s3+s20], $0x60, s18, s20, $0xb8;
	[tilespmem:$0x6680] =	vst v63  }
0x5b: {  	_ = 	snop  }
0x5c: {  	[tilespmem:s23], [sflag:$0x1] =	stream.indirect.gather [hbm4b:s3+s20], $0x60, s22, s20, $0xb8;
	[tilespmem:$0x6680] =	vst v63  }
0x5d: {  	s28 =	spop (v2sf)  }
0x5e: {  	_ =	swait.ge [sflag:s24], $0x3000  }
0x5f: {  	[sflag:s24] =	ssyncset.done $0x0  }
0x60: {  	[sflag:s24] =	ssyncadd.s32 $0xFFFFD000  }
0x61: {  	_ =	swait.ge [sflag:s24], $0x3000  }
0x62: {  	[sflag:s24] =	ssyncset.done $0x0  }
0x63: {  	s28 =	simm.s32 $0x920;
	[sflag:s24] =	ssyncadd.s32 $0xFFFFD000  }
0x64: {  	v6 =	vld [tilespmem:s28+$0x2A0]  }
0x65: {  	v7 =	vld [tilespmem:s28+$0x2B0]  }
0x66: {  	v9 =	vld [tilespmem:s28+$0x2C0]  }
0x67: {  	v10 =	vld [tilespmem:s28+$0x2D0]  }
0x68: {  	v12 =	vld [tilespmem:s28+$0x240]  }
0x69: {  	v13 =	vld [tilespmem:s28+$0x250]  }
0x6a: {  	v16 =	vld [tilespmem:s28+$0x260]  }
0x6b: {  	v17 =	vld [tilespmem:s28+$0x270]  }
0x6c: {  	v21 =	vld [tilespmem:s28+$0x1E0]  }
0x6d: {  	v23 =	vld [tilespmem:s28+$0x1F0]  }
0x6e: {  	v26 =	vld [tilespmem:s28+$0x200]  }
0x6f: {  	v28 =	vld [tilespmem:s28+$0x210]  }
0x70: {  	v29 =	vld [tilespmem:s28+$0x180]  }
0x71: {  	v34 =	vld [tilespmem:s28+$0x190]  }
0x72: {  	v35 =	vld [tilespmem:s28+$0x1A0]  }
0x73: {  	v0 =	vld [tilespmem:s28+$0x70]  }
0x74: {  	v37 =	vld [tilespmem:s28+$0x1B0]  }
0x75: {  	s29 =	simm.s32 $0x0;
	v38 =	vld [tilespmem:s28+$0x120]  }
0x76: {  	v27 =	vld [tilespmem:s29+$0x510]  }
0x77: {  	v39 =	vld [tilespmem:s28+$0x130]  }
0x78: {  	[tilespmem:$0x1FFD0] =	vst v0;
	v0 =	vld [tilespmem:s28+$0x80]  }
0x79: {  	v40 =	vld [tilespmem:s28+$0x140]  }
0x7a: {  	v41 =	vld [tilespmem:s28+$0x150]  }
0x7b: {  	v43 =	vld [tilespmem:s28+$0xC0]  }
0x7c: {  	v45 =	vld [tilespmem:s28+$0xD0]  }
0x7d: {  	[tilespmem:$0x1FFE0] =	vst v0;
	v0 =	vld [tilespmem:s28+$0x90]  }
0x7e: {  	v49 =	vld [tilespmem:s28+$0xE0];
	v3 =	vbroadcast v27, $0xE;
	v2 =	vbroadcast v27, $0xF  }
0x7f: {  	v52 =	vld [tilespmem:s28+$0xF0];
	v5 =	vbroadcast v27, $0xC;
	v4 =	vbroadcast v27, $0xD  }
0x80: {  	v1 =	vld [tilespmem:s28+$0x60];
	v11 =	vbroadcast v27, $0xA;
	v8 =	vbroadcast v27, $0xB  }
0x81: {  	v54 =	vld [tilespmem:s28+$0x0];
	v15 =	vbroadcast v27, $0x8;
	v14 =	vbroadcast v27, $0x9  }
0x82: {  	v55 =	vld [tilespmem:s28+$0x10];
	v19 =	vbroadcast v27, $0x6;
	[tilespmem:$0x1FFF0] =	vst v0;
	v0 =	vmul.f32 v9, v2  }
0x83: {  	v56 =	vld [tilespmem:s28+$0x20];
	v18 =	vbroadcast v27, $0x7;
	v22 =	vbroadcast v27, $0x4  }
0x84: {  	v57 =	vld [tilespmem:s28+$0xFFFFFD00];
	v20 =	vbroadcast v27, $0x5;
	[tilespmem:$0x1FF80] =	vst v0;
	v0 =	vmul.f32 v10, v2  }
0x85: {  	v58 =	vld [tilespmem:s28+$0xFFFFFD10];
	v25 =	vbroadcast v27, $0x2;
	v24 =	vbroadcast v27, $0x3  }
0x86: {  	v59 =	vld [tilespmem:s28+$0xFFFFFD60];
	v30 =	vbroadcast v27, $0x0;
	[tilespmem:$0x1FF90] =	vst v0;
	v0 =	vmul.f32 v16, v3  }
0x87: {  	v47 =	vld [tilespmem:s28+$0xFFFFFE30];
	v27 =	vbroadcast v27, $0x1;
	v33 =	vmul.f32 v13, v3  }
0x88: {  	v44 =	vmul.f32 v21, v4;
	v21 =	vld [tilespmem:s28+$0xFFFFFD70];
	[tilespmem:$0x1FFA0] =	vst v0;
	v0 =	vmul.f32 v17, v3  }
0x89: {  	v50 =	vld [tilespmem:s28+$0xFFFFFE80];
	v42 =	vmul.f32 v23, v4;
	v13 =	vmul.f32 v26, v4  }
0x8a: {  	v48 =	vmul.f32 v29, v5;
	[tilespmem:$0x1FFB0] =	vst v0;
	v0 =	vmul.f32 v28, v4;
	v28 =	vld [tilespmem:s28+$0xFFFFFDD0]  }
0x8b: {  	v23 =	vld [tilespmem:s28+$0xFFFFFDC0];
	v46 =	vmul.f32 v34, v5;
	v51 =	vmul.f32 v58, v30  }
0x8c: {  	v29 =	vmul.f32 v57, v30;
	v26 =	vimm.f32 $0.0e+00;
	v63 =	vmul.f32 v47, v24;
	v47 =	vld [tilespmem:s28+$0xFFFFFF40]  }
0x8d: {  	v34 =	vadd.f32 v51, v26;
	v21 =	vmul.f32 v21, v27;
	v17 =	vmul.f32 v35, v5;
	v35 =	vld [tilespmem:s28+$0xFFFFFE20]  }
0x8e: {  	v53 =	vmul.f32 v59, v27;
	v29 =	vadd.f32 v29, v26;
	v51 =	vld [tilespmem:s28+$0xFFFFFE90]  }
0x8f: {  	v62 =	vld [tilespmem:s28+$0xFFFFFEF0];
	v60 =	vmul.f32 v38, v8;
	v34 =	vadd.f32 v21, v34;
	v28 =	vmul.f32 v28, v25  }
0x90: {  	v61 =	vmul.f32 v39, v8;
	v29 =	vadd.f32 v53, v29;
	v53 =	vld [tilespmem:s28+$0xFFFFFEE0];
	v23 =	vmul.f32 v23, v25  }
0x91: {  	v38 =	vmul.f32 v50, v22;
	v50 =	vld [tilespmem:s28+$0xFFFFFF50];
	v58 =	vmul.f32 v43, v11;
	v28 =	vadd.f32 v28, v34  }
0x92: {  	v59 =	vld [tilespmem:s28+$0x30];
	v39 =	vmul.f32 v54, v15;
	v29 =	vadd.f32 v23, v29;
	v35 =	vmul.f32 v35, v24  }
0x93: {  	v54 =	vld [tilespmem:s28+$0xFFFFFE50];
	v43 =	vmul.f32 v47, v19;
	v51 =	vmul.f32 v51, v22;
	v28 =	vadd.f32 v63, v28  }
0x94: {  	v47 =	vld [tilespmem:s28+$0xFFFFFFD0];
	v23 =	vmul.f32 v41, v8;
	v16 =	vmul.f32 v37, v5;
	v29 =	vadd.f32 v35, v29  }
0x95: {  	v41 =	vld [tilespmem:s28+$0xFFFFFFB0];
	v37 =	vmul.f32 v53, v20;
	v53 =	vmul.f32 v62, v20;
	v28 =	vadd.f32 v51, v28  }
0x96: {  	v35 =	vld [tilespmem:s28+$0xFFFFFFA0];
	v29 =	vadd.f32 v38, v29  }
0x97: {  	v34 =	vadd.f32 v53, v28;
	v28 =	vmul.f32 v49, v11;
	v49 =	vmul.f32 v1, v14;
	v1 =	vld [tilespmem:$0x1FFD0]  }
0x98: {  	v21 =	vmul.f32 v40, v8;
	v40 =	vmul.f32 v50, v19;
	v50 =	vld [tilespmem:s28+$0xFFFFFF60]  }
0x99: {  	v62 =	vld [tilespmem:s28+$0xFFFFFFC0];
	v29 =	vadd.f32 v37, v29  }
0x9a: {  	[tilespmem:$0x1FFC0] =	vst v0;
	v0 =	vld [tilespmem:s28+$0xFFFFFF00];
	v63 =	vmul.f32 v45, v11  }
0x9b: {  	v45 =	vmul.f32 v55, v15;
	v55 =	vld [tilespmem:s28+$0xFFFFFE40];
	v35 =	vmul.f32 v35, v18;
	v38 =	vadd.f32 v43, v29  }
0x9c: {  	v43 =	vmul.f32 v41, v18;
	v34 =	vadd.f32 v40, v34;
	v57 =	vmul.f32 v1, v14;
	v1 =	vld [tilespmem:$0x1FFE0]  }
0x9d: {  	v51 =	vld [tilespmem:s28+$0xFFFFFF70];
	v35 =	vadd.f32 v35, v38  }
0x9e: {  	v32 =	vmul.f32 v6, v2;
	v41 =	vld [tilespmem:s28+$0xFFFFFEB0];
	v34 =	vadd.f32 v43, v34  }
0x9f: {  	v31 =	vmul.f32 v7, v2;
	v36 =	vmul.f32 v12, v3;
	v53 =	vld [tilespmem:s28+$0xFFFFFF10];
	v35 =	vadd.f32 v39, v35  }
0xa0: {  	v47 =	vmul.f32 v47, v18;
	v50 =	vmul.f32 v50, v19;
	v40 =	vld [tilespmem:s28+$0xFFFFFEA0];
	v34 =	vadd.f32 v45, v34  }
0xa1: {  	v37 =	vimm.f32 $0.0e+00;
	v35 =	vadd.f32 v49, v35;
	v38 =	vmul.f32 v1, v14;
	v1 =	vld [tilespmem:$0x1FFF0]  }
0xa2: {  	v29 =	vmul.f32 v52, v11;
	v43 =	vmul.f32 v56, v15;
	v56 =	vld [tilespmem:s28+$0xFFFFFDE0];
	v34 =	vadd.f32 v57, v34  }
0xa3: {  	v52 =	vmul.f32 v0, v20;
	v51 =	vmul.f32 v51, v19;
	v35 =	vadd.f32 v58, v35;
	v58 =	vld [tilespmem:s28+$0xFFFFFD80]  }
0xa4: {  	v49 =	vmul.f32 v62, v18;
	v45 =	vmul.f32 v59, v15;
	v59 =	vld [tilespmem:s28+$0xFFFFFD90];
	v34 =	vadd.f32 v63, v34  }
0xa5: {  	v53 =	vmul.f32 v53, v20;
	v57 =	vld [tilespmem:s28+$0xFFFFFDF0];
	v62 =	vadd.f32 v60, v35;
	v35 =	vimm.f32 $0.0e+00  }
0xa6: {  	s29 =	simm.s32 $0x40;
	v60 =	vld [tilespmem:s28+$0xFFFFFD20];
	v61 =	vadd.f32 v61, v34;
	v34 =	vimm.f32 $0.0e+00;
	v39 =	vmul.f32 v1, v14  }
.LBB2_4:
0xa7: {  	v0 =	vld [tilespmem:s28+$0xFFFFFD30]  }
0xa8: {  	v6 =	vld [tilespmem:$0x1FFC0]  }
0xa9: {  	v46 =	vadd.f32 v46, v61;
	v63 =	vmul.f32 v40, v22;
	v1 =	vmul.f32 v41, v22;
	v40 =	vld [tilespmem:s28+$0xFFFFFD40]  }
0xaa: {  	v55 =	vmul.f32 v55, v24;
	v41 =	vadd.f32 v48, v62;
	v48 =	vld [tilespmem:s28+$0xFFFFFD50];
	v56 =	vmul.f32 v56, v25  }
0xab: {  	v61 =	vld [tilespmem:s28+$0xFFFFFDA0];
	v42 =	vadd.f32 v42, v46;
	v46 =	vmul.f32 v59, v27;
	v59 =	vmul.f32 v60, v30  }
0xac: {  	v0 =	vmul.f32 v0, v30;
	v41 =	vadd.f32 v44, v41;
	v44 =	vmul.f32 v58, v27;
	v58 =	vld [tilespmem:s28+$0xFFFFFDB0]  }
0xad: {  	v54 =	vmul.f32 v54, v24;
	v60 =	vld [tilespmem:s28+$0xFFFFFE00];
	v33 =	vadd.f32 v33, v42;
	v26 =	vadd.f32 v59, v26  }
0xae: {  	v57 =	vmul.f32 v57, v25;
	v62 =	vld [tilespmem:s28+$0xFFFFFE10];
	v0 =	vadd.f32 v0, v37;
	v36 =	vadd.f32 v36, v41  }
0xaf: {  	v41 =	vadd.f32 v31, v33;
	v42 =	vmul.f32 v40, v30;
	v30 =	vmul.f32 v48, v30;
	v48 =	vld [tilespmem:s28+$0xFFFFFE60]  }
0xb0: {  	v31 =	vmul.f32 v61, v27;
	v0 =	vadd.f32 v46, v0;
	v40 =	vadd.f32 v32, v36;
	v32 =	vld [tilespmem:s28+$0xFFFFFE70]  }
0xb1: {  	v59 =	vld [tilespmem:s28+$0xFFFFFEC0];
	v33 =	vadd.f32 v42, v35;
	v30 =	vadd.f32 v30, v34;
	v27 =	vmul.f32 v58, v27  }
0xb2: {  	v26 =	vadd.f32 v44, v26;
	v61 =	vmul.f32 v60, v25;
	v42 =	vld [tilespmem:s28+$0xFFFFFED0];
	v0 =	vadd.f32 v57, v0  }
0xb3: {  	v25 =	vmul.f32 v62, v25;
	v31 =	vadd.f32 v31, v33;
	v27 =	vadd.f32 v27, v30;
	v30 =	vld [tilespmem:s28+$0xFFFFFF20]  }
0xb4: {  	v46 =	vld [tilespmem:s28+$0xFFFFFF30];
	v26 =	vadd.f32 v56, v26;
	v0 =	vadd.f32 v54, v0;
	v44 =	vmul.f32 v48, v24  }
0xb5: {  	v31 =	vadd.f32 v61, v31;
	v25 =	vadd.f32 v25, v27;
	v24 =	vmul.f32 v32, v24;
	v27 =	vld [tilespmem:s28+$0xFFFFFF80]  }
0xb6: {  	v26 =	vadd.f32 v55, v26;
	v54 =	vld [tilespmem:s28+$0xFFFFFF90];
	v48 =	vmul.f32 v59, v22;
	v0 =	vadd.f32 v1, v0  }
0xb7: {  	v22 =	vmul.f32 v42, v22;
	v31 =	vadd.f32 v44, v31;
	v24 =	vadd.f32 v24, v25;
	v25 =	vld [tilespmem:s28+$0xFFFFFFE0]  }
0xb8: {  	v26 =	vadd.f32 v63, v26;
	v0 =	vadd.f32 v53, v0;
	v1 =	vmul.f32 v30, v20;
	v30 =	vld [tilespmem:s28+$0xFFFFFFF0]  }
0xb9: {  	v20 =	vmul.f32 v46, v20;
	v31 =	vadd.f32 v48, v31;
	v22 =	vadd.f32 v22, v24;
	v24 =	vld [tilespmem:s28+$0x40]  }
0xba: {  	v55 =	vld [tilespmem:s28+$0x50];
	v26 =	vadd.f32 v52, v26;
	v0 =	vadd.f32 v51, v0;
	v27 =	vmul.f32 v27, v19  }
0xbb: {  	v19 =	vmul.f32 v54, v19;
	v1 =	vadd.f32 v1, v31;
	v20 =	vadd.f32 v20, v22;
	v22 =	vld [tilespmem:s28+$0xA0]  }
0xbc: {  	v26 =	vadd.f32 v50, v26;
	v31 =	vld [tilespmem:s28+$0xB0];
	v0 =	vadd.f32 v47, v0;
	v25 =	vmul.f32 v25, v18  }
0xbd: {  	v1 =	vadd.f32 v27, v1;
	v19 =	vadd.f32 v19, v20;
	v18 =	vmul.f32 v30, v18;
	v20 =	vld [tilespmem:s28+$0x100]  }
0xbe: {  	v26 =	vadd.f32 v49, v26;
	v27 =	vld [tilespmem:s28+$0x110];
	v0 =	vadd.f32 v45, v0;
	v24 =	vmul.f32 v24, v15  }
0xbf: {  	v15 =	vmul.f32 v55, v15;
	v1 =	vadd.f32 v25, v1;
	v18 =	vadd.f32 v18, v19;
	v19 =	vld [tilespmem:s28+$0x160]  }
0xc0: {  	v25 =	vadd.f32 v43, v26;
	v26 =	vld [tilespmem:s28+$0x170];
	v0 =	vadd.f32 v39, v0;
	v22 =	vmul.f32 v22, v14  }
0xc1: {  	v14 =	vmul.f32 v31, v14;
	v1 =	vadd.f32 v24, v1;
	v15 =	vadd.f32 v15, v18;
	v18 =	vld [tilespmem:s28+$0x1C0]  }
0xc2: {  	v24 =	vadd.f32 v38, v25;
	v25 =	vld [tilespmem:s28+$0x1D0];
	v0 =	vadd.f32 v29, v0  }
0xc3: {  	v20 =	vmul.f32 v20, v11;
	v11 =	vmul.f32 v27, v11;
	v14 =	vadd.f32 v14, v15;
	v15 =	vld [tilespmem:s28+$0x220]  }
0xc4: {  	v1 =	vadd.f32 v22, v1;
	v22 =	vadd.f32 v28, v24;
	v24 =	vld [tilespmem:s28+$0x230]  }
0xc5: {  	v0 =	vadd.f32 v23, v0;
	v19 =	vmul.f32 v19, v8;
	v11 =	vadd.f32 v11, v14;
	v14 =	vld [tilespmem:s28+$0x280]  }
0xc6: {  	v8 =	vmul.f32 v26, v8;
	v1 =	vadd.f32 v20, v1;
	v20 =	vadd.f32 v21, v22;
	v21 =	vld [tilespmem:s28+$0x290]  }
0xc7: {  	v0 =	vadd.f32 v16, v0;
	v16 =	vld [tilespmem:s28+$0x2F0]  }
0xc8: {  	v8 =	vadd.f32 v8, v11;
	v11 =	vld [tilespmem:s28+$0x2E0]  }
0xc9: {  	s28 =	sadd.s32 $0x600, s28;
	v0 =	vadd.f32 v6, v0;
	v6 =	vld [tilespmem:$0x1FFB0]  }
0xca: {  	v23 =	vld [tilespmem:s28+$0x2A0]  }
0xcb: {  	v28 =	vld [tilespmem:s28+$0x2B0]  }
0xcc: {  	v9 =	vld [tilespmem:s28+$0x240]  }
0xcd: {  	v10 =	vld [tilespmem:s28+$0x250]  }
0xce: {  	v43 =	vld [tilespmem:s28+$0x210]  }
0xcf: {  	v46 =	vld [tilespmem:s28+$0x180]  }
0xd0: {  	v47 =	vld [tilespmem:s28+$0x190]  }
0xd1: {  	v49 =	vld [tilespmem:s28+$0x1A0]  }
0xd2: {  	v50 =	vld [tilespmem:s28+$0x1B0]  }
0xd3: {  	v51 =	vld [tilespmem:s28+$0x120]  }
0xd4: {  	v52 =	vld [tilespmem:s28+$0x130]  }
0xd5: {  	v53 =	vld [tilespmem:s28+$0x140]  }
0xd6: {  	v54 =	vld [tilespmem:s28+$0x150]  }
0xd7: {  	v55 =	vld [tilespmem:s28+$0xC0]  }
0xd8: {  	v18 =	vmul.f32 v18, v5;
	v5 =	vmul.f32 v25, v5;
	v56 =	vld [tilespmem:s28+$0xD0]  }
0xd9: {  	v57 =	vld [tilespmem:s28+$0xE0]  }
0xda: {  	v15 =	vmul.f32 v15, v4;
	v4 =	vmul.f32 v24, v4;
	v29 =	vld [tilespmem:s28+$0xF0];
	v5 =	vadd.f32 v5, v8  }
0xdb: {  	v38 =	vld [tilespmem:s28+$0x60]  }
0xdc: {  	v12 =	vmul.f32 v14, v3;
	v3 =	vmul.f32 v21, v3;
	v4 =	vadd.f32 v4, v5;
	v5 =	vld [tilespmem:$0x1FFA0]  }
0xdd: {  	v17 =	vadd.f32 v17, v20;
	v58 =	vld [tilespmem:s28+$0x70]  }
0xde: {  	s30 =	sshra.s32 s29, $0x2;
	v3 =	vadd.f32 v3, v4;
	v4 =	vld [tilespmem:$0x1FF80]  }
0xdf: {  	v8 =	vadd.f32 v13, v17;
	v0 =	vadd.f32 v6, v0;
	v6 =	vld [tilespmem:s30+$0x510]  }
0xe0: {  	v39 =	vld [tilespmem:s28+$0x80]  }
0xe1: {  	v1 =	vadd.f32 v19, v1;
	v45 =	vld [tilespmem:s28+$0x90];
	v5 =	vadd.f32 v5, v8  }
0xe2: {  	v59 =	vld [tilespmem:s28+$0x0]  }
0xe3: {  	v1 =	vadd.f32 v18, v1;
	v8 =	vmul.f32 v11, v2;
	v26 =	vadd.f32 v4, v5;
	v4 =	vld [tilespmem:$0x1FF90]  }
0xe4: {  	v60 =	vld [tilespmem:s28+$0x10];
	v2 =	vmul.f32 v16, v2;
	v11 =	vbroadcast v6, $0xA  }
0xe5: {  	v61 =	vld [tilespmem:s28+$0x20];
	v1 =	vadd.f32 v15, v1;
	v15 =	vbroadcast v6, $0x8;
	v14 =	vbroadcast v6, $0x9  }
0xe6: {  	v13 =	vld [tilespmem:s28+$0x2C0];
	v19 =	vbroadcast v6, $0x6;
	v18 =	vbroadcast v6, $0x7  }
0xe7: {  	v17 =	vld [tilespmem:s28+$0x2D0];
	v1 =	vadd.f32 v12, v1;
	v22 =	vbroadcast v6, $0x4;
	v20 =	vbroadcast v6, $0x5  }
0xe8: {  	v25 =	vbroadcast v6, $0x2;
	v24 =	vbroadcast v6, $0x3;
	v37 =	vadd.f32 v4, v0;
	v0 =	vld [tilespmem:s28+$0x260]  }
0xe9: {  	v21 =	vld [tilespmem:s28+$0x200];
	v30 =	vbroadcast v6, $0x0;
	v27 =	vbroadcast v6, $0x1;
	v35 =	vadd.f32 v8, v1  }
0xea: {  	v34 =	vadd.f32 v2, v3;
	v1 =	vld [tilespmem:s28+$0x270];
	v3 =	vbroadcast v6, $0xE;
	v2 =	vbroadcast v6, $0xF  }
0xeb: {  	v12 =	vld [tilespmem:s28+$0x1E0];
	v5 =	vbroadcast v6, $0xC;
	v8 =	vbroadcast v6, $0xB  }
0xec: {  	v16 =	vld [tilespmem:s28+$0x1F0];
	v32 =	vmul.f32 v23, v2;
	v31 =	vmul.f32 v28, v2  }
0xed: {  	v23 =	vld [tilespmem:s28+$0xFFFFFD00];
	v48 =	vmul.f32 v46, v5;
	v0 =	vmul.f32 v0, v3  }
0xee: {  	v28 =	vld [tilespmem:s28+$0xFFFFFD10];
	v4 =	vbroadcast v6, $0xD;
	v6 =	vmul.f32 v13, v2  }
0xef: {  	v46 =	vmul.f32 v47, v5;
	v47 =	vld [tilespmem:s28+$0xFFFFFE20];
	[tilespmem:$0x1FFA0] =	vst v0;
	v0 =	vmul.f32 v1, v3  }
0xf0: {  	v7 =	vmul.f32 v56, v11;
	v29 =	vmul.f32 v29, v11;
	[tilespmem:$0x1FF80] =	vst v6;
	v1 =	vld [tilespmem:s28+$0xFFFFFD70]  }
0xf1: {  	v36 =	vmul.f32 v9, v3;
	v6 =	vmul.f32 v17, v2;
	[tilespmem:$0x1FFB0] =	vst v0;
	v0 =	vld [tilespmem:s28+$0xFFFFFD60]  }
0xf2: {  	v33 =	vmul.f32 v10, v3;
	v13 =	vmul.f32 v21, v4;
	v21 =	vld [tilespmem:s28+$0xFFFFFDC0]  }
0xf3: {  	v23 =	vmul.f32 v23, v30;
	[tilespmem:$0x1FF90] =	vst v6;
	v6 =	vmul.f32 v43, v4;
	v43 =	vld [tilespmem:s28+$0xFFFFFDD0]  }
0xf4: {  	v63 =	vmul.f32 v51, v8;
	v51 =	vld [tilespmem:s28+$0xFFFFFF50];
	v28 =	vmul.f32 v28, v30  }
0xf5: {  	v42 =	vmul.f32 v16, v4;
	v17 =	vmul.f32 v49, v5;
	v49 =	vld [tilespmem:s28+$0xFFFFFE30];
	v23 =	vadd.f32 v23, v40  }
0xf6: {  	v28 =	vadd.f32 v28, v41;
	v40 =	vld [tilespmem:s28+$0xFFFFFE80];
	v1 =	vmul.f32 v1, v27;
	v0 =	vmul.f32 v0, v27  }
0xf7: {  	v16 =	vmul.f32 v50, v5;
	v50 =	vld [tilespmem:s28+$0xFFFFFE90];
	v41 =	vmul.f32 v21, v25  }
0xf8: {  	v1 =	vadd.f32 v1, v28;
	v28 =	vld [tilespmem:s28+$0xFFFFFEE0];
	v0 =	vadd.f32 v0, v23;
	v23 =	vmul.f32 v43, v25  }
0xf9: {  	v44 =	vmul.f32 v12, v4;
	v43 =	vmul.f32 v47, v24;
	v47 =	vld [tilespmem:s28+$0xFFFFFEF0]  }
0xfa: {  	v62 =	vld [tilespmem:s28+$0x30];
	v0 =	vadd.f32 v41, v0;
	v1 =	vadd.f32 v23, v1;
	v41 =	vmul.f32 v49, v24  }
0xfb: {  	v56 =	vmul.f32 v51, v19;
	v40 =	vmul.f32 v40, v22;
	v49 =	vld [tilespmem:s28+$0xFFFFFF40]  }
0xfc: {  	v0 =	vadd.f32 v43, v0;
	v1 =	vadd.f32 v41, v1;
	v41 =	vmul.f32 v50, v22;
	v43 =	vld [tilespmem:s28+$0xFFFFFFA0]  }
0xfd: {  	[tilespmem:$0x1FFC0] =	vst v6;
	v6 =	vmul.f32 v52, v8;
	v28 =	vmul.f32 v28, v20;
	v50 =	vld [tilespmem:s28+$0xFFFFFFB0]  }
0xfe: {  	v9 =	vld [tilespmem:s28+$0xFFFFFF70];
	v0 =	vadd.f32 v40, v0;
	v1 =	vadd.f32 v41, v1;
	v40 =	vmul.f32 v47, v20  }
0xff: {  	v10 =	vld [tilespmem:s28+$0xFFFFFF00];
	v52 =	vmul.f32 v55, v11;
	v21 =	vmul.f32 v53, v8  }
0x100: {  	v51 =	vld [tilespmem:s28+$0xFFFFFF60];
	v41 =	vmul.f32 v49, v19;
	v0 =	vadd.f32 v28, v0;
	v1 =	vadd.f32 v40, v1  }
0x101: {  	v12 =	vld [tilespmem:s28+$0xFFFFFF10];
	v28 =	vmul.f32 v57, v11;
	v43 =	vmul.f32 v43, v18  }
0x102: {  	v55 =	vld [tilespmem:s28+$0xFFFFFE40];
	v57 =	vmul.f32 v50, v18;
	v0 =	vadd.f32 v41, v0;
	v1 =	vadd.f32 v56, v1  }
0x103: {  	v53 =	vld [tilespmem:s28+$0xFFFFFFD0];
	v23 =	vmul.f32 v54, v8;
	v49 =	vmul.f32 v59, v15  }
0x104: {  	v47 =	vld [tilespmem:s28+$0xFFFFFFC0];
	v0 =	vadd.f32 v43, v0;
	v1 =	vadd.f32 v57, v1;
	v43 =	vmul.f32 v60, v15  }
0x105: {  	v54 =	vld [tilespmem:s28+$0xFFFFFE50];
	v50 =	vmul.f32 v38, v14;
	v38 =	vmul.f32 v39, v14  }
0x106: {  	v59 =	vld [tilespmem:s28+$0xFFFFFD90];
	v60 =	vmul.f32 v58, v14;
	v0 =	vadd.f32 v49, v0;
	v1 =	vadd.f32 v43, v1  }
0x107: {  	p0 =	sne.s32 s29, $0x3C0;
	v40 =	vld [tilespmem:s28+$0xFFFFFEA0];
	v39 =	vmul.f32 v45, v14;
	v45 =	vmul.f32 v62, v15  }
.Ltmp1:
0x108: {  	v41 =	vld [tilespmem:s28+$0xFFFFFEB0];
	v43 =	vmul.f32 v61, v15;
	v0 =	vadd.f32 v50, v0;
	v1 =	vadd.f32 v60, v1;
	(pc) =	sbr.rel @p0 .LBB2_4-.Ltmp1, $4  }
0x109: {  	v56 =	vld [tilespmem:s28+$0xFFFFFDE0];
	v49 =	vmul.f32 v47, v18;
	v47 =	vmul.f32 v53, v18  }
0x10a: {  	v57 =	vld [tilespmem:s28+$0xFFFFFDF0];
	v53 =	vmul.f32 v12, v20;
	v0 =	vadd.f32 v52, v0;
	v1 =	vadd.f32 v7, v1  }
0x10b: {  	v58 =	vld [tilespmem:s28+$0xFFFFFD80];
	v50 =	vmul.f32 v51, v19;
	v51 =	vmul.f32 v9, v19  }
0x10c: {  	s29 =	sadd.s32 $0x40, s29;
	v60 =	vld [tilespmem:s28+$0xFFFFFD20];
	v52 =	vmul.f32 v10, v20;
	v62 =	vadd.f32 v63, v0;
	v61 =	vadd.f32 v6, v1  }
0x10d: {  	v0 =	vld [tilespmem:s28+$0xFFFFFD30]  }
0x10e: {  	v6 =	vmul.f32 v40, v22;
	v7 =	vmul.f32 v41, v22;
	v9 =	vld [tilespmem:s28+$0xFFFFFD40]  }
0x10f: {  	v12 =	vmul.f32 v55, v24;
	v40 =	vld [tilespmem:s28+$0xFFFFFD50];
	v1 =	vadd.f32 v48, v62;
	v10 =	vadd.f32 v46, v61  }
0x110: {  	v41 =	vmul.f32 v56, v25;
	v46 =	vld [tilespmem:s28+$0xFFFFFDA0];
	v62 =	vmul.f32 v59, v27  }
0x111: {  	v1 =	vadd.f32 v44, v1;
	v44 =	vmul.f32 v54, v24;
	v10 =	vadd.f32 v42, v10;
	v54 =	vld [tilespmem:s28+$0xFFFFFDB0]  }
0x112: {  	v63 =	vld [tilespmem:s28+$0xFFFFFE00];
	v48 =	vmul.f32 v57, v25;
	v42 =	vmul.f32 v58, v27  }
0x113: {  	v61 =	vmul.f32 v60, v30;
	v10 =	vadd.f32 v33, v10;
	v0 =	vmul.f32 v0, v30;
	v33 =	vld [tilespmem:s28+$0xFFFFFE10]  }
0x114: {  	v59 =	vld [tilespmem:s28+$0xFFFFFE70];
	v1 =	vadd.f32 v36, v1;
	v9 =	vmul.f32 v9, v30;
	v55 =	vmul.f32 v40, v30  }
0x115: {  	v56 =	vld [tilespmem:s28+$0xFFFFFF90];
	v26 =	vadd.f32 v61, v26;
	v58 =	vmul.f32 v46, v27;
	v0 =	vadd.f32 v0, v37  }
0x116: {  	v57 =	vld [tilespmem:s28+$0xFFFFFE60];
	v9 =	vadd.f32 v9, v35;
	v30 =	vadd.f32 v55, v34;
	v60 =	vmul.f32 v54, v27  }
0x117: {  	v26 =	vadd.f32 v42, v26;
	v0 =	vadd.f32 v62, v0;
	v62 =	vmul.f32 v63, v25;
	v63 =	vld [tilespmem:s28+$0xFFFFFED0]  }
0x118: {  	v61 =	vld [tilespmem:s28+$0xFFFFFEC0];
	v1 =	vadd.f32 v32, v1;
	v27 =	vadd.f32 v60, v30;
	v40 =	vmul.f32 v33, v25  }
0x119: {  	v46 =	vld [tilespmem:s28+$0xFFFFFF30];
	v9 =	vadd.f32 v58, v9;
	v26 =	vadd.f32 v41, v26  }
0x11a: {  	v41 =	vld [tilespmem:s28+$0xFFFFFF20];
	v0 =	vadd.f32 v48, v0;
	v48 =	vmul.f32 v59, v24;
	v25 =	vadd.f32 v40, v27  }
0x11b: {  	v36 =	vld [tilespmem:s28+$0x100];
	v10 =	vadd.f32 v31, v10;
	v42 =	vmul.f32 v57, v24;
	v9 =	vadd.f32 v62, v9  }
0x11c: {  	v32 =	vld [tilespmem:s28+$0xA0];
	v12 =	vadd.f32 v12, v26;
	v57 =	vadd.f32 v48, v25;
	v58 =	vmul.f32 v63, v22  }
0x11d: {  	v60 =	vld [tilespmem:s28+$0xFFFFFFF0];
	v55 =	vmul.f32 v61, v22;
	v0 =	vadd.f32 v44, v0;
	v9 =	vadd.f32 v42, v9  }
0x11e: {  	v54 =	vld [tilespmem:s28+$0xFFFFFF80];
	v61 =	vmul.f32 v46, v20;
	v6 =	vadd.f32 v6, v12;
	v12 =	vadd.f32 v58, v57  }
0x11f: {  	v63 =	vld [tilespmem:s28+$0x50];
	v0 =	vadd.f32 v7, v0;
	v7 =	vmul.f32 v41, v20;
	v9 =	vadd.f32 v55, v9  }
0x120: {  	v31 =	vmul.f32 v56, v19;
	v59 =	vld [tilespmem:s28+$0xFFFFFFE0];
	v6 =	vadd.f32 v52, v6;
	v30 =	vadd.f32 v61, v12  }
0x121: {  	v34 =	vld [tilespmem:s28+$0xB0];
	v0 =	vadd.f32 v53, v0;
	v7 =	vadd.f32 v7, v9  }
0x122: {  	v37 =	vld [tilespmem:s28+$0x110];
	v35 =	vmul.f32 v60, v18;
	v6 =	vadd.f32 v50, v6;
	v9 =	vadd.f32 v31, v30  }
0x123: {  	v62 =	vld [tilespmem:s28+$0x40];
	v26 =	vmul.f32 v54, v19;
	v0 =	vadd.f32 v51, v0  }
0x124: {  	v41 =	vld [tilespmem:s28+$0x160];
	v40 =	vmul.f32 v63, v15;
	v6 =	vadd.f32 v49, v6;
	v9 =	vadd.f32 v35, v9  }
0x125: {  	v42 =	vld [tilespmem:s28+$0x170];
	v33 =	vmul.f32 v59, v18;
	v7 =	vadd.f32 v26, v7;
	v0 =	vadd.f32 v47, v0  }
0x126: {  	v44 =	vld [tilespmem:s28+$0x1C0];
	v6 =	vadd.f32 v43, v6;
	v43 =	vmul.f32 v34, v14;
	v9 =	vadd.f32 v40, v9  }
0x127: {  	v46 =	vmul.f32 v37, v11;
	v19 =	vmul.f32 v32, v14;
	v0 =	vadd.f32 v45, v0;
	v45 =	vld [tilespmem:s28+$0x1D0]  }
0x128: {  	v22 =	vmul.f32 v62, v15;
	v7 =	vadd.f32 v33, v7;
	v47 =	vld [tilespmem:s28+$0x220];
	v9 =	vadd.f32 v43, v9  }
0x129: {  	v48 =	vld [tilespmem:s28+$0x230];
	v18 =	vmul.f32 v36, v11;
	v15 =	vmul.f32 v41, v8;
	v6 =	vadd.f32 v38, v6  }
0x12a: {  	v50 =	vld [tilespmem:s28+$0x280];
	v49 =	vmul.f32 v42, v8;
	v7 =	vadd.f32 v22, v7;
	v9 =	vadd.f32 v46, v9  }
0x12b: {  	v51 =	vld [tilespmem:s28+$0x290];
	v14 =	vmul.f32 v44, v5;
	v0 =	vadd.f32 v39, v0;
	v6 =	vadd.f32 v28, v6  }
0x12c: {  	v56 =	vld [tilespmem:$0x1FFA0];
	v7 =	vadd.f32 v19, v7;
	v5 =	vmul.f32 v45, v5;
	v8 =	vadd.f32 v49, v9  }
0x12d: {  	v54 =	vld [tilespmem:$0x1FFC0];
	v12 =	vmul.f32 v47, v4;
	v0 =	vadd.f32 v29, v0;
	v6 =	vadd.f32 v21, v6  }
0x12e: {  	v57 =	vld [tilespmem:$0x1FF80];
	v4 =	vmul.f32 v48, v4;
	v7 =	vadd.f32 v18, v7;
	v5 =	vadd.f32 v5, v8  }
0x12f: {  	v53 =	vld [tilespmem:s28+$0x2F0];
	v55 =	vmul.f32 v50, v3;
	v0 =	vadd.f32 v23, v0;
	v6 =	vadd.f32 v17, v6  }
0x130: {  	v3 =	vmul.f32 v51, v3;
	v7 =	vadd.f32 v15, v7;
	v4 =	vadd.f32 v4, v5;
	v5 =	vld [tilespmem:$0x1FFB0]  }
0x131: {  	v52 =	vld [tilespmem:s28+$0x2E0];
	v0 =	vadd.f32 v16, v0;
	v6 =	vadd.f32 v13, v6  }
0x132: {  	v7 =	vadd.f32 v14, v7;
	v58 =	vadd.f32 v3, v4;
	v3 =	vld [tilespmem:$0x1FF90]  }
0x133: {  	v0 =	vadd.f32 v54, v0;
	v6 =	vadd.f32 v56, v6  }
0x134: {  	v59 =	vmul.f32 v53, v2;
	v7 =	vadd.f32 v12, v7  }
0x135: {  	[tilespmem:$0x6620] =	vst v1;
	v6 =	vadd.f32 v57, v6;
	v0 =	vadd.f32 v5, v0  }
0x136: {  	[tilespmem:$0x6630] =	vst v10;
	v7 =	vadd.f32 v55, v7;
	v1 =	vadd.f32 v59, v58;
	v5 =	vmul.f32 v52, v2  }
0x137: {  	[tilespmem:$0x6640] =	vst v6;
	v0 =	vadd.f32 v3, v0  }
0x138: {  	[tilespmem:$0x6670] =	vst v1;
	v3 =	vadd.f32 v5, v7  }
0x139: {  	[tilespmem:$0x6650] =	vst v0  }
0x13a: {  	s28 =	simm.s32 $0x0;
	[tilespmem:$0x6660] =	vst v3  }
0x13b: {  	[hbm4b:s5+s28] =	stream.linear.scatter [tilespmem:s25], [sflag:$0x2], $0x60, $0x38;
	[tilespmem:$0x6680] =	vst v63  }
0x13c: {  	_ =	swait.ge [sflag:s17], $0x60  }
0x13d: {  	[sflag:s17] =	ssyncset.done $0x0  }
0x13e: {  	[sflag:s17] =	ssyncadd.s32 $0xFFFFFFA0  }
0x13f: {  	[tilespmem:s28], [sflag:$0x2] =	stream.linear.gather [hbm4b:s6+s28], $0x400, $0x38;
	[tilespmem:$0x6680] =	vst v63  }
0x140: {  	_ =	swait.ge [sflag:s17], $0x400  }
0x141: {  	[sflag:s17] =	ssyncset.done $0x0  }
0x142: {  	s29 =	simm.s32 $0x0;
	[sflag:s17] =	ssyncadd.s32 $0xFFFFFC00  }
0x143: {  	v60 =	vld [tilespmem:s29+$0x0];
	_ =	sdelay $0x4  }
0x144: {  	vm0 =	vlt.s32 v60, $0x1  }
0x145: {  	v61 =	vnsel vm0, $0x1, v60  }
0x146: {  	(xrf0) =	vadd.scan.msk.s32 $0xffff, v61;
	_ =	sdelay $0x1  }
0x147: {  	v62 =	vmov s28  }
0x148: {  	v2 =	vadd.s32 $0xFFFFFEF8, v62  }
0x149: {  	v2 =	vbroadcast v2, $0x0;
	_ =	sdelay $0x1  }
0x14a: {  	v2 =	vsub.s32 v2, v61;
	v3, _, _ =	vpop (xrf0)  }
0x14b: {  	v2 =	vadd.s32 v3, v2;
	(v2sf) =	vpush v3, $0xF  }
0x14c: {  	v1 =	vmul.u32 v61, v2;
	_ =	sdelay $0x1  }
0x14d: {  	v1 =	vadd.s32 $0x108, v1;
	_ =	sdelay $0x2  }
0x14e: {  	v4 =	vlaneseq.u32  }
0x14f: {  	v63 =	vor.u32 s14, v4  }
0x150: {  	[tilespmem:v1+s18+$0x0] =	vst.idx.msk $0xffff, v63  }
0x151: {  	s31 =	simm.s32 $0x10;
	s30 =	simm.s32 $0x80;
	s29 =	smov.u32 s14;
	[tilespmem:v1+s19+$0x0] =	vst.idx.msk $0xffff, v60  }
.LBB2_6:
0x152: {  	p0 =	sne.s32 s30, $0xFC0;
	v0 =	vld [tilespmem:s31+$0x0];
	_ =	sdelay $0x4  }
0x153: {  	vm0 =	vlt.s32 v0, $0x1;
	s31 =	spop (v2sf)  }
0x154: {  	v1 =	vnsel vm0, $0x1, v0;
	s28 =	sadd.s32 s28, s31  }
0x155: {  	v2 =	vmov s28;
	(xrf0) =	vadd.scan.msk.s32 $0xffff, v1  }
0x156: {  	v2 =	vadd.s32 $0xFFFFFEF8, v2  }
0x157: {  	v2 =	vbroadcast v2, $0x0;
	_ =	sdelay $0x1  }
0x158: {  	v2 =	vsub.s32 v2, v1;
	_ =	sdelay $0x1  }
0x159: {  	v3, _, _ =	vpop (xrf0)  }
0x15a: {  	v2 =	vadd.s32 v3, v2;
	(v2sf) =	vpush v3, $0xF  }
0x15b: {  	v1 =	vmul.u32 v1, v2;
	_ =	sdelay $0x1  }
0x15c: {  	v1 =	vadd.s32 $0x108, v1;
	_ =	sdelay $0x1  }
.Ltmp2:
0x15d: {  	(pc) =	sbr.rel @p0 .LBB2_6-.Ltmp2, $4  }
0x15e: {  	s29 =	sadd.s32 $0x10, s29  }
0x15f: {  	v2 =	vor.u32 s29, v4  }
0x160: {  	[tilespmem:v1+s18+$0x0] =	vst.idx.msk $0xffff, v2  }
0x161: {  	s31 =	sshra.s32 s30, $0x2;
	s30 =	sadd.s32 $0x40, s30;
	[tilespmem:v1+s19+$0x0] =	vst.idx.msk $0xffff, v0  }
0x162: {  	v0 =	vld [tilespmem:s31+$0x0];
	_ =	sdelay $0x4  }
0x163: {  	vm0 =	vlt.s32 v0, $0x1  }
0x164: {  	v1 =	vnsel vm0, $0x1, v0  }
0x165: {  	(xrf0) =	vadd.scan.msk.s32 $0xffff, v1;
	_ =	sdelay $0x1  }
0x166: {  	s30 =	spop (v2sf)  }
0x167: {  	s28 =	sadd.s32 s28, s30  }
0x168: {  	v2 =	vmov s28  }
0x169: {  	v2 =	vadd.s32 $0xFFFFFEF8, v2  }
0x16a: {  	v2 =	vbroadcast v2, $0x0;
	v3, _, _ =	vpop (xrf0)  }
0x16b: {  	(v2sf) =	vpush v3, $0xF  }
0x16c: {  	v2 =	vsub.s32 v2, v1  }
0x16d: {  	v2 =	vadd.s32 v3, v2  }
0x16e: {  	v1 =	vmul.u32 v1, v2;
	_ =	sdelay $0x1  }
0x16f: {  	v1 =	vadd.s32 $0x108, v1;
	_ =	sdelay $0x2  }
0x170: {  	s28 =	sadd.s32 $0x10, s29  }
0x171: {  	v2 =	vor.u32 s28, v4  }
0x172: {  	[tilespmem:v1+s18+$0x0] =	vst.idx.msk $0xffff, v2  }
0x173: {  	[tilespmem:v1+s19+$0x0] =	vst.idx.msk $0xffff, v0  }
0x174: {  	[tilespmem:s21], [sflag:$0x1] =	stream.indirect.gather [hbm4b:s3+s20], $0x60, s18, s20, $0xb8;
	[tilespmem:$0x6680] =	vst v63  }
0x175: {  	_ = 	snop  }
0x176: {  	[tilespmem:s23], [sflag:$0x1] =	stream.indirect.gather [hbm4b:s3+s20], $0x60, s22, s20, $0xb8;
	[tilespmem:$0x6680] =	vst v63  }
0x177: {  	s28 =	spop (v2sf)  }
0x178: {  	_ =	swait.ge [sflag:s24], $0x3000  }
0x179: {  	[sflag:s24] =	ssyncset.done $0x0  }
0x17a: {  	[sflag:s24] =	ssyncadd.s32 $0xFFFFD000  }
0x17b: {  	_ =	swait.ge [sflag:s24], $0x3000  }
0x17c: {  	[sflag:s24] =	ssyncset.done $0x0  }
0x17d: {  	s28 =	simm.s32 $0x920;
	[sflag:s24] =	ssyncadd.s32 $0xFFFFD000  }
0x17e: {  	v0 =	vld [tilespmem:s28+$0x2A0]  }
0x17f: {  	v1 =	vld [tilespmem:s28+$0x2B0]  }
0x180: {  	v6 =	vld [tilespmem:s28+$0x2C0]  }
0x181: {  	v9 =	vld [tilespmem:s28+$0x2D0]  }
0x182: {  	v10 =	vld [tilespmem:s28+$0x240]  }
0x183: {  	v12 =	vld [tilespmem:s28+$0x250]  }
0x184: {  	v13 =	vld [tilespmem:s28+$0x260]  }
0x185: {  	v16 =	vld [tilespmem:s28+$0x270]  }
0x186: {  	v17 =	vld [tilespmem:s28+$0x1E0]  }
0x187: {  	v21 =	vld [tilespmem:s28+$0x1F0]  }
0x188: {  	v23 =	vld [tilespmem:s28+$0x200]  }
0x189: {  	v26 =	vld [tilespmem:s28+$0x210]  }
0x18a: {  	v28 =	vld [tilespmem:s28+$0x180]  }
0x18b: {  	v29 =	vld [tilespmem:s28+$0x190]  }
0x18c: {  	v34 =	vld [tilespmem:s28+$0x1A0]  }
0x18d: {  	v35 =	vld [tilespmem:s28+$0x1B0]  }
0x18e: {  	s29 =	simm.s32 $0x0;
	v37 =	vld [tilespmem:s28+$0x120]  }
0x18f: {  	v7 =	vld [tilespmem:s29+$0x510]  }
0x190: {  	v38 =	vld [tilespmem:s28+$0x130]  }
0x191: {  	v39 =	vld [tilespmem:s28+$0x140]  }
0x192: {  	v40 =	vld [tilespmem:s28+$0x150]  }
0x193: {  	v41 =	vld [tilespmem:s28+$0xC0]  }
0x194: {  	v14 =	vld [tilespmem:s28+$0x60]  }
0x195: {  	v43 =	vld [tilespmem:s28+$0xD0];
	v3 =	vbroadcast v7, $0xE  }
0x196: {  	v47 =	vld [tilespmem:s28+$0xE0];
	v2 =	vbroadcast v7, $0xF;
	v5 =	vbroadcast v7, $0xC  }
0x197: {  	v49 =	vld [tilespmem:s28+$0xF0];
	v4 =	vbroadcast v7, $0xD;
	v11 =	vbroadcast v7, $0xA  }
0x198: {  	v50 =	vld [tilespmem:s28+$0x70];
	v8 =	vbroadcast v7, $0xB;
	v15 =	vbroadcast v7, $0x8  }
0x199: {  	v51 =	vld [tilespmem:s28+$0x80];
	[tilespmem:$0x1FF70] =	vst v14;
	v14 =	vbroadcast v7, $0x9;
	v19 =	vbroadcast v7, $0x6  }
0x19a: {  	v52 =	vld [tilespmem:s28+$0x90];
	v18 =	vbroadcast v7, $0x7;
	v22 =	vbroadcast v7, $0x4  }
0x19b: {  	v53 =	vld [tilespmem:s28+$0x0];
	v20 =	vbroadcast v7, $0x5;
	v25 =	vbroadcast v7, $0x2  }
0x19c: {  	v54 =	vld [tilespmem:s28+$0x10];
	v24 =	vbroadcast v7, $0x3;
	v30 =	vbroadcast v7, $0x0  }
0x19d: {  	v45 =	vld [tilespmem:s28+$0x20];
	v27 =	vbroadcast v7, $0x1;
	v32 =	vmul.f32 v0, v2  }
0x19e: {  	v55 =	vld [tilespmem:s28+$0xFFFFFD10];
	v31 =	vmul.f32 v1, v2;
	v0 =	vmul.f32 v6, v2  }
0x19f: {  	v56 =	vld [tilespmem:s28+$0xFFFFFD60];
	v36 =	vmul.f32 v10, v3;
	v33 =	vmul.f32 v12, v3  }
0x1a0: {  	v1 =	vld [tilespmem:s28+$0xFFFFFD00];
	v44 =	vmul.f32 v17, v4;
	v42 =	vmul.f32 v21, v4  }
0x1a1: {  	v63 =	vld [tilespmem:s28+$0xFFFFFF40];
	v48 =	vmul.f32 v28, v5;
	[tilespmem:$0x1FF20] =	vst v0;
	v0 =	vmul.f32 v9, v2  }
0x1a2: {  	v21 =	vld [tilespmem:s28+$0xFFFFFD70];
	v46 =	vmul.f32 v29, v5;
	v17 =	vmul.f32 v34, v5  }
0x1a3: {  	v28 =	vld [tilespmem:s28+$0xFFFFFDD0];
	v29 =	vmul.f32 v55, v30;
	[tilespmem:$0x1FF30] =	vst v0;
	v0 =	vmul.f32 v13, v3  }
0x1a4: {  	v34 =	vld [tilespmem:s28+$0xFFFFFE20];
	v7 =	vmul.f32 v37, v8;
	v13 =	vmul.f32 v23, v4  }
0x1a5: {  	v23 =	vld [tilespmem:s28+$0xFFFFFDC0];
	v1 =	vmul.f32 v1, v30;
	[tilespmem:$0x1FF40] =	vst v0;
	v0 =	vmul.f32 v16, v3  }
0x1a6: {  	v16 =	vmul.f32 v35, v5;
	v35 =	vmul.f32 v56, v27;
	v56 =	vld [tilespmem:s28+$0xFFFFFE80]  }
0x1a7: {  	v55 =	vld [tilespmem:s28+$0xFFFFFE30];
	v58 =	vmul.f32 v41, v11;
	[tilespmem:$0x1FF50] =	vst v0;
	v0 =	vmul.f32 v26, v4;
	v26 =	vimm.f32 $0.0e+00  }
0x1a8: {  	v57 =	vld [tilespmem:s28+$0xFFFFFE90];
	v21 =	vmul.f32 v21, v27;
	v1 =	vadd.f32 v1, v26;
	v29 =	vadd.f32 v29, v26  }
0x1a9: {  	v61 =	vld [tilespmem:s28+$0xFFFFFEE0];
	v41 =	vmul.f32 v63, v19;
	v28 =	vmul.f32 v28, v25  }
0x1aa: {  	v62 =	vld [tilespmem:s28+$0xFFFFFEF0];
	v23 =	vmul.f32 v23, v25;
	v1 =	vadd.f32 v35, v1;
	v29 =	vadd.f32 v21, v29  }
0x1ab: {  	v59 =	vld [tilespmem:s28+$0xFFFFFFC0];
	v34 =	vmul.f32 v34, v24;
	v37 =	vmul.f32 v56, v22  }
0x1ac: {  	v56 =	vld [tilespmem:s28+$0xFFFFFF50];
	v1 =	vadd.f32 v23, v1;
	v28 =	vadd.f32 v28, v29;
	v29 =	vmul.f32 v55, v24  }
0x1ad: {  	v63 =	vld [tilespmem:s28+$0xFFFFFF60];
	v21 =	vmul.f32 v39, v8;
	v23 =	vmul.f32 v40, v8  }
0x1ae: {  	v40 =	vld [tilespmem:s28+$0xFFFFFFB0];
	v1 =	vadd.f32 v34, v1;
	v28 =	vadd.f32 v29, v28;
	v29 =	vmul.f32 v57, v22  }
0x1af: {  	v35 =	vmul.f32 v61, v20;
	v61 =	vmul.f32 v43, v11;
	v34 =	vld [tilespmem:s28+$0xFFFFFFA0]  }
0x1b0: {  	v6 =	vld [tilespmem:$0x1FF70];
	v1 =	vadd.f32 v37, v1;
	v28 =	vadd.f32 v29, v28;
	v29 =	vmul.f32 v62, v20  }
0x1b1: {  	v39 =	vmul.f32 v53, v15;
	v53 =	vld [tilespmem:s28+$0xFFFFFF10];
	v43 =	vmul.f32 v56, v19  }
0x1b2: {  	[tilespmem:$0x1FF60] =	vst v0;
	v0 =	vld [tilespmem:s28+$0xFFFFFF00];
	v56 =	vmul.f32 v54, v15;
	v1 =	vadd.f32 v35, v1;
	v29 =	vadd.f32 v29, v28  }
0x1b3: {  	v57 =	vld [tilespmem:s28+$0x30];
	v28 =	vmul.f32 v47, v11;
	v47 =	vmul.f32 v40, v18  }
0x1b4: {  	v54 =	vld [tilespmem:s28+$0xFFFFFE50];
	v34 =	vmul.f32 v34, v18;
	v1 =	vadd.f32 v41, v1;
	v35 =	vadd.f32 v43, v29  }
0x1b5: {  	v60 =	vmul.f32 v38, v8;
	v38 =	vmul.f32 v51, v14;
	v62 =	vld [tilespmem:s28+$0xFFFFFFD0]  }
0x1b6: {  	v53 =	vmul.f32 v53, v20;
	v37 =	vld [tilespmem:s28+$0xFFFFFF70];
	v1 =	vadd.f32 v34, v1;
	v55 =	vadd.f32 v47, v35  }
0x1b7: {  	v40 =	vld [tilespmem:s28+$0xFFFFFEA0];
	v29 =	vmul.f32 v49, v11;
	v49 =	vmul.f32 v50, v14  }
0x1b8: {  	v41 =	vld [tilespmem:s28+$0xFFFFFEB0];
	v47 =	vmul.f32 v6, v14;
	v1 =	vadd.f32 v39, v1;
	v34 =	vadd.f32 v56, v55  }
0x1b9: {  	v43 =	vmul.f32 v45, v15;
	v45 =	vmul.f32 v57, v15;
	v57 =	vld [tilespmem:s28+$0xFFFFFDF0]  }
0x1ba: {  	v50 =	vmul.f32 v63, v19;
	v55 =	vld [tilespmem:s28+$0xFFFFFE40];
	v1 =	vadd.f32 v47, v1;
	v34 =	vadd.f32 v49, v34  }
0x1bb: {  	v51 =	vmul.f32 v37, v19;
	v37 =	vimm.f32 $0.0e+00;
	v39 =	vmul.f32 v52, v14;
	v56 =	vld [tilespmem:s28+$0xFFFFFDE0]  }
0x1bc: {  	v49 =	vmul.f32 v59, v18;
	v59 =	vld [tilespmem:s28+$0xFFFFFD90];
	v1 =	vadd.f32 v58, v1;
	v34 =	vadd.f32 v61, v34  }
0x1bd: {  	v35 =	vimm.f32 $0.0e+00;
	v52 =	vmul.f32 v0, v20;
	v47 =	vmul.f32 v62, v18;
	v58 =	vld [tilespmem:s28+$0xFFFFFD80]  }
0x1be: {  	s29 =	simm.s32 $0x40;
	v62 =	vadd.f32 v7, v1;
	v61 =	vadd.f32 v60, v34;
	v60 =	vld [tilespmem:s28+$0xFFFFFD20];
	v34 =	vimm.f32 $0.0e+00  }
.LBB2_8:
0x1bf: {  	v0 =	vld [tilespmem:s28+$0xFFFFFD30]  }
0x1c0: {  	v46 =	vadd.f32 v46, v61  }
0x1c1: {  	v6 =	vld [tilespmem:$0x1FF60];
	v1 =	vmul.f32 v40, v22  }
0x1c2: {  	v42 =	vadd.f32 v42, v46;
	v63 =	vmul.f32 v41, v22;
	v40 =	vld [tilespmem:s28+$0xFFFFFD40];
	v55 =	vmul.f32 v55, v24  }
0x1c3: {  	v41 =	vadd.f32 v48, v62;
	v48 =	vld [tilespmem:s28+$0xFFFFFD50];
	v56 =	vmul.f32 v56, v25;
	v46 =	vmul.f32 v59, v27  }
0x1c4: {  	v61 =	vld [tilespmem:s28+$0xFFFFFDA0];
	v59 =	vmul.f32 v60, v30;
	v0 =	vmul.f32 v0, v30  }
0x1c5: {  	v33 =	vadd.f32 v33, v42;
	v41 =	vadd.f32 v44, v41;
	v44 =	vmul.f32 v58, v27;
	v58 =	vld [tilespmem:s28+$0xFFFFFDB0]  }
0x1c6: {  	v54 =	vmul.f32 v54, v24;
	v60 =	vld [tilespmem:s28+$0xFFFFFE00];
	v26 =	vadd.f32 v59, v26;
	v0 =	vadd.f32 v0, v37  }
0x1c7: {  	v57 =	vmul.f32 v57, v25;
	v62 =	vld [tilespmem:s28+$0xFFFFFE10];
	v36 =	vadd.f32 v36, v41;
	v41 =	vadd.f32 v31, v33  }
0x1c8: {  	v26 =	vadd.f32 v44, v26;
	v42 =	vmul.f32 v40, v30;
	v30 =	vmul.f32 v48, v30;
	v48 =	vld [tilespmem:s28+$0xFFFFFE60]  }
0x1c9: {  	v31 =	vmul.f32 v61, v27;
	v0 =	vadd.f32 v46, v0;
	v40 =	vadd.f32 v32, v36;
	v32 =	vld [tilespmem:s28+$0xFFFFFE70]  }
0x1ca: {  	v59 =	vld [tilespmem:s28+$0xFFFFFEC0];
	v26 =	vadd.f32 v56, v26;
	v30 =	vadd.f32 v30, v34;
	v27 =	vmul.f32 v58, v27  }
0x1cb: {  	v61 =	vmul.f32 v60, v25;
	v33 =	vadd.f32 v42, v35;
	v42 =	vld [tilespmem:s28+$0xFFFFFED0];
	v0 =	vadd.f32 v57, v0  }
0x1cc: {  	v25 =	vmul.f32 v62, v25;
	v26 =	vadd.f32 v55, v26;
	v27 =	vadd.f32 v27, v30;
	v30 =	vld [tilespmem:s28+$0xFFFFFF20]  }
0x1cd: {  	v46 =	vld [tilespmem:s28+$0xFFFFFF30];
	v31 =	vadd.f32 v31, v33;
	v0 =	vadd.f32 v54, v0;
	v44 =	vmul.f32 v48, v24  }
0x1ce: {  	v1 =	vadd.f32 v1, v26;
	v25 =	vadd.f32 v25, v27;
	v24 =	vmul.f32 v32, v24;
	v27 =	vld [tilespmem:s28+$0xFFFFFF80]  }
0x1cf: {  	v54 =	vld [tilespmem:s28+$0xFFFFFF90];
	v48 =	vmul.f32 v59, v22;
	v31 =	vadd.f32 v61, v31;
	v0 =	vadd.f32 v63, v0  }
0x1d0: {  	v22 =	vmul.f32 v42, v22;
	v1 =	vadd.f32 v52, v1;
	v24 =	vadd.f32 v24, v25;
	v25 =	vld [tilespmem:s28+$0xFFFFFFE0]  }
0x1d1: {  	v31 =	vadd.f32 v44, v31;
	v0 =	vadd.f32 v53, v0;
	v26 =	vmul.f32 v30, v20;
	v30 =	vld [tilespmem:s28+$0xFFFFFFF0]  }
0x1d2: {  	v20 =	vmul.f32 v46, v20;
	v1 =	vadd.f32 v50, v1;
	v22 =	vadd.f32 v22, v24;
	v24 =	vld [tilespmem:s28+$0x40]  }
0x1d3: {  	v55 =	vld [tilespmem:s28+$0x50];
	v31 =	vadd.f32 v48, v31;
	v0 =	vadd.f32 v51, v0;
	v27 =	vmul.f32 v27, v19  }
0x1d4: {  	v19 =	vmul.f32 v54, v19;
	v1 =	vadd.f32 v49, v1;
	v20 =	vadd.f32 v20, v22;
	v22 =	vld [tilespmem:s28+$0xA0]  }
0x1d5: {  	v26 =	vadd.f32 v26, v31;
	v31 =	vld [tilespmem:s28+$0xB0];
	v0 =	vadd.f32 v47, v0;
	v25 =	vmul.f32 v25, v18  }
0x1d6: {  	v1 =	vadd.f32 v43, v1;
	v19 =	vadd.f32 v19, v20;
	v18 =	vmul.f32 v30, v18;
	v20 =	vld [tilespmem:s28+$0x100]  }
0x1d7: {  	v26 =	vadd.f32 v27, v26;
	v27 =	vld [tilespmem:s28+$0x110];
	v0 =	vadd.f32 v45, v0;
	v24 =	vmul.f32 v24, v15  }
0x1d8: {  	v15 =	vmul.f32 v55, v15;
	v1 =	vadd.f32 v38, v1;
	v18 =	vadd.f32 v18, v19;
	v19 =	vld [tilespmem:s28+$0x160]  }
0x1d9: {  	v25 =	vadd.f32 v25, v26;
	v26 =	vld [tilespmem:s28+$0x170];
	v0 =	vadd.f32 v39, v0  }
0x1da: {  	v1 =	vadd.f32 v28, v1;
	v15 =	vadd.f32 v15, v18;
	v18 =	vld [tilespmem:s28+$0x1C0]  }
0x1db: {  	v22 =	vmul.f32 v22, v14;
	v14 =	vmul.f32 v31, v14;
	v24 =	vadd.f32 v24, v25;
	v25 =	vld [tilespmem:s28+$0x1D0]  }
0x1dc: {  	v0 =	vadd.f32 v29, v0;
	v1 =	vadd.f32 v21, v1;
	v21 =	vld [tilespmem:s28+$0x290]  }
0x1dd: {  	v20 =	vmul.f32 v20, v11;
	v11 =	vmul.f32 v27, v11;
	v14 =	vadd.f32 v14, v15;
	v15 =	vld [tilespmem:s28+$0x220]  }
0x1de: {  	v22 =	vadd.f32 v22, v24;
	v24 =	vld [tilespmem:s28+$0x230];
	v0 =	vadd.f32 v23, v0  }
0x1df: {  	v19 =	vmul.f32 v19, v8;
	v8 =	vmul.f32 v26, v8;
	v11 =	vadd.f32 v11, v14;
	v14 =	vld [tilespmem:s28+$0x280]  }
0x1e0: {  	v0 =	vadd.f32 v16, v0;
	v16 =	vld [tilespmem:s28+$0x2F0]  }
0x1e1: {  	s30 =	sshra.s32 s29, $0x2;
	v8 =	vadd.f32 v8, v11;
	v11 =	vld [tilespmem:s28+$0x2E0]  }
0x1e2: {  	s28 =	sadd.s32 $0x600, s28;
	v0 =	vadd.f32 v6, v0;
	v6 =	vld [tilespmem:s30+$0x510]  }
0x1e3: {  	v1 =	vadd.f32 v17, v1;
	v17 =	vld [tilespmem:s28+$0x2A0]  }
0x1e4: {  	v23 =	vld [tilespmem:s28+$0x2B0]  }
0x1e5: {  	v12 =	vld [tilespmem:s28+$0x2C0]  }
0x1e6: {  	v9 =	vld [tilespmem:s28+$0x240]  }
0x1e7: {  	v10 =	vld [tilespmem:s28+$0x250]  }
0x1e8: {  	v28 =	vld [tilespmem:s28+$0x200]  }
0x1e9: {  	v43 =	vld [tilespmem:s28+$0x210]  }
0x1ea: {  	v46 =	vld [tilespmem:s28+$0x180]  }
0x1eb: {  	v47 =	vld [tilespmem:s28+$0x190]  }
0x1ec: {  	v49 =	vld [tilespmem:s28+$0x1A0]  }
0x1ed: {  	v50 =	vld [tilespmem:s28+$0x1B0]  }
0x1ee: {  	v51 =	vld [tilespmem:s28+$0x120]  }
0x1ef: {  	v52 =	vld [tilespmem:s28+$0x130]  }
0x1f0: {  	v53 =	vld [tilespmem:s28+$0x140]  }
0x1f1: {  	v18 =	vmul.f32 v18, v5;
	v5 =	vmul.f32 v25, v5;
	v54 =	vld [tilespmem:s28+$0x150]  }
0x1f2: {  	v55 =	vld [tilespmem:s28+$0xC0]  }
0x1f3: {  	v15 =	vmul.f32 v15, v4;
	v4 =	vmul.f32 v24, v4;
	v56 =	vld [tilespmem:s28+$0xD0];
	v5 =	vadd.f32 v5, v8  }
0x1f4: {  	v20 =	vadd.f32 v20, v22;
	v57 =	vld [tilespmem:s28+$0xE0]  }
0x1f5: {  	v8 =	vmul.f32 v14, v3;
	v3 =	vmul.f32 v21, v3;
	v4 =	vadd.f32 v4, v5;
	v5 =	vld [tilespmem:$0x1FF40]  }
0x1f6: {  	v29 =	vld [tilespmem:s28+$0xF0]  }
0x1f7: {  	v19 =	vadd.f32 v19, v20;
	v3 =	vadd.f32 v3, v4;
	v4 =	vld [tilespmem:$0x1FF20]  }
0x1f8: {  	v1 =	vadd.f32 v13, v1;
	v38 =	vld [tilespmem:s28+$0x60]  }
0x1f9: {  	v58 =	vld [tilespmem:s28+$0x70];
	v18 =	vadd.f32 v18, v19  }
0x1fa: {  	v1 =	vadd.f32 v5, v1;
	v5 =	vld [tilespmem:$0x1FF50]  }
0x1fb: {  	v39 =	vld [tilespmem:s28+$0x80];
	v13 =	vadd.f32 v15, v18;
	v15 =	vbroadcast v6, $0x8  }
0x1fc: {  	v14 =	vbroadcast v6, $0x9;
	v19 =	vbroadcast v6, $0x6;
	v26 =	vadd.f32 v4, v1;
	v1 =	vld [tilespmem:$0x1FF30]  }
0x1fd: {  	v18 =	vbroadcast v6, $0x7;
	v22 =	vbroadcast v6, $0x4;
	v8 =	vadd.f32 v8, v13;
	v13 =	vld [tilespmem:s28+$0x1E0]  }
0x1fe: {  	v45 =	vld [tilespmem:s28+$0x90];
	v20 =	vbroadcast v6, $0x5;
	v25 =	vbroadcast v6, $0x2  }
0x1ff: {  	v59 =	vld [tilespmem:s28+$0x0];
	v24 =	vbroadcast v6, $0x3;
	v30 =	vbroadcast v6, $0x0;
	v0 =	vadd.f32 v5, v0  }
0x200: {  	v60 =	vld [tilespmem:s28+$0x10];
	v27 =	vbroadcast v6, $0x1;
	v4 =	vbroadcast v6, $0xD  }
0x201: {  	v5 =	vmul.f32 v11, v2;
	v2 =	vmul.f32 v16, v2;
	v37 =	vadd.f32 v1, v0;
	v0 =	vld [tilespmem:s28+$0x260]  }
0x202: {  	v21 =	vld [tilespmem:s28+$0x2D0];
	v44 =	vmul.f32 v13, v4;
	v13 =	vmul.f32 v28, v4  }
0x203: {  	v11 =	vbroadcast v6, $0xA;
	v34 =	vadd.f32 v2, v3;
	v1 =	vld [tilespmem:s28+$0x270];
	v2 =	vbroadcast v6, $0xF  }
0x204: {  	v61 =	vld [tilespmem:s28+$0x20];
	v35 =	vadd.f32 v5, v8;
	v3 =	vbroadcast v6, $0xE;
	v5 =	vbroadcast v6, $0xC  }
0x205: {  	v28 =	vld [tilespmem:s28+$0xFFFFFDC0];
	v8 =	vbroadcast v6, $0xB;
	v6 =	vmul.f32 v12, v2  }
0x206: {  	v16 =	vld [tilespmem:s28+$0x1F0];
	v0 =	vmul.f32 v0, v3  }
0x207: {  	v31 =	vmul.f32 v23, v2;
	v23 =	vld [tilespmem:s28+$0xFFFFFD10];
	[tilespmem:$0x1FF20] =	vst v6  }
0x208: {  	v6 =	vmul.f32 v21, v2;
	v21 =	vld [tilespmem:s28+$0xFFFFFD00];
	[tilespmem:$0x1FF40] =	vst v0;
	v0 =	vmul.f32 v1, v3  }
0x209: {  	v7 =	vmul.f32 v56, v11;
	v29 =	vmul.f32 v29, v11;
	v1 =	vld [tilespmem:s28+$0xFFFFFD70]  }
0x20a: {  	v32 =	vmul.f32 v17, v2;
	v36 =	vmul.f32 v9, v3;
	[tilespmem:$0x1FF50] =	vst v0;
	v0 =	vld [tilespmem:s28+$0xFFFFFD60]  }
0x20b: {  	v48 =	vmul.f32 v46, v5;
	v46 =	vmul.f32 v47, v5;
	v47 =	vld [tilespmem:s28+$0xFFFFFE20]  }
0x20c: {  	[tilespmem:$0x1FF30] =	vst v6;
	v6 =	vmul.f32 v43, v4;
	v43 =	vld [tilespmem:s28+$0xFFFFFDD0];
	v23 =	vmul.f32 v23, v30  }
0x20d: {  	v17 =	vmul.f32 v49, v5;
	v49 =	vld [tilespmem:s28+$0xFFFFFE30];
	v21 =	vmul.f32 v21, v30  }
0x20e: {  	v33 =	vmul.f32 v10, v3;
	v63 =	vmul.f32 v51, v8;
	v51 =	vld [tilespmem:s28+$0xFFFFFF50];
	v23 =	vadd.f32 v23, v41  }
0x20f: {  	v21 =	vadd.f32 v21, v40;
	v40 =	vld [tilespmem:s28+$0xFFFFFE80];
	v1 =	vmul.f32 v1, v27;
	v0 =	vmul.f32 v0, v27  }
0x210: {  	v28 =	vmul.f32 v28, v25;
	v42 =	vmul.f32 v16, v4;
	v41 =	vld [tilespmem:s28+$0xFFFFFE90]  }
0x211: {  	v1 =	vadd.f32 v1, v23;
	v23 =	vmul.f32 v43, v25;
	v43 =	vld [tilespmem:s28+$0xFFFFFEE0];
	v0 =	vadd.f32 v0, v21  }
0x212: {  	v16 =	vmul.f32 v50, v5;
	v50 =	vld [tilespmem:s28+$0xFFFFFEF0];
	v47 =	vmul.f32 v47, v24  }
0x213: {  	v62 =	vld [tilespmem:s28+$0x30];
	v1 =	vadd.f32 v23, v1;
	v0 =	vadd.f32 v28, v0;
	v28 =	vmul.f32 v49, v24  }
0x214: {  	v56 =	vmul.f32 v51, v19;
	v40 =	vmul.f32 v40, v22;
	v49 =	vld [tilespmem:s28+$0xFFFFFF40]  }
0x215: {  	v0 =	vadd.f32 v47, v0;
	v1 =	vadd.f32 v28, v1;
	v28 =	vmul.f32 v41, v22;
	v41 =	vld [tilespmem:s28+$0xFFFFFFA0]  }
0x216: {  	[tilespmem:$0x1FF60] =	vst v6;
	v6 =	vmul.f32 v52, v8;
	v43 =	vmul.f32 v43, v20;
	v47 =	vld [tilespmem:s28+$0xFFFFFFB0]  }
0x217: {  	v9 =	vld [tilespmem:s28+$0xFFFFFF70];
	v0 =	vadd.f32 v40, v0;
	v1 =	vadd.f32 v28, v1;
	v28 =	vmul.f32 v50, v20  }
0x218: {  	v10 =	vld [tilespmem:s28+$0xFFFFFF00];
	v52 =	vmul.f32 v55, v11;
	v21 =	vmul.f32 v53, v8  }
0x219: {  	v12 =	vld [tilespmem:s28+$0xFFFFFF10];
	v40 =	vmul.f32 v49, v19;
	v0 =	vadd.f32 v43, v0;
	v1 =	vadd.f32 v28, v1  }
0x21a: {  	v51 =	vld [tilespmem:s28+$0xFFFFFF60];
	v28 =	vmul.f32 v57, v11;
	v41 =	vmul.f32 v41, v18  }
0x21b: {  	v55 =	vld [tilespmem:s28+$0xFFFFFE40];
	v57 =	vmul.f32 v47, v18;
	v0 =	vadd.f32 v40, v0;
	v1 =	vadd.f32 v56, v1  }
0x21c: {  	v23 =	vmul.f32 v54, v8;
	v53 =	vld [tilespmem:s28+$0xFFFFFFD0];
	v43 =	vmul.f32 v60, v15  }
0x21d: {  	v54 =	vld [tilespmem:s28+$0xFFFFFE50];
	v47 =	vmul.f32 v59, v15;
	v0 =	vadd.f32 v41, v0;
	v1 =	vadd.f32 v57, v1  }
0x21e: {  	v50 =	vld [tilespmem:s28+$0xFFFFFFC0];
	v49 =	vmul.f32 v38, v14;
	v38 =	vmul.f32 v39, v14  }
0x21f: {  	v60 =	vmul.f32 v58, v14;
	v58 =	vld [tilespmem:s28+$0xFFFFFD80];
	v0 =	vadd.f32 v47, v0;
	v1 =	vadd.f32 v43, v1  }
0x220: {  	p0 =	sne.s32 s29, $0x3C0;
	v39 =	vmul.f32 v45, v14;
	v45 =	vmul.f32 v62, v15;
	v59 =	vld [tilespmem:s28+$0xFFFFFD90]  }
.Ltmp3:
0x221: {  	v40 =	vld [tilespmem:s28+$0xFFFFFEA0];
	v43 =	vmul.f32 v61, v15;
	v0 =	vadd.f32 v49, v0;
	v1 =	vadd.f32 v60, v1;
	(pc) =	sbr.rel @p0 .LBB2_8-.Ltmp3, $4  }
0x222: {  	v56 =	vld [tilespmem:s28+$0xFFFFFDE0];
	v47 =	vmul.f32 v53, v18;
	v53 =	vmul.f32 v12, v20  }
0x223: {  	v41 =	vld [tilespmem:s28+$0xFFFFFEB0];
	v49 =	vmul.f32 v50, v18;
	v0 =	vadd.f32 v52, v0;
	v1 =	vadd.f32 v7, v1  }
0x224: {  	v57 =	vld [tilespmem:s28+$0xFFFFFDF0];
	v50 =	vmul.f32 v51, v19;
	v51 =	vmul.f32 v9, v19  }
0x225: {  	s29 =	sadd.s32 $0x40, s29;
	v60 =	vld [tilespmem:s28+$0xFFFFFD20];
	v52 =	vmul.f32 v10, v20;
	v62 =	vadd.f32 v63, v0;
	v61 =	vadd.f32 v6, v1  }
0x226: {  	v0 =	vld [tilespmem:s28+$0xFFFFFD30]  }
0x227: {  	v6 =	vmul.f32 v40, v22;
	v9 =	vld [tilespmem:s28+$0xFFFFFD40];
	v12 =	vmul.f32 v55, v24  }
0x228: {  	v40 =	vld [tilespmem:s28+$0xFFFFFD50];
	v1 =	vadd.f32 v48, v62;
	v10 =	vadd.f32 v46, v61;
	v62 =	vmul.f32 v59, v27  }
0x229: {  	v46 =	vld [tilespmem:s28+$0xFFFFFDA0];
	v7 =	vmul.f32 v41, v22;
	v41 =	vmul.f32 v56, v25  }
0x22a: {  	v1 =	vadd.f32 v44, v1;
	v44 =	vmul.f32 v54, v24;
	v10 =	vadd.f32 v42, v10;
	v54 =	vld [tilespmem:s28+$0xFFFFFDB0]  }
0x22b: {  	v63 =	vld [tilespmem:s28+$0xFFFFFE00];
	v48 =	vmul.f32 v57, v25;
	v42 =	vmul.f32 v58, v27  }
0x22c: {  	v61 =	vmul.f32 v60, v30;
	v10 =	vadd.f32 v33, v10;
	v0 =	vmul.f32 v0, v30;
	v33 =	vld [tilespmem:s28+$0xFFFFFE10]  }
0x22d: {  	v59 =	vld [tilespmem:s28+$0xFFFFFE70];
	v1 =	vadd.f32 v36, v1;
	v9 =	vmul.f32 v9, v30;
	v55 =	vmul.f32 v40, v30  }
0x22e: {  	v56 =	vld [tilespmem:s28+$0xFFFFFF90];
	v26 =	vadd.f32 v61, v26;
	v58 =	vmul.f32 v46, v27;
	v0 =	vadd.f32 v0, v37  }
0x22f: {  	v57 =	vld [tilespmem:s28+$0xFFFFFE60];
	v9 =	vadd.f32 v9, v35;
	v30 =	vadd.f32 v55, v34;
	v60 =	vmul.f32 v54, v27  }
0x230: {  	v26 =	vadd.f32 v42, v26;
	v0 =	vadd.f32 v62, v0;
	v62 =	vmul.f32 v63, v25;
	v63 =	vld [tilespmem:s28+$0xFFFFFED0]  }
0x231: {  	v61 =	vld [tilespmem:s28+$0xFFFFFEC0];
	v1 =	vadd.f32 v32, v1;
	v27 =	vadd.f32 v60, v30;
	v40 =	vmul.f32 v33, v25  }
0x232: {  	v46 =	vld [tilespmem:s28+$0xFFFFFF30];
	v9 =	vadd.f32 v58, v9;
	v26 =	vadd.f32 v41, v26  }
0x233: {  	v41 =	vld [tilespmem:s28+$0xFFFFFF20];
	v0 =	vadd.f32 v48, v0;
	v48 =	vmul.f32 v59, v24;
	v25 =	vadd.f32 v40, v27  }
0x234: {  	v36 =	vld [tilespmem:s28+$0x100];
	v10 =	vadd.f32 v31, v10;
	v42 =	vmul.f32 v57, v24;
	v9 =	vadd.f32 v62, v9  }
0x235: {  	v32 =	vld [tilespmem:s28+$0xA0];
	v12 =	vadd.f32 v12, v26;
	v57 =	vadd.f32 v48, v25;
	v58 =	vmul.f32 v63, v22  }
0x236: {  	v60 =	vld [tilespmem:s28+$0xFFFFFFF0];
	v55 =	vmul.f32 v61, v22;
	v0 =	vadd.f32 v44, v0;
	v9 =	vadd.f32 v42, v9  }
0x237: {  	v54 =	vld [tilespmem:s28+$0xFFFFFF80];
	v61 =	vmul.f32 v46, v20;
	v6 =	vadd.f32 v6, v12;
	v12 =	vadd.f32 v58, v57  }
0x238: {  	v63 =	vld [tilespmem:s28+$0x50];
	v0 =	vadd.f32 v7, v0;
	v7 =	vmul.f32 v41, v20;
	v9 =	vadd.f32 v55, v9  }
0x239: {  	v31 =	vmul.f32 v56, v19;
	v59 =	vld [tilespmem:s28+$0xFFFFFFE0];
	v6 =	vadd.f32 v52, v6;
	v30 =	vadd.f32 v61, v12  }
0x23a: {  	v34 =	vld [tilespmem:s28+$0xB0];
	v0 =	vadd.f32 v53, v0;
	v7 =	vadd.f32 v7, v9  }
0x23b: {  	v37 =	vld [tilespmem:s28+$0x110];
	v35 =	vmul.f32 v60, v18;
	v6 =	vadd.f32 v50, v6;
	v9 =	vadd.f32 v31, v30  }
0x23c: {  	v62 =	vld [tilespmem:s28+$0x40];
	v26 =	vmul.f32 v54, v19;
	v0 =	vadd.f32 v51, v0  }
0x23d: {  	v41 =	vld [tilespmem:s28+$0x160];
	v40 =	vmul.f32 v63, v15;
	v6 =	vadd.f32 v49, v6;
	v9 =	vadd.f32 v35, v9  }
0x23e: {  	v42 =	vld [tilespmem:s28+$0x170];
	v33 =	vmul.f32 v59, v18;
	v7 =	vadd.f32 v26, v7;
	v0 =	vadd.f32 v47, v0  }
0x23f: {  	v44 =	vld [tilespmem:s28+$0x1C0];
	v6 =	vadd.f32 v43, v6;
	v43 =	vmul.f32 v34, v14;
	v9 =	vadd.f32 v40, v9  }
0x240: {  	v46 =	vmul.f32 v37, v11;
	v19 =	vmul.f32 v32, v14;
	v0 =	vadd.f32 v45, v0;
	v45 =	vld [tilespmem:s28+$0x1D0]  }
0x241: {  	v22 =	vmul.f32 v62, v15;
	v7 =	vadd.f32 v33, v7;
	v47 =	vld [tilespmem:s28+$0x220];
	v9 =	vadd.f32 v43, v9  }
0x242: {  	v48 =	vld [tilespmem:s28+$0x230];
	v18 =	vmul.f32 v36, v11;
	v15 =	vmul.f32 v41, v8;
	v6 =	vadd.f32 v38, v6  }
0x243: {  	v50 =	vld [tilespmem:s28+$0x280];
	v49 =	vmul.f32 v42, v8;
	v7 =	vadd.f32 v22, v7;
	v9 =	vadd.f32 v46, v9  }
0x244: {  	v51 =	vld [tilespmem:s28+$0x290];
	v14 =	vmul.f32 v44, v5;
	v0 =	vadd.f32 v39, v0;
	v6 =	vadd.f32 v28, v6  }
0x245: {  	v56 =	vld [tilespmem:$0x1FF40];
	v7 =	vadd.f32 v19, v7;
	v5 =	vmul.f32 v45, v5;
	v8 =	vadd.f32 v49, v9  }
0x246: {  	v54 =	vld [tilespmem:$0x1FF60];
	v12 =	vmul.f32 v47, v4;
	v0 =	vadd.f32 v29, v0;
	v6 =	vadd.f32 v21, v6  }
0x247: {  	v57 =	vld [tilespmem:$0x1FF20];
	v4 =	vmul.f32 v48, v4;
	v7 =	vadd.f32 v18, v7;
	v5 =	vadd.f32 v5, v8  }
0x248: {  	v53 =	vld [tilespmem:s28+$0x2F0];
	v55 =	vmul.f32 v50, v3;
	v0 =	vadd.f32 v23, v0;
	v6 =	vadd.f32 v17, v6  }
0x249: {  	v3 =	vmul.f32 v51, v3;
	v7 =	vadd.f32 v15, v7;
	v4 =	vadd.f32 v4, v5;
	v5 =	vld [tilespmem:$0x1FF50]  }
0x24a: {  	v52 =	vld [tilespmem:s28+$0x2E0];
	v0 =	vadd.f32 v16, v0;
	v6 =	vadd.f32 v13, v6  }
0x24b: {  	v7 =	vadd.f32 v14, v7;
	v58 =	vadd.f32 v3, v4;
	v3 =	vld [tilespmem:$0x1FF30]  }
0x24c: {  	v0 =	vadd.f32 v54, v0;
	v6 =	vadd.f32 v56, v6  }
0x24d: {  	v59 =	vmul.f32 v53, v2;
	v7 =	vadd.f32 v12, v7  }
0x24e: {  	[tilespmem:$0x6620] =	vst v1;
	v6 =	vadd.f32 v57, v6;
	v0 =	vadd.f32 v5, v0  }
0x24f: {  	[tilespmem:$0x6630] =	vst v10;
	v7 =	vadd.f32 v55, v7;
	v1 =	vadd.f32 v59, v58;
	v5 =	vmul.f32 v52, v2  }
0x250: {  	[tilespmem:$0x6640] =	vst v6;
	v0 =	vadd.f32 v3, v0  }
0x251: {  	[tilespmem:$0x6670] =	vst v1;
	v3 =	vadd.f32 v5, v7  }
0x252: {  	[tilespmem:$0x6650] =	vst v0  }
0x253: {  	s28 =	simm.s32 $0x0;
	[tilespmem:$0x6660] =	vst v3  }
0x254: {  	[hbm4b:s7+s28] =	stream.linear.scatter [tilespmem:s25], [sflag:$0x2], $0x60, $0x38;
	[tilespmem:$0x6680] =	vst v63  }
0x255: {  	_ =	swait.ge [sflag:s17], $0x60  }
0x256: {  	[sflag:s17] =	ssyncset.done $0x0  }
0x257: {  	[sflag:s17] =	ssyncadd.s32 $0xFFFFFFA0  }
0x258: {  	[tilespmem:s28], [sflag:$0x2] =	stream.linear.gather [hbm4b:s8+s28], $0x400, $0x38;
	[tilespmem:$0x6680] =	vst v63  }
0x259: {  	_ =	swait.ge [sflag:s17], $0x400  }
0x25a: {  	[sflag:s17] =	ssyncset.done $0x0  }
0x25b: {  	s29 =	simm.s32 $0x0;
	[sflag:s17] =	ssyncadd.s32 $0xFFFFFC00  }
0x25c: {  	v60 =	vld [tilespmem:s29+$0x0];
	_ =	sdelay $0x4  }
0x25d: {  	vm0 =	vlt.s32 v60, $0x1  }
0x25e: {  	v61 =	vnsel vm0, $0x1, v60  }
0x25f: {  	(xrf0) =	vadd.scan.msk.s32 $0xffff, v61;
	_ =	sdelay $0x1  }
0x260: {  	v62 =	vmov s28  }
0x261: {  	v2 =	vadd.s32 $0xFFFFFEF8, v62  }
0x262: {  	v2 =	vbroadcast v2, $0x0;
	_ =	sdelay $0x1  }
0x263: {  	v2 =	vsub.s32 v2, v61;
	v3, _, _ =	vpop (xrf0)  }
0x264: {  	v2 =	vadd.s32 v3, v2;
	(v2sf) =	vpush v3, $0xF  }
0x265: {  	v1 =	vmul.u32 v61, v2;
	_ =	sdelay $0x1  }
0x266: {  	v1 =	vadd.s32 $0x108, v1;
	_ =	sdelay $0x2  }
0x267: {  	v4 =	vlaneseq.u32  }
0x268: {  	v63 =	vor.u32 s15, v4  }
0x269: {  	[tilespmem:v1+s18+$0x0] =	vst.idx.msk $0xffff, v63  }
0x26a: {  	s31 =	simm.s32 $0x10;
	s30 =	simm.s32 $0x80;
	s29 =	smov.u32 s15;
	[tilespmem:v1+s19+$0x0] =	vst.idx.msk $0xffff, v60  }
.LBB2_10:
0x26b: {  	p0 =	sne.s32 s30, $0xFC0;
	v0 =	vld [tilespmem:s31+$0x0];
	_ =	sdelay $0x4  }
0x26c: {  	vm0 =	vlt.s32 v0, $0x1;
	s31 =	spop (v2sf)  }
0x26d: {  	v1 =	vnsel vm0, $0x1, v0;
	s28 =	sadd.s32 s28, s31  }
0x26e: {  	v2 =	vmov s28;
	(xrf0) =	vadd.scan.msk.s32 $0xffff, v1  }
0x26f: {  	v2 =	vadd.s32 $0xFFFFFEF8, v2  }
0x270: {  	v2 =	vbroadcast v2, $0x0;
	_ =	sdelay $0x1  }
0x271: {  	v2 =	vsub.s32 v2, v1;
	_ =	sdelay $0x1  }
0x272: {  	v3, _, _ =	vpop (xrf0)  }
0x273: {  	v2 =	vadd.s32 v3, v2;
	(v2sf) =	vpush v3, $0xF  }
0x274: {  	v1 =	vmul.u32 v1, v2;
	_ =	sdelay $0x1  }
0x275: {  	v1 =	vadd.s32 $0x108, v1;
	_ =	sdelay $0x1  }
.Ltmp4:
0x276: {  	(pc) =	sbr.rel @p0 .LBB2_10-.Ltmp4, $4  }
0x277: {  	s29 =	sadd.s32 $0x10, s29  }
0x278: {  	v2 =	vor.u32 s29, v4  }
0x279: {  	[tilespmem:v1+s18+$0x0] =	vst.idx.msk $0xffff, v2  }
0x27a: {  	s31 =	sshra.s32 s30, $0x2;
	s30 =	sadd.s32 $0x40, s30;
	[tilespmem:v1+s19+$0x0] =	vst.idx.msk $0xffff, v0  }
0x27b: {  	v0 =	vld [tilespmem:s31+$0x0];
	_ =	sdelay $0x4  }
0x27c: {  	vm0 =	vlt.s32 v0, $0x1  }
0x27d: {  	v1 =	vnsel vm0, $0x1, v0  }
0x27e: {  	(xrf0) =	vadd.scan.msk.s32 $0xffff, v1;
	_ =	sdelay $0x1  }
0x27f: {  	s30 =	spop (v2sf)  }
0x280: {  	s28 =	sadd.s32 s28, s30  }
0x281: {  	v2 =	vmov s28  }
0x282: {  	v2 =	vadd.s32 $0xFFFFFEF8, v2  }
0x283: {  	v2 =	vbroadcast v2, $0x0;
	v3, _, _ =	vpop (xrf0)  }
0x284: {  	(v2sf) =	vpush v3, $0xF  }
0x285: {  	v2 =	vsub.s32 v2, v1  }
0x286: {  	v2 =	vadd.s32 v3, v2  }
0x287: {  	v1 =	vmul.u32 v1, v2;
	_ =	sdelay $0x1  }
0x288: {  	v1 =	vadd.s32 $0x108, v1;
	_ =	sdelay $0x2  }
0x289: {  	s28 =	sadd.s32 $0x10, s29  }
0x28a: {  	v2 =	vor.u32 s28, v4  }
0x28b: {  	[tilespmem:v1+s18+$0x0] =	vst.idx.msk $0xffff, v2  }
0x28c: {  	[tilespmem:v1+s19+$0x0] =	vst.idx.msk $0xffff, v0  }
0x28d: {  	[tilespmem:s21], [sflag:$0x1] =	stream.indirect.gather [hbm4b:s3+s20], $0x60, s18, s20, $0xb8;
	[tilespmem:$0x6680] =	vst v63  }
0x28e: {  	_ = 	snop  }
0x28f: {  	[tilespmem:s23], [sflag:$0x1] =	stream.indirect.gather [hbm4b:s3+s20], $0x60, s22, s20, $0xb8;
	[tilespmem:$0x6680] =	vst v63  }
0x290: {  	s28 =	spop (v2sf)  }
0x291: {  	_ =	swait.ge [sflag:s24], $0x3000  }
0x292: {  	[sflag:s24] =	ssyncset.done $0x0  }
0x293: {  	[sflag:s24] =	ssyncadd.s32 $0xFFFFD000  }
0x294: {  	_ =	swait.ge [sflag:s24], $0x3000  }
0x295: {  	[sflag:s24] =	ssyncset.done $0x0  }
0x296: {  	s28 =	simm.s32 $0x920;
	[sflag:s24] =	ssyncadd.s32 $0xFFFFD000  }
0x297: {  	v0 =	vld [tilespmem:s28+$0x2A0]  }
0x298: {  	v1 =	vld [tilespmem:s28+$0x2B0]  }
0x299: {  	v6 =	vld [tilespmem:s28+$0x2C0]  }
0x29a: {  	v9 =	vld [tilespmem:s28+$0x2D0]  }
0x29b: {  	v10 =	vld [tilespmem:s28+$0x240]  }
0x29c: {  	v12 =	vld [tilespmem:s28+$0x250]  }
0x29d: {  	v13 =	vld [tilespmem:s28+$0x260]  }
0x29e: {  	v16 =	vld [tilespmem:s28+$0x270]  }
0x29f: {  	v17 =	vld [tilespmem:s28+$0x1E0]  }
0x2a0: {  	v21 =	vld [tilespmem:s28+$0x1F0]  }
0x2a1: {  	v23 =	vld [tilespmem:s28+$0x200]  }
0x2a2: {  	v26 =	vld [tilespmem:s28+$0x210]  }
0x2a3: {  	v28 =	vld [tilespmem:s28+$0x180]  }
0x2a4: {  	v29 =	vld [tilespmem:s28+$0x190]  }
0x2a5: {  	v34 =	vld [tilespmem:s28+$0x1A0]  }
0x2a6: {  	v35 =	vld [tilespmem:s28+$0x1B0]  }
0x2a7: {  	s29 =	simm.s32 $0x0;
	v37 =	vld [tilespmem:s28+$0x120]  }
0x2a8: {  	v7 =	vld [tilespmem:s29+$0x510]  }
0x2a9: {  	v38 =	vld [tilespmem:s28+$0x130]  }
0x2aa: {  	v39 =	vld [tilespmem:s28+$0x140]  }
0x2ab: {  	v40 =	vld [tilespmem:s28+$0x150]  }
0x2ac: {  	v41 =	vld [tilespmem:s28+$0xC0]  }
0x2ad: {  	v14 =	vld [tilespmem:s28+$0x60]  }
0x2ae: {  	v43 =	vld [tilespmem:s28+$0xD0];
	v3 =	vbroadcast v7, $0xE  }
0x2af: {  	v47 =	vld [tilespmem:s28+$0xE0];
	v2 =	vbroadcast v7, $0xF;
	v5 =	vbroadcast v7, $0xC  }
0x2b0: {  	v49 =	vld [tilespmem:s28+$0xF0];
	v4 =	vbroadcast v7, $0xD;
	v11 =	vbroadcast v7, $0xA  }
0x2b1: {  	v50 =	vld [tilespmem:s28+$0x70];
	v8 =	vbroadcast v7, $0xB;
	v15 =	vbroadcast v7, $0x8  }
0x2b2: {  	v51 =	vld [tilespmem:s28+$0x80];
	[tilespmem:$0x1FF10] =	vst v14;
	v14 =	vbroadcast v7, $0x9;
	v19 =	vbroadcast v7, $0x6  }
0x2b3: {  	v52 =	vld [tilespmem:s28+$0x90];
	v18 =	vbroadcast v7, $0x7;
	v22 =	vbroadcast v7, $0x4  }
0x2b4: {  	v53 =	vld [tilespmem:s28+$0x0];
	v20 =	vbroadcast v7, $0x5;
	v25 =	vbroadcast v7, $0x2  }
0x2b5: {  	v54 =	vld [tilespmem:s28+$0x10];
	v24 =	vbroadcast v7, $0x3;
	v30 =	vbroadcast v7, $0x0  }
0x2b6: {  	v45 =	vld [tilespmem:s28+$0x20];
	v27 =	vbroadcast v7, $0x1;
	v32 =	vmul.f32 v0, v2  }
0x2b7: {  	v55 =	vld [tilespmem:s28+$0xFFFFFD10];
	v31 =	vmul.f32 v1, v2;
	v0 =	vmul.f32 v6, v2  }
0x2b8: {  	v56 =	vld [tilespmem:s28+$0xFFFFFD60];
	v36 =	vmul.f32 v10, v3;
	v33 =	vmul.f32 v12, v3  }
0x2b9: {  	v1 =	vld [tilespmem:s28+$0xFFFFFD00];
	v44 =	vmul.f32 v17, v4;
	v42 =	vmul.f32 v21, v4  }
0x2ba: {  	v63 =	vld [tilespmem:s28+$0xFFFFFF40];
	v48 =	vmul.f32 v28, v5;
	[tilespmem:$0x1FEC0] =	vst v0;
	v0 =	vmul.f32 v9, v2  }
0x2bb: {  	v21 =	vld [tilespmem:s28+$0xFFFFFD70];
	v46 =	vmul.f32 v29, v5;
	v17 =	vmul.f32 v34, v5  }
0x2bc: {  	v28 =	vld [tilespmem:s28+$0xFFFFFDD0];
	v29 =	vmul.f32 v55, v30;
	[tilespmem:$0x1FED0] =	vst v0;
	v0 =	vmul.f32 v13, v3  }
0x2bd: {  	v34 =	vld [tilespmem:s28+$0xFFFFFE20];
	v7 =	vmul.f32 v37, v8;
	v13 =	vmul.f32 v23, v4  }
0x2be: {  	v23 =	vld [tilespmem:s28+$0xFFFFFDC0];
	v1 =	vmul.f32 v1, v30;
	[tilespmem:$0x1FEE0] =	vst v0;
	v0 =	vmul.f32 v16, v3  }
0x2bf: {  	v16 =	vmul.f32 v35, v5;
	v35 =	vmul.f32 v56, v27;
	v56 =	vld [tilespmem:s28+$0xFFFFFE80]  }
0x2c0: {  	v55 =	vld [tilespmem:s28+$0xFFFFFE30];
	v58 =	vmul.f32 v41, v11;
	[tilespmem:$0x1FEF0] =	vst v0;
	v0 =	vmul.f32 v26, v4;
	v26 =	vimm.f32 $0.0e+00  }
0x2c1: {  	v57 =	vld [tilespmem:s28+$0xFFFFFE90];
	v21 =	vmul.f32 v21, v27;
	v1 =	vadd.f32 v1, v26;
	v29 =	vadd.f32 v29, v26  }
0x2c2: {  	v61 =	vld [tilespmem:s28+$0xFFFFFEE0];
	v41 =	vmul.f32 v63, v19;
	v28 =	vmul.f32 v28, v25  }
0x2c3: {  	v62 =	vld [tilespmem:s28+$0xFFFFFEF0];
	v23 =	vmul.f32 v23, v25;
	v1 =	vadd.f32 v35, v1;
	v29 =	vadd.f32 v21, v29  }
0x2c4: {  	v59 =	vld [tilespmem:s28+$0xFFFFFFC0];
	v34 =	vmul.f32 v34, v24;
	v37 =	vmul.f32 v56, v22  }
0x2c5: {  	v56 =	vld [tilespmem:s28+$0xFFFFFF50];
	v1 =	vadd.f32 v23, v1;
	v28 =	vadd.f32 v28, v29;
	v29 =	vmul.f32 v55, v24  }
0x2c6: {  	v63 =	vld [tilespmem:s28+$0xFFFFFF60];
	v21 =	vmul.f32 v39, v8;
	v23 =	vmul.f32 v40, v8  }
0x2c7: {  	v40 =	vld [tilespmem:s28+$0xFFFFFFB0];
	v1 =	vadd.f32 v34, v1;
	v28 =	vadd.f32 v29, v28;
	v29 =	vmul.f32 v57, v22  }
0x2c8: {  	v35 =	vmul.f32 v61, v20;
	v61 =	vmul.f32 v43, v11;
	v34 =	vld [tilespmem:s28+$0xFFFFFFA0]  }
0x2c9: {  	v6 =	vld [tilespmem:$0x1FF10];
	v1 =	vadd.f32 v37, v1;
	v28 =	vadd.f32 v29, v28;
	v29 =	vmul.f32 v62, v20  }
0x2ca: {  	v39 =	vmul.f32 v53, v15;
	v53 =	vld [tilespmem:s28+$0xFFFFFF10];
	v43 =	vmul.f32 v56, v19  }
0x2cb: {  	[tilespmem:$0x1FF00] =	vst v0;
	v0 =	vld [tilespmem:s28+$0xFFFFFF00];
	v56 =	vmul.f32 v54, v15;
	v1 =	vadd.f32 v35, v1;
	v29 =	vadd.f32 v29, v28  }
0x2cc: {  	v57 =	vld [tilespmem:s28+$0x30];
	v28 =	vmul.f32 v47, v11;
	v47 =	vmul.f32 v40, v18  }
0x2cd: {  	v54 =	vld [tilespmem:s28+$0xFFFFFE50];
	v34 =	vmul.f32 v34, v18;
	v1 =	vadd.f32 v41, v1;
	v35 =	vadd.f32 v43, v29  }
0x2ce: {  	v60 =	vmul.f32 v38, v8;
	v38 =	vmul.f32 v51, v14;
	v62 =	vld [tilespmem:s28+$0xFFFFFFD0]  }
0x2cf: {  	v53 =	vmul.f32 v53, v20;
	v37 =	vld [tilespmem:s28+$0xFFFFFF70];
	v1 =	vadd.f32 v34, v1;
	v55 =	vadd.f32 v47, v35  }
0x2d0: {  	v40 =	vld [tilespmem:s28+$0xFFFFFEA0];
	v29 =	vmul.f32 v49, v11;
	v49 =	vmul.f32 v50, v14  }
0x2d1: {  	v41 =	vld [tilespmem:s28+$0xFFFFFEB0];
	v47 =	vmul.f32 v6, v14;
	v1 =	vadd.f32 v39, v1;
	v34 =	vadd.f32 v56, v55  }
0x2d2: {  	v43 =	vmul.f32 v45, v15;
	v45 =	vmul.f32 v57, v15;
	v57 =	vld [tilespmem:s28+$0xFFFFFDF0]  }
0x2d3: {  	v50 =	vmul.f32 v63, v19;
	v55 =	vld [tilespmem:s28+$0xFFFFFE40];
	v1 =	vadd.f32 v47, v1;
	v34 =	vadd.f32 v49, v34  }
0x2d4: {  	v51 =	vmul.f32 v37, v19;
	v37 =	vimm.f32 $0.0e+00;
	v39 =	vmul.f32 v52, v14;
	v56 =	vld [tilespmem:s28+$0xFFFFFDE0]  }
0x2d5: {  	v49 =	vmul.f32 v59, v18;
	v59 =	vld [tilespmem:s28+$0xFFFFFD90];
	v1 =	vadd.f32 v58, v1;
	v34 =	vadd.f32 v61, v34  }
0x2d6: {  	v35 =	vimm.f32 $0.0e+00;
	v52 =	vmul.f32 v0, v20;
	v47 =	vmul.f32 v62, v18;
	v58 =	vld [tilespmem:s28+$0xFFFFFD80]  }
0x2d7: {  	s29 =	simm.s32 $0x40;
	v62 =	vadd.f32 v7, v1;
	v61 =	vadd.f32 v60, v34;
	v60 =	vld [tilespmem:s28+$0xFFFFFD20];
	v34 =	vimm.f32 $0.0e+00  }
.LBB2_12:
0x2d8: {  	v0 =	vld [tilespmem:s28+$0xFFFFFD30]  }
0x2d9: {  	v46 =	vadd.f32 v46, v61  }
0x2da: {  	v6 =	vld [tilespmem:$0x1FF00];
	v1 =	vmul.f32 v40, v22  }
0x2db: {  	v42 =	vadd.f32 v42, v46;
	v63 =	vmul.f32 v41, v22;
	v40 =	vld [tilespmem:s28+$0xFFFFFD40];
	v55 =	vmul.f32 v55, v24  }
0x2dc: {  	v41 =	vadd.f32 v48, v62;
	v48 =	vld [tilespmem:s28+$0xFFFFFD50];
	v56 =	vmul.f32 v56, v25;
	v46 =	vmul.f32 v59, v27  }
0x2dd: {  	v61 =	vld [tilespmem:s28+$0xFFFFFDA0];
	v59 =	vmul.f32 v60, v30;
	v0 =	vmul.f32 v0, v30  }
0x2de: {  	v33 =	vadd.f32 v33, v42;
	v41 =	vadd.f32 v44, v41;
	v44 =	vmul.f32 v58, v27;
	v58 =	vld [tilespmem:s28+$0xFFFFFDB0]  }
0x2df: {  	v54 =	vmul.f32 v54, v24;
	v60 =	vld [tilespmem:s28+$0xFFFFFE00];
	v26 =	vadd.f32 v59, v26;
	v0 =	vadd.f32 v0, v37  }
0x2e0: {  	v57 =	vmul.f32 v57, v25;
	v62 =	vld [tilespmem:s28+$0xFFFFFE10];
	v36 =	vadd.f32 v36, v41;
	v41 =	vadd.f32 v31, v33  }
0x2e1: {  	v26 =	vadd.f32 v44, v26;
	v42 =	vmul.f32 v40, v30;
	v30 =	vmul.f32 v48, v30;
	v48 =	vld [tilespmem:s28+$0xFFFFFE60]  }
0x2e2: {  	v31 =	vmul.f32 v61, v27;
	v0 =	vadd.f32 v46, v0;
	v40 =	vadd.f32 v32, v36;
	v32 =	vld [tilespmem:s28+$0xFFFFFE70]  }
0x2e3: {  	v59 =	vld [tilespmem:s28+$0xFFFFFEC0];
	v26 =	vadd.f32 v56, v26;
	v30 =	vadd.f32 v30, v34;
	v27 =	vmul.f32 v58, v27  }
0x2e4: {  	v61 =	vmul.f32 v60, v25;
	v33 =	vadd.f32 v42, v35;
	v42 =	vld [tilespmem:s28+$0xFFFFFED0];
	v0 =	vadd.f32 v57, v0  }
0x2e5: {  	v25 =	vmul.f32 v62, v25;
	v26 =	vadd.f32 v55, v26;
	v27 =	vadd.f32 v27, v30;
	v30 =	vld [tilespmem:s28+$0xFFFFFF20]  }
0x2e6: {  	v46 =	vld [tilespmem:s28+$0xFFFFFF30];
	v31 =	vadd.f32 v31, v33;
	v0 =	vadd.f32 v54, v0;
	v44 =	vmul.f32 v48, v24  }
0x2e7: {  	v1 =	vadd.f32 v1, v26;
	v25 =	vadd.f32 v25, v27;
	v24 =	vmul.f32 v32, v24;
	v27 =	vld [tilespmem:s28+$0xFFFFFF80]  }
0x2e8: {  	v54 =	vld [tilespmem:s28+$0xFFFFFF90];
	v48 =	vmul.f32 v59, v22;
	v31 =	vadd.f32 v61, v31;
	v0 =	vadd.f32 v63, v0  }
0x2e9: {  	v22 =	vmul.f32 v42, v22;
	v1 =	vadd.f32 v52, v1;
	v24 =	vadd.f32 v24, v25;
	v25 =	vld [tilespmem:s28+$0xFFFFFFE0]  }
0x2ea: {  	v31 =	vadd.f32 v44, v31;
	v0 =	vadd.f32 v53, v0;
	v26 =	vmul.f32 v30, v20;
	v30 =	vld [tilespmem:s28+$0xFFFFFFF0]  }
0x2eb: {  	v20 =	vmul.f32 v46, v20;
	v1 =	vadd.f32 v50, v1;
	v22 =	vadd.f32 v22, v24;
	v24 =	vld [tilespmem:s28+$0x40]  }
0x2ec: {  	v55 =	vld [tilespmem:s28+$0x50];
	v31 =	vadd.f32 v48, v31;
	v0 =	vadd.f32 v51, v0;
	v27 =	vmul.f32 v27, v19  }
0x2ed: {  	v19 =	vmul.f32 v54, v19;
	v1 =	vadd.f32 v49, v1;
	v20 =	vadd.f32 v20, v22;
	v22 =	vld [tilespmem:s28+$0xA0]  }
0x2ee: {  	v26 =	vadd.f32 v26, v31;
	v31 =	vld [tilespmem:s28+$0xB0];
	v0 =	vadd.f32 v47, v0;
	v25 =	vmul.f32 v25, v18  }
0x2ef: {  	v1 =	vadd.f32 v43, v1;
	v19 =	vadd.f32 v19, v20;
	v18 =	vmul.f32 v30, v18;
	v20 =	vld [tilespmem:s28+$0x100]  }
0x2f0: {  	v26 =	vadd.f32 v27, v26;
	v27 =	vld [tilespmem:s28+$0x110];
	v0 =	vadd.f32 v45, v0;
	v24 =	vmul.f32 v24, v15  }
0x2f1: {  	v15 =	vmul.f32 v55, v15;
	v1 =	vadd.f32 v38, v1;
	v18 =	vadd.f32 v18, v19;
	v19 =	vld [tilespmem:s28+$0x160]  }
0x2f2: {  	v25 =	vadd.f32 v25, v26;
	v26 =	vld [tilespmem:s28+$0x170];
	v0 =	vadd.f32 v39, v0  }
0x2f3: {  	v1 =	vadd.f32 v28, v1;
	v15 =	vadd.f32 v15, v18;
	v18 =	vld [tilespmem:s28+$0x1C0]  }
0x2f4: {  	v22 =	vmul.f32 v22, v14;
	v14 =	vmul.f32 v31, v14;
	v24 =	vadd.f32 v24, v25;
	v25 =	vld [tilespmem:s28+$0x1D0]  }
0x2f5: {  	v0 =	vadd.f32 v29, v0;
	v1 =	vadd.f32 v21, v1;
	v21 =	vld [tilespmem:s28+$0x290]  }
0x2f6: {  	v20 =	vmul.f32 v20, v11;
	v11 =	vmul.f32 v27, v11;
	v14 =	vadd.f32 v14, v15;
	v15 =	vld [tilespmem:s28+$0x220]  }
0x2f7: {  	v22 =	vadd.f32 v22, v24;
	v24 =	vld [tilespmem:s28+$0x230];
	v0 =	vadd.f32 v23, v0  }
0x2f8: {  	v19 =	vmul.f32 v19, v8;
	v8 =	vmul.f32 v26, v8;
	v11 =	vadd.f32 v11, v14;
	v14 =	vld [tilespmem:s28+$0x280]  }
0x2f9: {  	v0 =	vadd.f32 v16, v0;
	v16 =	vld [tilespmem:s28+$0x2F0]  }
0x2fa: {  	s30 =	sshra.s32 s29, $0x2;
	v8 =	vadd.f32 v8, v11;
	v11 =	vld [tilespmem:s28+$0x2E0]  }
0x2fb: {  	s28 =	sadd.s32 $0x600, s28;
	v0 =	vadd.f32 v6, v0;
	v6 =	vld [tilespmem:s30+$0x510]  }
0x2fc: {  	v1 =	vadd.f32 v17, v1;
	v17 =	vld [tilespmem:s28+$0x2A0]  }
0x2fd: {  	v23 =	vld [tilespmem:s28+$0x2B0]  }
0x2fe: {  	v12 =	vld [tilespmem:s28+$0x2C0]  }
0x2ff: {  	v9 =	vld [tilespmem:s28+$0x240]  }
0x300: {  	v10 =	vld [tilespmem:s28+$0x250]  }
0x301: {  	v28 =	vld [tilespmem:s28+$0x200]  }
0x302: {  	v43 =	vld [tilespmem:s28+$0x210]  }
0x303: {  	v46 =	vld [tilespmem:s28+$0x180]  }
0x304: {  	v47 =	vld [tilespmem:s28+$0x190]  }
0x305: {  	v49 =	vld [tilespmem:s28+$0x1A0]  }
0x306: {  	v50 =	vld [tilespmem:s28+$0x1B0]  }
0x307: {  	v51 =	vld [tilespmem:s28+$0x120]  }
0x308: {  	v52 =	vld [tilespmem:s28+$0x130]  }
0x309: {  	v53 =	vld [tilespmem:s28+$0x140]  }
0x30a: {  	v18 =	vmul.f32 v18, v5;
	v5 =	vmul.f32 v25, v5;
	v54 =	vld [tilespmem:s28+$0x150]  }
0x30b: {  	v55 =	vld [tilespmem:s28+$0xC0]  }
0x30c: {  	v15 =	vmul.f32 v15, v4;
	v4 =	vmul.f32 v24, v4;
	v56 =	vld [tilespmem:s28+$0xD0];
	v5 =	vadd.f32 v5, v8  }
0x30d: {  	v20 =	vadd.f32 v20, v22;
	v57 =	vld [tilespmem:s28+$0xE0]  }
0x30e: {  	v8 =	vmul.f32 v14, v3;
	v3 =	vmul.f32 v21, v3;
	v4 =	vadd.f32 v4, v5;
	v5 =	vld [tilespmem:$0x1FEE0]  }
0x30f: {  	v29 =	vld [tilespmem:s28+$0xF0]  }
0x310: {  	v19 =	vadd.f32 v19, v20;
	v3 =	vadd.f32 v3, v4;
	v4 =	vld [tilespmem:$0x1FEC0]  }
0x311: {  	v1 =	vadd.f32 v13, v1;
	v38 =	vld [tilespmem:s28+$0x60]  }
0x312: {  	v58 =	vld [tilespmem:s28+$0x70];
	v18 =	vadd.f32 v18, v19  }
0x313: {  	v1 =	vadd.f32 v5, v1;
	v5 =	vld [tilespmem:$0x1FEF0]  }
0x314: {  	v39 =	vld [tilespmem:s28+$0x80];
	v13 =	vadd.f32 v15, v18;
	v15 =	vbroadcast v6, $0x8  }
0x315: {  	v14 =	vbroadcast v6, $0x9;
	v19 =	vbroadcast v6, $0x6;
	v26 =	vadd.f32 v4, v1;
	v1 =	vld [tilespmem:$0x1FED0]  }
0x316: {  	v18 =	vbroadcast v6, $0x7;
	v22 =	vbroadcast v6, $0x4;
	v8 =	vadd.f32 v8, v13;
	v13 =	vld [tilespmem:s28+$0x1E0]  }
0x317: {  	v45 =	vld [tilespmem:s28+$0x90];
	v20 =	vbroadcast v6, $0x5;
	v25 =	vbroadcast v6, $0x2  }
0x318: {  	v59 =	vld [tilespmem:s28+$0x0];
	v24 =	vbroadcast v6, $0x3;
	v30 =	vbroadcast v6, $0x0;
	v0 =	vadd.f32 v5, v0  }
0x319: {  	v60 =	vld [tilespmem:s28+$0x10];
	v27 =	vbroadcast v6, $0x1;
	v4 =	vbroadcast v6, $0xD  }
0x31a: {  	v5 =	vmul.f32 v11, v2;
	v2 =	vmul.f32 v16, v2;
	v37 =	vadd.f32 v1, v0;
	v0 =	vld [tilespmem:s28+$0x260]  }
0x31b: {  	v21 =	vld [tilespmem:s28+$0x2D0];
	v44 =	vmul.f32 v13, v4;
	v13 =	vmul.f32 v28, v4  }
0x31c: {  	v11 =	vbroadcast v6, $0xA;
	v34 =	vadd.f32 v2, v3;
	v1 =	vld [tilespmem:s28+$0x270];
	v2 =	vbroadcast v6, $0xF  }
0x31d: {  	v61 =	vld [tilespmem:s28+$0x20];
	v35 =	vadd.f32 v5, v8;
	v3 =	vbroadcast v6, $0xE;
	v5 =	vbroadcast v6, $0xC  }
0x31e: {  	v28 =	vld [tilespmem:s28+$0xFFFFFDC0];
	v8 =	vbroadcast v6, $0xB;
	v6 =	vmul.f32 v12, v2  }
0x31f: {  	v16 =	vld [tilespmem:s28+$0x1F0];
	v0 =	vmul.f32 v0, v3  }
0x320: {  	v31 =	vmul.f32 v23, v2;
	v23 =	vld [tilespmem:s28+$0xFFFFFD10];
	[tilespmem:$0x1FEC0] =	vst v6  }
0x321: {  	v6 =	vmul.f32 v21, v2;
	v21 =	vld [tilespmem:s28+$0xFFFFFD00];
	[tilespmem:$0x1FEE0] =	vst v0;
	v0 =	vmul.f32 v1, v3  }
0x322: {  	v7 =	vmul.f32 v56, v11;
	v29 =	vmul.f32 v29, v11;
	v1 =	vld [tilespmem:s28+$0xFFFFFD70]  }
0x323: {  	v32 =	vmul.f32 v17, v2;
	v36 =	vmul.f32 v9, v3;
	[tilespmem:$0x1FEF0] =	vst v0;
	v0 =	vld [tilespmem:s28+$0xFFFFFD60]  }
0x324: {  	v48 =	vmul.f32 v46, v5;
	v46 =	vmul.f32 v47, v5;
	v47 =	vld [tilespmem:s28+$0xFFFFFE20]  }
0x325: {  	[tilespmem:$0x1FED0] =	vst v6;
	v6 =	vmul.f32 v43, v4;
	v43 =	vld [tilespmem:s28+$0xFFFFFDD0];
	v23 =	vmul.f32 v23, v30  }
0x326: {  	v17 =	vmul.f32 v49, v5;
	v49 =	vld [tilespmem:s28+$0xFFFFFE30];
	v21 =	vmul.f32 v21, v30  }
0x327: {  	v33 =	vmul.f32 v10, v3;
	v63 =	vmul.f32 v51, v8;
	v51 =	vld [tilespmem:s28+$0xFFFFFF50];
	v23 =	vadd.f32 v23, v41  }
0x328: {  	v21 =	vadd.f32 v21, v40;
	v40 =	vld [tilespmem:s28+$0xFFFFFE80];
	v1 =	vmul.f32 v1, v27;
	v0 =	vmul.f32 v0, v27  }
0x329: {  	v28 =	vmul.f32 v28, v25;
	v42 =	vmul.f32 v16, v4;
	v41 =	vld [tilespmem:s28+$0xFFFFFE90]  }
0x32a: {  	v1 =	vadd.f32 v1, v23;
	v23 =	vmul.f32 v43, v25;
	v43 =	vld [tilespmem:s28+$0xFFFFFEE0];
	v0 =	vadd.f32 v0, v21  }
0x32b: {  	v16 =	vmul.f32 v50, v5;
	v50 =	vld [tilespmem:s28+$0xFFFFFEF0];
	v47 =	vmul.f32 v47, v24  }
0x32c: {  	v62 =	vld [tilespmem:s28+$0x30];
	v1 =	vadd.f32 v23, v1;
	v0 =	vadd.f32 v28, v0;
	v28 =	vmul.f32 v49, v24  }
0x32d: {  	v56 =	vmul.f32 v51, v19;
	v40 =	vmul.f32 v40, v22;
	v49 =	vld [tilespmem:s28+$0xFFFFFF40]  }
0x32e: {  	v0 =	vadd.f32 v47, v0;
	v1 =	vadd.f32 v28, v1;
	v28 =	vmul.f32 v41, v22;
	v41 =	vld [tilespmem:s28+$0xFFFFFFA0]  }
0x32f: {  	[tilespmem:$0x1FF00] =	vst v6;
	v6 =	vmul.f32 v52, v8;
	v43 =	vmul.f32 v43, v20;
	v47 =	vld [tilespmem:s28+$0xFFFFFFB0]  }
0x330: {  	v9 =	vld [tilespmem:s28+$0xFFFFFF70];
	v0 =	vadd.f32 v40, v0;
	v1 =	vadd.f32 v28, v1;
	v28 =	vmul.f32 v50, v20  }
0x331: {  	v10 =	vld [tilespmem:s28+$0xFFFFFF00];
	v52 =	vmul.f32 v55, v11;
	v21 =	vmul.f32 v53, v8  }
0x332: {  	v12 =	vld [tilespmem:s28+$0xFFFFFF10];
	v40 =	vmul.f32 v49, v19;
	v0 =	vadd.f32 v43, v0;
	v1 =	vadd.f32 v28, v1  }
0x333: {  	v51 =	vld [tilespmem:s28+$0xFFFFFF60];
	v28 =	vmul.f32 v57, v11;
	v41 =	vmul.f32 v41, v18  }
0x334: {  	v55 =	vld [tilespmem:s28+$0xFFFFFE40];
	v57 =	vmul.f32 v47, v18;
	v0 =	vadd.f32 v40, v0;
	v1 =	vadd.f32 v56, v1  }
0x335: {  	v23 =	vmul.f32 v54, v8;
	v53 =	vld [tilespmem:s28+$0xFFFFFFD0];
	v43 =	vmul.f32 v60, v15  }
0x336: {  	v54 =	vld [tilespmem:s28+$0xFFFFFE50];
	v47 =	vmul.f32 v59, v15;
	v0 =	vadd.f32 v41, v0;
	v1 =	vadd.f32 v57, v1  }
0x337: {  	v50 =	vld [tilespmem:s28+$0xFFFFFFC0];
	v49 =	vmul.f32 v38, v14;
	v38 =	vmul.f32 v39, v14  }
0x338: {  	v60 =	vmul.f32 v58, v14;
	v58 =	vld [tilespmem:s28+$0xFFFFFD80];
	v0 =	vadd.f32 v47, v0;
	v1 =	vadd.f32 v43, v1  }
0x339: {  	p0 =	sne.s32 s29, $0x3C0;
	v39 =	vmul.f32 v45, v14;
	v45 =	vmul.f32 v62, v15;
	v59 =	vld [tilespmem:s28+$0xFFFFFD90]  }
.Ltmp5:
0x33a: {  	v40 =	vld [tilespmem:s28+$0xFFFFFEA0];
	v43 =	vmul.f32 v61, v15;
	v0 =	vadd.f32 v49, v0;
	v1 =	vadd.f32 v60, v1;
	(pc) =	sbr.rel @p0 .LBB2_12-.Ltmp5, $4  }
0x33b: {  	v56 =	vld [tilespmem:s28+$0xFFFFFDE0];
	v47 =	vmul.f32 v53, v18;
	v53 =	vmul.f32 v12, v20  }
0x33c: {  	v41 =	vld [tilespmem:s28+$0xFFFFFEB0];
	v49 =	vmul.f32 v50, v18;
	v0 =	vadd.f32 v52, v0;
	v1 =	vadd.f32 v7, v1  }
0x33d: {  	v57 =	vld [tilespmem:s28+$0xFFFFFDF0];
	v50 =	vmul.f32 v51, v19;
	v51 =	vmul.f32 v9, v19  }
0x33e: {  	s29 =	sadd.s32 $0x40, s29;
	v60 =	vld [tilespmem:s28+$0xFFFFFD20];
	v52 =	vmul.f32 v10, v20;
	v62 =	vadd.f32 v63, v0;
	v61 =	vadd.f32 v6, v1  }
0x33f: {  	v0 =	vld [tilespmem:s28+$0xFFFFFD30]  }
0x340: {  	v6 =	vmul.f32 v40, v22;
	v9 =	vld [tilespmem:s28+$0xFFFFFD40];
	v12 =	vmul.f32 v55, v24  }
0x341: {  	v40 =	vld [tilespmem:s28+$0xFFFFFD50];
	v1 =	vadd.f32 v48, v62;
	v10 =	vadd.f32 v46, v61;
	v62 =	vmul.f32 v59, v27  }
0x342: {  	v46 =	vld [tilespmem:s28+$0xFFFFFDA0];
	v7 =	vmul.f32 v41, v22;
	v41 =	vmul.f32 v56, v25  }
0x343: {  	v1 =	vadd.f32 v44, v1;
	v44 =	vmul.f32 v54, v24;
	v10 =	vadd.f32 v42, v10;
	v54 =	vld [tilespmem:s28+$0xFFFFFDB0]  }
0x344: {  	v63 =	vld [tilespmem:s28+$0xFFFFFE00];
	v48 =	vmul.f32 v57, v25;
	v42 =	vmul.f32 v58, v27  }
0x345: {  	v61 =	vmul.f32 v60, v30;
	v10 =	vadd.f32 v33, v10;
	v0 =	vmul.f32 v0, v30;
	v33 =	vld [tilespmem:s28+$0xFFFFFE10]  }
0x346: {  	v59 =	vld [tilespmem:s28+$0xFFFFFE70];
	v1 =	vadd.f32 v36, v1;
	v9 =	vmul.f32 v9, v30;
	v55 =	vmul.f32 v40, v30  }
0x347: {  	v56 =	vld [tilespmem:s28+$0xFFFFFF90];
	v26 =	vadd.f32 v61, v26;
	v58 =	vmul.f32 v46, v27;
	v0 =	vadd.f32 v0, v37  }
0x348: {  	v57 =	vld [tilespmem:s28+$0xFFFFFE60];
	v9 =	vadd.f32 v9, v35;
	v30 =	vadd.f32 v55, v34;
	v60 =	vmul.f32 v54, v27  }
0x349: {  	v26 =	vadd.f32 v42, v26;
	v0 =	vadd.f32 v62, v0;
	v62 =	vmul.f32 v63, v25;
	v63 =	vld [tilespmem:s28+$0xFFFFFED0]  }
0x34a: {  	v61 =	vld [tilespmem:s28+$0xFFFFFEC0];
	v1 =	vadd.f32 v32, v1;
	v27 =	vadd.f32 v60, v30;
	v40 =	vmul.f32 v33, v25  }
0x34b: {  	v46 =	vld [tilespmem:s28+$0xFFFFFF30];
	v9 =	vadd.f32 v58, v9;
	v26 =	vadd.f32 v41, v26  }
0x34c: {  	v41 =	vld [tilespmem:s28+$0xFFFFFF20];
	v0 =	vadd.f32 v48, v0;
	v48 =	vmul.f32 v59, v24;
	v25 =	vadd.f32 v40, v27  }
0x34d: {  	v36 =	vld [tilespmem:s28+$0x100];
	v10 =	vadd.f32 v31, v10;
	v42 =	vmul.f32 v57, v24;
	v9 =	vadd.f32 v62, v9  }
0x34e: {  	v32 =	vld [tilespmem:s28+$0xA0];
	v12 =	vadd.f32 v12, v26;
	v57 =	vadd.f32 v48, v25;
	v58 =	vmul.f32 v63, v22  }
0x34f: {  	v60 =	vld [tilespmem:s28+$0xFFFFFFF0];
	v55 =	vmul.f32 v61, v22;
	v0 =	vadd.f32 v44, v0;
	v9 =	vadd.f32 v42, v9  }
0x350: {  	v54 =	vld [tilespmem:s28+$0xFFFFFF80];
	v61 =	vmul.f32 v46, v20;
	v6 =	vadd.f32 v6, v12;
	v12 =	vadd.f32 v58, v57  }
0x351: {  	v63 =	vld [tilespmem:s28+$0x50];
	v0 =	vadd.f32 v7, v0;
	v7 =	vmul.f32 v41, v20;
	v9 =	vadd.f32 v55, v9  }
0x352: {  	v31 =	vmul.f32 v56, v19;
	v59 =	vld [tilespmem:s28+$0xFFFFFFE0];
	v6 =	vadd.f32 v52, v6;
	v30 =	vadd.f32 v61, v12  }
0x353: {  	v34 =	vld [tilespmem:s28+$0xB0];
	v0 =	vadd.f32 v53, v0;
	v7 =	vadd.f32 v7, v9  }
0x354: {  	v37 =	vld [tilespmem:s28+$0x110];
	v35 =	vmul.f32 v60, v18;
	v6 =	vadd.f32 v50, v6;
	v9 =	vadd.f32 v31, v30  }
0x355: {  	v62 =	vld [tilespmem:s28+$0x40];
	v26 =	vmul.f32 v54, v19;
	v0 =	vadd.f32 v51, v0  }
0x356: {  	v41 =	vld [tilespmem:s28+$0x160];
	v40 =	vmul.f32 v63, v15;
	v6 =	vadd.f32 v49, v6;
	v9 =	vadd.f32 v35, v9  }
0x357: {  	v42 =	vld [tilespmem:s28+$0x170];
	v33 =	vmul.f32 v59, v18;
	v7 =	vadd.f32 v26, v7;
	v0 =	vadd.f32 v47, v0  }
0x358: {  	v44 =	vld [tilespmem:s28+$0x1C0];
	v6 =	vadd.f32 v43, v6;
	v43 =	vmul.f32 v34, v14;
	v9 =	vadd.f32 v40, v9  }
0x359: {  	v46 =	vmul.f32 v37, v11;
	v19 =	vmul.f32 v32, v14;
	v0 =	vadd.f32 v45, v0;
	v45 =	vld [tilespmem:s28+$0x1D0]  }
0x35a: {  	v22 =	vmul.f32 v62, v15;
	v7 =	vadd.f32 v33, v7;
	v47 =	vld [tilespmem:s28+$0x220];
	v9 =	vadd.f32 v43, v9  }
0x35b: {  	v48 =	vld [tilespmem:s28+$0x230];
	v18 =	vmul.f32 v36, v11;
	v15 =	vmul.f32 v41, v8;
	v6 =	vadd.f32 v38, v6  }
0x35c: {  	v50 =	vld [tilespmem:s28+$0x280];
	v49 =	vmul.f32 v42, v8;
	v7 =	vadd.f32 v22, v7;
	v9 =	vadd.f32 v46, v9  }
0x35d: {  	v51 =	vld [tilespmem:s28+$0x290];
	v14 =	vmul.f32 v44, v5;
	v0 =	vadd.f32 v39, v0;
	v6 =	vadd.f32 v28, v6  }
0x35e: {  	v56 =	vld [tilespmem:$0x1FEE0];
	v7 =	vadd.f32 v19, v7;
	v5 =	vmul.f32 v45, v5;
	v8 =	vadd.f32 v49, v9  }
0x35f: {  	v54 =	vld [tilespmem:$0x1FF00];
	v12 =	vmul.f32 v47, v4;
	v0 =	vadd.f32 v29, v0;
	v6 =	vadd.f32 v21, v6  }
0x360: {  	v57 =	vld [tilespmem:$0x1FEC0];
	v4 =	vmul.f32 v48, v4;
	v7 =	vadd.f32 v18, v7;
	v5 =	vadd.f32 v5, v8  }
0x361: {  	v53 =	vld [tilespmem:s28+$0x2F0];
	v55 =	vmul.f32 v50, v3;
	v0 =	vadd.f32 v23, v0;
	v6 =	vadd.f32 v17, v6  }
0x362: {  	v3 =	vmul.f32 v51, v3;
	v7 =	vadd.f32 v15, v7;
	v4 =	vadd.f32 v4, v5;
	v5 =	vld [tilespmem:$0x1FEF0]  }
0x363: {  	v52 =	vld [tilespmem:s28+$0x2E0];
	v0 =	vadd.f32 v16, v0;
	v6 =	vadd.f32 v13, v6  }
0x364: {  	v7 =	vadd.f32 v14, v7;
	v58 =	vadd.f32 v3, v4;
	v3 =	vld [tilespmem:$0x1FED0]  }
0x365: {  	v0 =	vadd.f32 v54, v0;
	v6 =	vadd.f32 v56, v6  }
0x366: {  	v59 =	vmul.f32 v53, v2;
	v7 =	vadd.f32 v12, v7  }
0x367: {  	[tilespmem:$0x6620] =	vst v1;
	v6 =	vadd.f32 v57, v6;
	v0 =	vadd.f32 v5, v0  }
0x368: {  	[tilespmem:$0x6630] =	vst v10;
	v7 =	vadd.f32 v55, v7;
	v1 =	vadd.f32 v59, v58;
	v5 =	vmul.f32 v52, v2  }
0x369: {  	[tilespmem:$0x6640] =	vst v6;
	v0 =	vadd.f32 v3, v0  }
0x36a: {  	[tilespmem:$0x6670] =	vst v1;
	v3 =	vadd.f32 v5, v7  }
0x36b: {  	[tilespmem:$0x6650] =	vst v0  }
0x36c: {  	s28 =	simm.s32 $0x0;
	[tilespmem:$0x6660] =	vst v3  }
0x36d: {  	[hbm4b:s9+s28] =	stream.linear.scatter [tilespmem:s25], [sflag:$0x2], $0x60, $0x38;
	[tilespmem:$0x6680] =	vst v63  }
0x36e: {  	_ =	swait.ge [sflag:s17], $0x60  }
0x36f: {  	[sflag:s17] =	ssyncset.done $0x0  }
0x370: {  	[sflag:s17] =	ssyncadd.s32 $0xFFFFFFA0  }
0x371: {  	[tilespmem:s28], [sflag:$0x2] =	stream.linear.gather [hbm4b:s10+s28], $0x400, $0x38;
	[tilespmem:$0x6680] =	vst v63  }
0x372: {  	_ =	swait.ge [sflag:s17], $0x400  }
0x373: {  	[sflag:s17] =	ssyncset.done $0x0  }
0x374: {  	s29 =	simm.s32 $0x0;
	[sflag:s17] =	ssyncadd.s32 $0xFFFFFC00  }
0x375: {  	v60 =	vld [tilespmem:s29+$0x0];
	_ =	sdelay $0x4  }
0x376: {  	vm0 =	vlt.s32 v60, $0x1  }
0x377: {  	v61 =	vnsel vm0, $0x1, v60  }
0x378: {  	(xrf0) =	vadd.scan.msk.s32 $0xffff, v61;
	_ =	sdelay $0x1  }
0x379: {  	v62 =	vmov s28  }
0x37a: {  	v2 =	vadd.s32 $0xFFFFFEF8, v62  }
0x37b: {  	v2 =	vbroadcast v2, $0x0;
	_ =	sdelay $0x1  }
0x37c: {  	v2 =	vsub.s32 v2, v61;
	v3, _, _ =	vpop (xrf0)  }
0x37d: {  	v2 =	vadd.s32 v3, v2;
	(v2sf) =	vpush v3, $0xF  }
0x37e: {  	v1 =	vmul.u32 v61, v2;
	_ =	sdelay $0x1  }
0x37f: {  	v1 =	vadd.s32 $0x108, v1;
	_ =	sdelay $0x2  }
0x380: {  	v4 =	vlaneseq.u32  }
0x381: {  	v63 =	vor.u32 s16, v4  }
0x382: {  	[tilespmem:v1+s18+$0x0] =	vst.idx.msk $0xffff, v63  }
0x383: {  	s31 =	simm.s32 $0x10;
	s30 =	simm.s32 $0x80;
	s29 =	smov.u32 s16;
	[tilespmem:v1+s19+$0x0] =	vst.idx.msk $0xffff, v60  }
.LBB2_14:
0x384: {  	p0 =	sne.s32 s30, $0xFC0;
	v0 =	vld [tilespmem:s31+$0x0];
	_ =	sdelay $0x4  }
0x385: {  	vm0 =	vlt.s32 v0, $0x1;
	s31 =	spop (v2sf)  }
0x386: {  	v1 =	vnsel vm0, $0x1, v0;
	s28 =	sadd.s32 s28, s31  }
0x387: {  	v2 =	vmov s28;
	(xrf0) =	vadd.scan.msk.s32 $0xffff, v1  }
0x388: {  	v2 =	vadd.s32 $0xFFFFFEF8, v2  }
0x389: {  	v2 =	vbroadcast v2, $0x0;
	_ =	sdelay $0x1  }
0x38a: {  	v2 =	vsub.s32 v2, v1;
	_ =	sdelay $0x1  }
0x38b: {  	v3, _, _ =	vpop (xrf0)  }
0x38c: {  	v2 =	vadd.s32 v3, v2;
	(v2sf) =	vpush v3, $0xF  }
0x38d: {  	v1 =	vmul.u32 v1, v2;
	_ =	sdelay $0x1  }
0x38e: {  	v1 =	vadd.s32 $0x108, v1;
	_ =	sdelay $0x1  }
.Ltmp6:
0x38f: {  	(pc) =	sbr.rel @p0 .LBB2_14-.Ltmp6, $4  }
0x390: {  	s29 =	sadd.s32 $0x10, s29  }
0x391: {  	v2 =	vor.u32 s29, v4  }
0x392: {  	[tilespmem:v1+s18+$0x0] =	vst.idx.msk $0xffff, v2  }
0x393: {  	s31 =	sshra.s32 s30, $0x2;
	s30 =	sadd.s32 $0x40, s30;
	[tilespmem:v1+s19+$0x0] =	vst.idx.msk $0xffff, v0  }
0x394: {  	v0 =	vld [tilespmem:s31+$0x0];
	_ =	sdelay $0x4  }
0x395: {  	vm0 =	vlt.s32 v0, $0x1  }
0x396: {  	v1 =	vnsel vm0, $0x1, v0  }
0x397: {  	(xrf0) =	vadd.scan.msk.s32 $0xffff, v1;
	_ =	sdelay $0x1  }
0x398: {  	s30 =	spop (v2sf)  }
0x399: {  	s28 =	sadd.s32 s28, s30  }
0x39a: {  	v2 =	vmov s28  }
0x39b: {  	v2 =	vadd.s32 $0xFFFFFEF8, v2  }
0x39c: {  	v2 =	vbroadcast v2, $0x0;
	v3, _, _ =	vpop (xrf0)  }
0x39d: {  	(v2sf) =	vpush v3, $0xF  }
0x39e: {  	v2 =	vsub.s32 v2, v1  }
0x39f: {  	v2 =	vadd.s32 v3, v2  }
0x3a0: {  	v1 =	vmul.u32 v1, v2;
	_ =	sdelay $0x1  }
0x3a1: {  	v1 =	vadd.s32 $0x108, v1;
	_ =	sdelay $0x2  }
0x3a2: {  	s28 =	sadd.s32 $0x10, s29  }
0x3a3: {  	v2 =	vor.u32 s28, v4  }
0x3a4: {  	[tilespmem:v1+s18+$0x0] =	vst.idx.msk $0xffff, v2  }
0x3a5: {  	[tilespmem:v1+s19+$0x0] =	vst.idx.msk $0xffff, v0  }
0x3a6: {  	[tilespmem:s21], [sflag:$0x1] =	stream.indirect.gather [hbm4b:s3+s20], $0x60, s18, s20, $0xb8;
	[tilespmem:$0x6680] =	vst v63  }
0x3a7: {  	_ = 	snop  }
0x3a8: {  	[tilespmem:s23], [sflag:$0x1] =	stream.indirect.gather [hbm4b:s3+s20], $0x60, s22, s20, $0xb8;
	[tilespmem:$0x6680] =	vst v63  }
0x3a9: {  	s28 =	spop (v2sf)  }
0x3aa: {  	_ =	swait.ge [sflag:s24], $0x3000  }
0x3ab: {  	[sflag:s24] =	ssyncset.done $0x0  }
0x3ac: {  	[sflag:s24] =	ssyncadd.s32 $0xFFFFD000  }
0x3ad: {  	_ =	swait.ge [sflag:s24], $0x3000  }
0x3ae: {  	[sflag:s24] =	ssyncset.done $0x0  }
0x3af: {  	s28 =	simm.s32 $0x920;
	[sflag:s24] =	ssyncadd.s32 $0xFFFFD000  }
0x3b0: {  	v0 =	vld [tilespmem:s28+$0x2A0]  }
0x3b1: {  	v1 =	vld [tilespmem:s28+$0x2B0]  }
0x3b2: {  	v6 =	vld [tilespmem:s28+$0x2C0]  }
0x3b3: {  	v9 =	vld [tilespmem:s28+$0x2D0]  }
0x3b4: {  	v10 =	vld [tilespmem:s28+$0x240]  }
0x3b5: {  	v12 =	vld [tilespmem:s28+$0x250]  }
0x3b6: {  	v13 =	vld [tilespmem:s28+$0x260]  }
0x3b7: {  	v16 =	vld [tilespmem:s28+$0x270]  }
0x3b8: {  	v17 =	vld [tilespmem:s28+$0x1E0]  }
0x3b9: {  	v21 =	vld [tilespmem:s28+$0x1F0]  }
0x3ba: {  	v23 =	vld [tilespmem:s28+$0x200]  }
0x3bb: {  	v26 =	vld [tilespmem:s28+$0x210]  }
0x3bc: {  	v28 =	vld [tilespmem:s28+$0x180]  }
0x3bd: {  	v29 =	vld [tilespmem:s28+$0x190]  }
0x3be: {  	v34 =	vld [tilespmem:s28+$0x1A0]  }
0x3bf: {  	v35 =	vld [tilespmem:s28+$0x1B0]  }
0x3c0: {  	s29 =	simm.s32 $0x0;
	v37 =	vld [tilespmem:s28+$0x120]  }
0x3c1: {  	v7 =	vld [tilespmem:s29+$0x510]  }
0x3c2: {  	v38 =	vld [tilespmem:s28+$0x130]  }
0x3c3: {  	v39 =	vld [tilespmem:s28+$0x140]  }
0x3c4: {  	v40 =	vld [tilespmem:s28+$0x150]  }
0x3c5: {  	v41 =	vld [tilespmem:s28+$0xC0]  }
0x3c6: {  	v14 =	vld [tilespmem:s28+$0x60]  }
0x3c7: {  	v43 =	vld [tilespmem:s28+$0xD0];
	v3 =	vbroadcast v7, $0xE  }
0x3c8: {  	v47 =	vld [tilespmem:s28+$0xE0];
	v2 =	vbroadcast v7, $0xF;
	v5 =	vbroadcast v7, $0xC  }
0x3c9: {  	v49 =	vld [tilespmem:s28+$0xF0];
	v4 =	vbroadcast v7, $0xD;
	v11 =	vbroadcast v7, $0xA  }
0x3ca: {  	v50 =	vld [tilespmem:s28+$0x70];
	v8 =	vbroadcast v7, $0xB;
	v15 =	vbroadcast v7, $0x8  }
0x3cb: {  	v51 =	vld [tilespmem:s28+$0x80];
	[tilespmem:$0x1FEB0] =	vst v14;
	v14 =	vbroadcast v7, $0x9;
	v19 =	vbroadcast v7, $0x6  }
0x3cc: {  	v52 =	vld [tilespmem:s28+$0x90];
	v18 =	vbroadcast v7, $0x7;
	v22 =	vbroadcast v7, $0x4  }
0x3cd: {  	v53 =	vld [tilespmem:s28+$0x0];
	v20 =	vbroadcast v7, $0x5;
	v25 =	vbroadcast v7, $0x2  }
0x3ce: {  	v54 =	vld [tilespmem:s28+$0x10];
	v24 =	vbroadcast v7, $0x3;
	v30 =	vbroadcast v7, $0x0  }
0x3cf: {  	v45 =	vld [tilespmem:s28+$0x20];
	v27 =	vbroadcast v7, $0x1;
	v32 =	vmul.f32 v0, v2  }
0x3d0: {  	v55 =	vld [tilespmem:s28+$0xFFFFFD10];
	v31 =	vmul.f32 v1, v2;
	v0 =	vmul.f32 v6, v2  }
0x3d1: {  	v56 =	vld [tilespmem:s28+$0xFFFFFD60];
	v36 =	vmul.f32 v10, v3;
	v33 =	vmul.f32 v12, v3  }
0x3d2: {  	v1 =	vld [tilespmem:s28+$0xFFFFFD00];
	v44 =	vmul.f32 v17, v4;
	v42 =	vmul.f32 v21, v4  }
0x3d3: {  	v63 =	vld [tilespmem:s28+$0xFFFFFF40];
	v48 =	vmul.f32 v28, v5;
	[tilespmem:$0x1FE60] =	vst v0;
	v0 =	vmul.f32 v9, v2  }
0x3d4: {  	v21 =	vld [tilespmem:s28+$0xFFFFFD70];
	v46 =	vmul.f32 v29, v5;
	v17 =	vmul.f32 v34, v5  }
0x3d5: {  	v28 =	vld [tilespmem:s28+$0xFFFFFDD0];
	v29 =	vmul.f32 v55, v30;
	[tilespmem:$0x1FE70] =	vst v0;
	v0 =	vmul.f32 v13, v3  }
0x3d6: {  	v34 =	vld [tilespmem:s28+$0xFFFFFE20];
	v7 =	vmul.f32 v37, v8;
	v13 =	vmul.f32 v23, v4  }
0x3d7: {  	v23 =	vld [tilespmem:s28+$0xFFFFFDC0];
	v1 =	vmul.f32 v1, v30;
	[tilespmem:$0x1FE80] =	vst v0;
	v0 =	vmul.f32 v16, v3  }
0x3d8: {  	v16 =	vmul.f32 v35, v5;
	v35 =	vmul.f32 v56, v27;
	v56 =	vld [tilespmem:s28+$0xFFFFFE80]  }
0x3d9: {  	v55 =	vld [tilespmem:s28+$0xFFFFFE30];
	v58 =	vmul.f32 v41, v11;
	[tilespmem:$0x1FE90] =	vst v0;
	v0 =	vmul.f32 v26, v4;
	v26 =	vimm.f32 $0.0e+00  }
0x3da: {  	v57 =	vld [tilespmem:s28+$0xFFFFFE90];
	v21 =	vmul.f32 v21, v27;
	v1 =	vadd.f32 v1, v26;
	v29 =	vadd.f32 v29, v26  }
0x3db: {  	v61 =	vld [tilespmem:s28+$0xFFFFFEE0];
	v41 =	vmul.f32 v63, v19;
	v28 =	vmul.f32 v28, v25  }
0x3dc: {  	v62 =	vld [tilespmem:s28+$0xFFFFFEF0];
	v23 =	vmul.f32 v23, v25;
	v1 =	vadd.f32 v35, v1;
	v29 =	vadd.f32 v21, v29  }
0x3dd: {  	v59 =	vld [tilespmem:s28+$0xFFFFFFC0];
	v34 =	vmul.f32 v34, v24;
	v37 =	vmul.f32 v56, v22  }
0x3de: {  	v56 =	vld [tilespmem:s28+$0xFFFFFF50];
	v1 =	vadd.f32 v23, v1;
	v28 =	vadd.f32 v28, v29;
	v29 =	vmul.f32 v55, v24  }
0x3df: {  	v63 =	vld [tilespmem:s28+$0xFFFFFF60];
	v21 =	vmul.f32 v39, v8;
	v23 =	vmul.f32 v40, v8  }
0x3e0: {  	v40 =	vld [tilespmem:s28+$0xFFFFFFB0];
	v1 =	vadd.f32 v34, v1;
	v28 =	vadd.f32 v29, v28;
	v29 =	vmul.f32 v57, v22  }
0x3e1: {  	v35 =	vmul.f32 v61, v20;
	v61 =	vmul.f32 v43, v11;
	v34 =	vld [tilespmem:s28+$0xFFFFFFA0]  }
0x3e2: {  	v6 =	vld [tilespmem:$0x1FEB0];
	v1 =	vadd.f32 v37, v1;
	v28 =	vadd.f32 v29, v28;
	v29 =	vmul.f32 v62, v20  }
0x3e3: {  	v39 =	vmul.f32 v53, v15;
	v53 =	vld [tilespmem:s28+$0xFFFFFF10];
	v43 =	vmul.f32 v56, v19  }
0x3e4: {  	[tilespmem:$0x1FEA0] =	vst v0;
	v0 =	vld [tilespmem:s28+$0xFFFFFF00];
	v56 =	vmul.f32 v54, v15;
	v1 =	vadd.f32 v35, v1;
	v29 =	vadd.f32 v29, v28  }
0x3e5: {  	v57 =	vld [tilespmem:s28+$0x30];
	v28 =	vmul.f32 v47, v11;
	v47 =	vmul.f32 v40, v18  }
0x3e6: {  	v54 =	vld [tilespmem:s28+$0xFFFFFE50];
	v34 =	vmul.f32 v34, v18;
	v1 =	vadd.f32 v41, v1;
	v35 =	vadd.f32 v43, v29  }
0x3e7: {  	v60 =	vmul.f32 v38, v8;
	v38 =	vmul.f32 v51, v14;
	v62 =	vld [tilespmem:s28+$0xFFFFFFD0]  }
0x3e8: {  	v53 =	vmul.f32 v53, v20;
	v37 =	vld [tilespmem:s28+$0xFFFFFF70];
	v1 =	vadd.f32 v34, v1;
	v55 =	vadd.f32 v47, v35  }
0x3e9: {  	v40 =	vld [tilespmem:s28+$0xFFFFFEA0];
	v29 =	vmul.f32 v49, v11;
	v49 =	vmul.f32 v50, v14  }
0x3ea: {  	v41 =	vld [tilespmem:s28+$0xFFFFFEB0];
	v47 =	vmul.f32 v6, v14;
	v1 =	vadd.f32 v39, v1;
	v34 =	vadd.f32 v56, v55  }
0x3eb: {  	v43 =	vmul.f32 v45, v15;
	v45 =	vmul.f32 v57, v15;
	v57 =	vld [tilespmem:s28+$0xFFFFFDF0]  }
0x3ec: {  	v50 =	vmul.f32 v63, v19;
	v55 =	vld [tilespmem:s28+$0xFFFFFE40];
	v1 =	vadd.f32 v47, v1;
	v34 =	vadd.f32 v49, v34  }
0x3ed: {  	v51 =	vmul.f32 v37, v19;
	v37 =	vimm.f32 $0.0e+00;
	v39 =	vmul.f32 v52, v14;
	v56 =	vld [tilespmem:s28+$0xFFFFFDE0]  }
0x3ee: {  	v49 =	vmul.f32 v59, v18;
	v59 =	vld [tilespmem:s28+$0xFFFFFD90];
	v1 =	vadd.f32 v58, v1;
	v34 =	vadd.f32 v61, v34  }
0x3ef: {  	v35 =	vimm.f32 $0.0e+00;
	v52 =	vmul.f32 v0, v20;
	v47 =	vmul.f32 v62, v18;
	v58 =	vld [tilespmem:s28+$0xFFFFFD80]  }
0x3f0: {  	s29 =	simm.s32 $0x40;
	v62 =	vadd.f32 v7, v1;
	v61 =	vadd.f32 v60, v34;
	v60 =	vld [tilespmem:s28+$0xFFFFFD20];
	v34 =	vimm.f32 $0.0e+00  }
.LBB2_16:
0x3f1: {  	v0 =	vld [tilespmem:s28+$0xFFFFFD30]  }
0x3f2: {  	v46 =	vadd.f32 v46, v61  }
0x3f3: {  	v6 =	vld [tilespmem:$0x1FEA0];
	v1 =	vmul.f32 v40, v22  }
0x3f4: {  	v42 =	vadd.f32 v42, v46;
	v63 =	vmul.f32 v41, v22;
	v40 =	vld [tilespmem:s28+$0xFFFFFD40];
	v55 =	vmul.f32 v55, v24  }
0x3f5: {  	v41 =	vadd.f32 v48, v62;
	v48 =	vld [tilespmem:s28+$0xFFFFFD50];
	v56 =	vmul.f32 v56, v25;
	v46 =	vmul.f32 v59, v27  }
0x3f6: {  	v61 =	vld [tilespmem:s28+$0xFFFFFDA0];
	v59 =	vmul.f32 v60, v30;
	v0 =	vmul.f32 v0, v30  }
0x3f7: {  	v33 =	vadd.f32 v33, v42;
	v41 =	vadd.f32 v44, v41;
	v44 =	vmul.f32 v58, v27;
	v58 =	vld [tilespmem:s28+$0xFFFFFDB0]  }
0x3f8: {  	v54 =	vmul.f32 v54, v24;
	v60 =	vld [tilespmem:s28+$0xFFFFFE00];
	v26 =	vadd.f32 v59, v26;
	v0 =	vadd.f32 v0, v37  }
0x3f9: {  	v57 =	vmul.f32 v57, v25;
	v62 =	vld [tilespmem:s28+$0xFFFFFE10];
	v36 =	vadd.f32 v36, v41;
	v41 =	vadd.f32 v31, v33  }
0x3fa: {  	v26 =	vadd.f32 v44, v26;
	v42 =	vmul.f32 v40, v30;
	v30 =	vmul.f32 v48, v30;
	v48 =	vld [tilespmem:s28+$0xFFFFFE60]  }
0x3fb: {  	v31 =	vmul.f32 v61, v27;
	v0 =	vadd.f32 v46, v0;
	v40 =	vadd.f32 v32, v36;
	v32 =	vld [tilespmem:s28+$0xFFFFFE70]  }
0x3fc: {  	v59 =	vld [tilespmem:s28+$0xFFFFFEC0];
	v26 =	vadd.f32 v56, v26;
	v30 =	vadd.f32 v30, v34;
	v27 =	vmul.f32 v58, v27  }
0x3fd: {  	v61 =	vmul.f32 v60, v25;
	v33 =	vadd.f32 v42, v35;
	v42 =	vld [tilespmem:s28+$0xFFFFFED0];
	v0 =	vadd.f32 v57, v0  }
0x3fe: {  	v25 =	vmul.f32 v62, v25;
	v26 =	vadd.f32 v55, v26;
	v27 =	vadd.f32 v27, v30;
	v30 =	vld [tilespmem:s28+$0xFFFFFF20]  }
0x3ff: {  	v46 =	vld [tilespmem:s28+$0xFFFFFF30];
	v31 =	vadd.f32 v31, v33;
	v0 =	vadd.f32 v54, v0;
	v44 =	vmul.f32 v48, v24  }
0x400: {  	v1 =	vadd.f32 v1, v26;
	v25 =	vadd.f32 v25, v27;
	v24 =	vmul.f32 v32, v24;
	v27 =	vld [tilespmem:s28+$0xFFFFFF80]  }
0x401: {  	v54 =	vld [tilespmem:s28+$0xFFFFFF90];
	v48 =	vmul.f32 v59, v22;
	v31 =	vadd.f32 v61, v31;
	v0 =	vadd.f32 v63, v0  }
0x402: {  	v22 =	vmul.f32 v42, v22;
	v1 =	vadd.f32 v52, v1;
	v24 =	vadd.f32 v24, v25;
	v25 =	vld [tilespmem:s28+$0xFFFFFFE0]  }
0x403: {  	v31 =	vadd.f32 v44, v31;
	v0 =	vadd.f32 v53, v0;
	v26 =	vmul.f32 v30, v20;
	v30 =	vld [tilespmem:s28+$0xFFFFFFF0]  }
0x404: {  	v20 =	vmul.f32 v46, v20;
	v1 =	vadd.f32 v50, v1;
	v22 =	vadd.f32 v22, v24;
	v24 =	vld [tilespmem:s28+$0x40]  }
0x405: {  	v55 =	vld [tilespmem:s28+$0x50];
	v31 =	vadd.f32 v48, v31;
	v0 =	vadd.f32 v51, v0;
	v27 =	vmul.f32 v27, v19  }
0x406: {  	v19 =	vmul.f32 v54, v19;
	v1 =	vadd.f32 v49, v1;
	v20 =	vadd.f32 v20, v22;
	v22 =	vld [tilespmem:s28+$0xA0]  }
0x407: {  	v26 =	vadd.f32 v26, v31;
	v31 =	vld [tilespmem:s28+$0xB0];
	v0 =	vadd.f32 v47, v0;
	v25 =	vmul.f32 v25, v18  }
0x408: {  	v1 =	vadd.f32 v43, v1;
	v19 =	vadd.f32 v19, v20;
	v18 =	vmul.f32 v30, v18;
	v20 =	vld [tilespmem:s28+$0x100]  }
0x409: {  	v26 =	vadd.f32 v27, v26;
	v27 =	vld [tilespmem:s28+$0x110];
	v0 =	vadd.f32 v45, v0;
	v24 =	vmul.f32 v24, v15  }
0x40a: {  	v15 =	vmul.f32 v55, v15;
	v1 =	vadd.f32 v38, v1;
	v18 =	vadd.f32 v18, v19;
	v19 =	vld [tilespmem:s28+$0x160]  }
0x40b: {  	v25 =	vadd.f32 v25, v26;
	v26 =	vld [tilespmem:s28+$0x170];
	v0 =	vadd.f32 v39, v0  }
0x40c: {  	v1 =	vadd.f32 v28, v1;
	v15 =	vadd.f32 v15, v18;
	v18 =	vld [tilespmem:s28+$0x1C0]  }
0x40d: {  	v22 =	vmul.f32 v22, v14;
	v14 =	vmul.f32 v31, v14;
	v24 =	vadd.f32 v24, v25;
	v25 =	vld [tilespmem:s28+$0x1D0]  }
0x40e: {  	v0 =	vadd.f32 v29, v0;
	v1 =	vadd.f32 v21, v1;
	v21 =	vld [tilespmem:s28+$0x290]  }
0x40f: {  	v20 =	vmul.f32 v20, v11;
	v11 =	vmul.f32 v27, v11;
	v14 =	vadd.f32 v14, v15;
	v15 =	vld [tilespmem:s28+$0x220]  }
0x410: {  	v22 =	vadd.f32 v22, v24;
	v24 =	vld [tilespmem:s28+$0x230];
	v0 =	vadd.f32 v23, v0  }
0x411: {  	v19 =	vmul.f32 v19, v8;
	v8 =	vmul.f32 v26, v8;
	v11 =	vadd.f32 v11, v14;
	v14 =	vld [tilespmem:s28+$0x280]  }
0x412: {  	v0 =	vadd.f32 v16, v0;
	v16 =	vld [tilespmem:s28+$0x2F0]  }
0x413: {  	s30 =	sshra.s32 s29, $0x2;
	v8 =	vadd.f32 v8, v11;
	v11 =	vld [tilespmem:s28+$0x2E0]  }
0x414: {  	s28 =	sadd.s32 $0x600, s28;
	v0 =	vadd.f32 v6, v0;
	v6 =	vld [tilespmem:s30+$0x510]  }
0x415: {  	v1 =	vadd.f32 v17, v1;
	v17 =	vld [tilespmem:s28+$0x2A0]  }
0x416: {  	v23 =	vld [tilespmem:s28+$0x2B0]  }
0x417: {  	v12 =	vld [tilespmem:s28+$0x2C0]  }
0x418: {  	v9 =	vld [tilespmem:s28+$0x240]  }
0x419: {  	v10 =	vld [tilespmem:s28+$0x250]  }
0x41a: {  	v28 =	vld [tilespmem:s28+$0x200]  }
0x41b: {  	v43 =	vld [tilespmem:s28+$0x210]  }
0x41c: {  	v46 =	vld [tilespmem:s28+$0x180]  }
0x41d: {  	v47 =	vld [tilespmem:s28+$0x190]  }
0x41e: {  	v49 =	vld [tilespmem:s28+$0x1A0]  }
0x41f: {  	v50 =	vld [tilespmem:s28+$0x1B0]  }
0x420: {  	v51 =	vld [tilespmem:s28+$0x120]  }
0x421: {  	v52 =	vld [tilespmem:s28+$0x130]  }
0x422: {  	v53 =	vld [tilespmem:s28+$0x140]  }
0x423: {  	v18 =	vmul.f32 v18, v5;
	v5 =	vmul.f32 v25, v5;
	v54 =	vld [tilespmem:s28+$0x150]  }
0x424: {  	v55 =	vld [tilespmem:s28+$0xC0]  }
0x425: {  	v15 =	vmul.f32 v15, v4;
	v4 =	vmul.f32 v24, v4;
	v56 =	vld [tilespmem:s28+$0xD0];
	v5 =	vadd.f32 v5, v8  }
0x426: {  	v20 =	vadd.f32 v20, v22;
	v57 =	vld [tilespmem:s28+$0xE0]  }
0x427: {  	v8 =	vmul.f32 v14, v3;
	v3 =	vmul.f32 v21, v3;
	v4 =	vadd.f32 v4, v5;
	v5 =	vld [tilespmem:$0x1FE80]  }
0x428: {  	v29 =	vld [tilespmem:s28+$0xF0]  }
0x429: {  	v19 =	vadd.f32 v19, v20;
	v3 =	vadd.f32 v3, v4;
	v4 =	vld [tilespmem:$0x1FE60]  }
0x42a: {  	v1 =	vadd.f32 v13, v1;
	v38 =	vld [tilespmem:s28+$0x60]  }
0x42b: {  	v58 =	vld [tilespmem:s28+$0x70];
	v18 =	vadd.f32 v18, v19  }
0x42c: {  	v1 =	vadd.f32 v5, v1;
	v5 =	vld [tilespmem:$0x1FE90]  }
0x42d: {  	v39 =	vld [tilespmem:s28+$0x80];
	v13 =	vadd.f32 v15, v18;
	v15 =	vbroadcast v6, $0x8  }
0x42e: {  	v14 =	vbroadcast v6, $0x9;
	v19 =	vbroadcast v6, $0x6;
	v26 =	vadd.f32 v4, v1;
	v1 =	vld [tilespmem:$0x1FE70]  }
0x42f: {  	v18 =	vbroadcast v6, $0x7;
	v22 =	vbroadcast v6, $0x4;
	v8 =	vadd.f32 v8, v13;
	v13 =	vld [tilespmem:s28+$0x1E0]  }
0x430: {  	v45 =	vld [tilespmem:s28+$0x90];
	v20 =	vbroadcast v6, $0x5;
	v25 =	vbroadcast v6, $0x2  }
0x431: {  	v59 =	vld [tilespmem:s28+$0x0];
	v24 =	vbroadcast v6, $0x3;
	v30 =	vbroadcast v6, $0x0;
	v0 =	vadd.f32 v5, v0  }
0x432: {  	v60 =	vld [tilespmem:s28+$0x10];
	v27 =	vbroadcast v6, $0x1;
	v4 =	vbroadcast v6, $0xD  }
0x433: {  	v5 =	vmul.f32 v11, v2;
	v2 =	vmul.f32 v16, v2;
	v37 =	vadd.f32 v1, v0;
	v0 =	vld [tilespmem:s28+$0x260]  }
0x434: {  	v21 =	vld [tilespmem:s28+$0x2D0];
	v44 =	vmul.f32 v13, v4;
	v13 =	vmul.f32 v28, v4  }
0x435: {  	v11 =	vbroadcast v6, $0xA;
	v34 =	vadd.f32 v2, v3;
	v1 =	vld [tilespmem:s28+$0x270];
	v2 =	vbroadcast v6, $0xF  }
0x436: {  	v61 =	vld [tilespmem:s28+$0x20];
	v35 =	vadd.f32 v5, v8;
	v3 =	vbroadcast v6, $0xE;
	v5 =	vbroadcast v6, $0xC  }
0x437: {  	v28 =	vld [tilespmem:s28+$0xFFFFFDC0];
	v8 =	vbroadcast v6, $0xB;
	v6 =	vmul.f32 v12, v2  }
0x438: {  	v16 =	vld [tilespmem:s28+$0x1F0];
	v0 =	vmul.f32 v0, v3  }
0x439: {  	v31 =	vmul.f32 v23, v2;
	v23 =	vld [tilespmem:s28+$0xFFFFFD10];
	[tilespmem:$0x1FE60] =	vst v6  }
0x43a: {  	v6 =	vmul.f32 v21, v2;
	v21 =	vld [tilespmem:s28+$0xFFFFFD00];
	[tilespmem:$0x1FE80] =	vst v0;
	v0 =	vmul.f32 v1, v3  }
0x43b: {  	v7 =	vmul.f32 v56, v11;
	v29 =	vmul.f32 v29, v11;
	v1 =	vld [tilespmem:s28+$0xFFFFFD70]  }
0x43c: {  	v32 =	vmul.f32 v17, v2;
	v36 =	vmul.f32 v9, v3;
	[tilespmem:$0x1FE90] =	vst v0;
	v0 =	vld [tilespmem:s28+$0xFFFFFD60]  }
0x43d: {  	v48 =	vmul.f32 v46, v5;
	v46 =	vmul.f32 v47, v5;
	v47 =	vld [tilespmem:s28+$0xFFFFFE20]  }
0x43e: {  	[tilespmem:$0x1FE70] =	vst v6;
	v6 =	vmul.f32 v43, v4;
	v43 =	vld [tilespmem:s28+$0xFFFFFDD0];
	v23 =	vmul.f32 v23, v30  }
0x43f: {  	v17 =	vmul.f32 v49, v5;
	v49 =	vld [tilespmem:s28+$0xFFFFFE30];
	v21 =	vmul.f32 v21, v30  }
0x440: {  	v33 =	vmul.f32 v10, v3;
	v63 =	vmul.f32 v51, v8;
	v51 =	vld [tilespmem:s28+$0xFFFFFF50];
	v23 =	vadd.f32 v23, v41  }
0x441: {  	v21 =	vadd.f32 v21, v40;
	v40 =	vld [tilespmem:s28+$0xFFFFFE80];
	v1 =	vmul.f32 v1, v27;
	v0 =	vmul.f32 v0, v27  }
0x442: {  	v28 =	vmul.f32 v28, v25;
	v42 =	vmul.f32 v16, v4;
	v41 =	vld [tilespmem:s28+$0xFFFFFE90]  }
0x443: {  	v1 =	vadd.f32 v1, v23;
	v23 =	vmul.f32 v43, v25;
	v43 =	vld [tilespmem:s28+$0xFFFFFEE0];
	v0 =	vadd.f32 v0, v21  }
0x444: {  	v16 =	vmul.f32 v50, v5;
	v50 =	vld [tilespmem:s28+$0xFFFFFEF0];
	v47 =	vmul.f32 v47, v24  }
0x445: {  	v62 =	vld [tilespmem:s28+$0x30];
	v1 =	vadd.f32 v23, v1;
	v0 =	vadd.f32 v28, v0;
	v28 =	vmul.f32 v49, v24  }
0x446: {  	v56 =	vmul.f32 v51, v19;
	v40 =	vmul.f32 v40, v22;
	v49 =	vld [tilespmem:s28+$0xFFFFFF40]  }
0x447: {  	v0 =	vadd.f32 v47, v0;
	v1 =	vadd.f32 v28, v1;
	v28 =	vmul.f32 v41, v22;
	v41 =	vld [tilespmem:s28+$0xFFFFFFA0]  }
0x448: {  	[tilespmem:$0x1FEA0] =	vst v6;
	v6 =	vmul.f32 v52, v8;
	v43 =	vmul.f32 v43, v20;
	v47 =	vld [tilespmem:s28+$0xFFFFFFB0]  }
0x449: {  	v9 =	vld [tilespmem:s28+$0xFFFFFF70];
	v0 =	vadd.f32 v40, v0;
	v1 =	vadd.f32 v28, v1;
	v28 =	vmul.f32 v50, v20  }
0x44a: {  	v10 =	vld [tilespmem:s28+$0xFFFFFF00];
	v52 =	vmul.f32 v55, v11;
	v21 =	vmul.f32 v53, v8  }
0x44b: {  	v12 =	vld [tilespmem:s28+$0xFFFFFF10];
	v40 =	vmul.f32 v49, v19;
	v0 =	vadd.f32 v43, v0;
	v1 =	vadd.f32 v28, v1  }
0x44c: {  	v51 =	vld [tilespmem:s28+$0xFFFFFF60];
	v28 =	vmul.f32 v57, v11;
	v41 =	vmul.f32 v41, v18  }
0x44d: {  	v55 =	vld [tilespmem:s28+$0xFFFFFE40];
	v57 =	vmul.f32 v47, v18;
	v0 =	vadd.f32 v40, v0;
	v1 =	vadd.f32 v56, v1  }
0x44e: {  	v23 =	vmul.f32 v54, v8;
	v53 =	vld [tilespmem:s28+$0xFFFFFFD0];
	v43 =	vmul.f32 v60, v15  }
0x44f: {  	v54 =	vld [tilespmem:s28+$0xFFFFFE50];
	v47 =	vmul.f32 v59, v15;
	v0 =	vadd.f32 v41, v0;
	v1 =	vadd.f32 v57, v1  }
0x450: {  	v50 =	vld [tilespmem:s28+$0xFFFFFFC0];
	v49 =	vmul.f32 v38, v14;
	v38 =	vmul.f32 v39, v14  }
0x451: {  	v60 =	vmul.f32 v58, v14;
	v58 =	vld [tilespmem:s28+$0xFFFFFD80];
	v0 =	vadd.f32 v47, v0;
	v1 =	vadd.f32 v43, v1  }
0x452: {  	p0 =	sne.s32 s29, $0x3C0;
	v39 =	vmul.f32 v45, v14;
	v45 =	vmul.f32 v62, v15;
	v59 =	vld [tilespmem:s28+$0xFFFFFD90]  }
.Ltmp7:
0x453: {  	v40 =	vld [tilespmem:s28+$0xFFFFFEA0];
	v43 =	vmul.f32 v61, v15;
	v0 =	vadd.f32 v49, v0;
	v1 =	vadd.f32 v60, v1;
	(pc) =	sbr.rel @p0 .LBB2_16-.Ltmp7, $4  }
0x454: {  	v56 =	vld [tilespmem:s28+$0xFFFFFDE0];
	v47 =	vmul.f32 v53, v18;
	v53 =	vmul.f32 v12, v20  }
0x455: {  	v41 =	vld [tilespmem:s28+$0xFFFFFEB0];
	v49 =	vmul.f32 v50, v18;
	v0 =	vadd.f32 v52, v0;
	v1 =	vadd.f32 v7, v1  }
0x456: {  	v57 =	vld [tilespmem:s28+$0xFFFFFDF0];
	v50 =	vmul.f32 v51, v19;
	v51 =	vmul.f32 v9, v19  }
0x457: {  	s29 =	sadd.s32 $0x40, s29;
	v60 =	vld [tilespmem:s28+$0xFFFFFD20];
	v52 =	vmul.f32 v10, v20;
	v62 =	vadd.f32 v63, v0;
	v61 =	vadd.f32 v6, v1  }
0x458: {  	v0 =	vld [tilespmem:s28+$0xFFFFFD30]  }
0x459: {  	v9 =	vld [tilespmem:s28+$0xFFFFFD40]  }
0x45a: {  	v6 =	vmul.f32 v40, v22;
	v40 =	vld [tilespmem:s28+$0xFFFFFD50]  }
0x45b: {  	v12 =	vmul.f32 v55, v24;
	v63 =	vld [tilespmem:s28+$0xFFFFFE00];
	v1 =	vadd.f32 v48, v62;
	v10 =	vadd.f32 v46, v61  }
0x45c: {  	v55 =	vld [tilespmem:s28+$0xFFFFFF80];
	v7 =	vmul.f32 v41, v22;
	v41 =	vmul.f32 v56, v25  }
0x45d: {  	v61 =	vld [tilespmem:s28+$0xFFFFFDB0];
	v1 =	vadd.f32 v44, v1;
	v44 =	vmul.f32 v54, v24;
	v10 =	vadd.f32 v42, v10  }
0x45e: {  	v46 =	vld [tilespmem:s28+$0xFFFFFDA0];
	v48 =	vmul.f32 v57, v25;
	v62 =	vmul.f32 v60, v30  }
0x45f: {  	v42 =	vmul.f32 v58, v27;
	v10 =	vadd.f32 v33, v10;
	v0 =	vmul.f32 v0, v30;
	v33 =	vld [tilespmem:s28+$0xFFFFFE10]  }
0x460: {  	v58 =	vld [tilespmem:s28+$0xFFFFFE60];
	v1 =	vadd.f32 v36, v1;
	v57 =	vmul.f32 v40, v30;
	v26 =	vadd.f32 v62, v26  }
0x461: {  	v60 =	vld [tilespmem:s28+$0xFFFFFE70];
	v36 =	vmul.f32 v59, v27;
	v9 =	vmul.f32 v9, v30;
	v0 =	vadd.f32 v0, v37  }
0x462: {  	v40 =	vld [tilespmem:s28+$0xFFFFFED0];
	v61 =	vmul.f32 v61, v27;
	v30 =	vadd.f32 v57, v34;
	v26 =	vadd.f32 v42, v26  }
0x463: {  	v59 =	vmul.f32 v46, v27;
	v62 =	vld [tilespmem:s28+$0xFFFFFEC0];
	v9 =	vadd.f32 v9, v35;
	v0 =	vadd.f32 v36, v0  }
0x464: {  	v57 =	vld [tilespmem:s28+$0xFFFFFF90];
	v27 =	vadd.f32 v61, v30;
	v26 =	vadd.f32 v41, v26;
	v41 =	vmul.f32 v33, v25  }
0x465: {  	v63 =	vmul.f32 v63, v25;
	v9 =	vadd.f32 v59, v9;
	v0 =	vadd.f32 v48, v0;
	v48 =	vld [tilespmem:s28+$0xFFFFFF30]  }
0x466: {  	v10 =	vadd.f32 v31, v10;
	v42 =	vld [tilespmem:s28+$0xFFFFFF20];
	v54 =	vmul.f32 v60, v24;
	v25 =	vadd.f32 v41, v27  }
0x467: {  	v31 =	vld [tilespmem:s28+$0x50];
	v46 =	vmul.f32 v58, v24;
	v9 =	vadd.f32 v63, v9;
	v12 =	vadd.f32 v12, v26  }
0x468: {  	v34 =	vld [tilespmem:s28+$0xA0];
	v59 =	vmul.f32 v40, v22;
	v0 =	vadd.f32 v44, v0;
	v58 =	vadd.f32 v54, v25  }
0x469: {  	v56 =	vmul.f32 v62, v22;
	v62 =	vld [tilespmem:s28+$0xFFFFFFF0];
	v9 =	vadd.f32 v46, v9;
	v6 =	vadd.f32 v6, v12  }
0x46a: {  	v60 =	vld [tilespmem:s28+$0xFFFFFFE0];
	v0 =	vadd.f32 v7, v0;
	v12 =	vadd.f32 v59, v58;
	v63 =	vmul.f32 v48, v20  }
0x46b: {  	v1 =	vadd.f32 v32, v1;
	v30 =	vld [tilespmem:s28+$0x40];
	v61 =	vmul.f32 v42, v20;
	v9 =	vadd.f32 v56, v9  }
0x46c: {  	v36 =	vld [tilespmem:s28+$0xB0];
	v33 =	vmul.f32 v57, v19;
	v0 =	vadd.f32 v53, v0;
	v32 =	vadd.f32 v63, v12  }
0x46d: {  	v40 =	vld [tilespmem:s28+$0x100];
	v6 =	vadd.f32 v52, v6;
	v7 =	vadd.f32 v61, v9  }
0x46e: {  	v41 =	vld [tilespmem:s28+$0x110];
	v37 =	vmul.f32 v62, v18;
	v0 =	vadd.f32 v51, v0;
	v9 =	vadd.f32 v33, v32  }
0x46f: {  	v26 =	vmul.f32 v55, v19;
	v55 =	vld [tilespmem:s28+$0x2E0];
	v6 =	vadd.f32 v50, v6  }
0x470: {  	v42 =	vmul.f32 v31, v15;
	v44 =	vld [tilespmem:s28+$0x170];
	v0 =	vadd.f32 v47, v0;
	v9 =	vadd.f32 v37, v9  }
0x471: {  	v35 =	vmul.f32 v60, v18;
	v52 =	vld [tilespmem:s28+$0x280];
	v7 =	vadd.f32 v26, v7;
	v6 =	vadd.f32 v49, v6  }
0x472: {  	v47 =	vld [tilespmem:s28+$0x1D0];
	v0 =	vadd.f32 v45, v0;
	v45 =	vmul.f32 v36, v14;
	v9 =	vadd.f32 v42, v9  }
0x473: {  	v22 =	vmul.f32 v30, v15;
	v7 =	vadd.f32 v35, v7;
	v6 =	vadd.f32 v43, v6;
	v43 =	vld [tilespmem:s28+$0x160]  }
0x474: {  	v19 =	vmul.f32 v34, v14;
	v46 =	vld [tilespmem:s28+$0x1C0];
	v48 =	vmul.f32 v41, v11;
	v9 =	vadd.f32 v45, v9  }
0x475: {  	v18 =	vmul.f32 v40, v11;
	v50 =	vld [tilespmem:s28+$0x230];
	v7 =	vadd.f32 v22, v7;
	v6 =	vadd.f32 v38, v6  }
0x476: {  	v53 =	vld [tilespmem:s28+$0x290];
	v51 =	vmul.f32 v44, v8;
	v0 =	vadd.f32 v39, v0;
	v9 =	vadd.f32 v48, v9  }
0x477: {  	v49 =	vld [tilespmem:s28+$0x220];
	v59 =	vmul.f32 v52, v3;
	v7 =	vadd.f32 v19, v7;
	v6 =	vadd.f32 v28, v6  }
0x478: {  	v60 =	vld [tilespmem:$0x1FE80];
	v54 =	vmul.f32 v47, v5;
	v15 =	vmul.f32 v43, v8;
	v8 =	vadd.f32 v51, v9  }
0x479: {  	v56 =	vld [tilespmem:s28+$0x2F0];
	v14 =	vmul.f32 v46, v5;
	v0 =	vadd.f32 v29, v0;
	v6 =	vadd.f32 v21, v6  }
0x47a: {  	v58 =	vld [tilespmem:$0x1FEA0];
	v57 =	vmul.f32 v50, v4;
	v7 =	vadd.f32 v18, v7;
	v5 =	vadd.f32 v54, v8  }
0x47b: {  	v61 =	vld [tilespmem:$0x1FE90];
	v3 =	vmul.f32 v53, v3;
	v0 =	vadd.f32 v23, v0;
	v6 =	vadd.f32 v17, v6  }
0x47c: {  	v63 =	vld [tilespmem:$0x1FE60];
	v12 =	vmul.f32 v49, v4;
	v7 =	vadd.f32 v15, v7;
	v4 =	vadd.f32 v57, v5  }
0x47d: {  	v0 =	vadd.f32 v16, v0;
	v6 =	vadd.f32 v13, v6  }
0x47e: {  	[tilespmem:$0x6620] =	vst v1;
	v7 =	vadd.f32 v14, v7;
	v1 =	vadd.f32 v3, v4;
	v3 =	vld [tilespmem:$0x1FE70]  }
0x47f: {  	v0 =	vadd.f32 v58, v0;
	v6 =	vadd.f32 v60, v6  }
0x480: {  	v62 =	vmul.f32 v55, v2;
	v2 =	vmul.f32 v56, v2;
	v7 =	vadd.f32 v12, v7  }
0x481: {  	v0 =	vadd.f32 v61, v0;
	v6 =	vadd.f32 v63, v6  }
0x482: {  	[tilespmem:$0x6630] =	vst v10;
	v7 =	vadd.f32 v59, v7;
	v1 =	vadd.f32 v2, v1  }
0x483: {  	[tilespmem:$0x6640] =	vst v6;
	v0 =	vadd.f32 v3, v0  }
0x484: {  	s26 =	sadd.s32 $0x1, s26;
	[tilespmem:$0x6670] =	vst v1;
	v3 =	vadd.f32 v62, v7  }
0x485: {  	p0 =	sne.s32 s26, s13;
	[tilespmem:$0x6650] =	vst v0  }
.Ltmp8:
0x486: {  	[tilespmem:$0x6660] =	vst v3;
	(pc) =	sbr.rel @p0 .LBB2_1-.Ltmp8, $4  }
0x487: {  	[hbm4b:s12+s2] =	stream.linear.scatter [tilespmem:s25], [sflag:$0x2], $0x60, $0x38;
	[tilespmem:$0x6680] =	vst v63  }
0x488: {  	_ =	swait.ge [sflag:s17], $0x60  }
0x489: {  	[sflag:s17] =	ssyncset.done $0x0  }
0x48a: {  	v1 =	vlaneseq.u32;
	[sflag:s17] =	ssyncadd.s32 $0xFFFFFFA0  }
0x48b: {  	_ =	sfence.sel $0x180000  }
0x48c: {  	[bflag:$0x0] =	sbarrier.arrive $0xFFFF  }
0x48d: {  	p0 =	sne.s32 s1, $0x0;
	_ =	strace $0x90000047  }
0x48e: {  	s0 =	sadd.s32 @!p0 $0x100000, s0;
	[bflag:$0x2] =	sbarrier.arrive $0xFFFF  }
0x48f: {  	[sflag:s0] =	ssyncadd.tile.s32 @!p0 $0x1;
	_ =	shalt  }
.Lfunc_end2:
_tile_overlayer_lowered:
.L_overlay_start_2:
0x490: {  	(tag) =	ssettag $0x2  }
0x491: {  	s0 =	rddreg [dreg:$0x0];
	s2 =	stileid.u32  }
0x492: {  	s1 =	rddreg [dreg:$0x1];
	p0 =	sne.s32 s2, $0x0  }
0x493: {  	s3 =	rddreg [dreg:$0x2];
	[bflag:$0x3] =	sbarrier.arrive $0xFFFF;
	s2 =	simm.s32 @!p0 $0x1C02  }
0x494: {  	[timem:s3], [sflag:s2] =	dma.local @!p0 [hbm:s0], s1  }
0x495: {  	s0 =	simm.s32 @!p0 $0x2  }
0x496: {  	_ =	swait.ge @!p0 [sflag:s0], s1  }
0x497: {  	s1 =	ssub.s32 @!p0 $0x0, s1;
	[sflag:s0] =	ssyncset.done @!p0 $0x0  }
0x498: {  	[sflag:s0] =	ssyncadd.s32 @!p0 s1  }
0x499: {  	[bflag:$0x3] =	sbarrier.arrive $0xFFFF  }
0x49a: {  	_ =	shalt  }

</sc_bundles>
